<compile_context>
chip_gen: v7x
topology: tpu7x:2x2x1
jax: 0.10.2.dev20260603
libtpu: 0.0.44.dev20260713+nightly
codegen_flags: <defaults>
</compile_context>

<pallas_src>
import functools

import jax
import jax.numpy as jnp
from jax import lax
from jax.experimental import pallas as pl
from jax.experimental.pallas import tpu as pltpu
from jax.experimental.pallas import tpu_sc as plsc

NC = 2
NS = 16
NW = NC * NS
GRP = 16
DEPTH = 4


def _sc_gather(user_idx, item_idx, u3, item_table):
    B = user_idx.shape[0]
    D = item_table.shape[1]
    bpw = B // NW
    ngrp = bpw // GRP
    uidx = user_idx.reshape(NW, bpw)
    iidx = item_idx.reshape(NW, bpw)
    mesh = plsc.VectorSubcoreMesh(core_axis_name="c", subcore_axis_name="s")

    @functools.partial(
        pl.kernel,
        out_type=(
            jax.ShapeDtypeStruct((NW, bpw * 8, D), jnp.float32),
            jax.ShapeDtypeStruct((NW, bpw, D), jnp.float32),
        ),
        mesh=mesh,
        compiler_params=pltpu.CompilerParams(use_tc_tiling_on_sc=True,
                                             needs_layout_passes=False),
        scratch_types=[
            pltpu.VMEM((bpw,), jnp.int32),
            pltpu.VMEM((bpw,), jnp.int32),
            pltpu.VMEM((bpw, D), jnp.float32),
            pltpu.VMEM((2, GRP * 8, D), jnp.float32),
            pltpu.SemaphoreType.DMA,
            pltpu.SemaphoreType.DMA,
            pltpu.SemaphoreType.DMA,
        ],
    )
    def gather_k(uidx_hbm, iidx_hbm, utab_hbm, itab_hbm, uout_hbm, iout_hbm,
                 uidx_v, iidx_v, irows_v, ublk_v, isem, usem, wsem):
        wid = lax.axis_index("s") * NC + lax.axis_index("c")
        pltpu.sync_copy(uidx_hbm.at[wid], uidx_v)
        pltpu.sync_copy(iidx_hbm.at[wid], iidx_v)
        lanes = lax.iota(jnp.int32, 16)

        def i_drain():
            pltpu.make_async_copy(itab_hbm.at[pl.ds(0, 1), :],
                                  irows_v.at[pl.ds(0, 1), :], isem).wait()

        def w_drain():
            pltpu.make_async_copy(
                ublk_v.at[0],
                uout_hbm.at[wid, pl.ds(0, GRP * 8), :], wsem).wait()

        def body(g, _):
            ivec = iidx_v[pl.ds(g * GRP, GRP)]
            uvec = uidx_v[pl.ds(g * GRP, GRP)]
            for l in range(GRP):
                r = lax.reduce_max(jnp.where(lanes == l, ivec, 0), axes=(0,))
                pltpu.async_copy(
                    itab_hbm.at[pl.ds(r, 1), :],
                    irows_v.at[pl.ds(g * GRP + l, 1), :], isem)

            @pl.when(g >= DEPTH)
            def _():
                for _l in range(GRP):
                    i_drain()

            @pl.when(g >= 2)
            def _():
                w_drain()

            ucps = []
            for l in range(GRP):
                q = lax.reduce_max(jnp.where(lanes == l, uvec, 0),
                                   axes=(0,)) >> 3
                ucps.append(pltpu.async_copy(
                    utab_hbm.at[q],
                    ublk_v.at[g % 2, pl.ds(pl.multiple_of(l * 8, 8), 8), :],
                    usem))
            for cp in ucps:
                cp.wait()
            pltpu.async_copy(
                ublk_v.at[g % 2],
                uout_hbm.at[wid,
                            pl.ds(pl.multiple_of(g * GRP * 8, 8), GRP * 8), :],
                wsem)
            return 0

        lax.fori_loop(0, ngrp, body, 0)
        for _ in range(DEPTH * GRP):
            i_drain()
        for _ in range(2):
            w_drain()
        pltpu.sync_copy(irows_v, iout_hbm.at[wid])

    u_blk, i_rows = gather_k(uidx, iidx, u3, item_table)
    return u_blk.reshape(B, 8, D), i_rows.reshape(B, D)


def _mlp_body(u8_ref, i_ref, up_ref, f_ref, ltab_ref,
              w1a_ref, w1b_ref, w1c_ref, b1_ref, w2_ref, b2_ref,
              uo_ref, io_ref):
    D = uo_ref.shape[1]
    BB = uo_ref.shape[0]
    u8 = u8_ref[...]
    up = up_ref[...]
    u = jnp.zeros((BB, D), jnp.float32)
    for s in range(8):
        u = u + jnp.where(up == s, u8[:, s, :], 0.0)
    n = jnp.sqrt(jnp.sum(u * u, axis=1, keepdims=True))
    uo_ref[...] = u / jnp.maximum(n, 1e-12)

    f = f_ref[...]
    lidx = jnp.clip(f[:, 2:3], 0.0, None).astype(jnp.int32)
    classes = lax.broadcasted_iota(jnp.int32, (1, ltab_ref.shape[0]), 1)
    onehot = (lidx == classes).astype(jnp.float32)
    lang = jnp.dot(onehot, ltab_ref[...],
                   preferred_element_type=jnp.float32)
    x = (jnp.dot(i_ref[...], w1a_ref[...], preferred_element_type=jnp.float32)
         + jnp.dot(lang, w1b_ref[...], preferred_element_type=jnp.float32)
         + f[:, 0:1] * w1c_ref[0:1, :] + f[:, 1:2] * w1c_ref[1:2, :]
         + b1_ref[...])
    h = jnp.maximum(x, 0.0)
    o = jnp.dot(h, w2_ref[...], preferred_element_type=jnp.float32) + b2_ref[...]
    n2 = jnp.sqrt(jnp.sum(o * o, axis=1, keepdims=True))
    io_ref[...] = o / jnp.maximum(n2, 1e-12)


def _tc_mlp(u_blk, i_rows, u_par, item_feats, lang_table, W1, b1, W2, b2):
    B = u_blk.shape[0]
    D = u_blk.shape[2]
    L = lang_table.shape[0]
    E = lang_table.shape[1]
    BB = 2048
    grid = (B // BB,)
    w1a = W1[:, :D].T
    w1b = W1[:, D:D + E].T
    w1c = W1[:, D + E:].T
    b1r = b1.reshape(1, D)
    w2t = W2.T
    b2r = b2.reshape(1, D)
    full = lambda shape: pl.BlockSpec(shape, lambda b: tuple(0 for _ in shape))
    return pl.pallas_call(
        _mlp_body,
        grid=grid,
        in_specs=[
            pl.BlockSpec((BB, 8, D), lambda b: (b, 0, 0)),
            pl.BlockSpec((BB, D), lambda b: (b, 0)),
            pl.BlockSpec((BB, 1), lambda b: (b, 0)),
            pl.BlockSpec((BB, 3), lambda b: (b, 0)),
            full((L, E)),
            full((D, D)),
            full((E, D)),
            full((2, D)),
            full((1, D)),
            full((D, D)),
            full((1, D)),
        ],
        out_specs=[
            pl.BlockSpec((BB, D), lambda b: (b, 0)),
            pl.BlockSpec((BB, D), lambda b: (b, 0)),
        ],
        out_shape=[
            jax.ShapeDtypeStruct((B, D), jnp.float32),
            jax.ShapeDtypeStruct((B, D), jnp.float32),
        ],
    )(u_blk, i_rows, u_par, item_feats, lang_table,
      w1a, w1b, w1c, b1r, w2t, b2r)


def kernel(user_idx, item_idx, item_feats, user_table, item_table, lang_table,
           W1, b1, W2, b2):
    V, D = user_table.shape
    u3 = user_table.reshape(V // 8, 8, D)
    u_blk, i_rows = _sc_gather(user_idx, item_idx, u3, item_table)
    u_par = (user_idx & 7).reshape(-1, 1)
    u, i = _tc_mlp(u_blk, i_rows, u_par, item_feats, lang_table,
                   W1, b1, W2, b2)
    return (u, i)

# --- scband reference (transcript-rebuilt; emitter-appended) ---
"""Pipeline reference for scband-two-tower-70557722739397 (READ-ONLY COPY).

The authoritative reference and input builder live on the scoring server;
editing this copy changes nothing except your own understanding.
"""

import jax, jax.numpy as jnp
import numpy as np

N_USERS = 1000000
N_ITEMS = 1000000
N_LANGS = 100
D = 64
B = 16384


def setup_inputs(seed: int = 0) -> dict:
    key = jax.random.key(seed)
    ks = jax.random.split(key, 10)
    user_idx = jax.random.randint(ks[0], (B,), 0, N_USERS, dtype=jnp.int32)
    item_idx = jax.random.randint(ks[1], (B,), 0, N_ITEMS, dtype=jnp.int32)
    feats = jax.random.uniform(ks[2], (B, 3), dtype=jnp.float32)
    # column 2 encodes a language id in [0, N_LANGS)
    item_feats = feats.at[:, 2].multiply(float(N_LANGS))
    user_table = jax.random.normal(ks[3], (N_USERS, D), dtype=jnp.float32) * 0.02
    item_table = jax.random.normal(ks[4], (N_ITEMS, D), dtype=jnp.float32) * 0.02
    lang_table = jax.random.normal(ks[5], (N_LANGS + 1, 8), dtype=jnp.float32) * 0.02
    W1 = jax.random.normal(ks[6], (D, D + 8 + 2), dtype=jnp.float32) * 0.05
    b1 = jnp.zeros((D,), dtype=jnp.float32)
    W2 = jax.random.normal(ks[7], (D, D), dtype=jnp.float32) * 0.05
    b2 = jnp.zeros((D,), dtype=jnp.float32)
    return {"user_idx": user_idx, "item_idx": item_idx, "item_feats": item_feats,
            "user_table": user_table, "item_table": item_table, "lang_table": lang_table,
            "W1": W1, "b1": b1, "W2": W2, "b2": b2}


def _normalize(x):
    n = jnp.linalg.norm(x, axis=1, keepdims=True)
    return x / jnp.maximum(n, 1e-12)


def reference(user_idx, item_idx, item_feats, user_table, item_table, lang_table, W1, b1, W2, b2):
    u = _normalize(jnp.take(user_table, user_idx, axis=0))
    i_emb = jnp.take(item_table, item_idx, axis=0)
    lang_idx = jnp.clip(item_feats[:, 2], 0, None).astype(jnp.int32)
    lang = jnp.take(lang_table, lang_idx, axis=0)
    x = jnp.concatenate([i_emb, lang, item_feats[:, :2]], axis=1)
    h = jnp.maximum(x @ W1.T + b1, 0.0)
    i = _normalize(h @ W2.T + b2)
    return (u, i)

if __name__ == "__main__":
    import jax
    _d = setup_inputs()
    print(jax.jit(kernel)(*tuple(_d.values())))

</pallas_src>

<mosaic_0001>
#map = affine_map<(d0, d1) -> (0, 0)>
#map1 = affine_map<(d0, d1) -> (0, 0, 0)>
module attributes {stable_mosaic.version = 14 : i64} {
  func.func @gather_k(%arg0: i32, %arg1: i32, %arg2: memref<32x512xi32, #tpu.memory_space<hbm>>, %arg3: memref<32x512xi32, #tpu.memory_space<hbm>>, %arg4: memref<125000x8x64xf32, #tpu.memory_space<hbm>>, %arg5: memref<1000000x64xf32, #tpu.memory_space<hbm>>, %arg6: memref<32x4096x64xf32, #tpu.memory_space<hbm>>, %arg7: memref<32x512x64xf32, #tpu.memory_space<hbm>>, %arg8: memref<512xi32, #tpu.memory_space<vmem>>, %arg9: memref<512xi32, #tpu.memory_space<vmem>>, %arg10: memref<512x64xf32, #tpu.memory_space<vmem>>, %arg11: memref<2x128x64xf32, #tpu.memory_space<vmem>>, %arg12: memref<!tpu.dma_semaphore, #tpu.memory_space<semaphore_mem>>, %arg13: memref<!tpu.dma_semaphore, #tpu.memory_space<semaphore_mem>>, %arg14: memref<!tpu.dma_semaphore, #tpu.memory_space<semaphore_mem>>) attributes {dimension_semantics = [#tpu.dimension_semantics<core_parallel>, #tpu.dimension_semantics<subcore_parallel>], iteration_bounds = array<i64: 2, 16>, scalar_prefetch = 0 : i64, scratch_operands = 7 : i64, tpu.core_type = #tpu.core_type<sc_vector_subcore>, window_params = [{transform_indices = #map}, {transform_indices = #map}, {transform_indices = #map1}, {transform_indices = #map}, {transform_indices = #map1}, {transform_indices = #map1}]} {
    %mul3A = arith.constant 2 : i32
    %mul3A_0 = arith.muli %arg1, %mul3A : i32
    %add3A = arith.addi %mul3A_0, %arg0 : i32
    "tpu.region"() ({
      %run_scoped3A = tpu.sem_alloc : memref<!tpu.dma_semaphore, #tpu.memory_space<semaphore_mem>>
      %dma_start3A = arith.constant 0 : i32
      %dma_start3A_808 = tpu.memref_slice %arg2[%add3A, %dma_start3A] : memref<32x512xi32, #tpu.memory_space<hbm>> -> memref<1x512xi32, #tpu.memory_space<hbm>>
      %dma_start3A_809 = tpu.memref_squeeze %dma_start3A_808 : memref<1x512xi32, #tpu.memory_space<hbm>> -> memref<512xi32, #tpu.memory_space<hbm>>
      %dma_start3A_810 = arith.constant 0 : i32
      %dma_start3A_811 = tpu.memref_slice %arg2[%add3A, %dma_start3A_810] : memref<32x512xi32, #tpu.memory_space<hbm>> -> memref<1x512xi32, #tpu.memory_space<hbm>>
      %dma_start3A_812 = tpu.memref_squeeze %dma_start3A_811 : memref<1x512xi32, #tpu.memory_space<hbm>> -> memref<512xi32, #tpu.memory_space<hbm>>
      tpu.enqueue_dma source(%dma_start3A_812 : memref<512xi32, #tpu.memory_space<hbm>>) target(%arg8 : memref<512xi32, #tpu.memory_space<vmem>>) target_semaphore(%run_scoped3A : memref<!tpu.dma_semaphore, #tpu.memory_space<semaphore_mem>>)
      %dma_wait3A_813 = arith.constant 0 : i32
      %dma_wait3A_814 = tpu.memref_slice %arg2[%add3A, %dma_wait3A_813] : memref<32x512xi32, #tpu.memory_space<hbm>> -> memref<1x512xi32, #tpu.memory_space<hbm>>
      %dma_wait3A_815 = tpu.memref_squeeze %dma_wait3A_814 : memref<1x512xi32, #tpu.memory_space<hbm>> -> memref<512xi32, #tpu.memory_space<hbm>>
      %dma_wait3A_816 = arith.constant 0 : i32
      %dma_wait3A_817 = tpu.memref_slice %arg2[%add3A, %dma_wait3A_816] : memref<32x512xi32, #tpu.memory_space<hbm>> -> memref<1x512xi32, #tpu.memory_space<hbm>>
      %dma_wait3A_818 = tpu.memref_squeeze %dma_wait3A_817 : memref<1x512xi32, #tpu.memory_space<hbm>> -> memref<512xi32, #tpu.memory_space<hbm>>
      tpu.wait_dma2 semaphore(%run_scoped3A : memref<!tpu.dma_semaphore, #tpu.memory_space<semaphore_mem>>) src(%dma_wait3A_818 : memref<512xi32, #tpu.memory_space<hbm>>) dst(%arg8 : memref<512xi32, #tpu.memory_space<vmem>>)
      tpu.yield
    }) : () -> ()
    "tpu.region"() ({
      %run_scoped3A = tpu.sem_alloc : memref<!tpu.dma_semaphore, #tpu.memory_space<semaphore_mem>>
      %dma_start3A = arith.constant 0 : i32
      %dma_start3A_808 = tpu.memref_slice %arg3[%add3A, %dma_start3A] : memref<32x512xi32, #tpu.memory_space<hbm>> -> memref<1x512xi32, #tpu.memory_space<hbm>>
      %dma_start3A_809 = tpu.memref_squeeze %dma_start3A_808 : memref<1x512xi32, #tpu.memory_space<hbm>> -> memref<512xi32, #tpu.memory_space<hbm>>
      %dma_start3A_810 = arith.constant 0 : i32
      %dma_start3A_811 = tpu.memref_slice %arg3[%add3A, %dma_start3A_810] : memref<32x512xi32, #tpu.memory_space<hbm>> -> memref<1x512xi32, #tpu.memory_space<hbm>>
      %dma_start3A_812 = tpu.memref_squeeze %dma_start3A_811 : memref<1x512xi32, #tpu.memory_space<hbm>> -> memref<512xi32, #tpu.memory_space<hbm>>
      tpu.enqueue_dma source(%dma_start3A_812 : memref<512xi32, #tpu.memory_space<hbm>>) target(%arg9 : memref<512xi32, #tpu.memory_space<vmem>>) target_semaphore(%run_scoped3A : memref<!tpu.dma_semaphore, #tpu.memory_space<semaphore_mem>>)
      %dma_wait3A_813 = arith.constant 0 : i32
      %dma_wait3A_814 = tpu.memref_slice %arg3[%add3A, %dma_wait3A_813] : memref<32x512xi32, #tpu.memory_space<hbm>> -> memref<1x512xi32, #tpu.memory_space<hbm>>
      %dma_wait3A_815 = tpu.memref_squeeze %dma_wait3A_814 : memref<1x512xi32, #tpu.memory_space<hbm>> -> memref<512xi32, #tpu.memory_space<hbm>>
      %dma_wait3A_816 = arith.constant 0 : i32
      %dma_wait3A_817 = tpu.memref_slice %arg3[%add3A, %dma_wait3A_816] : memref<32x512xi32, #tpu.memory_space<hbm>> -> memref<1x512xi32, #tpu.memory_space<hbm>>
      %dma_wait3A_818 = tpu.memref_squeeze %dma_wait3A_817 : memref<1x512xi32, #tpu.memory_space<hbm>> -> memref<512xi32, #tpu.memory_space<hbm>>
      tpu.wait_dma2 semaphore(%run_scoped3A : memref<!tpu.dma_semaphore, #tpu.memory_space<semaphore_mem>>) src(%dma_wait3A_818 : memref<512xi32, #tpu.memory_space<hbm>>) dst(%arg9 : memref<512xi32, #tpu.memory_space<vmem>>)
      tpu.yield
    }) : () -> ()
    %iota3A = tpu.iota {dimensions = array<i32: 0>} : vector<16xi32>
    %scan3A = arith.constant 0 : i32
    %scan3A_1 = arith.constant 0 : i32
    %scan3A_2 = arith.constant 32 : i32
    %scan3A_3 = arith.addi %scan3A_1, %scan3A_2 : i32
    %scan3A_4 = arith.constant 1 : i32
    %scan3A_5 = scf.for %scan3A_808 = %scan3A_1 to %scan3A_3 step %scan3A_4 iter_args(%scan3A_809 = %scan3A) -> (i32)  : i32 {
      %mul3A_810 = arith.constant 16 : i32
      %mul3A_811 = arith.muli %scan3A_808, %mul3A_810 : i32
      %get3A = arith.index_cast %mul3A_811 : i32 to index
      %get3A_812 = tpu.vector_load %arg9[%get3A] {strides = array<i32>} : memref<512xi32, #tpu.memory_space<vmem>>, vector<16xi32>,
      %mul3A_813 = arith.constant 16 : i32
      %mul3A_814 = arith.muli %scan3A_808, %mul3A_813 : i32
      %get3A_815 = arith.index_cast %mul3A_814 : i32 to index
      %get3A_816 = tpu.vector_load %arg8[%get3A_815] {strides = array<i32>} : memref<512xi32, #tpu.memory_space<vmem>>, vector<16xi32>,
      %eq3A = arith.constant 0 : i32
      %eq3A_817 = vector.broadcast %eq3A : i32 to vector<16xi32>
      %eq3A_818 = arith.cmpi eq, %iota3A, %eq3A_817 : vector<16xi32>
      %jit3A = arith.constant 0 : i32
      %broadcast_in_dim3A = vector.broadcast %jit3A : i32 to vector<16xi32>
      %select_n3A = arith.select %eq3A_818, %get3A_812, %broadcast_in_dim3A : vector<16xi1>, vector<16xi32>
      %reduce_max3A = arith.constant true
      %reduce_max3A_819 = vector.broadcast %reduce_max3A : i1 to vector<16xi1>
      %reduce_max3A_820 = arith.constant -2147483648 : i32
      %reduce_max3A_821 = vector.broadcast %reduce_max3A_820 : i32 to vector<16xi32>
      %reduce_max3A_822 = arith.xori %select_n3A, %reduce_max3A_821 : vector<16xi32>
      %reduce_max3A_823 = tpu.scan <max>, %reduce_max3A_822 masked %reduce_max3A_819 : vector<16xi32>, vector<16xi1> -> vector<16xi32>
      %reduce_max3A_824 = arith.xori %reduce_max3A_823, %reduce_max3A_821 : vector<16xi32>
      %reduce_max3A_825 = vector.extract %reduce_max3A_824[15] : i32 from vector<16xi32>
      %mul3A_826 = arith.constant 16 : i32
      %mul3A_827 = arith.muli %scan3A_808, %mul3A_826 : i32
      %add3A_828 = arith.constant 0 : i32
      %add3A_829 = arith.addi %mul3A_827, %add3A_828 : i32
      %dma_start3A = arith.constant 0 : i32
      %dma_start3A_830 = tpu.memref_slice %arg10[%add3A_829, %dma_start3A] : memref<512x64xf32, #tpu.memory_space<vmem>> -> memref<1x64xf32, #tpu.memory_space<vmem>>
      %dma_start3A_831 = arith.constant 0 : i32
      %dma_start3A_832 = tpu.memref_slice %arg5[%reduce_max3A_825, %dma_start3A_831] : memref<1000000x64xf32, #tpu.memory_space<hbm>> -> memref<1x64xf32, #tpu.memory_space<hbm>>
      %dma_start3A_833 = arith.constant 0 : i32
      %dma_start3A_834 = tpu.memref_slice %arg10[%add3A_829, %dma_start3A_833] : memref<512x64xf32, #tpu.memory_space<vmem>> -> memref<1x64xf32, #tpu.memory_space<vmem>>
      %dma_start3A_835 = arith.constant 0 : i32
      %dma_start3A_836 = tpu.memref_slice %arg5[%reduce_max3A_825, %dma_start3A_835] : memref<1000000x64xf32, #tpu.memory_space<hbm>> -> memref<1x64xf32, #tpu.memory_space<hbm>>
      tpu.enqueue_dma source(%dma_start3A_836 : memref<1x64xf32, #tpu.memory_space<hbm>>) target(%dma_start3A_834 : memref<1x64xf32, #tpu.memory_space<vmem>>) target_semaphore(%arg12 : memref<!tpu.dma_semaphore, #tpu.memory_space<semaphore_mem>>)
      %eq3A_837 = arith.constant 1 : i32
      %eq3A_838 = vector.broadcast %eq3A_837 : i32 to vector<16xi32>
      %eq3A_839 = arith.cmpi eq, %iota3A, %eq3A_838 : vector<16xi32>
      %jit3A_840 = arith.constant 0 : i32
      %broadcast_in_dim3A_841 = vector.broadcast %jit3A_840 : i32 to vector<16xi32>
      %select_n3A_842 = arith.select %eq3A_839, %get3A_812, %broadcast_in_dim3A_841 : vector<16xi1>, vector<16xi32>
      %reduce_max3A_843 = arith.constant true
      %reduce_max3A_844 = vector.broadcast %reduce_max3A_843 : i1 to vector<16xi1>
      %reduce_max3A_845 = arith.constant -2147483648 : i32
      %reduce_max3A_846 = vector.broadcast %reduce_max3A_845 : i32 to vector<16xi32>
      %reduce_max3A_847 = arith.xori %select_n3A_842, %reduce_max3A_846 : vector<16xi32>
      %reduce_max3A_848 = tpu.scan <max>, %reduce_max3A_847 masked %reduce_max3A_844 : vector<16xi32>, vector<16xi1> -> vector<16xi32>
      %reduce_max3A_849 = arith.xori %reduce_max3A_848, %reduce_max3A_846 : vector<16xi32>
      %reduce_max3A_850 = vector.extract %reduce_max3A_849[15] : i32 from vector<16xi32>
      %mul3A_851 = arith.constant 16 : i32
      %mul3A_852 = arith.muli %scan3A_808, %mul3A_851 : i32
      %add3A_853 = arith.constant 1 : i32
      %add3A_854 = arith.addi %mul3A_852, %add3A_853 : i32
      %dma_start3A_855 = arith.constant 0 : i32
      %dma_start3A_856 = tpu.memref_slice %arg10[%add3A_854, %dma_start3A_855] : memref<512x64xf32, #tpu.memory_space<vmem>> -> memref<1x64xf32, #tpu.memory_space<vmem>>
      %dma_start3A_857 = arith.constant 0 : i32
      %dma_start3A_858 = tpu.memref_slice %arg5[%reduce_max3A_850, %dma_start3A_857] : memref<1000000x64xf32, #tpu.memory_space<hbm>> -> memref<1x64xf32, #tpu.memory_space<hbm>>
      %dma_start3A_859 = arith.constant 0 : i32
      %dma_start3A_860 = tpu.memref_slice %arg10[%add3A_854, %dma_start3A_859] : memref<512x64xf32, #tpu.memory_space<vmem>> -> memref<1x64xf32, #tpu.memory_space<vmem>>
      %dma_start3A_861 = arith.constant 0 : i32
      %dma_start3A_862 = tpu.memref_slice %arg5[%reduce_max3A_850, %dma_start3A_861] : memref<1000000x64xf32, #tpu.memory_space<hbm>> -> memref<1x64xf32, #tpu.memory_space<hbm>>
      tpu.enqueue_dma source(%dma_start3A_862 : memref<1x64xf32, #tpu.memory_space<hbm>>) target(%dma_start3A_860 : memref<1x64xf32, #tpu.memory_space<vmem>>) target_semaphore(%arg12 : memref<!tpu.dma_semaphore, #tpu.memory_space<semaphore_mem>>)
      %eq3A_863 = arith.constant 2 : i32
      %eq3A_864 = vector.broadcast %eq3A_863 : i32 to vector<16xi32>
      %eq3A_865 = arith.cmpi eq, %iota3A, %eq3A_864 : vector<16xi32>
      %jit3A_866 = arith.constant 0 : i32
      %broadcast_in_dim3A_867 = vector.broadcast %jit3A_866 : i32 to vector<16xi32>
      %select_n3A_868 = arith.select %eq3A_865, %get3A_812, %broadcast_in_dim3A_867 : vector<16xi1>, vector<16xi32>
      %reduce_max3A_869 = arith.constant true
      %reduce_max3A_870 = vector.broadcast %reduce_max3A_869 : i1 to vector<16xi1>
      %reduce_max3A_871 = arith.constant -2147483648 : i32
      %reduce_max3A_872 = vector.broadcast %reduce_max3A_871 : i32 to vector<16xi32>
      %reduce_max3A_873 = arith.xori %select_n3A_868, %reduce_max3A_872 : vector<16xi32>
      %reduce_max3A_874 = tpu.scan <max>, %reduce_max3A_873 masked %reduce_max3A_870 : vector<16xi32>, vector<16xi1> -> vector<16xi32>
      %reduce_max3A_875 = arith.xori %reduce_max3A_874, %reduce_max3A_872 : vector<16xi32>
      %reduce_max3A_876 = vector.extract %reduce_max3A_875[15] : i32 from vector<16xi32>
      %mul3A_877 = arith.constant 16 : i32
      %mul3A_878 = arith.muli %scan3A_808, %mul3A_877 : i32
      %add3A_879 = arith.constant 2 : i32
      %add3A_880 = arith.addi %mul3A_878, %add3A_879 : i32
      %dma_start3A_881 = arith.constant 0 : i32
      %dma_start3A_882 = tpu.memref_slice %arg10[%add3A_880, %dma_start3A_881] : memref<512x64xf32, #tpu.memory_space<vmem>> -> memref<1x64xf32, #tpu.memory_space<vmem>>
      %dma_start3A_883 = arith.constant 0 : i32
      %dma_start3A_884 = tpu.memref_slice %arg5[%reduce_max3A_876, %dma_start3A_883] : memref<1000000x64xf32, #tpu.memory_space<hbm>> -> memref<1x64xf32, #tpu.memory_space<hbm>>
      %dma_start3A_885 = arith.constant 0 : i32
      %dma_start3A_886 = tpu.memref_slice %arg10[%add3A_880, %dma_start3A_885] : memref<512x64xf32, #tpu.memory_space<vmem>> -> memref<1x64xf32, #tpu.memory_space<vmem>>
      %dma_start3A_887 = arith.constant 0 : i32
      %dma_start3A_888 = tpu.memref_slice %arg5[%reduce_max3A_876, %dma_start3A_887] : memref<1000000x64xf32, #tpu.memory_space<hbm>> -> memref<1x64xf32, #tpu.memory_space<hbm>>
      tpu.enqueue_dma source(%dma_start3A_888 : memref<1x64xf32, #tpu.memory_space<hbm>>) target(%dma_start3A_886 : memref<1x64xf32, #tpu.memory_space<vmem>>) target_semaphore(%arg12 : memref<!tpu.dma_semaphore, #tpu.memory_space<semaphore_mem>>)
      %eq3A_889 = arith.constant 3 : i32
      %eq3A_890 = vector.broadcast %eq3A_889 : i32 to vector<16xi32>
      %eq3A_891 = arith.cmpi eq, %iota3A, %eq3A_890 : vector<16xi32>
      %jit3A_892 = arith.constant 0 : i32
      %broadcast_in_dim3A_893 = vector.broadcast %jit3A_892 : i32 to vector<16xi32>
      %select_n3A_894 = arith.select %eq3A_891, %get3A_812, %broadcast_in_dim3A_893 : vector<16xi1>, vector<16xi32>
      %reduce_max3A_895 = arith.constant true
      %reduce_max3A_896 = vector.broadcast %reduce_max3A_895 : i1 to vector<16xi1>
      %reduce_max3A_897 = arith.constant -2147483648 : i32
      %reduce_max3A_898 = vector.broadcast %reduce_max3A_897 : i32 to vector<16xi32>
      %reduce_max3A_899 = arith.xori %select_n3A_894, %reduce_max3A_898 : vector<16xi32>
      %reduce_max3A_900 = tpu.scan <max>, %reduce_max3A_899 masked %reduce_max3A_896 : vector<16xi32>, vector<16xi1> -> vector<16xi32>
      %reduce_max3A_901 = arith.xori %reduce_max3A_900, %reduce_max3A_898 : vector<16xi32>
      %reduce_max3A_902 = vector.extract %reduce_max3A_901[15] : i32 from vector<16xi32>
      %mul3A_903 = arith.constant 16 : i32
      %mul3A_904 = arith.muli %scan3A_808, %mul3A_903 : i32
      %add3A_905 = arith.constant 3 : i32
      %add3A_906 = arith.addi %mul3A_904, %add3A_905 : i32
      %dma_start3A_907 = arith.constant 0 : i32
      %dma_start3A_908 = tpu.memref_slice %arg10[%add3A_906, %dma_start3A_907] : memref<512x64xf32, #tpu.memory_space<vmem>> -> memref<1x64xf32, #tpu.memory_space<vmem>>
      %dma_start3A_909 = arith.constant 0 : i32
      %dma_start3A_910 = tpu.memref_slice %arg5[%reduce_max3A_902, %dma_start3A_909] : memref<1000000x64xf32, #tpu.memory_space<hbm>> -> memref<1x64xf32, #tpu.memory_space<hbm>>
      %dma_start3A_911 = arith.constant 0 : i32
      %dma_start3A_912 = tpu.memref_slice %arg10[%add3A_906, %dma_start3A_911] : memref<512x64xf32, #tpu.memory_space<vmem>> -> memref<1x64xf32, #tpu.memory_space<vmem>>
      %dma_start3A_913 = arith.constant 0 : i32
      %dma_start3A_914 = tpu.memref_slice %arg5[%reduce_max3A_902, %dma_start3A_913] : memref<1000000x64xf32, #tpu.memory_space<hbm>> -> memref<1x64xf32, #tpu.memory_space<hbm>>
      tpu.enqueue_dma source(%dma_start3A_914 : memref<1x64xf32, #tpu.memory_space<hbm>>) target(%dma_start3A_912 : memref<1x64xf32, #tpu.memory_space<vmem>>) target_semaphore(%arg12 : memref<!tpu.dma_semaphore, #tpu.memory_space<semaphore_mem>>)
      %eq3A_915 = arith.constant 4 : i32
      %eq3A_916 = vector.broadcast %eq3A_915 : i32 to vector<16xi32>
      %eq3A_917 = arith.cmpi eq, %iota3A, %eq3A_916 : vector<16xi32>
      %jit3A_918 = arith.constant 0 : i32
      %broadcast_in_dim3A_919 = vector.broadcast %jit3A_918 : i32 to vector<16xi32>
      %select_n3A_920 = arith.select %eq3A_917, %get3A_812, %broadcast_in_dim3A_919 : vector<16xi1>, vector<16xi32>
      %reduce_max3A_921 = arith.constant true
      %reduce_max3A_922 = vector.broadcast %reduce_max3A_921 : i1 to vector<16xi1>
      %reduce_max3A_923 = arith.constant -2147483648 : i32
      %reduce_max3A_924 = vector.broadcast %reduce_max3A_923 : i32 to vector<16xi32>
      %reduce_max3A_925 = arith.xori %select_n3A_920, %reduce_max3A_924 : vector<16xi32>
      %reduce_max3A_926 = tpu.scan <max>, %reduce_max3A_925 masked %reduce_max3A_922 : vector<16xi32>, vector<16xi1> -> vector<16xi32>
      %reduce_max3A_927 = arith.xori %reduce_max3A_926, %reduce_max3A_924 : vector<16xi32>
      %reduce_max3A_928 = vector.extract %reduce_max3A_927[15] : i32 from vector<16xi32>
      %mul3A_929 = arith.constant 16 : i32
      %mul3A_930 = arith.muli %scan3A_808, %mul3A_929 : i32
      %add3A_931 = arith.constant 4 : i32
      %add3A_932 = arith.addi %mul3A_930, %add3A_931 : i32
      %dma_start3A_933 = arith.constant 0 : i32
      %dma_start3A_934 = tpu.memref_slice %arg10[%add3A_932, %dma_start3A_933] : memref<512x64xf32, #tpu.memory_space<vmem>> -> memref<1x64xf32, #tpu.memory_space<vmem>>
      %dma_start3A_935 = arith.constant 0 : i32
      %dma_start3A_936 = tpu.memref_slice %arg5[%reduce_max3A_928, %dma_start3A_935] : memref<1000000x64xf32, #tpu.memory_space<hbm>> -> memref<1x64xf32, #tpu.memory_space<hbm>>
      %dma_start3A_937 = arith.constant 0 : i32
      %dma_start3A_938 = tpu.memref_slice %arg10[%add3A_932, %dma_start3A_937] : memref<512x64xf32, #tpu.memory_space<vmem>> -> memref<1x64xf32, #tpu.memory_space<vmem>>
      %dma_start3A_939 = arith.constant 0 : i32
      %dma_start3A_940 = tpu.memref_slice %arg5[%reduce_max3A_928, %dma_start3A_939] : memref<1000000x64xf32, #tpu.memory_space<hbm>> -> memref<1x64xf32, #tpu.memory_space<hbm>>
      tpu.enqueue_dma source(%dma_start3A_940 : memref<1x64xf32, #tpu.memory_space<hbm>>) target(%dma_start3A_938 : memref<1x64xf32, #tpu.memory_space<vmem>>) target_semaphore(%arg12 : memref<!tpu.dma_semaphore, #tpu.memory_space<semaphore_mem>>)
      %eq3A_941 = arith.constant 5 : i32
      %eq3A_942 = vector.broadcast %eq3A_941 : i32 to vector<16xi32>
      %eq3A_943 = arith.cmpi eq, %iota3A, %eq3A_942 : vector<16xi32>
      %jit3A_944 = arith.constant 0 : i32
      %broadcast_in_dim3A_945 = vector.broadcast %jit3A_944 : i32 to vector<16xi32>
      %select_n3A_946 = arith.select %eq3A_943, %get3A_812, %broadcast_in_dim3A_945 : vector<16xi1>, vector<16xi32>
      %reduce_max3A_947 = arith.constant true
      %reduce_max3A_948 = vector.broadcast %reduce_max3A_947 : i1 to vector<16xi1>
      %reduce_max3A_949 = arith.constant -2147483648 : i32
      %reduce_max3A_950 = vector.broadcast %reduce_max3A_949 : i32 to vector<16xi32>
      %reduce_max3A_951 = arith.xori %select_n3A_946, %reduce_max3A_950 : vector<16xi32>
      %reduce_max3A_952 = tpu.scan <max>, %reduce_max3A_951 masked %reduce_max3A_948 : vector<16xi32>, vector<16xi1> -> vector<16xi32>
      %reduce_max3A_953 = arith.xori %reduce_max3A_952, %reduce_max3A_950 : vector<16xi32>
      %reduce_max3A_954 = vector.extract %reduce_max3A_953[15] : i32 from vector<16xi32>
      %mul3A_955 = arith.constant 16 : i32
      %mul3A_956 = arith.muli %scan3A_808, %mul3A_955 : i32
      %add3A_957 = arith.constant 5 : i32
      %add3A_958 = arith.addi %mul3A_956, %add3A_957 : i32
      %dma_start3A_959 = arith.constant 0 : i32
      %dma_start3A_960 = tpu.memref_slice %arg10[%add3A_958, %dma_start3A_959] : memref<512x64xf32, #tpu.memory_space<vmem>> -> memref<1x64xf32, #tpu.memory_space<vmem>>
      %dma_start3A_961 = arith.constant 0 : i32
      %dma_start3A_962 = tpu.memref_slice %arg5[%reduce_max3A_954, %dma_start3A_961] : memref<1000000x64xf32, #tpu.memory_space<hbm>> -> memref<1x64xf32, #tpu.memory_space<hbm>>
      %dma_start3A_963 = arith.constant 0 : i32
      %dma_start3A_964 = tpu.memref_slice %arg10[%add3A_958, %dma_start3A_963] : memref<512x64xf32, #tpu.memory_space<vmem>> -> memref<1x64xf32, #tpu.memory_space<vmem>>
      %dma_start3A_965 = arith.constant 0 : i32
      %dma_start3A_966 = tpu.memref_slice %arg5[%reduce_max3A_954, %dma_start3A_965] : memref<1000000x64xf32, #tpu.memory_space<hbm>> -> memref<1x64xf32, #tpu.memory_space<hbm>>
      tpu.enqueue_dma source(%dma_start3A_966 : memref<1x64xf32, #tpu.memory_space<hbm>>) target(%dma_start3A_964 : memref<1x64xf32, #tpu.memory_space<vmem>>) target_semaphore(%arg12 : memref<!tpu.dma_semaphore, #tpu.memory_space<semaphore_mem>>)
      %eq3A_967 = arith.constant 6 : i32
      %eq3A_968 = vector.broadcast %eq3A_967 : i32 to vector<16xi32>
      %eq3A_969 = arith.cmpi eq, %iota3A, %eq3A_968 : vector<16xi32>
      %jit3A_970 = arith.constant 0 : i32
      %broadcast_in_dim3A_971 = vector.broadcast %jit3A_970 : i32 to vector<16xi32>
      %select_n3A_972 = arith.select %eq3A_969, %get3A_812, %broadcast_in_dim3A_971 : vector<16xi1>, vector<16xi32>
      %reduce_max3A_973 = arith.constant true
      %reduce_max3A_974 = vector.broadcast %reduce_max3A_973 : i1 to vector<16xi1>
      %reduce_max3A_975 = arith.constant -2147483648 : i32
      %reduce_max3A_976 = vector.broadcast %reduce_max3A_975 : i32 to vector<16xi32>
      %reduce_max3A_977 = arith.xori %select_n3A_972, %reduce_max3A_976 : vector<16xi32>
      %reduce_max3A_978 = tpu.scan <max>, %reduce_max3A_977 masked %reduce_max3A_974 : vector<16xi32>, vector<16xi1> -> vector<16xi32>
      %reduce_max3A_979 = arith.xori %reduce_max3A_978, %reduce_max3A_976 : vector<16xi32>
      %reduce_max3A_980 = vector.extract %reduce_max3A_979[15] : i32 from vector<16xi32>
      %mul3A_981 = arith.constant 16 : i32
      %mul3A_982 = arith.muli %scan3A_808, %mul3A_981 : i32
      %add3A_983 = arith.constant 6 : i32
      %add3A_984 = arith.addi %mul3A_982, %add3A_983 : i32
      %dma_start3A_985 = arith.constant 0 : i32
      %dma_start3A_986 = tpu.memref_slice %arg10[%add3A_984, %dma_start3A_985] : memref<512x64xf32, #tpu.memory_space<vmem>> -> memref<1x64xf32, #tpu.memory_space<vmem>>
      %dma_start3A_987 = arith.constant 0 : i32
      %dma_start3A_988 = tpu.memref_slice %arg5[%reduce_max3A_980, %dma_start3A_987] : memref<1000000x64xf32, #tpu.memory_space<hbm>> -> memref<1x64xf32, #tpu.memory_space<hbm>>
      %dma_start3A_989 = arith.constant 0 : i32
      %dma_start3A_990 = tpu.memref_slice %arg10[%add3A_984, %dma_start3A_989] : memref<512x64xf32, #tpu.memory_space<vmem>> -> memref<1x64xf32, #tpu.memory_space<vmem>>
      %dma_start3A_991 = arith.constant 0 : i32
      %dma_start3A_992 = tpu.memref_slice %arg5[%reduce_max3A_980, %dma_start3A_991] : memref<1000000x64xf32, #tpu.memory_space<hbm>> -> memref<1x64xf32, #tpu.memory_space<hbm>>
      tpu.enqueue_dma source(%dma_start3A_992 : memref<1x64xf32, #tpu.memory_space<hbm>>) target(%dma_start3A_990 : memref<1x64xf32, #tpu.memory_space<vmem>>) target_semaphore(%arg12 : memref<!tpu.dma_semaphore, #tpu.memory_space<semaphore_mem>>)
      %eq3A_993 = arith.constant 7 : i32
      %eq3A_994 = vector.broadcast %eq3A_993 : i32 to vector<16xi32>
      %eq3A_995 = arith.cmpi eq, %iota3A, %eq3A_994 : vector<16xi32>
      %jit3A_996 = arith.constant 0 : i32
      %broadcast_in_dim3A_997 = vector.broadcast %jit3A_996 : i32 to vector<16xi32>
      %select_n3A_998 = arith.select %eq3A_995, %get3A_812, %broadcast_in_dim3A_997 : vector<16xi1>, vector<16xi32>
      %reduce_max3A_999 = arith.constant true
      %reduce_max3A_1000 = vector.broadcast %reduce_max3A_999 : i1 to vector<16xi1>
      %reduce_max3A_1001 = arith.constant -2147483648 : i32
      %reduce_max3A_1002 = vector.broadcast %reduce_max3A_1001 : i32 to vector<16xi32>
      %reduce_max3A_1003 = arith.xori %select_n3A_998, %reduce_max3A_1002 : vector<16xi32>
      %reduce_max3A_1004 = tpu.scan <max>, %reduce_max3A_1003 masked %reduce_max3A_1000 : vector<16xi32>, vector<16xi1> -> vector<16xi32>
      %reduce_max3A_1005 = arith.xori %reduce_max3A_1004, %reduce_max3A_1002 : vector<16xi32>
      %reduce_max3A_1006 = vector.extract %reduce_max3A_1005[15] : i32 from vector<16xi32>
      %mul3A_1007 = arith.constant 16 : i32
      %mul3A_1008 = arith.muli %scan3A_808, %mul3A_1007 : i32
      %add3A_1009 = arith.constant 7 : i32
      %add3A_1010 = arith.addi %mul3A_1008, %add3A_1009 : i32
      %dma_start3A_1011 = arith.constant 0 : i32
      %dma_start3A_1012 = tpu.memref_slice %arg10[%add3A_1010, %dma_start3A_1011] : memref<512x64xf32, #tpu.memory_space<vmem>> -> memref<1x64xf32, #tpu.memory_space<vmem>>
      %dma_start3A_1013 = arith.constant 0 : i32
      %dma_start3A_1014 = tpu.memref_slice %arg5[%reduce_max3A_1006, %dma_start3A_1013] : memref<1000000x64xf32, #tpu.memory_space<hbm>> -> memref<1x64xf32, #tpu.memory_space<hbm>>
      %dma_start3A_1015 = arith.constant 0 : i32
      %dma_start3A_1016 = tpu.memref_slice %arg10[%add3A_1010, %dma_start3A_1015] : memref<512x64xf32, #tpu.memory_space<vmem>> -> memref<1x64xf32, #tpu.memory_space<vmem>>
      %dma_start3A_1017 = arith.constant 0 : i32
      %dma_start3A_1018 = tpu.memref_slice %arg5[%reduce_max3A_1006, %dma_start3A_1017] : memref<1000000x64xf32, #tpu.memory_space<hbm>> -> memref<1x64xf32, #tpu.memory_space<hbm>>
      tpu.enqueue_dma source(%dma_start3A_1018 : memref<1x64xf32, #tpu.memory_space<hbm>>) target(%dma_start3A_1016 : memref<1x64xf32, #tpu.memory_space<vmem>>) target_semaphore(%arg12 : memref<!tpu.dma_semaphore, #tpu.memory_space<semaphore_mem>>)
      %eq3A_1019 = arith.constant 8 : i32
      %eq3A_1020 = vector.broadcast %eq3A_1019 : i32 to vector<16xi32>
      %eq3A_1021 = arith.cmpi eq, %iota3A, %eq3A_1020 : vector<16xi32>
      %jit3A_1022 = arith.constant 0 : i32
      %broadcast_in_dim3A_1023 = vector.broadcast %jit3A_1022 : i32 to vector<16xi32>
      %select_n3A_1024 = arith.select %eq3A_1021, %get3A_812, %broadcast_in_dim3A_1023 : vector<16xi1>, vector<16xi32>
      %reduce_max3A_1025 = arith.constant true
      %reduce_max3A_1026 = vector.broadcast %reduce_max3A_1025 : i1 to vector<16xi1>
      %reduce_max3A_1027 = arith.constant -2147483648 : i32
      %reduce_max3A_1028 = vector.broadcast %reduce_max3A_1027 : i32 to vector<16xi32>
      %reduce_max3A_1029 = arith.xori %select_n3A_1024, %reduce_max3A_1028 : vector<16xi32>
      %reduce_max3A_1030 = tpu.scan <max>, %reduce_max3A_1029 masked %reduce_max3A_1026 : vector<16xi32>, vector<16xi1> -> vector<16xi32>
      %reduce_max3A_1031 = arith.xori %reduce_max3A_1030, %reduce_max3A_1028 : vector<16xi32>
      %reduce_max3A_1032 = vector.extract %reduce_max3A_1031[15] : i32 from vector<16xi32>
      %mul3A_1033 = arith.constant 16 : i32
      %mul3A_1034 = arith.muli %scan3A_808, %mul3A_1033 : i32
      %add3A_1035 = arith.constant 8 : i32
      %add3A_1036 = arith.addi %mul3A_1034, %add3A_1035 : i32
      %dma_start3A_1037 = arith.constant 0 : i32
      %dma_start3A_1038 = tpu.memref_slice %arg10[%add3A_1036, %dma_start3A_1037] : memref<512x64xf32, #tpu.memory_space<vmem>> -> memref<1x64xf32, #tpu.memory_space<vmem>>
      %dma_start3A_1039 = arith.constant 0 : i32
      %dma_start3A_1040 = tpu.memref_slice %arg5[%reduce_max3A_1032, %dma_start3A_1039] : memref<1000000x64xf32, #tpu.memory_space<hbm>> -> memref<1x64xf32, #tpu.memory_space<hbm>>
      %dma_start3A_1041 = arith.constant 0 : i32
      %dma_start3A_1042 = tpu.memref_slice %arg10[%add3A_1036, %dma_start3A_1041] : memref<512x64xf32, #tpu.memory_space<vmem>> -> memref<1x64xf32, #tpu.memory_space<vmem>>
      %dma_start3A_1043 = arith.constant 0 : i32
      %dma_start3A_1044 = tpu.memref_slice %arg5[%reduce_max3A_1032, %dma_start3A_1043] : memref<1000000x64xf32, #tpu.memory_space<hbm>> -> memref<1x64xf32, #tpu.memory_space<hbm>>
      tpu.enqueue_dma source(%dma_start3A_1044 : memref<1x64xf32, #tpu.memory_space<hbm>>) target(%dma_start3A_1042 : memref<1x64xf32, #tpu.memory_space<vmem>>) target_semaphore(%arg12 : memref<!tpu.dma_semaphore, #tpu.memory_space<semaphore_mem>>)
      %eq3A_1045 = arith.constant 9 : i32
      %eq3A_1046 = vector.broadcast %eq3A_1045 : i32 to vector<16xi32>
      %eq3A_1047 = arith.cmpi eq, %iota3A, %eq3A_1046 : vector<16xi32>
      %jit3A_1048 = arith.constant 0 : i32
      %broadcast_in_dim3A_1049 = vector.broadcast %jit3A_1048 : i32 to vector<16xi32>
      %select_n3A_1050 = arith.select %eq3A_1047, %get3A_812, %broadcast_in_dim3A_1049 : vector<16xi1>, vector<16xi32>
      %reduce_max3A_1051 = arith.constant true
      %reduce_max3A_1052 = vector.broadcast %reduce_max3A_1051 : i1 to vector<16xi1>
      %reduce_max3A_1053 = arith.constant -2147483648 : i32
      %reduce_max3A_1054 = vector.broadcast %reduce_max3A_1053 : i32 to vector<16xi32>
      %reduce_max3A_1055 = arith.xori %select_n3A_1050, %reduce_max3A_1054 : vector<16xi32>
      %reduce_max3A_1056 = tpu.scan <max>, %reduce_max3A_1055 masked %reduce_max3A_1052 : vector<16xi32>, vector<16xi1> -> vector<16xi32>
      %reduce_max3A_1057 = arith.xori %reduce_max3A_1056, %reduce_max3A_1054 : vector<16xi32>
      %reduce_max3A_1058 = vector.extract %reduce_max3A_1057[15] : i32 from vector<16xi32>
      %mul3A_1059 = arith.constant 16 : i32
      %mul3A_1060 = arith.muli %scan3A_808, %mul3A_1059 : i32
      %add3A_1061 = arith.constant 9 : i32
      %add3A_1062 = arith.addi %mul3A_1060, %add3A_1061 : i32
      %dma_start3A_1063 = arith.constant 0 : i32
      %dma_start3A_1064 = tpu.memref_slice %arg10[%add3A_1062, %dma_start3A_1063] : memref<512x64xf32, #tpu.memory_space<vmem>> -> memref<1x64xf32, #tpu.memory_space<vmem>>
      %dma_start3A_1065 = arith.constant 0 : i32
      %dma_start3A_1066 = tpu.memref_slice %arg5[%reduce_max3A_1058, %dma_start3A_1065] : memref<1000000x64xf32, #tpu.memory_space<hbm>> -> memref<1x64xf32, #tpu.memory_space<hbm>>
      %dma_start3A_1067 = arith.constant 0 : i32
      %dma_start3A_1068 = tpu.memref_slice %arg10[%add3A_1062, %dma_start3A_1067] : memref<512x64xf32, #tpu.memory_space<vmem>> -> memref<1x64xf32, #tpu.memory_space<vmem>>
      %dma_start3A_1069 = arith.constant 0 : i32
      %dma_start3A_1070 = tpu.memref_slice %arg5[%reduce_max3A_1058, %dma_start3A_1069] : memref<1000000x64xf32, #tpu.memory_space<hbm>> -> memref<1x64xf32, #tpu.memory_space<hbm>>
      tpu.enqueue_dma source(%dma_start3A_1070 : memref<1x64xf32, #tpu.memory_space<hbm>>) target(%dma_start3A_1068 : memref<1x64xf32, #tpu.memory_space<vmem>>) target_semaphore(%arg12 : memref<!tpu.dma_semaphore, #tpu.memory_space<semaphore_mem>>)
      %eq3A_1071 = arith.constant 10 : i32
      %eq3A_1072 = vector.broadcast %eq3A_1071 : i32 to vector<16xi32>
      %eq3A_1073 = arith.cmpi eq, %iota3A, %eq3A_1072 : vector<16xi32>
      %jit3A_1074 = arith.constant 0 : i32
      %broadcast_in_dim3A_1075 = vector.broadcast %jit3A_1074 : i32 to vector<16xi32>
      %select_n3A_1076 = arith.select %eq3A_1073, %get3A_812, %broadcast_in_dim3A_1075 : vector<16xi1>, vector<16xi32>
      %reduce_max3A_1077 = arith.constant true
      %reduce_max3A_1078 = vector.broadcast %reduce_max3A_1077 : i1 to vector<16xi1>
      %reduce_max3A_1079 = arith.constant -2147483648 : i32
      %reduce_max3A_1080 = vector.broadcast %reduce_max3A_1079 : i32 to vector<16xi32>
      %reduce_max3A_1081 = arith.xori %select_n3A_1076, %reduce_max3A_1080 : vector<16xi32>
      %reduce_max3A_1082 = tpu.scan <max>, %reduce_max3A_1081 masked %reduce_max3A_1078 : vector<16xi32>, vector<16xi1> -> vector<16xi32>
      %reduce_max3A_1083 = arith.xori %reduce_max3A_1082, %reduce_max3A_1080 : vector<16xi32>
      %reduce_max3A_1084 = vector.extract %reduce_max3A_1083[15] : i32 from vector<16xi32>
      %mul3A_1085 = arith.constant 16 : i32
      %mul3A_1086 = arith.muli %scan3A_808, %mul3A_1085 : i32
      %add3A_1087 = arith.constant 10 : i32
      %add3A_1088 = arith.addi %mul3A_1086, %add3A_1087 : i32
      %dma_start3A_1089 = arith.constant 0 : i32
      %dma_start3A_1090 = tpu.memref_slice %arg10[%add3A_1088, %dma_start3A_1089] : memref<512x64xf32, #tpu.memory_space<vmem>> -> memref<1x64xf32, #tpu.memory_space<vmem>>
      %dma_start3A_1091 = arith.constant 0 : i32
      %dma_start3A_1092 = tpu.memref_slice %arg5[%reduce_max3A_1084, %dma_start3A_1091] : memref<1000000x64xf32, #tpu.memory_space<hbm>> -> memref<1x64xf32, #tpu.memory_space<hbm>>
      %dma_start3A_1093 = arith.constant 0 : i32
      %dma_start3A_1094 = tpu.memref_slice %arg10[%add3A_1088, %dma_start3A_1093] : memref<512x64xf32, #tpu.memory_space<vmem>> -> memref<1x64xf32, #tpu.memory_space<vmem>>
      %dma_start3A_1095 = arith.constant 0 : i32
      %dma_start3A_1096 = tpu.memref_slice %arg5[%reduce_max3A_1084, %dma_start3A_1095] : memref<1000000x64xf32, #tpu.memory_space<hbm>> -> memref<1x64xf32, #tpu.memory_space<hbm>>
      tpu.enqueue_dma source(%dma_start3A_1096 : memref<1x64xf32, #tpu.memory_space<hbm>>) target(%dma_start3A_1094 : memref<1x64xf32, #tpu.memory_space<vmem>>) target_semaphore(%arg12 : memref<!tpu.dma_semaphore, #tpu.memory_space<semaphore_mem>>)
      %eq3A_1097 = arith.constant 11 : i32
      %eq3A_1098 = vector.broadcast %eq3A_1097 : i32 to vector<16xi32>
      %eq3A_1099 = arith.cmpi eq, %iota3A, %eq3A_1098 : vector<16xi32>
      %jit3A_1100 = arith.constant 0 : i32
      %broadcast_in_dim3A_1101 = vector.broadcast %jit3A_1100 : i32 to vector<16xi32>
      %select_n3A_1102 = arith.select %eq3A_1099, %get3A_812, %broadcast_in_dim3A_1101 : vector<16xi1>, vector<16xi32>
      %reduce_max3A_1103 = arith.constant true
      %reduce_max3A_1104 = vector.broadcast %reduce_max3A_1103 : i1 to vector<16xi1>
      %reduce_max3A_1105 = arith.constant -2147483648 : i32
      %reduce_max3A_1106 = vector.broadcast %reduce_max3A_1105 : i32 to vector<16xi32>
      %reduce_max3A_1107 = arith.xori %select_n3A_1102, %reduce_max3A_1106 : vector<16xi32>
      %reduce_max3A_1108 = tpu.scan <max>, %reduce_max3A_1107 masked %reduce_max3A_1104 : vector<16xi32>, vector<16xi1> -> vector<16xi32>
      %reduce_max3A_1109 = arith.xori %reduce_max3A_1108, %reduce_max3A_1106 : vector<16xi32>
      %reduce_max3A_1110 = vector.extract %reduce_max3A_1109[15] : i32 from vector<16xi32>
      %mul3A_1111 = arith.constant 16 : i32
      %mul3A_1112 = arith.muli %scan3A_808, %mul3A_1111 : i32
      %add3A_1113 = arith.constant 11 : i32
      %add3A_1114 = arith.addi %mul3A_1112, %add3A_1113 : i32
      %dma_start3A_1115 = arith.constant 0 : i32
      %dma_start3A_1116 = tpu.memref_slice %arg10[%add3A_1114, %dma_start3A_1115] : memref<512x64xf32, #tpu.memory_space<vmem>> -> memref<1x64xf32, #tpu.memory_space<vmem>>
      %dma_start3A_1117 = arith.constant 0 : i32
      %dma_start3A_1118 = tpu.memref_slice %arg5[%reduce_max3A_1110, %dma_start3A_1117] : memref<1000000x64xf32, #tpu.memory_space<hbm>> -> memref<1x64xf32, #tpu.memory_space<hbm>>
      %dma_start3A_1119 = arith.constant 0 : i32
      %dma_start3A_1120 = tpu.memref_slice %arg10[%add3A_1114, %dma_start3A_1119] : memref<512x64xf32, #tpu.memory_space<vmem>> -> memref<1x64xf32, #tpu.memory_space<vmem>>
      %dma_start3A_1121 = arith.constant 0 : i32
      %dma_start3A_1122 = tpu.memref_slice %arg5[%reduce_max3A_1110, %dma_start3A_1121] : memref<1000000x64xf32, #tpu.memory_space<hbm>> -> memref<1x64xf32, #tpu.memory_space<hbm>>
      tpu.enqueue_dma source(%dma_start3A_1122 : memref<1x64xf32, #tpu.memory_space<hbm>>) target(%dma_start3A_1120 : memref<1x64xf32, #tpu.memory_space<vmem>>) target_semaphore(%arg12 : memref<!tpu.dma_semaphore, #tpu.memory_space<semaphore_mem>>)
      %eq3A_1123 = arith.constant 12 : i32
      %eq3A_1124 = vector.broadcast %eq3A_1123 : i32 to vector<16xi32>
      %eq3A_1125 = arith.cmpi eq, %iota3A, %eq3A_1124 : vector<16xi32>
      %jit3A_1126 = arith.constant 0 : i32
      %broadcast_in_dim3A_1127 = vector.broadcast %jit3A_1126 : i32 to vector<16xi32>
      %select_n3A_1128 = arith.select %eq3A_1125, %get3A_812, %broadcast_in_dim3A_1127 : vector<16xi1>, vector<16xi32>
      %reduce_max3A_1129 = arith.constant true
      %reduce_max3A_1130 = vector.broadcast %reduce_max3A_1129 : i1 to vector<16xi1>
      %reduce_max3A_1131 = arith.constant -2147483648 : i32
      %reduce_max3A_1132 = vector.broadcast %reduce_max3A_1131 : i32 to vector<16xi32>
      %reduce_max3A_1133 = arith.xori %select_n3A_1128, %reduce_max3A_1132 : vector<16xi32>
      %reduce_max3A_1134 = tpu.scan <max>, %reduce_max3A_1133 masked %reduce_max3A_1130 : vector<16xi32>, vector<16xi1> -> vector<16xi32>
      %reduce_max3A_1135 = arith.xori %reduce_max3A_1134, %reduce_max3A_1132 : vector<16xi32>
      %reduce_max3A_1136 = vector.extract %reduce_max3A_1135[15] : i32 from vector<16xi32>
      %mul3A_1137 = arith.constant 16 : i32
      %mul3A_1138 = arith.muli %scan3A_808, %mul3A_1137 : i32
      %add3A_1139 = arith.constant 12 : i32
      %add3A_1140 = arith.addi %mul3A_1138, %add3A_1139 : i32
      %dma_start3A_1141 = arith.constant 0 : i32
      %dma_start3A_1142 = tpu.memref_slice %arg10[%add3A_1140, %dma_start3A_1141] : memref<512x64xf32, #tpu.memory_space<vmem>> -> memref<1x64xf32, #tpu.memory_space<vmem>>
      %dma_start3A_1143 = arith.constant 0 : i32
      %dma_start3A_1144 = tpu.memref_slice %arg5[%reduce_max3A_1136, %dma_start3A_1143] : memref<1000000x64xf32, #tpu.memory_space<hbm>> -> memref<1x64xf32, #tpu.memory_space<hbm>>
      %dma_start3A_1145 = arith.constant 0 : i32
      %dma_start3A_1146 = tpu.memref_slice %arg10[%add3A_1140, %dma_start3A_1145] : memref<512x64xf32, #tpu.memory_space<vmem>> -> memref<1x64xf32, #tpu.memory_space<vmem>>
      %dma_start3A_1147 = arith.constant 0 : i32
      %dma_start3A_1148 = tpu.memref_slice %arg5[%reduce_max3A_1136, %dma_start3A_1147] : memref<1000000x64xf32, #tpu.memory_space<hbm>> -> memref<1x64xf32, #tpu.memory_space<hbm>>
      tpu.enqueue_dma source(%dma_start3A_1148 : memref<1x64xf32, #tpu.memory_space<hbm>>) target(%dma_start3A_1146 : memref<1x64xf32, #tpu.memory_space<vmem>>) target_semaphore(%arg12 : memref<!tpu.dma_semaphore, #tpu.memory_space<semaphore_mem>>)
      %eq3A_1149 = arith.constant 13 : i32
      %eq3A_1150 = vector.broadcast %eq3A_1149 : i32 to vector<16xi32>
      %eq3A_1151 = arith.cmpi eq, %iota3A, %eq3A_1150 : vector<16xi32>
      %jit3A_1152 = arith.constant 0 : i32
      %broadcast_in_dim3A_1153 = vector.broadcast %jit3A_1152 : i32 to vector<16xi32>
      %select_n3A_1154 = arith.select %eq3A_1151, %get3A_812, %broadcast_in_dim3A_1153 : vector<16xi1>, vector<16xi32>
      %reduce_max3A_1155 = arith.constant true
      %reduce_max3A_1156 = vector.broadcast %reduce_max3A_1155 : i1 to vector<16xi1>
      %reduce_max3A_1157 = arith.constant -2147483648 : i32
      %reduce_max3A_1158 = vector.broadcast %reduce_max3A_1157 : i32 to vector<16xi32>
      %reduce_max3A_1159 = arith.xori %select_n3A_1154, %reduce_max3A_1158 : vector<16xi32>
      %reduce_max3A_1160 = tpu.scan <max>, %reduce_max3A_1159 masked %reduce_max3A_1156 : vector<16xi32>, vector<16xi1> -> vector<16xi32>
      %reduce_max3A_1161 = arith.xori %reduce_max3A_1160, %reduce_max3A_1158 : vector<16xi32>
      %reduce_max3A_1162 = vector.extract %reduce_max3A_1161[15] : i32 from vector<16xi32>
      %mul3A_1163 = arith.constant 16 : i32
      %mul3A_1164 = arith.muli %scan3A_808, %mul3A_1163 : i32
      %add3A_1165 = arith.constant 13 : i32
      %add3A_1166 = arith.addi %mul3A_1164, %add3A_1165 : i32
      %dma_start3A_1167 = arith.constant 0 : i32
      %dma_start3A_1168 = tpu.memref_slice %arg10[%add3A_1166, %dma_start3A_1167] : memref<512x64xf32, #tpu.memory_space<vmem>> -> memref<1x64xf32, #tpu.memory_space<vmem>>
      %dma_start3A_1169 = arith.constant 0 : i32
      %dma_start3A_1170 = tpu.memref_slice %arg5[%reduce_max3A_1162, %dma_start3A_1169] : memref<1000000x64xf32, #tpu.memory_space<hbm>> -> memref<1x64xf32, #tpu.memory_space<hbm>>
      %dma_start3A_1171 = arith.constant 0 : i32
      %dma_start3A_1172 = tpu.memref_slice %arg10[%add3A_1166, %dma_start3A_1171] : memref<512x64xf32, #tpu.memory_space<vmem>> -> memref<1x64xf32, #tpu.memory_space<vmem>>
      %dma_start3A_1173 = arith.constant 0 : i32
      %dma_start3A_1174 = tpu.memref_slice %arg5[%reduce_max3A_1162, %dma_start3A_1173] : memref<1000000x64xf32, #tpu.memory_space<hbm>> -> memref<1x64xf32, #tpu.memory_space<hbm>>
      tpu.enqueue_dma source(%dma_start3A_1174 : memref<1x64xf32, #tpu.memory_space<hbm>>) target(%dma_start3A_1172 : memref<1x64xf32, #tpu.memory_space<vmem>>) target_semaphore(%arg12 : memref<!tpu.dma_semaphore, #tpu.memory_space<semaphore_mem>>)
      %eq3A_1175 = arith.constant 14 : i32
      %eq3A_1176 = vector.broadcast %eq3A_1175 : i32 to vector<16xi32>
      %eq3A_1177 = arith.cmpi eq, %iota3A, %eq3A_1176 : vector<16xi32>
      %jit3A_1178 = arith.constant 0 : i32
      %broadcast_in_dim3A_1179 = vector.broadcast %jit3A_1178 : i32 to vector<16xi32>
      %select_n3A_1180 = arith.select %eq3A_1177, %get3A_812, %broadcast_in_dim3A_1179 : vector<16xi1>, vector<16xi32>
      %reduce_max3A_1181 = arith.constant true
      %reduce_max3A_1182 = vector.broadcast %reduce_max3A_1181 : i1 to vector<16xi1>
      %reduce_max3A_1183 = arith.constant -2147483648 : i32
      %reduce_max3A_1184 = vector.broadcast %reduce_max3A_1183 : i32 to vector<16xi32>
      %reduce_max3A_1185 = arith.xori %select_n3A_1180, %reduce_max3A_1184 : vector<16xi32>
      %reduce_max3A_1186 = tpu.scan <max>, %reduce_max3A_1185 masked %reduce_max3A_1182 : vector<16xi32>, vector<16xi1> -> vector<16xi32>
      %reduce_max3A_1187 = arith.xori %reduce_max3A_1186, %reduce_max3A_1184 : vector<16xi32>
      %reduce_max3A_1188 = vector.extract %reduce_max3A_1187[15] : i32 from vector<16xi32>
      %mul3A_1189 = arith.constant 16 : i32
      %mul3A_1190 = arith.muli %scan3A_808, %mul3A_1189 : i32
      %add3A_1191 = arith.constant 14 : i32
      %add3A_1192 = arith.addi %mul3A_1190, %add3A_1191 : i32
      %dma_start3A_1193 = arith.constant 0 : i32
      %dma_start3A_1194 = tpu.memref_slice %arg10[%add3A_1192, %dma_start3A_1193] : memref<512x64xf32, #tpu.memory_space<vmem>> -> memref<1x64xf32, #tpu.memory_space<vmem>>
      %dma_start3A_1195 = arith.constant 0 : i32
      %dma_start3A_1196 = tpu.memref_slice %arg5[%reduce_max3A_1188, %dma_start3A_1195] : memref<1000000x64xf32, #tpu.memory_space<hbm>> -> memref<1x64xf32, #tpu.memory_space<hbm>>
      %dma_start3A_1197 = arith.constant 0 : i32
      %dma_start3A_1198 = tpu.memref_slice %arg10[%add3A_1192, %dma_start3A_1197] : memref<512x64xf32, #tpu.memory_space<vmem>> -> memref<1x64xf32, #tpu.memory_space<vmem>>
      %dma_start3A_1199 = arith.constant 0 : i32
      %dma_start3A_1200 = tpu.memref_slice %arg5[%reduce_max3A_1188, %dma_start3A_1199] : memref<1000000x64xf32, #tpu.memory_space<hbm>> -> memref<1x64xf32, #tpu.memory_space<hbm>>
      tpu.enqueue_dma source(%dma_start3A_1200 : memref<1x64xf32, #tpu.memory_space<hbm>>) target(%dma_start3A_1198 : memref<1x64xf32, #tpu.memory_space<vmem>>) target_semaphore(%arg12 : memref<!tpu.dma_semaphore, #tpu.memory_space<semaphore_mem>>)
      %eq3A_1201 = arith.constant 15 : i32
      %eq3A_1202 = vector.broadcast %eq3A_1201 : i32 to vector<16xi32>
      %eq3A_1203 = arith.cmpi eq, %iota3A, %eq3A_1202 : vector<16xi32>
      %jit3A_1204 = arith.constant 0 : i32
      %broadcast_in_dim3A_1205 = vector.broadcast %jit3A_1204 : i32 to vector<16xi32>
      %select_n3A_1206 = arith.select %eq3A_1203, %get3A_812, %broadcast_in_dim3A_1205 : vector<16xi1>, vector<16xi32>
      %reduce_max3A_1207 = arith.constant true
      %reduce_max3A_1208 = vector.broadcast %reduce_max3A_1207 : i1 to vector<16xi1>
      %reduce_max3A_1209 = arith.constant -2147483648 : i32
      %reduce_max3A_1210 = vector.broadcast %reduce_max3A_1209 : i32 to vector<16xi32>
      %reduce_max3A_1211 = arith.xori %select_n3A_1206, %reduce_max3A_1210 : vector<16xi32>
      %reduce_max3A_1212 = tpu.scan <max>, %reduce_max3A_1211 masked %reduce_max3A_1208 : vector<16xi32>, vector<16xi1> -> vector<16xi32>
      %reduce_max3A_1213 = arith.xori %reduce_max3A_1212, %reduce_max3A_1210 : vector<16xi32>
      %reduce_max3A_1214 = vector.extract %reduce_max3A_1213[15] : i32 from vector<16xi32>
      %mul3A_1215 = arith.constant 16 : i32
      %mul3A_1216 = arith.muli %scan3A_808, %mul3A_1215 : i32
      %add3A_1217 = arith.constant 15 : i32
      %add3A_1218 = arith.addi %mul3A_1216, %add3A_1217 : i32
      %dma_start3A_1219 = arith.constant 0 : i32
      %dma_start3A_1220 = tpu.memref_slice %arg10[%add3A_1218, %dma_start3A_1219] : memref<512x64xf32, #tpu.memory_space<vmem>> -> memref<1x64xf32, #tpu.memory_space<vmem>>
      %dma_start3A_1221 = arith.constant 0 : i32
      %dma_start3A_1222 = tpu.memref_slice %arg5[%reduce_max3A_1214, %dma_start3A_1221] : memref<1000000x64xf32, #tpu.memory_space<hbm>> -> memref<1x64xf32, #tpu.memory_space<hbm>>
      %dma_start3A_1223 = arith.constant 0 : i32
      %dma_start3A_1224 = tpu.memref_slice %arg10[%add3A_1218, %dma_start3A_1223] : memref<512x64xf32, #tpu.memory_space<vmem>> -> memref<1x64xf32, #tpu.memory_space<vmem>>
      %dma_start3A_1225 = arith.constant 0 : i32
      %dma_start3A_1226 = tpu.memref_slice %arg5[%reduce_max3A_1214, %dma_start3A_1225] : memref<1000000x64xf32, #tpu.memory_space<hbm>> -> memref<1x64xf32, #tpu.memory_space<hbm>>
      tpu.enqueue_dma source(%dma_start3A_1226 : memref<1x64xf32, #tpu.memory_space<hbm>>) target(%dma_start3A_1224 : memref<1x64xf32, #tpu.memory_space<vmem>>) target_semaphore(%arg12 : memref<!tpu.dma_semaphore, #tpu.memory_space<semaphore_mem>>)
      %ge3A = arith.constant 4 : i32
      %ge3A_1227 = arith.cmpi sge, %scan3A_808, %ge3A : i32
      %convert_element_type3A = arith.extui %ge3A_1227 : i1 to i32
      %cond3A = arith.constant 0 : i32
      %cond3A_1228 = arith.cmpi ne, %convert_element_type3A, %cond3A : i32
      scf.if %cond3A_1228 {
        %dma_wait3A_2256 = arith.constant 0 : i32
        %dma_wait3A_2257 = arith.constant 0 : i32
        %dma_wait3A_2258 = tpu.memref_slice %arg10[%dma_wait3A_2256, %dma_wait3A_2257] : memref<512x64xf32, #tpu.memory_space<vmem>> -> memref<1x64xf32, #tpu.memory_space<vmem>>
        %dma_wait3A_2259 = arith.constant 0 : i32
        %dma_wait3A_2260 = arith.constant 0 : i32
        %dma_wait3A_2261 = tpu.memref_slice %arg5[%dma_wait3A_2259, %dma_wait3A_2260] : memref<1000000x64xf32, #tpu.memory_space<hbm>> -> memref<1x64xf32, #tpu.memory_space<hbm>>
        %dma_wait3A_2262 = arith.constant 0 : i32
        %dma_wait3A_2263 = arith.constant 0 : i32
        %dma_wait3A_2264 = tpu.memref_slice %arg10[%dma_wait3A_2262, %dma_wait3A_2263] : memref<512x64xf32, #tpu.memory_space<vmem>> -> memref<1x64xf32, #tpu.memory_space<vmem>>
        %dma_wait3A_2265 = arith.constant 0 : i32
        %dma_wait3A_2266 = arith.constant 0 : i32
        %dma_wait3A_2267 = tpu.memref_slice %arg5[%dma_wait3A_2265, %dma_wait3A_2266] : memref<1000000x64xf32, #tpu.memory_space<hbm>> -> memref<1x64xf32, #tpu.memory_space<hbm>>
        tpu.wait_dma2 semaphore(%arg12 : memref<!tpu.dma_semaphore, #tpu.memory_space<semaphore_mem>>) src(%dma_wait3A_2267 : memref<1x64xf32, #tpu.memory_space<hbm>>) dst(%dma_wait3A_2264 : memref<1x64xf32, #tpu.memory_space<vmem>>)
        %dma_wait3A_2268 = arith.constant 0 : i32
        %dma_wait3A_2269 = arith.constant 0 : i32
        %dma_wait3A_2270 = tpu.memref_slice %arg10[%dma_wait3A_2268, %dma_wait3A_2269] : memref<512x64xf32, #tpu.memory_space<vmem>> -> memref<1x64xf32, #tpu.memory_space<vmem>>
        %dma_wait3A_2271 = arith.constant 0 : i32
        %dma_wait3A_2272 = arith.constant 0 : i32
        %dma_wait3A_2273 = tpu.memref_slice %arg5[%dma_wait3A_2271, %dma_wait3A_2272] : memref<1000000x64xf32, #tpu.memory_space<hbm>> -> memref<1x64xf32, #tpu.memory_space<hbm>>
        %dma_wait3A_2274 = arith.constant 0 : i32
        %dma_wait3A_2275 = arith.constant 0 : i32
        %dma_wait3A_2276 = tpu.memref_slice %arg10[%dma_wait3A_2274, %dma_wait3A_2275] : memref<512x64xf32, #tpu.memory_space<vmem>> -> memref<1x64xf32, #tpu.memory_space<vmem>>
        %dma_wait3A_2277 = arith.constant 0 : i32
        %dma_wait3A_2278 = arith.constant 0 : i32
        %dma_wait3A_2279 = tpu.memref_slice %arg5[%dma_wait3A_2277, %dma_wait3A_2278] : memref<1000000x64xf32, #tpu.memory_space<hbm>> -> memref<1x64xf32, #tpu.memory_space<hbm>>
        tpu.wait_dma2 semaphore(%arg12 : memref<!tpu.dma_semaphore, #tpu.memory_space<semaphore_mem>>) src(%dma_wait3A_2279 : memref<1x64xf32, #tpu.memory_space<hbm>>) dst(%dma_wait3A_2276 : memref<1x64xf32, #tpu.memory_space<vmem>>)
        %dma_wait3A_2280 = arith.constant 0 : i32
        %dma_wait3A_2281 = arith.constant 0 : i32
        %dma_wait3A_2282 = tpu.memref_slice %arg10[%dma_wait3A_2280, %dma_wait3A_2281] : memref<512x64xf32, #tpu.memory_space<vmem>> -> memref<1x64xf32, #tpu.memory_space<vmem>>
        %dma_wait3A_2283 = arith.constant 0 : i32
        %dma_wait3A_2284 = arith.constant 0 : i32
        %dma_wait3A_2285 = tpu.memref_slice %arg5[%dma_wait3A_2283, %dma_wait3A_2284] : memref<1000000x64xf32, #tpu.memory_space<hbm>> -> memref<1x64xf32, #tpu.memory_space<hbm>>
        %dma_wait3A_2286 = arith.constant 0 : i32
        %dma_wait3A_2287 = arith.constant 0 : i32
        %dma_wait3A_2288 = tpu.memref_slice %arg10[%dma_wait3A_2286, %dma_wait3A_2287] : memref<512x64xf32, #tpu.memory_space<vmem>> -> memref<1x64xf32, #tpu.memory_space<vmem>>
        %dma_wait3A_2289 = arith.constant 0 : i32
        %dma_wait3A_2290 = arith.constant 0 : i32
        %dma_wait3A_2291 = tpu.memref_slice %arg5[%dma_wait3A_2289, %dma_wait3A_2290] : memref<1000000x64xf32, #tpu.memory_space<hbm>> -> memref<1x64xf32, #tpu.memory_space<hbm>>
        tpu.wait_dma2 semaphore(%arg12 : memref<!tpu.dma_semaphore, #tpu.memory_space<semaphore_mem>>) src(%dma_wait3A_2291 : memref<1x64xf32, #tpu.memory_space<hbm>>) dst(%dma_wait3A_2288 : memref<1x64xf32, #tpu.memory_space<vmem>>)
        %dma_wait3A_2292 = arith.constant 0 : i32
        %dma_wait3A_2293 = arith.constant 0 : i32
        %dma_wait3A_2294 = tpu.memref_slice %arg10[%dma_wait3A_2292, %dma_wait3A_2293] : memref<512x64xf32, #tpu.memory_space<vmem>> -> memref<1x64xf32, #tpu.memory_space<vmem>>
        %dma_wait3A_2295 = arith.constant 0 : i32
        %dma_wait3A_2296 = arith.constant 0 : i32
        %dma_wait3A_2297 = tpu.memref_slice %arg5[%dma_wait3A_2295, %dma_wait3A_2296] : memref<1000000x64xf32, #tpu.memory_space<hbm>> -> memref<1x64xf32, #tpu.memory_space<hbm>>
        %dma_wait3A_2298 = arith.constant 0 : i32
        %dma_wait3A_2299 = arith.constant 0 : i32
        %dma_wait3A_2300 = tpu.memref_slice %arg10[%dma_wait3A_2298, %dma_wait3A_2299] : memref<512x64xf32, #tpu.memory_space<vmem>> -> memref<1x64xf32, #tpu.memory_space<vmem>>
        %dma_wait3A_2301 = arith.constant 0 : i32
        %dma_wait3A_2302 = arith.constant 0 : i32
        %dma_wait3A_2303 = tpu.memref_slice %arg5[%dma_wait3A_2301, %dma_wait3A_2302] : memref<1000000x64xf32, #tpu.memory_space<hbm>> -> memref<1x64xf32, #tpu.memory_space<hbm>>
        tpu.wait_dma2 semaphore(%arg12 : memref<!tpu.dma_semaphore, #tpu.memory_space<semaphore_mem>>) src(%dma_wait3A_2303 : memref<1x64xf32, #tpu.memory_space<hbm>>) dst(%dma_wait3A_2300 : memref<1x64xf32, #tpu.memory_space<vmem>>)
        %dma_wait3A_2304 = arith.constant 0 : i32
        %dma_wait3A_2305 = arith.constant 0 : i32
        %dma_wait3A_2306 = tpu.memref_slice %arg10[%dma_wait3A_2304, %dma_wait3A_2305] : memref<512x64xf32, #tpu.memory_space<vmem>> -> memref<1x64xf32, #tpu.memory_space<vmem>>
        %dma_wait3A_2307 = arith.constant 0 : i32
        %dma_wait3A_2308 = arith.constant 0 : i32
        %dma_wait3A_2309 = tpu.memref_slice %arg5[%dma_wait3A_2307, %dma_wait3A_2308] : memref<1000000x64xf32, #tpu.memory_space<hbm>> -> memref<1x64xf32, #tpu.memory_space<hbm>>
        %dma_wait3A_2310 = arith.constant 0 : i32
        %dma_wait3A_2311 = arith.constant 0 : i32
        %dma_wait3A_2312 = tpu.memref_slice %arg10[%dma_wait3A_2310, %dma_wait3A_2311] : memref<512x64xf32, #tpu.memory_space<vmem>> -> memref<1x64xf32, #tpu.memory_space<vmem>>
        %dma_wait3A_2313 = arith.constant 0 : i32
        %dma_wait3A_2314 = arith.constant 0 : i32
        %dma_wait3A_2315 = tpu.memref_slice %arg5[%dma_wait3A_2313, %dma_wait3A_2314] : memref<1000000x64xf32, #tpu.memory_space<hbm>> -> memref<1x64xf32, #tpu.memory_space<hbm>>
        tpu.wait_dma2 semaphore(%arg12 : memref<!tpu.dma_semaphore, #tpu.memory_space<semaphore_mem>>) src(%dma_wait3A_2315 : memref<1x64xf32, #tpu.memory_space<hbm>>) dst(%dma_wait3A_2312 : memref<1x64xf32, #tpu.memory_space<vmem>>)
        %dma_wait3A_2316 = arith.constant 0 : i32
        %dma_wait3A_2317 = arith.constant 0 : i32
        %dma_wait3A_2318 = tpu.memref_slice %arg10[%dma_wait3A_2316, %dma_wait3A_2317] : memref<512x64xf32, #tpu.memory_space<vmem>> -> memref<1x64xf32, #tpu.memory_space<vmem>>
        %dma_wait3A_2319 = arith.constant 0 : i32
        %dma_wait3A_2320 = arith.constant 0 : i32
        %dma_wait3A_2321 = tpu.memref_slice %arg5[%dma_wait3A_2319, %dma_wait3A_2320] : memref<1000000x64xf32, #tpu.memory_space<hbm>> -> memref<1x64xf32, #tpu.memory_space<hbm>>
        %dma_wait3A_2322 = arith.constant 0 : i32
        %dma_wait3A_2323 = arith.constant 0 : i32
        %dma_wait3A_2324 = tpu.memref_slice %arg10[%dma_wait3A_2322, %dma_wait3A_2323] : memref<512x64xf32, #tpu.memory_space<vmem>> -> memref<1x64xf32, #tpu.memory_space<vmem>>
        %dma_wait3A_2325 = arith.constant 0 : i32
        %dma_wait3A_2326 = arith.constant 0 : i32
        %dma_wait3A_2327 = tpu.memref_slice %arg5[%dma_wait3A_2325, %dma_wait3A_2326] : memref<1000000x64xf32, #tpu.memory_space<hbm>> -> memref<1x64xf32, #tpu.memory_space<hbm>>
        tpu.wait_dma2 semaphore(%arg12 : memref<!tpu.dma_semaphore, #tpu.memory_space<semaphore_mem>>) src(%dma_wait3A_2327 : memref<1x64xf32, #tpu.memory_space<hbm>>) dst(%dma_wait3A_2324 : memref<1x64xf32, #tpu.memory_space<vmem>>)
        %dma_wait3A_2328 = arith.constant 0 : i32
        %dma_wait3A_2329 = arith.constant 0 : i32
        %dma_wait3A_2330 = tpu.memref_slice %arg10[%dma_wait3A_2328, %dma_wait3A_2329] : memref<512x64xf32, #tpu.memory_space<vmem>> -> memref<1x64xf32, #tpu.memory_space<vmem>>
        %dma_wait3A_2331 = arith.constant 0 : i32
        %dma_wait3A_2332 = arith.constant 0 : i32
        %dma_wait3A_2333 = tpu.memref_slice %arg5[%dma_wait3A_2331, %dma_wait3A_2332] : memref<1000000x64xf32, #tpu.memory_space<hbm>> -> memref<1x64xf32, #tpu.memory_space<hbm>>
        %dma_wait3A_2334 = arith.constant 0 : i32
        %dma_wait3A_2335 = arith.constant 0 : i32
        %dma_wait3A_2336 = tpu.memref_slice %arg10[%dma_wait3A_2334, %dma_wait3A_2335] : memref<512x64xf32, #tpu.memory_space<vmem>> -> memref<1x64xf32, #tpu.memory_space<vmem>>
        %dma_wait3A_2337 = arith.constant 0 : i32
        %dma_wait3A_2338 = arith.constant 0 : i32
        %dma_wait3A_2339 = tpu.memref_slice %arg5[%dma_wait3A_2337, %dma_wait3A_2338] : memref<1000000x64xf32, #tpu.memory_space<hbm>> -> memref<1x64xf32, #tpu.memory_space<hbm>>
        tpu.wait_dma2 semaphore(%arg12 : memref<!tpu.dma_semaphore, #tpu.memory_space<semaphore_mem>>) src(%dma_wait3A_2339 : memref<1x64xf32, #tpu.memory_space<hbm>>) dst(%dma_wait3A_2336 : memref<1x64xf32, #tpu.memory_space<vmem>>)
        %dma_wait3A_2340 = arith.constant 0 : i32
        %dma_wait3A_2341 = arith.constant 0 : i32
        %dma_wait3A_2342 = tpu.memref_slice %arg10[%dma_wait3A_2340, %dma_wait3A_2341] : memref<512x64xf32, #tpu.memory_space<vmem>> -> memref<1x64xf32, #tpu.memory_space<vmem>>
        %dma_wait3A_2343 = arith.constant 0 : i32
        %dma_wait3A_2344 = arith.constant 0 : i32
        %dma_wait3A_2345 = tpu.memref_slice %arg5[%dma_wait3A_2343, %dma_wait3A_2344] : memref<1000000x64xf32, #tpu.memory_space<hbm>> -> memref<1x64xf32, #tpu.memory_space<hbm>>
        %dma_wait3A_2346 = arith.constant 0 : i32
        %dma_wait3A_2347 = arith.constant 0 : i32
        %dma_wait3A_2348 = tpu.memref_slice %arg10[%dma_wait3A_2346, %dma_wait3A_2347] : memref<512x64xf32, #tpu.memory_space<vmem>> -> memref<1x64xf32, #tpu.memory_space<vmem>>
        %dma_wait3A_2349 = arith.constant 0 : i32
        %dma_wait3A_2350 = arith.constant 0 : i32
        %dma_wait3A_2351 = tpu.memref_slice %arg5[%dma_wait3A_2349, %dma_wait3A_2350] : memref<1000000x64xf32, #tpu.memory_space<hbm>> -> memref<1x64xf32, #tpu.memory_space<hbm>>
        tpu.wait_dma2 semaphore(%arg12 : memref<!tpu.dma_semaphore, #tpu.memory_space<semaphore_mem>>) src(%dma_wait3A_2351 : memref<1x64xf32, #tpu.memory_space<hbm>>) dst(%dma_wait3A_2348 : memref<1x64xf32, #tpu.memory_space<vmem>>)
        %dma_wait3A_2352 = arith.constant 0 : i32
        %dma_wait3A_2353 = arith.constant 0 : i32
        %dma_wait3A_2354 = tpu.memref_slice %arg10[%dma_wait3A_2352, %dma_wait3A_2353] : memref<512x64xf32, #tpu.memory_space<vmem>> -> memref<1x64xf32, #tpu.memory_space<vmem>>
        %dma_wait3A_2355 = arith.constant 0 : i32
        %dma_wait3A_2356 = arith.constant 0 : i32
        %dma_wait3A_2357 = tpu.memref_slice %arg5[%dma_wait3A_2355, %dma_wait3A_2356] : memref<1000000x64xf32, #tpu.memory_space<hbm>> -> memref<1x64xf32, #tpu.memory_space<hbm>>
        %dma_wait3A_2358 = arith.constant 0 : i32
        %dma_wait3A_2359 = arith.constant 0 : i32
        %dma_wait3A_2360 = tpu.memref_slice %arg10[%dma_wait3A_2358, %dma_wait3A_2359] : memref<512x64xf32, #tpu.memory_space<vmem>> -> memref<1x64xf32, #tpu.memory_space<vmem>>
        %dma_wait3A_2361 = arith.constant 0 : i32
        %dma_wait3A_2362 = arith.constant 0 : i32
        %dma_wait3A_2363 = tpu.memref_slice %arg5[%dma_wait3A_2361, %dma_wait3A_2362] : memref<1000000x64xf32, #tpu.memory_space<hbm>> -> memref<1x64xf32, #tpu.memory_space<hbm>>
        tpu.wait_dma2 semaphore(%arg12 : memref<!tpu.dma_semaphore, #tpu.memory_space<semaphore_mem>>) src(%dma_wait3A_2363 : memref<1x64xf32, #tpu.memory_space<hbm>>) dst(%dma_wait3A_2360 : memref<1x64xf32, #tpu.memory_space<vmem>>)
        %dma_wait3A_2364 = arith.constant 0 : i32
        %dma_wait3A_2365 = arith.constant 0 : i32
        %dma_wait3A_2366 = tpu.memref_slice %arg10[%dma_wait3A_2364, %dma_wait3A_2365] : memref<512x64xf32, #tpu.memory_space<vmem>> -> memref<1x64xf32, #tpu.memory_space<vmem>>
        %dma_wait3A_2367 = arith.constant 0 : i32
        %dma_wait3A_2368 = arith.constant 0 : i32
        %dma_wait3A_2369 = tpu.memref_slice %arg5[%dma_wait3A_2367, %dma_wait3A_2368] : memref<1000000x64xf32, #tpu.memory_space<hbm>> -> memref<1x64xf32, #tpu.memory_space<hbm>>
        %dma_wait3A_2370 = arith.constant 0 : i32
        %dma_wait3A_2371 = arith.constant 0 : i32
        %dma_wait3A_2372 = tpu.memref_slice %arg10[%dma_wait3A_2370, %dma_wait3A_2371] : memref<512x64xf32, #tpu.memory_space<vmem>> -> memref<1x64xf32, #tpu.memory_space<vmem>>
        %dma_wait3A_2373 = arith.constant 0 : i32
        %dma_wait3A_2374 = arith.constant 0 : i32
        %dma_wait3A_2375 = tpu.memref_slice %arg5[%dma_wait3A_2373, %dma_wait3A_2374] : memref<1000000x64xf32, #tpu.memory_space<hbm>> -> memref<1x64xf32, #tpu.memory_space<hbm>>
        tpu.wait_dma2 semaphore(%arg12 : memref<!tpu.dma_semaphore, #tpu.memory_space<semaphore_mem>>) src(%dma_wait3A_2375 : memref<1x64xf32, #tpu.memory_space<hbm>>) dst(%dma_wait3A_2372 : memref<1x64xf32, #tpu.memory_space<vmem>>)
        %dma_wait3A_2376 = arith.constant 0 : i32
        %dma_wait3A_2377 = arith.constant 0 : i32
        %dma_wait3A_2378 = tpu.memref_slice %arg10[%dma_wait3A_2376, %dma_wait3A_2377] : memref<512x64xf32, #tpu.memory_space<vmem>> -> memref<1x64xf32, #tpu.memory_space<vmem>>
        %dma_wait3A_2379 = arith.constant 0 : i32
        %dma_wait3A_2380 = arith.constant 0 : i32
        %dma_wait3A_2381 = tpu.memref_slice %arg5[%dma_wait3A_2379, %dma_wait3A_2380] : memref<1000000x64xf32, #tpu.memory_space<hbm>> -> memref<1x64xf32, #tpu.memory_space<hbm>>
        %dma_wait3A_2382 = arith.constant 0 : i32
        %dma_wait3A_2383 = arith.constant 0 : i32
        %dma_wait3A_2384 = tpu.memref_slice %arg10[%dma_wait3A_2382, %dma_wait3A_2383] : memref<512x64xf32, #tpu.memory_space<vmem>> -> memref<1x64xf32, #tpu.memory_space<vmem>>
        %dma_wait3A_2385 = arith.constant 0 : i32
        %dma_wait3A_2386 = arith.constant 0 : i32
        %dma_wait3A_2387 = tpu.memref_slice %arg5[%dma_wait3A_2385, %dma_wait3A_2386] : memref<1000000x64xf32, #tpu.memory_space<hbm>> -> memref<1x64xf32, #tpu.memory_space<hbm>>
        tpu.wait_dma2 semaphore(%arg12 : memref<!tpu.dma_semaphore, #tpu.memory_space<semaphore_mem>>) src(%dma_wait3A_2387 : memref<1x64xf32, #tpu.memory_space<hbm>>) dst(%dma_wait3A_2384 : memref<1x64xf32, #tpu.memory_space<vmem>>)
        %dma_wait3A_2388 = arith.constant 0 : i32
        %dma_wait3A_2389 = arith.constant 0 : i32
        %dma_wait3A_2390 = tpu.memref_slice %arg10[%dma_wait3A_2388, %dma_wait3A_2389] : memref<512x64xf32, #tpu.memory_space<vmem>> -> memref<1x64xf32, #tpu.memory_space<vmem>>
        %dma_wait3A_2391 = arith.constant 0 : i32
        %dma_wait3A_2392 = arith.constant 0 : i32
        %dma_wait3A_2393 = tpu.memref_slice %arg5[%dma_wait3A_2391, %dma_wait3A_2392] : memref<1000000x64xf32, #tpu.memory_space<hbm>> -> memref<1x64xf32, #tpu.memory_space<hbm>>
        %dma_wait3A_2394 = arith.constant 0 : i32
        %dma_wait3A_2395 = arith.constant 0 : i32
        %dma_wait3A_2396 = tpu.memref_slice %arg10[%dma_wait3A_2394, %dma_wait3A_2395] : memref<512x64xf32, #tpu.memory_space<vmem>> -> memref<1x64xf32, #tpu.memory_space<vmem>>
        %dma_wait3A_2397 = arith.constant 0 : i32
        %dma_wait3A_2398 = arith.constant 0 : i32
        %dma_wait3A_2399 = tpu.memref_slice %arg5[%dma_wait3A_2397, %dma_wait3A_2398] : memref<1000000x64xf32, #tpu.memory_space<hbm>> -> memref<1x64xf32, #tpu.memory_space<hbm>>
        tpu.wait_dma2 semaphore(%arg12 : memref<!tpu.dma_semaphore, #tpu.memory_space<semaphore_mem>>) src(%dma_wait3A_2399 : memref<1x64xf32, #tpu.memory_space<hbm>>) dst(%dma_wait3A_2396 : memref<1x64xf32, #tpu.memory_space<vmem>>)
        %dma_wait3A_2400 = arith.constant 0 : i32
        %dma_wait3A_2401 = arith.constant 0 : i32
        %dma_wait3A_2402 = tpu.memref_slice %arg10[%dma_wait3A_2400, %dma_wait3A_2401] : memref<512x64xf32, #tpu.memory_space<vmem>> -> memref<1x64xf32, #tpu.memory_space<vmem>>
        %dma_wait3A_2403 = arith.constant 0 : i32
        %dma_wait3A_2404 = arith.constant 0 : i32
        %dma_wait3A_2405 = tpu.memref_slice %arg5[%dma_wait3A_2403, %dma_wait3A_2404] : memref<1000000x64xf32, #tpu.memory_space<hbm>> -> memref<1x64xf32, #tpu.memory_space<hbm>>
        %dma_wait3A_2406 = arith.constant 0 : i32
        %dma_wait3A_2407 = arith.constant 0 : i32
        %dma_wait3A_2408 = tpu.memref_slice %arg10[%dma_wait3A_2406, %dma_wait3A_2407] : memref<512x64xf32, #tpu.memory_space<vmem>> -> memref<1x64xf32, #tpu.memory_space<vmem>>
        %dma_wait3A_2409 = arith.constant 0 : i32
        %dma_wait3A_2410 = arith.constant 0 : i32
        %dma_wait3A_2411 = tpu.memref_slice %arg5[%dma_wait3A_2409, %dma_wait3A_2410] : memref<1000000x64xf32, #tpu.memory_space<hbm>> -> memref<1x64xf32, #tpu.memory_space<hbm>>
        tpu.wait_dma2 semaphore(%arg12 : memref<!tpu.dma_semaphore, #tpu.memory_space<semaphore_mem>>) src(%dma_wait3A_2411 : memref<1x64xf32, #tpu.memory_space<hbm>>) dst(%dma_wait3A_2408 : memref<1x64xf32, #tpu.memory_space<vmem>>)
        %dma_wait3A_2412 = arith.constant 0 : i32
        %dma_wait3A_2413 = arith.constant 0 : i32
        %dma_wait3A_2414 = tpu.memref_slice %arg10[%dma_wait3A_2412, %dma_wait3A_2413] : memref<512x64xf32, #tpu.memory_space<vmem>> -> memref<1x64xf32, #tpu.memory_space<vmem>>
        %dma_wait3A_2415 = arith.constant 0 : i32
        %dma_wait3A_2416 = arith.constant 0 : i32
        %dma_wait3A_2417 = tpu.memref_slice %arg5[%dma_wait3A_2415, %dma_wait3A_2416] : memref<1000000x64xf32, #tpu.memory_space<hbm>> -> memref<1x64xf32, #tpu.memory_space<hbm>>
        %dma_wait3A_2418 = arith.constant 0 : i32
        %dma_wait3A_2419 = arith.constant 0 : i32
        %dma_wait3A_2420 = tpu.memref_slice %arg10[%dma_wait3A_2418, %dma_wait3A_2419] : memref<512x64xf32, #tpu.memory_space<vmem>> -> memref<1x64xf32, #tpu.memory_space<vmem>>
        %dma_wait3A_2421 = arith.constant 0 : i32
        %dma_wait3A_2422 = arith.constant 0 : i32
        %dma_wait3A_2423 = tpu.memref_slice %arg5[%dma_wait3A_2421, %dma_wait3A_2422] : memref<1000000x64xf32, #tpu.memory_space<hbm>> -> memref<1x64xf32, #tpu.memory_space<hbm>>
        tpu.wait_dma2 semaphore(%arg12 : memref<!tpu.dma_semaphore, #tpu.memory_space<semaphore_mem>>) src(%dma_wait3A_2423 : memref<1x64xf32, #tpu.memory_space<hbm>>) dst(%dma_wait3A_2420 : memref<1x64xf32, #tpu.memory_space<vmem>>)
        %dma_wait3A_2424 = arith.constant 0 : i32
        %dma_wait3A_2425 = arith.constant 0 : i32
        %dma_wait3A_2426 = tpu.memref_slice %arg10[%dma_wait3A_2424, %dma_wait3A_2425] : memref<512x64xf32, #tpu.memory_space<vmem>> -> memref<1x64xf32, #tpu.memory_space<vmem>>
        %dma_wait3A_2427 = arith.constant 0 : i32
        %dma_wait3A_2428 = arith.constant 0 : i32
        %dma_wait3A_2429 = tpu.memref_slice %arg5[%dma_wait3A_2427, %dma_wait3A_2428] : memref<1000000x64xf32, #tpu.memory_space<hbm>> -> memref<1x64xf32, #tpu.memory_space<hbm>>
        %dma_wait3A_2430 = arith.constant 0 : i32
        %dma_wait3A_2431 = arith.constant 0 : i32
        %dma_wait3A_2432 = tpu.memref_slice %arg10[%dma_wait3A_2430, %dma_wait3A_2431] : memref<512x64xf32, #tpu.memory_space<vmem>> -> memref<1x64xf32, #tpu.memory_space<vmem>>
        %dma_wait3A_2433 = arith.constant 0 : i32
        %dma_wait3A_2434 = arith.constant 0 : i32
        %dma_wait3A_2435 = tpu.memref_slice %arg5[%dma_wait3A_2433, %dma_wait3A_2434] : memref<1000000x64xf32, #tpu.memory_space<hbm>> -> memref<1x64xf32, #tpu.memory_space<hbm>>
        tpu.wait_dma2 semaphore(%arg12 : memref<!tpu.dma_semaphore, #tpu.memory_space<semaphore_mem>>) src(%dma_wait3A_2435 : memref<1x64xf32, #tpu.memory_space<hbm>>) dst(%dma_wait3A_2432 : memref<1x64xf32, #tpu.memory_space<vmem>>)
        %dma_wait3A_2436 = arith.constant 0 : i32
        %dma_wait3A_2437 = arith.constant 0 : i32
        %dma_wait3A_2438 = tpu.memref_slice %arg10[%dma_wait3A_2436, %dma_wait3A_2437] : memref<512x64xf32, #tpu.memory_space<vmem>> -> memref<1x64xf32, #tpu.memory_space<vmem>>
        %dma_wait3A_2439 = arith.constant 0 : i32
        %dma_wait3A_2440 = arith.constant 0 : i32
        %dma_wait3A_2441 = tpu.memref_slice %arg5[%dma_wait3A_2439, %dma_wait3A_2440] : memref<1000000x64xf32, #tpu.memory_space<hbm>> -> memref<1x64xf32, #tpu.memory_space<hbm>>
        %dma_wait3A_2442 = arith.constant 0 : i32
        %dma_wait3A_2443 = arith.constant 0 : i32
        %dma_wait3A_2444 = tpu.memref_slice %arg10[%dma_wait3A_2442, %dma_wait3A_2443] : memref<512x64xf32, #tpu.memory_space<vmem>> -> memref<1x64xf32, #tpu.memory_space<vmem>>
        %dma_wait3A_2445 = arith.constant 0 : i32
        %dma_wait3A_2446 = arith.constant 0 : i32
        %dma_wait3A_2447 = tpu.memref_slice %arg5[%dma_wait3A_2445, %dma_wait3A_2446] : memref<1000000x64xf32, #tpu.memory_space<hbm>> -> memref<1x64xf32, #tpu.memory_space<hbm>>
        tpu.wait_dma2 semaphore(%arg12 : memref<!tpu.dma_semaphore, #tpu.memory_space<semaphore_mem>>) src(%dma_wait3A_2447 : memref<1x64xf32, #tpu.memory_space<hbm>>) dst(%dma_wait3A_2444 : memref<1x64xf32, #tpu.memory_space<vmem>>)
      } else {
      }
      %ge3A_1229 = arith.constant 2 : i32
      %ge3A_1230 = arith.cmpi sge, %scan3A_808, %ge3A_1229 : i32
      %convert_element_type3A_1231 = arith.extui %ge3A_1230 : i1 to i32
      %cond3A_1232 = arith.constant 0 : i32
      %cond3A_1233 = arith.cmpi ne, %convert_element_type3A_1231, %cond3A_1232 : i32
      scf.if %cond3A_1233 {
        %dma_wait3A_2256 = arith.constant 0 : i32
        %dma_wait3A_2257 = arith.constant 0 : i32
        %dma_wait3A_2258 = arith.constant 0 : i32
        %dma_wait3A_2259 = tpu.memref_slice %arg11[%dma_wait3A_2256, %dma_wait3A_2257, %dma_wait3A_2258] : memref<2x128x64xf32, #tpu.memory_space<vmem>> -> memref<1x128x64xf32, #tpu.memory_space<vmem>>
        %dma_wait3A_2260 = tpu.memref_squeeze %dma_wait3A_2259 : memref<1x128x64xf32, #tpu.memory_space<vmem>> -> memref<128x64xf32, #tpu.memory_space<vmem>>
        %dma_wait3A_2261 = arith.constant 0 : i32
        %dma_wait3A_2262 = arith.constant 0 : i32
        %dma_wait3A_2263 = tpu.memref_slice %arg6[%add3A, %dma_wait3A_2261, %dma_wait3A_2262] : memref<32x4096x64xf32, #tpu.memory_space<hbm>> -> memref<1x128x64xf32, #tpu.memory_space<hbm>>
        %dma_wait3A_2264 = tpu.memref_squeeze %dma_wait3A_2263 : memref<1x128x64xf32, #tpu.memory_space<hbm>> -> memref<128x64xf32, #tpu.memory_space<hbm>>
        %dma_wait3A_2265 = arith.constant 0 : i32
        %dma_wait3A_2266 = arith.constant 0 : i32
        %dma_wait3A_2267 = tpu.memref_slice %arg6[%add3A, %dma_wait3A_2265, %dma_wait3A_2266] : memref<32x4096x64xf32, #tpu.memory_space<hbm>> -> memref<1x128x64xf32, #tpu.memory_space<hbm>>
        %dma_wait3A_2268 = tpu.memref_squeeze %dma_wait3A_2267 : memref<1x128x64xf32, #tpu.memory_space<hbm>> -> memref<128x64xf32, #tpu.memory_space<hbm>>
        %dma_wait3A_2269 = arith.constant 0 : i32
        %dma_wait3A_2270 = arith.constant 0 : i32
        %dma_wait3A_2271 = tpu.memref_slice %arg11[%dma_wait3A_2256, %dma_wait3A_2269, %dma_wait3A_2270] : memref<2x128x64xf32, #tpu.memory_space<vmem>> -> memref<1x128x64xf32, #tpu.memory_space<vmem>>
        %dma_wait3A_2272 = tpu.memref_squeeze %dma_wait3A_2271 : memref<1x128x64xf32, #tpu.memory_space<vmem>> -> memref<128x64xf32, #tpu.memory_space<vmem>>
        tpu.wait_dma2 semaphore(%arg14 : memref<!tpu.dma_semaphore, #tpu.memory_space<semaphore_mem>>) src(%dma_wait3A_2272 : memref<128x64xf32, #tpu.memory_space<vmem>>) dst(%dma_wait3A_2268 : memref<128x64xf32, #tpu.memory_space<hbm>>)
      } else {
      }
      %eq3A_1234 = arith.constant 0 : i32
      %eq3A_1235 = vector.broadcast %eq3A_1234 : i32 to vector<16xi32>
      %eq3A_1236 = arith.cmpi eq, %iota3A, %eq3A_1235 : vector<16xi32>
      %jit3A_1237 = arith.constant 0 : i32
      %broadcast_in_dim3A_1238 = vector.broadcast %jit3A_1237 : i32 to vector<16xi32>
      %select_n3A_1239 = arith.select %eq3A_1236, %get3A_816, %broadcast_in_dim3A_1238 : vector<16xi1>, vector<16xi32>
      %reduce_max3A_1240 = arith.constant true
      %reduce_max3A_1241 = vector.broadcast %reduce_max3A_1240 : i1 to vector<16xi1>
      %reduce_max3A_1242 = arith.constant -2147483648 : i32
      %reduce_max3A_1243 = vector.broadcast %reduce_max3A_1242 : i32 to vector<16xi32>
      %reduce_max3A_1244 = arith.xori %select_n3A_1239, %reduce_max3A_1243 : vector<16xi32>
      %reduce_max3A_1245 = tpu.scan <max>, %reduce_max3A_1244 masked %reduce_max3A_1241 : vector<16xi32>, vector<16xi1> -> vector<16xi32>
      %reduce_max3A_1246 = arith.xori %reduce_max3A_1245, %reduce_max3A_1243 : vector<16xi32>
      %reduce_max3A_1247 = vector.extract %reduce_max3A_1246[15] : i32 from vector<16xi32>
      %shift_right_arithmetic3A = arith.constant 3 : i32
      %shift_right_arithmetic3A_1248 = arith.shrsi %reduce_max3A_1247, %shift_right_arithmetic3A : i32
      %jit3A_1249 = arith.constant 2 : i32
      %eq3A_1250 = arith.constant 0 : i32
      %eq3A_1251 = arith.cmpi eq, %jit3A_1249, %eq3A_1250 : i32
      %jit3A_1252 = arith.constant 1 : i32
      %select_n3A_1253 = arith.select %eq3A_1251, %jit3A_1252, %jit3A_1249 : i32
      %rem3A = arith.remsi %scan3A_808, %select_n3A_1253 : i32
      %ne3A = arith.constant 0 : i32
      %ne3A_1254 = arith.cmpi ne, %rem3A, %ne3A : i32
      %lt3A = arith.constant 0 : i32
      %lt3A_1255 = arith.cmpi slt, %rem3A, %lt3A : i32
      %lt3A_1256 = arith.constant 0 : i32
      %lt3A_1257 = arith.cmpi slt, %select_n3A_1253, %lt3A_1256 : i32
      %ne3A_1258 = arith.xori %lt3A_1255, %lt3A_1257 : i1
      %and3A = arith.andi %ne3A_1258, %ne3A_1254 : i1
      %add3A_1259 = arith.addi %rem3A, %select_n3A_1253 : i32
      %select_n3A_1260 = arith.select %and3A, %add3A_1259, %rem3A : i32
      %multiple_of3A = arith.constant 0 : i32
      %multiple_of3A_1261 = tpu.assume_multiple %multiple_of3A, 8 : i32
      %dma_start3A_1262 = arith.constant 0 : i32
      %dma_start3A_1263 = tpu.memref_slice %arg11[%select_n3A_1260, %multiple_of3A_1261, %dma_start3A_1262] : memref<2x128x64xf32, #tpu.memory_space<vmem>> -> memref<1x8x64xf32, #tpu.memory_space<vmem>>
      %dma_start3A_1264 = tpu.memref_squeeze %dma_start3A_1263 : memref<1x8x64xf32, #tpu.memory_space<vmem>> -> memref<8x64xf32, #tpu.memory_space<vmem>>
      %dma_start3A_1265 = arith.constant 0 : i32
      %dma_start3A_1266 = arith.constant 0 : i32
      %dma_start3A_1267 = tpu.memref_slice %arg4[%shift_right_arithmetic3A_1248, %dma_start3A_1265, %dma_start3A_1266] : memref<125000x8x64xf32, #tpu.memory_space<hbm>> -> memref<1x8x64xf32, #tpu.memory_space<hbm>>
      %dma_start3A_1268 = tpu.memref_squeeze %dma_start3A_1267 : memref<1x8x64xf32, #tpu.memory_space<hbm>> -> memref<8x64xf32, #tpu.memory_space<hbm>>
      %dma_start3A_1269 = arith.constant 0 : i32
      %dma_start3A_1270 = tpu.memref_slice %arg11[%select_n3A_1260, %multiple_of3A_1261, %dma_start3A_1269] : memref<2x128x64xf32, #tpu.memory_space<vmem>> -> memref<1x8x64xf32, #tpu.memory_space<vmem>>
      %dma_start3A_1271 = tpu.memref_squeeze %dma_start3A_1270 : memref<1x8x64xf32, #tpu.memory_space<vmem>> -> memref<8x64xf32, #tpu.memory_space<vmem>>
      %dma_start3A_1272 = arith.constant 0 : i32
      %dma_start3A_1273 = arith.constant 0 : i32
      %dma_start3A_1274 = tpu.memref_slice %arg4[%shift_right_arithmetic3A_1248, %dma_start3A_1272, %dma_start3A_1273] : memref<125000x8x64xf32, #tpu.memory_space<hbm>> -> memref<1x8x64xf32, #tpu.memory_space<hbm>>
      %dma_start3A_1275 = tpu.memref_squeeze %dma_start3A_1274 : memref<1x8x64xf32, #tpu.memory_space<hbm>> -> memref<8x64xf32, #tpu.memory_space<hbm>>
      tpu.enqueue_dma source(%dma_start3A_1275 : memref<8x64xf32, #tpu.memory_space<hbm>>) target(%dma_start3A_1271 : memref<8x64xf32, #tpu.memory_space<vmem>>) target_semaphore(%arg13 : memref<!tpu.dma_semaphore, #tpu.memory_space<semaphore_mem>>)
      %eq3A_1276 = arith.constant 1 : i32
      %eq3A_1277 = vector.broadcast %eq3A_1276 : i32 to vector<16xi32>
      %eq3A_1278 = arith.cmpi eq, %iota3A, %eq3A_1277 : vector<16xi32>
      %jit3A_1279 = arith.constant 0 : i32
      %broadcast_in_dim3A_1280 = vector.broadcast %jit3A_1279 : i32 to vector<16xi32>
      %select_n3A_1281 = arith.select %eq3A_1278, %get3A_816, %broadcast_in_dim3A_1280 : vector<16xi1>, vector<16xi32>
      %reduce_max3A_1282 = arith.constant true
      %reduce_max3A_1283 = vector.broadcast %reduce_max3A_1282 : i1 to vector<16xi1>
      %reduce_max3A_1284 = arith.constant -2147483648 : i32
      %reduce_max3A_1285 = vector.broadcast %reduce_max3A_1284 : i32 to vector<16xi32>
      %reduce_max3A_1286 = arith.xori %select_n3A_1281, %reduce_max3A_1285 : vector<16xi32>
      %reduce_max3A_1287 = tpu.scan <max>, %reduce_max3A_1286 masked %reduce_max3A_1283 : vector<16xi32>, vector<16xi1> -> vector<16xi32>
      %reduce_max3A_1288 = arith.xori %reduce_max3A_1287, %reduce_max3A_1285 : vector<16xi32>
      %reduce_max3A_1289 = vector.extract %reduce_max3A_1288[15] : i32 from vector<16xi32>
      %shift_right_arithmetic3A_1290 = arith.constant 3 : i32
      %shift_right_arithmetic3A_1291 = arith.shrsi %reduce_max3A_1289, %shift_right_arithmetic3A_1290 : i32
      %jit3A_1292 = arith.constant 2 : i32
      %eq3A_1293 = arith.constant 0 : i32
      %eq3A_1294 = arith.cmpi eq, %jit3A_1292, %eq3A_1293 : i32
      %jit3A_1295 = arith.constant 1 : i32
      %select_n3A_1296 = arith.select %eq3A_1294, %jit3A_1295, %jit3A_1292 : i32
      %rem3A_1297 = arith.remsi %scan3A_808, %select_n3A_1296 : i32
      %ne3A_1298 = arith.constant 0 : i32
      %ne3A_1299 = arith.cmpi ne, %rem3A_1297, %ne3A_1298 : i32
      %lt3A_1300 = arith.constant 0 : i32
      %lt3A_1301 = arith.cmpi slt, %rem3A_1297, %lt3A_1300 : i32
      %lt3A_1302 = arith.constant 0 : i32
      %lt3A_1303 = arith.cmpi slt, %select_n3A_1296, %lt3A_1302 : i32
      %ne3A_1304 = arith.xori %lt3A_1301, %lt3A_1303 : i1
      %and3A_1305 = arith.andi %ne3A_1304, %ne3A_1299 : i1
      %add3A_1306 = arith.addi %rem3A_1297, %select_n3A_1296 : i32
      %select_n3A_1307 = arith.select %and3A_1305, %add3A_1306, %rem3A_1297 : i32
      %multiple_of3A_1308 = arith.constant 8 : i32
      %multiple_of3A_1309 = tpu.assume_multiple %multiple_of3A_1308, 8 : i32
      %dma_start3A_1310 = arith.constant 0 : i32
      %dma_start3A_1311 = tpu.memref_slice %arg11[%select_n3A_1307, %multiple_of3A_1309, %dma_start3A_1310] : memref<2x128x64xf32, #tpu.memory_space<vmem>> -> memref<1x8x64xf32, #tpu.memory_space<vmem>>
      %dma_start3A_1312 = tpu.memref_squeeze %dma_start3A_1311 : memref<1x8x64xf32, #tpu.memory_space<vmem>> -> memref<8x64xf32, #tpu.memory_space<vmem>>
      %dma_start3A_1313 = arith.constant 0 : i32
      %dma_start3A_1314 = arith.constant 0 : i32
      %dma_start3A_1315 = tpu.memref_slice %arg4[%shift_right_arithmetic3A_1291, %dma_start3A_1313, %dma_start3A_1314] : memref<125000x8x64xf32, #tpu.memory_space<hbm>> -> memref<1x8x64xf32, #tpu.memory_space<hbm>>
      %dma_start3A_1316 = tpu.memref_squeeze %dma_start3A_1315 : memref<1x8x64xf32, #tpu.memory_space<hbm>> -> memref<8x64xf32, #tpu.memory_space<hbm>>
      %dma_start3A_1317 = arith.constant 0 : i32
      %dma_start3A_1318 = tpu.memref_slice %arg11[%select_n3A_1307, %multiple_of3A_1309, %dma_start3A_1317] : memref<2x128x64xf32, #tpu.memory_space<vmem>> -> memref<1x8x64xf32, #tpu.memory_space<vmem>>
      %dma_start3A_1319 = tpu.memref_squeeze %dma_start3A_1318 : memref<1x8x64xf32, #tpu.memory_space<vmem>> -> memref<8x64xf32, #tpu.memory_space<vmem>>
      %dma_start3A_1320 = arith.constant 0 : i32
      %dma_start3A_1321 = arith.constant 0 : i32
      %dma_start3A_1322 = tpu.memref_slice %arg4[%shift_right_arithmetic3A_1291, %dma_start3A_1320, %dma_start3A_1321] : memref<125000x8x64xf32, #tpu.memory_space<hbm>> -> memref<1x8x64xf32, #tpu.memory_space<hbm>>
      %dma_start3A_1323 = tpu.memref_squeeze %dma_start3A_1322 : memref<1x8x64xf32, #tpu.memory_space<hbm>> -> memref<8x64xf32, #tpu.memory_space<hbm>>
      tpu.enqueue_dma source(%dma_start3A_1323 : memref<8x64xf32, #tpu.memory_space<hbm>>) target(%dma_start3A_1319 : memref<8x64xf32, #tpu.memory_space<vmem>>) target_semaphore(%arg13 : memref<!tpu.dma_semaphore, #tpu.memory_space<semaphore_mem>>)
      %eq3A_1324 = arith.constant 2 : i32
      %eq3A_1325 = vector.broadcast %eq3A_1324 : i32 to vector<16xi32>
      %eq3A_1326 = arith.cmpi eq, %iota3A, %eq3A_1325 : vector<16xi32>
      %jit3A_1327 = arith.constant 0 : i32
      %broadcast_in_dim3A_1328 = vector.broadcast %jit3A_1327 : i32 to vector<16xi32>
      %select_n3A_1329 = arith.select %eq3A_1326, %get3A_816, %broadcast_in_dim3A_1328 : vector<16xi1>, vector<16xi32>
      %reduce_max3A_1330 = arith.constant true
      %reduce_max3A_1331 = vector.broadcast %reduce_max3A_1330 : i1 to vector<16xi1>
      %reduce_max3A_1332 = arith.constant -2147483648 : i32
      %reduce_max3A_1333 = vector.broadcast %reduce_max3A_1332 : i32 to vector<16xi32>
      %reduce_max3A_1334 = arith.xori %select_n3A_1329, %reduce_max3A_1333 : vector<16xi32>
      %reduce_max3A_1335 = tpu.scan <max>, %reduce_max3A_1334 masked %reduce_max3A_1331 : vector<16xi32>, vector<16xi1> -> vector<16xi32>
      %reduce_max3A_1336 = arith.xori %reduce_max3A_1335, %reduce_max3A_1333 : vector<16xi32>
      %reduce_max3A_1337 = vector.extract %reduce_max3A_1336[15] : i32 from vector<16xi32>
      %shift_right_arithmetic3A_1338 = arith.constant 3 : i32
      %shift_right_arithmetic3A_1339 = arith.shrsi %reduce_max3A_1337, %shift_right_arithmetic3A_1338 : i32
      %jit3A_1340 = arith.constant 2 : i32
      %eq3A_1341 = arith.constant 0 : i32
      %eq3A_1342 = arith.cmpi eq, %jit3A_1340, %eq3A_1341 : i32
      %jit3A_1343 = arith.constant 1 : i32
      %select_n3A_1344 = arith.select %eq3A_1342, %jit3A_1343, %jit3A_1340 : i32
      %rem3A_1345 = arith.remsi %scan3A_808, %select_n3A_1344 : i32
      %ne3A_1346 = arith.constant 0 : i32
      %ne3A_1347 = arith.cmpi ne, %rem3A_1345, %ne3A_1346 : i32
      %lt3A_1348 = arith.constant 0 : i32
      %lt3A_1349 = arith.cmpi slt, %rem3A_1345, %lt3A_1348 : i32
      %lt3A_1350 = arith.constant 0 : i32
      %lt3A_1351 = arith.cmpi slt, %select_n3A_1344, %lt3A_1350 : i32
      %ne3A_1352 = arith.xori %lt3A_1349, %lt3A_1351 : i1
      %and3A_1353 = arith.andi %ne3A_1352, %ne3A_1347 : i1
      %add3A_1354 = arith.addi %rem3A_1345, %select_n3A_1344 : i32
      %select_n3A_1355 = arith.select %and3A_1353, %add3A_1354, %rem3A_1345 : i32
      %multiple_of3A_1356 = arith.constant 16 : i32
      %multiple_of3A_1357 = tpu.assume_multiple %multiple_of3A_1356, 8 : i32
      %dma_start3A_1358 = arith.constant 0 : i32
      %dma_start3A_1359 = tpu.memref_slice %arg11[%select_n3A_1355, %multiple_of3A_1357, %dma_start3A_1358] : memref<2x128x64xf32, #tpu.memory_space<vmem>> -> memref<1x8x64xf32, #tpu.memory_space<vmem>>
      %dma_start3A_1360 = tpu.memref_squeeze %dma_start3A_1359 : memref<1x8x64xf32, #tpu.memory_space<vmem>> -> memref<8x64xf32, #tpu.memory_space<vmem>>
      %dma_start3A_1361 = arith.constant 0 : i32
      %dma_start3A_1362 = arith.constant 0 : i32
      %dma_start3A_1363 = tpu.memref_slice %arg4[%shift_right_arithmetic3A_1339, %dma_start3A_1361, %dma_start3A_1362] : memref<125000x8x64xf32, #tpu.memory_space<hbm>> -> memref<1x8x64xf32, #tpu.memory_space<hbm>>
      %dma_start3A_1364 = tpu.memref_squeeze %dma_start3A_1363 : memref<1x8x64xf32, #tpu.memory_space<hbm>> -> memref<8x64xf32, #tpu.memory_space<hbm>>
      %dma_start3A_1365 = arith.constant 0 : i32
      %dma_start3A_1366 = tpu.memref_slice %arg11[%select_n3A_1355, %multiple_of3A_1357, %dma_start3A_1365] : memref<2x128x64xf32, #tpu.memory_space<vmem>> -> memref<1x8x64xf32, #tpu.memory_space<vmem>>
      %dma_start3A_1367 = tpu.memref_squeeze %dma_start3A_1366 : memref<1x8x64xf32, #tpu.memory_space<vmem>> -> memref<8x64xf32, #tpu.memory_space<vmem>>
      %dma_start3A_1368 = arith.constant 0 : i32
      %dma_start3A_1369 = arith.constant 0 : i32
      %dma_start3A_1370 = tpu.memref_slice %arg4[%shift_right_arithmetic3A_1339, %dma_start3A_1368, %dma_start3A_1369] : memref<125000x8x64xf32, #tpu.memory_space<hbm>> -> memref<1x8x64xf32, #tpu.memory_space<hbm>>
      %dma_start3A_1371 = tpu.memref_squeeze %dma_start3A_1370 : memref<1x8x64xf32, #tpu.memory_space<hbm>> -> memref<8x64xf32, #tpu.memory_space<hbm>>
      tpu.enqueue_dma source(%dma_start3A_1371 : memref<8x64xf32, #tpu.memory_space<hbm>>) target(%dma_start3A_1367 : memref<8x64xf32, #tpu.memory_space<vmem>>) target_semaphore(%arg13 : memref<!tpu.dma_semaphore, #tpu.memory_space<semaphore_mem>>)
      %eq3A_1372 = arith.constant 3 : i32
      %eq3A_1373 = vector.broadcast %eq3A_1372 : i32 to vector<16xi32>
      %eq3A_1374 = arith.cmpi eq, %iota3A, %eq3A_1373 : vector<16xi32>
      %jit3A_1375 = arith.constant 0 : i32
      %broadcast_in_dim3A_1376 = vector.broadcast %jit3A_1375 : i32 to vector<16xi32>
      %select_n3A_1377 = arith.select %eq3A_1374, %get3A_816, %broadcast_in_dim3A_1376 : vector<16xi1>, vector<16xi32>
      %reduce_max3A_1378 = arith.constant true
      %reduce_max3A_1379 = vector.broadcast %reduce_max3A_1378 : i1 to vector<16xi1>
      %reduce_max3A_1380 = arith.constant -2147483648 : i32
      %reduce_max3A_1381 = vector.broadcast %reduce_max3A_1380 : i32 to vector<16xi32>
      %reduce_max3A_1382 = arith.xori %select_n3A_1377, %reduce_max3A_1381 : vector<16xi32>
      %reduce_max3A_1383 = tpu.scan <max>, %reduce_max3A_1382 masked %reduce_max3A_1379 : vector<16xi32>, vector<16xi1> -> vector<16xi32>
      %reduce_max3A_1384 = arith.xori %reduce_max3A_1383, %reduce_max3A_1381 : vector<16xi32>
      %reduce_max3A_1385 = vector.extract %reduce_max3A_1384[15] : i32 from vector<16xi32>
      %shift_right_arithmetic3A_1386 = arith.constant 3 : i32
      %shift_right_arithmetic3A_1387 = arith.shrsi %reduce_max3A_1385, %shift_right_arithmetic3A_1386 : i32
      %jit3A_1388 = arith.constant 2 : i32
      %eq3A_1389 = arith.constant 0 : i32
      %eq3A_1390 = arith.cmpi eq, %jit3A_1388, %eq3A_1389 : i32
      %jit3A_1391 = arith.constant 1 : i32
      %select_n3A_1392 = arith.select %eq3A_1390, %jit3A_1391, %jit3A_1388 : i32
      %rem3A_1393 = arith.remsi %scan3A_808, %select_n3A_1392 : i32
      %ne3A_1394 = arith.constant 0 : i32
      %ne3A_1395 = arith.cmpi ne, %rem3A_1393, %ne3A_1394 : i32
      %lt3A_1396 = arith.constant 0 : i32
      %lt3A_1397 = arith.cmpi slt, %rem3A_1393, %lt3A_1396 : i32
      %lt3A_1398 = arith.constant 0 : i32
      %lt3A_1399 = arith.cmpi slt, %select_n3A_1392, %lt3A_1398 : i32
      %ne3A_1400 = arith.xori %lt3A_1397, %lt3A_1399 : i1
      %and3A_1401 = arith.andi %ne3A_1400, %ne3A_1395 : i1
      %add3A_1402 = arith.addi %rem3A_1393, %select_n3A_1392 : i32
      %select_n3A_1403 = arith.select %and3A_1401, %add3A_1402, %rem3A_1393 : i32
      %multiple_of3A_1404 = arith.constant 24 : i32
      %multiple_of3A_1405 = tpu.assume_multiple %multiple_of3A_1404, 8 : i32
      %dma_start3A_1406 = arith.constant 0 : i32
      %dma_start3A_1407 = tpu.memref_slice %arg11[%select_n3A_1403, %multiple_of3A_1405, %dma_start3A_1406] : memref<2x128x64xf32, #tpu.memory_space<vmem>> -> memref<1x8x64xf32, #tpu.memory_space<vmem>>
      %dma_start3A_1408 = tpu.memref_squeeze %dma_start3A_1407 : memref<1x8x64xf32, #tpu.memory_space<vmem>> -> memref<8x64xf32, #tpu.memory_space<vmem>>
      %dma_start3A_1409 = arith.constant 0 : i32
      %dma_start3A_1410 = arith.constant 0 : i32
      %dma_start3A_1411 = tpu.memref_slice %arg4[%shift_right_arithmetic3A_1387, %dma_start3A_1409, %dma_start3A_1410] : memref<125000x8x64xf32, #tpu.memory_space<hbm>> -> memref<1x8x64xf32, #tpu.memory_space<hbm>>
      %dma_start3A_1412 = tpu.memref_squeeze %dma_start3A_1411 : memref<1x8x64xf32, #tpu.memory_space<hbm>> -> memref<8x64xf32, #tpu.memory_space<hbm>>
      %dma_start3A_1413 = arith.constant 0 : i32
      %dma_start3A_1414 = tpu.memref_slice %arg11[%select_n3A_1403, %multiple_of3A_1405, %dma_start3A_1413] : memref<2x128x64xf32, #tpu.memory_space<vmem>> -> memref<1x8x64xf32, #tpu.memory_space<vmem>>
      %dma_start3A_1415 = tpu.memref_squeeze %dma_start3A_1414 : memref<1x8x64xf32, #tpu.memory_space<vmem>> -> memref<8x64xf32, #tpu.memory_space<vmem>>
      %dma_start3A_1416 = arith.constant 0 : i32
      %dma_start3A_1417 = arith.constant 0 : i32
      %dma_start3A_1418 = tpu.memref_slice %arg4[%shift_right_arithmetic3A_1387, %dma_start3A_1416, %dma_start3A_1417] : memref<125000x8x64xf32, #tpu.memory_space<hbm>> -> memref<1x8x64xf32, #tpu.memory_space<hbm>>
      %dma_start3A_1419 = tpu.memref_squeeze %dma_start3A_1418 : memref<1x8x64xf32, #tpu.memory_space<hbm>> -> memref<8x64xf32, #tpu.memory_space<hbm>>
      tpu.enqueue_dma source(%dma_start3A_1419 : memref<8x64xf32, #tpu.memory_space<hbm>>) target(%dma_start3A_1415 : memref<8x64xf32, #tpu.memory_space<vmem>>) target_semaphore(%arg13 : memref<!tpu.dma_semaphore, #tpu.memory_space<semaphore_mem>>)
      %eq3A_1420 = arith.constant 4 : i32
      %eq3A_1421 = vector.broadcast %eq3A_1420 : i32 to vector<16xi32>
      %eq3A_1422 = arith.cmpi eq, %iota3A, %eq3A_1421 : vector<16xi32>
      %jit3A_1423 = arith.constant 0 : i32
      %broadcast_in_dim3A_1424 = vector.broadcast %jit3A_1423 : i32 to vector<16xi32>
      %select_n3A_1425 = arith.select %eq3A_1422, %get3A_816, %broadcast_in_dim3A_1424 : vector<16xi1>, vector<16xi32>
      %reduce_max3A_1426 = arith.constant true
      %reduce_max3A_1427 = vector.broadcast %reduce_max3A_1426 : i1 to vector<16xi1>
      %reduce_max3A_1428 = arith.constant -2147483648 : i32
      %reduce_max3A_1429 = vector.broadcast %reduce_max3A_1428 : i32 to vector<16xi32>
      %reduce_max3A_1430 = arith.xori %select_n3A_1425, %reduce_max3A_1429 : vector<16xi32>
      %reduce_max3A_1431 = tpu.scan <max>, %reduce_max3A_1430 masked %reduce_max3A_1427 : vector<16xi32>, vector<16xi1> -> vector<16xi32>
      %reduce_max3A_1432 = arith.xori %reduce_max3A_1431, %reduce_max3A_1429 : vector<16xi32>
      %reduce_max3A_1433 = vector.extract %reduce_max3A_1432[15] : i32 from vector<16xi32>
      %shift_right_arithmetic3A_1434 = arith.constant 3 : i32
      %shift_right_arithmetic3A_1435 = arith.shrsi %reduce_max3A_1433, %shift_right_arithmetic3A_1434 : i32
      %jit3A_1436 = arith.constant 2 : i32
      %eq3A_1437 = arith.constant 0 : i32
      %eq3A_1438 = arith.cmpi eq, %jit3A_1436, %eq3A_1437 : i32
      %jit3A_1439 = arith.constant 1 : i32
      %select_n3A_1440 = arith.select %eq3A_1438, %jit3A_1439, %jit3A_1436 : i32
      %rem3A_1441 = arith.remsi %scan3A_808, %select_n3A_1440 : i32
      %ne3A_1442 = arith.constant 0 : i32
      %ne3A_1443 = arith.cmpi ne, %rem3A_1441, %ne3A_1442 : i32
      %lt3A_1444 = arith.constant 0 : i32
      %lt3A_1445 = arith.cmpi slt, %rem3A_1441, %lt3A_1444 : i32
      %lt3A_1446 = arith.constant 0 : i32
      %lt3A_1447 = arith.cmpi slt, %select_n3A_1440, %lt3A_1446 : i32
      %ne3A_1448 = arith.xori %lt3A_1445, %lt3A_1447 : i1
      %and3A_1449 = arith.andi %ne3A_1448, %ne3A_1443 : i1
      %add3A_1450 = arith.addi %rem3A_1441, %select_n3A_1440 : i32
      %select_n3A_1451 = arith.select %and3A_1449, %add3A_1450, %rem3A_1441 : i32
      %multiple_of3A_1452 = arith.constant 32 : i32
      %multiple_of3A_1453 = tpu.assume_multiple %multiple_of3A_1452, 8 : i32
      %dma_start3A_1454 = arith.constant 0 : i32
      %dma_start3A_1455 = tpu.memref_slice %arg11[%select_n3A_1451, %multiple_of3A_1453, %dma_start3A_1454] : memref<2x128x64xf32, #tpu.memory_space<vmem>> -> memref<1x8x64xf32, #tpu.memory_space<vmem>>
      %dma_start3A_1456 = tpu.memref_squeeze %dma_start3A_1455 : memref<1x8x64xf32, #tpu.memory_space<vmem>> -> memref<8x64xf32, #tpu.memory_space<vmem>>
      %dma_start3A_1457 = arith.constant 0 : i32
      %dma_start3A_1458 = arith.constant 0 : i32
      %dma_start3A_1459 = tpu.memref_slice %arg4[%shift_right_arithmetic3A_1435, %dma_start3A_1457, %dma_start3A_1458] : memref<125000x8x64xf32, #tpu.memory_space<hbm>> -> memref<1x8x64xf32, #tpu.memory_space<hbm>>
      %dma_start3A_1460 = tpu.memref_squeeze %dma_start3A_1459 : memref<1x8x64xf32, #tpu.memory_space<hbm>> -> memref<8x64xf32, #tpu.memory_space<hbm>>
      %dma_start3A_1461 = arith.constant 0 : i32
      %dma_start3A_1462 = tpu.memref_slice %arg11[%select_n3A_1451, %multiple_of3A_1453, %dma_start3A_1461] : memref<2x128x64xf32, #tpu.memory_space<vmem>> -> memref<1x8x64xf32, #tpu.memory_space<vmem>>
      %dma_start3A_1463 = tpu.memref_squeeze %dma_start3A_1462 : memref<1x8x64xf32, #tpu.memory_space<vmem>> -> memref<8x64xf32, #tpu.memory_space<vmem>>
      %dma_start3A_1464 = arith.constant 0 : i32
      %dma_start3A_1465 = arith.constant 0 : i32
      %dma_start3A_1466 = tpu.memref_slice %arg4[%shift_right_arithmetic3A_1435, %dma_start3A_1464, %dma_start3A_1465] : memref<125000x8x64xf32, #tpu.memory_space<hbm>> -> memref<1x8x64xf32, #tpu.memory_space<hbm>>
      %dma_start3A_1467 = tpu.memref_squeeze %dma_start3A_1466 : memref<1x8x64xf32, #tpu.memory_space<hbm>> -> memref<8x64xf32, #tpu.memory_space<hbm>>
      tpu.enqueue_dma source(%dma_start3A_1467 : memref<8x64xf32, #tpu.memory_space<hbm>>) target(%dma_start3A_1463 : memref<8x64xf32, #tpu.memory_space<vmem>>) target_semaphore(%arg13 : memref<!tpu.dma_semaphore, #tpu.memory_space<semaphore_mem>>)
      %eq3A_1468 = arith.constant 5 : i32
      %eq3A_1469 = vector.broadcast %eq3A_1468 : i32 to vector<16xi32>
      %eq3A_1470 = arith.cmpi eq, %iota3A, %eq3A_1469 : vector<16xi32>
      %jit3A_1471 = arith.constant 0 : i32
      %broadcast_in_dim3A_1472 = vector.broadcast %jit3A_1471 : i32 to vector<16xi32>
      %select_n3A_1473 = arith.select %eq3A_1470, %get3A_816, %broadcast_in_dim3A_1472 : vector<16xi1>, vector<16xi32>
      %reduce_max3A_1474 = arith.constant true
      %reduce_max3A_1475 = vector.broadcast %reduce_max3A_1474 : i1 to vector<16xi1>
      %reduce_max3A_1476 = arith.constant -2147483648 : i32
      %reduce_max3A_1477 = vector.broadcast %reduce_max3A_1476 : i32 to vector<16xi32>
      %reduce_max3A_1478 = arith.xori %select_n3A_1473, %reduce_max3A_1477 : vector<16xi32>
      %reduce_max3A_1479 = tpu.scan <max>, %reduce_max3A_1478 masked %reduce_max3A_1475 : vector<16xi32>, vector<16xi1> -> vector<16xi32>
      %reduce_max3A_1480 = arith.xori %reduce_max3A_1479, %reduce_max3A_1477 : vector<16xi32>
      %reduce_max3A_1481 = vector.extract %reduce_max3A_1480[15] : i32 from vector<16xi32>
      %shift_right_arithmetic3A_1482 = arith.constant 3 : i32
      %shift_right_arithmetic3A_1483 = arith.shrsi %reduce_max3A_1481, %shift_right_arithmetic3A_1482 : i32
      %jit3A_1484 = arith.constant 2 : i32
      %eq3A_1485 = arith.constant 0 : i32
      %eq3A_1486 = arith.cmpi eq, %jit3A_1484, %eq3A_1485 : i32
      %jit3A_1487 = arith.constant 1 : i32
      %select_n3A_1488 = arith.select %eq3A_1486, %jit3A_1487, %jit3A_1484 : i32
      %rem3A_1489 = arith.remsi %scan3A_808, %select_n3A_1488 : i32
      %ne3A_1490 = arith.constant 0 : i32
      %ne3A_1491 = arith.cmpi ne, %rem3A_1489, %ne3A_1490 : i32
      %lt3A_1492 = arith.constant 0 : i32
      %lt3A_1493 = arith.cmpi slt, %rem3A_1489, %lt3A_1492 : i32
      %lt3A_1494 = arith.constant 0 : i32
      %lt3A_1495 = arith.cmpi slt, %select_n3A_1488, %lt3A_1494 : i32
      %ne3A_1496 = arith.xori %lt3A_1493, %lt3A_1495 : i1
      %and3A_1497 = arith.andi %ne3A_1496, %ne3A_1491 : i1
      %add3A_1498 = arith.addi %rem3A_1489, %select_n3A_1488 : i32
      %select_n3A_1499 = arith.select %and3A_1497, %add3A_1498, %rem3A_1489 : i32
      %multiple_of3A_1500 = arith.constant 40 : i32
      %multiple_of3A_1501 = tpu.assume_multiple %multiple_of3A_1500, 8 : i32
      %dma_start3A_1502 = arith.constant 0 : i32
      %dma_start3A_1503 = tpu.memref_slice %arg11[%select_n3A_1499, %multiple_of3A_1501, %dma_start3A_1502] : memref<2x128x64xf32, #tpu.memory_space<vmem>> -> memref<1x8x64xf32, #tpu.memory_space<vmem>>
      %dma_start3A_1504 = tpu.memref_squeeze %dma_start3A_1503 : memref<1x8x64xf32, #tpu.memory_space<vmem>> -> memref<8x64xf32, #tpu.memory_space<vmem>>
      %dma_start3A_1505 = arith.constant 0 : i32
      %dma_start3A_1506 = arith.constant 0 : i32
      %dma_start3A_1507 = tpu.memref_slice %arg4[%shift_right_arithmetic3A_1483, %dma_start3A_1505, %dma_start3A_1506] : memref<125000x8x64xf32, #tpu.memory_space<hbm>> -> memref<1x8x64xf32, #tpu.memory_space<hbm>>
      %dma_start3A_1508 = tpu.memref_squeeze %dma_start3A_1507 : memref<1x8x64xf32, #tpu.memory_space<hbm>> -> memref<8x64xf32, #tpu.memory_space<hbm>>
      %dma_start3A_1509 = arith.constant 0 : i32
      %dma_start3A_1510 = tpu.memref_slice %arg11[%select_n3A_1499, %multiple_of3A_1501, %dma_start3A_1509] : memref<2x128x64xf32, #tpu.memory_space<vmem>> -> memref<1x8x64xf32, #tpu.memory_space<vmem>>
      %dma_start3A_1511 = tpu.memref_squeeze %dma_start3A_1510 : memref<1x8x64xf32, #tpu.memory_space<vmem>> -> memref<8x64xf32, #tpu.memory_space<vmem>>
      %dma_start3A_1512 = arith.constant 0 : i32
      %dma_start3A_1513 = arith.constant 0 : i32
      %dma_start3A_1514 = tpu.memref_slice %arg4[%shift_right_arithmetic3A_1483, %dma_start3A_1512, %dma_start3A_1513] : memref<125000x8x64xf32, #tpu.memory_space<hbm>> -> memref<1x8x64xf32, #tpu.memory_space<hbm>>
      %dma_start3A_1515 = tpu.memref_squeeze %dma_start3A_1514 : memref<1x8x64xf32, #tpu.memory_space<hbm>> -> memref<8x64xf32, #tpu.memory_space<hbm>>
      tpu.enqueue_dma source(%dma_start3A_1515 : memref<8x64xf32, #tpu.memory_space<hbm>>) target(%dma_start3A_1511 : memref<8x64xf32, #tpu.memory_space<vmem>>) target_semaphore(%arg13 : memref<!tpu.dma_semaphore, #tpu.memory_space<semaphore_mem>>)
      %eq3A_1516 = arith.constant 6 : i32
      %eq3A_1517 = vector.broadcast %eq3A_1516 : i32 to vector<16xi32>
      %eq3A_1518 = arith.cmpi eq, %iota3A, %eq3A_1517 : vector<16xi32>
      %jit3A_1519 = arith.constant 0 : i32
      %broadcast_in_dim3A_1520 = vector.broadcast %jit3A_1519 : i32 to vector<16xi32>
      %select_n3A_1521 = arith.select %eq3A_1518, %get3A_816, %broadcast_in_dim3A_1520 : vector<16xi1>, vector<16xi32>
      %reduce_max3A_1522 = arith.constant true
      %reduce_max3A_1523 = vector.broadcast %reduce_max3A_1522 : i1 to vector<16xi1>
      %reduce_max3A_1524 = arith.constant -2147483648 : i32
      %reduce_max3A_1525 = vector.broadcast %reduce_max3A_1524 : i32 to vector<16xi32>
      %reduce_max3A_1526 = arith.xori %select_n3A_1521, %reduce_max3A_1525 : vector<16xi32>
      %reduce_max3A_1527 = tpu.scan <max>, %reduce_max3A_1526 masked %reduce_max3A_1523 : vector<16xi32>, vector<16xi1> -> vector<16xi32>
      %reduce_max3A_1528 = arith.xori %reduce_max3A_1527, %reduce_max3A_1525 : vector<16xi32>
      %reduce_max3A_1529 = vector.extract %reduce_max3A_1528[15] : i32 from vector<16xi32>
      %shift_right_arithmetic3A_1530 = arith.constant 3 : i32
      %shift_right_arithmetic3A_1531 = arith.shrsi %reduce_max3A_1529, %shift_right_arithmetic3A_1530 : i32
      %jit3A_1532 = arith.constant 2 : i32
      %eq3A_1533 = arith.constant 0 : i32
      %eq3A_1534 = arith.cmpi eq, %jit3A_1532, %eq3A_1533 : i32
      %jit3A_1535 = arith.constant 1 : i32
      %select_n3A_1536 = arith.select %eq3A_1534, %jit3A_1535, %jit3A_1532 : i32
      %rem3A_1537 = arith.remsi %scan3A_808, %select_n3A_1536 : i32
      %ne3A_1538 = arith.constant 0 : i32
      %ne3A_1539 = arith.cmpi ne, %rem3A_1537, %ne3A_1538 : i32
      %lt3A_1540 = arith.constant 0 : i32
      %lt3A_1541 = arith.cmpi slt, %rem3A_1537, %lt3A_1540 : i32
      %lt3A_1542 = arith.constant 0 : i32
      %lt3A_1543 = arith.cmpi slt, %select_n3A_1536, %lt3A_1542 : i32
      %ne3A_1544 = arith.xori %lt3A_1541, %lt3A_1543 : i1
      %and3A_1545 = arith.andi %ne3A_1544, %ne3A_1539 : i1
      %add3A_1546 = arith.addi %rem3A_1537, %select_n3A_1536 : i32
      %select_n3A_1547 = arith.select %and3A_1545, %add3A_1546, %rem3A_1537 : i32
      %multiple_of3A_1548 = arith.constant 48 : i32
      %multiple_of3A_1549 = tpu.assume_multiple %multiple_of3A_1548, 8 : i32
      %dma_start3A_1550 = arith.constant 0 : i32
      %dma_start3A_1551 = tpu.memref_slice %arg11[%select_n3A_1547, %multiple_of3A_1549, %dma_start3A_1550] : memref<2x128x64xf32, #tpu.memory_space<vmem>> -> memref<1x8x64xf32, #tpu.memory_space<vmem>>
      %dma_start3A_1552 = tpu.memref_squeeze %dma_start3A_1551 : memref<1x8x64xf32, #tpu.memory_space<vmem>> -> memref<8x64xf32, #tpu.memory_space<vmem>>
      %dma_start3A_1553 = arith.constant 0 : i32
      %dma_start3A_1554 = arith.constant 0 : i32
      %dma_start3A_1555 = tpu.memref_slice %arg4[%shift_right_arithmetic3A_1531, %dma_start3A_1553, %dma_start3A_1554] : memref<125000x8x64xf32, #tpu.memory_space<hbm>> -> memref<1x8x64xf32, #tpu.memory_space<hbm>>
      %dma_start3A_1556 = tpu.memref_squeeze %dma_start3A_1555 : memref<1x8x64xf32, #tpu.memory_space<hbm>> -> memref<8x64xf32, #tpu.memory_space<hbm>>
      %dma_start3A_1557 = arith.constant 0 : i32
      %dma_start3A_1558 = tpu.memref_slice %arg11[%select_n3A_1547, %multiple_of3A_1549, %dma_start3A_1557] : memref<2x128x64xf32, #tpu.memory_space<vmem>> -> memref<1x8x64xf32, #tpu.memory_space<vmem>>
      %dma_start3A_1559 = tpu.memref_squeeze %dma_start3A_1558 : memref<1x8x64xf32, #tpu.memory_space<vmem>> -> memref<8x64xf32, #tpu.memory_space<vmem>>
      %dma_start3A_1560 = arith.constant 0 : i32
      %dma_start3A_1561 = arith.constant 0 : i32
      %dma_start3A_1562 = tpu.memref_slice %arg4[%shift_right_arithmetic3A_1531, %dma_start3A_1560, %dma_start3A_1561] : memref<125000x8x64xf32, #tpu.memory_space<hbm>> -> memref<1x8x64xf32, #tpu.memory_space<hbm>>
      %dma_start3A_1563 = tpu.memref_squeeze %dma_start3A_1562 : memref<1x8x64xf32, #tpu.memory_space<hbm>> -> memref<8x64xf32, #tpu.memory_space<hbm>>
      tpu.enqueue_dma source(%dma_start3A_1563 : memref<8x64xf32, #tpu.memory_space<hbm>>) target(%dma_start3A_1559 : memref<8x64xf32, #tpu.memory_space<vmem>>) target_semaphore(%arg13 : memref<!tpu.dma_semaphore, #tpu.memory_space<semaphore_mem>>)
      %eq3A_1564 = arith.constant 7 : i32
      %eq3A_1565 = vector.broadcast %eq3A_1564 : i32 to vector<16xi32>
      %eq3A_1566 = arith.cmpi eq, %iota3A, %eq3A_1565 : vector<16xi32>
      %jit3A_1567 = arith.constant 0 : i32
      %broadcast_in_dim3A_1568 = vector.broadcast %jit3A_1567 : i32 to vector<16xi32>
      %select_n3A_1569 = arith.select %eq3A_1566, %get3A_816, %broadcast_in_dim3A_1568 : vector<16xi1>, vector<16xi32>
      %reduce_max3A_1570 = arith.constant true
      %reduce_max3A_1571 = vector.broadcast %reduce_max3A_1570 : i1 to vector<16xi1>
      %reduce_max3A_1572 = arith.constant -2147483648 : i32
      %reduce_max3A_1573 = vector.broadcast %reduce_max3A_1572 : i32 to vector<16xi32>
      %reduce_max3A_1574 = arith.xori %select_n3A_1569, %reduce_max3A_1573 : vector<16xi32>
      %reduce_max3A_1575 = tpu.scan <max>, %reduce_max3A_1574 masked %reduce_max3A_1571 : vector<16xi32>, vector<16xi1> -> vector<16xi32>
      %reduce_max3A_1576 = arith.xori %reduce_max3A_1575, %reduce_max3A_1573 : vector<16xi32>
      %reduce_max3A_1577 = vector.extract %reduce_max3A_1576[15] : i32 from vector<16xi32>
      %shift_right_arithmetic3A_1578 = arith.constant 3 : i32
      %shift_right_arithmetic3A_1579 = arith.shrsi %reduce_max3A_1577, %shift_right_arithmetic3A_1578 : i32
      %jit3A_1580 = arith.constant 2 : i32
      %eq3A_1581 = arith.constant 0 : i32
      %eq3A_1582 = arith.cmpi eq, %jit3A_1580, %eq3A_1581 : i32
      %jit3A_1583 = arith.constant 1 : i32
      %select_n3A_1584 = arith.select %eq3A_1582, %jit3A_1583, %jit3A_1580 : i32
      %rem3A_1585 = arith.remsi %scan3A_808, %select_n3A_1584 : i32
      %ne3A_1586 = arith.constant 0 : i32
      %ne3A_1587 = arith.cmpi ne, %rem3A_1585, %ne3A_1586 : i32
      %lt3A_1588 = arith.constant 0 : i32
      %lt3A_1589 = arith.cmpi slt, %rem3A_1585, %lt3A_1588 : i32
      %lt3A_1590 = arith.constant 0 : i32
      %lt3A_1591 = arith.cmpi slt, %select_n3A_1584, %lt3A_1590 : i32
      %ne3A_1592 = arith.xori %lt3A_1589, %lt3A_1591 : i1
      %and3A_1593 = arith.andi %ne3A_1592, %ne3A_1587 : i1
      %add3A_1594 = arith.addi %rem3A_1585, %select_n3A_1584 : i32
      %select_n3A_1595 = arith.select %and3A_1593, %add3A_1594, %rem3A_1585 : i32
      %multiple_of3A_1596 = arith.constant 56 : i32
      %multiple_of3A_1597 = tpu.assume_multiple %multiple_of3A_1596, 8 : i32
      %dma_start3A_1598 = arith.constant 0 : i32
      %dma_start3A_1599 = tpu.memref_slice %arg11[%select_n3A_1595, %multiple_of3A_1597, %dma_start3A_1598] : memref<2x128x64xf32, #tpu.memory_space<vmem>> -> memref<1x8x64xf32, #tpu.memory_space<vmem>>
      %dma_start3A_1600 = tpu.memref_squeeze %dma_start3A_1599 : memref<1x8x64xf32, #tpu.memory_space<vmem>> -> memref<8x64xf32, #tpu.memory_space<vmem>>
      %dma_start3A_1601 = arith.constant 0 : i32
      %dma_start3A_1602 = arith.constant 0 : i32
      %dma_start3A_1603 = tpu.memref_slice %arg4[%shift_right_arithmetic3A_1579, %dma_start3A_1601, %dma_start3A_1602] : memref<125000x8x64xf32, #tpu.memory_space<hbm>> -> memref<1x8x64xf32, #tpu.memory_space<hbm>>
      %dma_start3A_1604 = tpu.memref_squeeze %dma_start3A_1603 : memref<1x8x64xf32, #tpu.memory_space<hbm>> -> memref<8x64xf32, #tpu.memory_space<hbm>>
      %dma_start3A_1605 = arith.constant 0 : i32
      %dma_start3A_1606 = tpu.memref_slice %arg11[%select_n3A_1595, %multiple_of3A_1597, %dma_start3A_1605] : memref<2x128x64xf32, #tpu.memory_space<vmem>> -> memref<1x8x64xf32, #tpu.memory_space<vmem>>
      %dma_start3A_1607 = tpu.memref_squeeze %dma_start3A_1606 : memref<1x8x64xf32, #tpu.memory_space<vmem>> -> memref<8x64xf32, #tpu.memory_space<vmem>>
      %dma_start3A_1608 = arith.constant 0 : i32
      %dma_start3A_1609 = arith.constant 0 : i32
      %dma_start3A_1610 = tpu.memref_slice %arg4[%shift_right_arithmetic3A_1579, %dma_start3A_1608, %dma_start3A_1609] : memref<125000x8x64xf32, #tpu.memory_space<hbm>> -> memref<1x8x64xf32, #tpu.memory_space<hbm>>
      %dma_start3A_1611 = tpu.memref_squeeze %dma_start3A_1610 : memref<1x8x64xf32, #tpu.memory_space<hbm>> -> memref<8x64xf32, #tpu.memory_space<hbm>>
      tpu.enqueue_dma source(%dma_start3A_1611 : memref<8x64xf32, #tpu.memory_space<hbm>>) target(%dma_start3A_1607 : memref<8x64xf32, #tpu.memory_space<vmem>>) target_semaphore(%arg13 : memref<!tpu.dma_semaphore, #tpu.memory_space<semaphore_mem>>)
      %eq3A_1612 = arith.constant 8 : i32
      %eq3A_1613 = vector.broadcast %eq3A_1612 : i32 to vector<16xi32>
      %eq3A_1614 = arith.cmpi eq, %iota3A, %eq3A_1613 : vector<16xi32>
      %jit3A_1615 = arith.constant 0 : i32
      %broadcast_in_dim3A_1616 = vector.broadcast %jit3A_1615 : i32 to vector<16xi32>
      %select_n3A_1617 = arith.select %eq3A_1614, %get3A_816, %broadcast_in_dim3A_1616 : vector<16xi1>, vector<16xi32>
      %reduce_max3A_1618 = arith.constant true
      %reduce_max3A_1619 = vector.broadcast %reduce_max3A_1618 : i1 to vector<16xi1>
      %reduce_max3A_1620 = arith.constant -2147483648 : i32
      %reduce_max3A_1621 = vector.broadcast %reduce_max3A_1620 : i32 to vector<16xi32>
      %reduce_max3A_1622 = arith.xori %select_n3A_1617, %reduce_max3A_1621 : vector<16xi32>
      %reduce_max3A_1623 = tpu.scan <max>, %reduce_max3A_1622 masked %reduce_max3A_1619 : vector<16xi32>, vector<16xi1> -> vector<16xi32>
      %reduce_max3A_1624 = arith.xori %reduce_max3A_1623, %reduce_max3A_1621 : vector<16xi32>
      %reduce_max3A_1625 = vector.extract %reduce_max3A_1624[15] : i32 from vector<16xi32>
      %shift_right_arithmetic3A_1626 = arith.constant 3 : i32
      %shift_right_arithmetic3A_1627 = arith.shrsi %reduce_max3A_1625, %shift_right_arithmetic3A_1626 : i32
      %jit3A_1628 = arith.constant 2 : i32
      %eq3A_1629 = arith.constant 0 : i32
      %eq3A_1630 = arith.cmpi eq, %jit3A_1628, %eq3A_1629 : i32
      %jit3A_1631 = arith.constant 1 : i32
      %select_n3A_1632 = arith.select %eq3A_1630, %jit3A_1631, %jit3A_1628 : i32
      %rem3A_1633 = arith.remsi %scan3A_808, %select_n3A_1632 : i32
      %ne3A_1634 = arith.constant 0 : i32
      %ne3A_1635 = arith.cmpi ne, %rem3A_1633, %ne3A_1634 : i32
      %lt3A_1636 = arith.constant 0 : i32
      %lt3A_1637 = arith.cmpi slt, %rem3A_1633, %lt3A_1636 : i32
      %lt3A_1638 = arith.constant 0 : i32
      %lt3A_1639 = arith.cmpi slt, %select_n3A_1632, %lt3A_1638 : i32
      %ne3A_1640 = arith.xori %lt3A_1637, %lt3A_1639 : i1
      %and3A_1641 = arith.andi %ne3A_1640, %ne3A_1635 : i1
      %add3A_1642 = arith.addi %rem3A_1633, %select_n3A_1632 : i32
      %select_n3A_1643 = arith.select %and3A_1641, %add3A_1642, %rem3A_1633 : i32
      %multiple_of3A_1644 = arith.constant 64 : i32
      %multiple_of3A_1645 = tpu.assume_multiple %multiple_of3A_1644, 8 : i32
      %dma_start3A_1646 = arith.constant 0 : i32
      %dma_start3A_1647 = tpu.memref_slice %arg11[%select_n3A_1643, %multiple_of3A_1645, %dma_start3A_1646] : memref<2x128x64xf32, #tpu.memory_space<vmem>> -> memref<1x8x64xf32, #tpu.memory_space<vmem>>
      %dma_start3A_1648 = tpu.memref_squeeze %dma_start3A_1647 : memref<1x8x64xf32, #tpu.memory_space<vmem>> -> memref<8x64xf32, #tpu.memory_space<vmem>>
      %dma_start3A_1649 = arith.constant 0 : i32
      %dma_start3A_1650 = arith.constant 0 : i32
      %dma_start3A_1651 = tpu.memref_slice %arg4[%shift_right_arithmetic3A_1627, %dma_start3A_1649, %dma_start3A_1650] : memref<125000x8x64xf32, #tpu.memory_space<hbm>> -> memref<1x8x64xf32, #tpu.memory_space<hbm>>
      %dma_start3A_1652 = tpu.memref_squeeze %dma_start3A_1651 : memref<1x8x64xf32, #tpu.memory_space<hbm>> -> memref<8x64xf32, #tpu.memory_space<hbm>>
      %dma_start3A_1653 = arith.constant 0 : i32
      %dma_start3A_1654 = tpu.memref_slice %arg11[%select_n3A_1643, %multiple_of3A_1645, %dma_start3A_1653] : memref<2x128x64xf32, #tpu.memory_space<vmem>> -> memref<1x8x64xf32, #tpu.memory_space<vmem>>
      %dma_start3A_1655 = tpu.memref_squeeze %dma_start3A_1654 : memref<1x8x64xf32, #tpu.memory_space<vmem>> -> memref<8x64xf32, #tpu.memory_space<vmem>>
      %dma_start3A_1656 = arith.constant 0 : i32
      %dma_start3A_1657 = arith.constant 0 : i32
      %dma_start3A_1658 = tpu.memref_slice %arg4[%shift_right_arithmetic3A_1627, %dma_start3A_1656, %dma_start3A_1657] : memref<125000x8x64xf32, #tpu.memory_space<hbm>> -> memref<1x8x64xf32, #tpu.memory_space<hbm>>
      %dma_start3A_1659 = tpu.memref_squeeze %dma_start3A_1658 : memref<1x8x64xf32, #tpu.memory_space<hbm>> -> memref<8x64xf32, #tpu.memory_space<hbm>>
      tpu.enqueue_dma source(%dma_start3A_1659 : memref<8x64xf32, #tpu.memory_space<hbm>>) target(%dma_start3A_1655 : memref<8x64xf32, #tpu.memory_space<vmem>>) target_semaphore(%arg13 : memref<!tpu.dma_semaphore, #tpu.memory_space<semaphore_mem>>)
      %eq3A_1660 = arith.constant 9 : i32
      %eq3A_1661 = vector.broadcast %eq3A_1660 : i32 to vector<16xi32>
      %eq3A_1662 = arith.cmpi eq, %iota3A, %eq3A_1661 : vector<16xi32>
      %jit3A_1663 = arith.constant 0 : i32
      %broadcast_in_dim3A_1664 = vector.broadcast %jit3A_1663 : i32 to vector<16xi32>
      %select_n3A_1665 = arith.select %eq3A_1662, %get3A_816, %broadcast_in_dim3A_1664 : vector<16xi1>, vector<16xi32>
      %reduce_max3A_1666 = arith.constant true
      %reduce_max3A_1667 = vector.broadcast %reduce_max3A_1666 : i1 to vector<16xi1>
      %reduce_max3A_1668 = arith.constant -2147483648 : i32
      %reduce_max3A_1669 = vector.broadcast %reduce_max3A_1668 : i32 to vector<16xi32>
      %reduce_max3A_1670 = arith.xori %select_n3A_1665, %reduce_max3A_1669 : vector<16xi32>
      %reduce_max3A_1671 = tpu.scan <max>, %reduce_max3A_1670 masked %reduce_max3A_1667 : vector<16xi32>, vector<16xi1> -> vector<16xi32>
      %reduce_max3A_1672 = arith.xori %reduce_max3A_1671, %reduce_max3A_1669 : vector<16xi32>
      %reduce_max3A_1673 = vector.extract %reduce_max3A_1672[15] : i32 from vector<16xi32>
      %shift_right_arithmetic3A_1674 = arith.constant 3 : i32
      %shift_right_arithmetic3A_1675 = arith.shrsi %reduce_max3A_1673, %shift_right_arithmetic3A_1674 : i32
      %jit3A_1676 = arith.constant 2 : i32
      %eq3A_1677 = arith.constant 0 : i32
      %eq3A_1678 = arith.cmpi eq, %jit3A_1676, %eq3A_1677 : i32
      %jit3A_1679 = arith.constant 1 : i32
      %select_n3A_1680 = arith.select %eq3A_1678, %jit3A_1679, %jit3A_1676 : i32
      %rem3A_1681 = arith.remsi %scan3A_808, %select_n3A_1680 : i32
      %ne3A_1682 = arith.constant 0 : i32
      %ne3A_1683 = arith.cmpi ne, %rem3A_1681, %ne3A_1682 : i32
      %lt3A_1684 = arith.constant 0 : i32
      %lt3A_1685 = arith.cmpi slt, %rem3A_1681, %lt3A_1684 : i32
      %lt3A_1686 = arith.constant 0 : i32
      %lt3A_1687 = arith.cmpi slt, %select_n3A_1680, %lt3A_1686 : i32
      %ne3A_1688 = arith.xori %lt3A_1685, %lt3A_1687 : i1
      %and3A_1689 = arith.andi %ne3A_1688, %ne3A_1683 : i1
      %add3A_1690 = arith.addi %rem3A_1681, %select_n3A_1680 : i32
      %select_n3A_1691 = arith.select %and3A_1689, %add3A_1690, %rem3A_1681 : i32
      %multiple_of3A_1692 = arith.constant 72 : i32
      %multiple_of3A_1693 = tpu.assume_multiple %multiple_of3A_1692, 8 : i32
      %dma_start3A_1694 = arith.constant 0 : i32
      %dma_start3A_1695 = tpu.memref_slice %arg11[%select_n3A_1691, %multiple_of3A_1693, %dma_start3A_1694] : memref<2x128x64xf32, #tpu.memory_space<vmem>> -> memref<1x8x64xf32, #tpu.memory_space<vmem>>
      %dma_start3A_1696 = tpu.memref_squeeze %dma_start3A_1695 : memref<1x8x64xf32, #tpu.memory_space<vmem>> -> memref<8x64xf32, #tpu.memory_space<vmem>>
      %dma_start3A_1697 = arith.constant 0 : i32
      %dma_start3A_1698 = arith.constant 0 : i32
      %dma_start3A_1699 = tpu.memref_slice %arg4[%shift_right_arithmetic3A_1675, %dma_start3A_1697, %dma_start3A_1698] : memref<125000x8x64xf32, #tpu.memory_space<hbm>> -> memref<1x8x64xf32, #tpu.memory_space<hbm>>
      %dma_start3A_1700 = tpu.memref_squeeze %dma_start3A_1699 : memref<1x8x64xf32, #tpu.memory_space<hbm>> -> memref<8x64xf32, #tpu.memory_space<hbm>>
      %dma_start3A_1701 = arith.constant 0 : i32
      %dma_start3A_1702 = tpu.memref_slice %arg11[%select_n3A_1691, %multiple_of3A_1693, %dma_start3A_1701] : memref<2x128x64xf32, #tpu.memory_space<vmem>> -> memref<1x8x64xf32, #tpu.memory_space<vmem>>
      %dma_start3A_1703 = tpu.memref_squeeze %dma_start3A_1702 : memref<1x8x64xf32, #tpu.memory_space<vmem>> -> memref<8x64xf32, #tpu.memory_space<vmem>>
      %dma_start3A_1704 = arith.constant 0 : i32
      %dma_start3A_1705 = arith.constant 0 : i32
      %dma_start3A_1706 = tpu.memref_slice %arg4[%shift_right_arithmetic3A_1675, %dma_start3A_1704, %dma_start3A_1705] : memref<125000x8x64xf32, #tpu.memory_space<hbm>> -> memref<1x8x64xf32, #tpu.memory_space<hbm>>
      %dma_start3A_1707 = tpu.memref_squeeze %dma_start3A_1706 : memref<1x8x64xf32, #tpu.memory_space<hbm>> -> memref<8x64xf32, #tpu.memory_space<hbm>>
      tpu.enqueue_dma source(%dma_start3A_1707 : memref<8x64xf32, #tpu.memory_space<hbm>>) target(%dma_start3A_1703 : memref<8x64xf32, #tpu.memory_space<vmem>>) target_semaphore(%arg13 : memref<!tpu.dma_semaphore, #tpu.memory_space<semaphore_mem>>)
      %eq3A_1708 = arith.constant 10 : i32
      %eq3A_1709 = vector.broadcast %eq3A_1708 : i32 to vector<16xi32>
      %eq3A_1710 = arith.cmpi eq, %iota3A, %eq3A_1709 : vector<16xi32>
      %jit3A_1711 = arith.constant 0 : i32
      %broadcast_in_dim3A_1712 = vector.broadcast %jit3A_1711 : i32 to vector<16xi32>
      %select_n3A_1713 = arith.select %eq3A_1710, %get3A_816, %broadcast_in_dim3A_1712 : vector<16xi1>, vector<16xi32>
      %reduce_max3A_1714 = arith.constant true
      %reduce_max3A_1715 = vector.broadcast %reduce_max3A_1714 : i1 to vector<16xi1>
      %reduce_max3A_1716 = arith.constant -2147483648 : i32
      %reduce_max3A_1717 = vector.broadcast %reduce_max3A_1716 : i32 to vector<16xi32>
      %reduce_max3A_1718 = arith.xori %select_n3A_1713, %reduce_max3A_1717 : vector<16xi32>
      %reduce_max3A_1719 = tpu.scan <max>, %reduce_max3A_1718 masked %reduce_max3A_1715 : vector<16xi32>, vector<16xi1> -> vector<16xi32>
      %reduce_max3A_1720 = arith.xori %reduce_max3A_1719, %reduce_max3A_1717 : vector<16xi32>
      %reduce_max3A_1721 = vector.extract %reduce_max3A_1720[15] : i32 from vector<16xi32>
      %shift_right_arithmetic3A_1722 = arith.constant 3 : i32
      %shift_right_arithmetic3A_1723 = arith.shrsi %reduce_max3A_1721, %shift_right_arithmetic3A_1722 : i32
      %jit3A_1724 = arith.constant 2 : i32
      %eq3A_1725 = arith.constant 0 : i32
      %eq3A_1726 = arith.cmpi eq, %jit3A_1724, %eq3A_1725 : i32
      %jit3A_1727 = arith.constant 1 : i32
      %select_n3A_1728 = arith.select %eq3A_1726, %jit3A_1727, %jit3A_1724 : i32
      %rem3A_1729 = arith.remsi %scan3A_808, %select_n3A_1728 : i32
      %ne3A_1730 = arith.constant 0 : i32
      %ne3A_1731 = arith.cmpi ne, %rem3A_1729, %ne3A_1730 : i32
      %lt3A_1732 = arith.constant 0 : i32
      %lt3A_1733 = arith.cmpi slt, %rem3A_1729, %lt3A_1732 : i32
      %lt3A_1734 = arith.constant 0 : i32
      %lt3A_1735 = arith.cmpi slt, %select_n3A_1728, %lt3A_1734 : i32
      %ne3A_1736 = arith.xori %lt3A_1733, %lt3A_1735 : i1
      %and3A_1737 = arith.andi %ne3A_1736, %ne3A_1731 : i1
      %add3A_1738 = arith.addi %rem3A_1729, %select_n3A_1728 : i32
      %select_n3A_1739 = arith.select %and3A_1737, %add3A_1738, %rem3A_1729 : i32
      %multiple_of3A_1740 = arith.constant 80 : i32
      %multiple_of3A_1741 = tpu.assume_multiple %multiple_of3A_1740, 8 : i32
      %dma_start3A_1742 = arith.constant 0 : i32
      %dma_start3A_1743 = tpu.memref_slice %arg11[%select_n3A_1739, %multiple_of3A_1741, %dma_start3A_1742] : memref<2x128x64xf32, #tpu.memory_space<vmem>> -> memref<1x8x64xf32, #tpu.memory_space<vmem>>
      %dma_start3A_1744 = tpu.memref_squeeze %dma_start3A_1743 : memref<1x8x64xf32, #tpu.memory_space<vmem>> -> memref<8x64xf32, #tpu.memory_space<vmem>>
      %dma_start3A_1745 = arith.constant 0 : i32
      %dma_start3A_1746 = arith.constant 0 : i32
      %dma_start3A_1747 = tpu.memref_slice %arg4[%shift_right_arithmetic3A_1723, %dma_start3A_1745, %dma_start3A_1746] : memref<125000x8x64xf32, #tpu.memory_space<hbm>> -> memref<1x8x64xf32, #tpu.memory_space<hbm>>
      %dma_start3A_1748 = tpu.memref_squeeze %dma_start3A_1747 : memref<1x8x64xf32, #tpu.memory_space<hbm>> -> memref<8x64xf32, #tpu.memory_space<hbm>>
      %dma_start3A_1749 = arith.constant 0 : i32
      %dma_start3A_1750 = tpu.memref_slice %arg11[%select_n3A_1739, %multiple_of3A_1741, %dma_start3A_1749] : memref<2x128x64xf32, #tpu.memory_space<vmem>> -> memref<1x8x64xf32, #tpu.memory_space<vmem>>
      %dma_start3A_1751 = tpu.memref_squeeze %dma_start3A_1750 : memref<1x8x64xf32, #tpu.memory_space<vmem>> -> memref<8x64xf32, #tpu.memory_space<vmem>>
      %dma_start3A_1752 = arith.constant 0 : i32
      %dma_start3A_1753 = arith.constant 0 : i32
      %dma_start3A_1754 = tpu.memref_slice %arg4[%shift_right_arithmetic3A_1723, %dma_start3A_1752, %dma_start3A_1753] : memref<125000x8x64xf32, #tpu.memory_space<hbm>> -> memref<1x8x64xf32, #tpu.memory_space<hbm>>
      %dma_start3A_1755 = tpu.memref_squeeze %dma_start3A_1754 : memref<1x8x64xf32, #tpu.memory_space<hbm>> -> memref<8x64xf32, #tpu.memory_space<hbm>>
      tpu.enqueue_dma source(%dma_start3A_1755 : memref<8x64xf32, #tpu.memory_space<hbm>>) target(%dma_start3A_1751 : memref<8x64xf32, #tpu.memory_space<vmem>>) target_semaphore(%arg13 : memref<!tpu.dma_semaphore, #tpu.memory_space<semaphore_mem>>)
      %eq3A_1756 = arith.constant 11 : i32
      %eq3A_1757 = vector.broadcast %eq3A_1756 : i32 to vector<16xi32>
      %eq3A_1758 = arith.cmpi eq, %iota3A, %eq3A_1757 : vector<16xi32>
      %jit3A_1759 = arith.constant 0 : i32
      %broadcast_in_dim3A_1760 = vector.broadcast %jit3A_1759 : i32 to vector<16xi32>
      %select_n3A_1761 = arith.select %eq3A_1758, %get3A_816, %broadcast_in_dim3A_1760 : vector<16xi1>, vector<16xi32>
      %reduce_max3A_1762 = arith.constant true
      %reduce_max3A_1763 = vector.broadcast %reduce_max3A_1762 : i1 to vector<16xi1>
      %reduce_max3A_1764 = arith.constant -2147483648 : i32
      %reduce_max3A_1765 = vector.broadcast %reduce_max3A_1764 : i32 to vector<16xi32>
      %reduce_max3A_1766 = arith.xori %select_n3A_1761, %reduce_max3A_1765 : vector<16xi32>
      %reduce_max3A_1767 = tpu.scan <max>, %reduce_max3A_1766 masked %reduce_max3A_1763 : vector<16xi32>, vector<16xi1> -> vector<16xi32>
      %reduce_max3A_1768 = arith.xori %reduce_max3A_1767, %reduce_max3A_1765 : vector<16xi32>
      %reduce_max3A_1769 = vector.extract %reduce_max3A_1768[15] : i32 from vector<16xi32>
      %shift_right_arithmetic3A_1770 = arith.constant 3 : i32
      %shift_right_arithmetic3A_1771 = arith.shrsi %reduce_max3A_1769, %shift_right_arithmetic3A_1770 : i32
      %jit3A_1772 = arith.constant 2 : i32
      %eq3A_1773 = arith.constant 0 : i32
      %eq3A_1774 = arith.cmpi eq, %jit3A_1772, %eq3A_1773 : i32
      %jit3A_1775 = arith.constant 1 : i32
      %select_n3A_1776 = arith.select %eq3A_1774, %jit3A_1775, %jit3A_1772 : i32
      %rem3A_1777 = arith.remsi %scan3A_808, %select_n3A_1776 : i32
      %ne3A_1778 = arith.constant 0 : i32
      %ne3A_1779 = arith.cmpi ne, %rem3A_1777, %ne3A_1778 : i32
      %lt3A_1780 = arith.constant 0 : i32
      %lt3A_1781 = arith.cmpi slt, %rem3A_1777, %lt3A_1780 : i32
      %lt3A_1782 = arith.constant 0 : i32
      %lt3A_1783 = arith.cmpi slt, %select_n3A_1776, %lt3A_1782 : i32
      %ne3A_1784 = arith.xori %lt3A_1781, %lt3A_1783 : i1
      %and3A_1785 = arith.andi %ne3A_1784, %ne3A_1779 : i1
      %add3A_1786 = arith.addi %rem3A_1777, %select_n3A_1776 : i32
      %select_n3A_1787 = arith.select %and3A_1785, %add3A_1786, %rem3A_1777 : i32
      %multiple_of3A_1788 = arith.constant 88 : i32
      %multiple_of3A_1789 = tpu.assume_multiple %multiple_of3A_1788, 8 : i32
      %dma_start3A_1790 = arith.constant 0 : i32
      %dma_start3A_1791 = tpu.memref_slice %arg11[%select_n3A_1787, %multiple_of3A_1789, %dma_start3A_1790] : memref<2x128x64xf32, #tpu.memory_space<vmem>> -> memref<1x8x64xf32, #tpu.memory_space<vmem>>
      %dma_start3A_1792 = tpu.memref_squeeze %dma_start3A_1791 : memref<1x8x64xf32, #tpu.memory_space<vmem>> -> memref<8x64xf32, #tpu.memory_space<vmem>>
      %dma_start3A_1793 = arith.constant 0 : i32
      %dma_start3A_1794 = arith.constant 0 : i32
      %dma_start3A_1795 = tpu.memref_slice %arg4[%shift_right_arithmetic3A_1771, %dma_start3A_1793, %dma_start3A_1794] : memref<125000x8x64xf32, #tpu.memory_space<hbm>> -> memref<1x8x64xf32, #tpu.memory_space<hbm>>
      %dma_start3A_1796 = tpu.memref_squeeze %dma_start3A_1795 : memref<1x8x64xf32, #tpu.memory_space<hbm>> -> memref<8x64xf32, #tpu.memory_space<hbm>>
      %dma_start3A_1797 = arith.constant 0 : i32
      %dma_start3A_1798 = tpu.memref_slice %arg11[%select_n3A_1787, %multiple_of3A_1789, %dma_start3A_1797] : memref<2x128x64xf32, #tpu.memory_space<vmem>> -> memref<1x8x64xf32, #tpu.memory_space<vmem>>
      %dma_start3A_1799 = tpu.memref_squeeze %dma_start3A_1798 : memref<1x8x64xf32, #tpu.memory_space<vmem>> -> memref<8x64xf32, #tpu.memory_space<vmem>>
      %dma_start3A_1800 = arith.constant 0 : i32
      %dma_start3A_1801 = arith.constant 0 : i32
      %dma_start3A_1802 = tpu.memref_slice %arg4[%shift_right_arithmetic3A_1771, %dma_start3A_1800, %dma_start3A_1801] : memref<125000x8x64xf32, #tpu.memory_space<hbm>> -> memref<1x8x64xf32, #tpu.memory_space<hbm>>
      %dma_start3A_1803 = tpu.memref_squeeze %dma_start3A_1802 : memref<1x8x64xf32, #tpu.memory_space<hbm>> -> memref<8x64xf32, #tpu.memory_space<hbm>>
      tpu.enqueue_dma source(%dma_start3A_1803 : memref<8x64xf32, #tpu.memory_space<hbm>>) target(%dma_start3A_1799 : memref<8x64xf32, #tpu.memory_space<vmem>>) target_semaphore(%arg13 : memref<!tpu.dma_semaphore, #tpu.memory_space<semaphore_mem>>)
      %eq3A_1804 = arith.constant 12 : i32
      %eq3A_1805 = vector.broadcast %eq3A_1804 : i32 to vector<16xi32>
      %eq3A_1806 = arith.cmpi eq, %iota3A, %eq3A_1805 : vector<16xi32>
      %jit3A_1807 = arith.constant 0 : i32
      %broadcast_in_dim3A_1808 = vector.broadcast %jit3A_1807 : i32 to vector<16xi32>
      %select_n3A_1809 = arith.select %eq3A_1806, %get3A_816, %broadcast_in_dim3A_1808 : vector<16xi1>, vector<16xi32>
      %reduce_max3A_1810 = arith.constant true
      %reduce_max3A_1811 = vector.broadcast %reduce_max3A_1810 : i1 to vector<16xi1>
      %reduce_max3A_1812 = arith.constant -2147483648 : i32
      %reduce_max3A_1813 = vector.broadcast %reduce_max3A_1812 : i32 to vector<16xi32>
      %reduce_max3A_1814 = arith.xori %select_n3A_1809, %reduce_max3A_1813 : vector<16xi32>
      %reduce_max3A_1815 = tpu.scan <max>, %reduce_max3A_1814 masked %reduce_max3A_1811 : vector<16xi32>, vector<16xi1> -> vector<16xi32>
      %reduce_max3A_1816 = arith.xori %reduce_max3A_1815, %reduce_max3A_1813 : vector<16xi32>
      %reduce_max3A_1817 = vector.extract %reduce_max3A_1816[15] : i32 from vector<16xi32>
      %shift_right_arithmetic3A_1818 = arith.constant 3 : i32
      %shift_right_arithmetic3A_1819 = arith.shrsi %reduce_max3A_1817, %shift_right_arithmetic3A_1818 : i32
      %jit3A_1820 = arith.constant 2 : i32
      %eq3A_1821 = arith.constant 0 : i32
      %eq3A_1822 = arith.cmpi eq, %jit3A_1820, %eq3A_1821 : i32
      %jit3A_1823 = arith.constant 1 : i32
      %select_n3A_1824 = arith.select %eq3A_1822, %jit3A_1823, %jit3A_1820 : i32
      %rem3A_1825 = arith.remsi %scan3A_808, %select_n3A_1824 : i32
      %ne3A_1826 = arith.constant 0 : i32
      %ne3A_1827 = arith.cmpi ne, %rem3A_1825, %ne3A_1826 : i32
      %lt3A_1828 = arith.constant 0 : i32
      %lt3A_1829 = arith.cmpi slt, %rem3A_1825, %lt3A_1828 : i32
      %lt3A_1830 = arith.constant 0 : i32
      %lt3A_1831 = arith.cmpi slt, %select_n3A_1824, %lt3A_1830 : i32
      %ne3A_1832 = arith.xori %lt3A_1829, %lt3A_1831 : i1
      %and3A_1833 = arith.andi %ne3A_1832, %ne3A_1827 : i1
      %add3A_1834 = arith.addi %rem3A_1825, %select_n3A_1824 : i32
      %select_n3A_1835 = arith.select %and3A_1833, %add3A_1834, %rem3A_1825 : i32
      %multiple_of3A_1836 = arith.constant 96 : i32
      %multiple_of3A_1837 = tpu.assume_multiple %multiple_of3A_1836, 8 : i32
      %dma_start3A_1838 = arith.constant 0 : i32
      %dma_start3A_1839 = tpu.memref_slice %arg11[%select_n3A_1835, %multiple_of3A_1837, %dma_start3A_1838] : memref<2x128x64xf32, #tpu.memory_space<vmem>> -> memref<1x8x64xf32, #tpu.memory_space<vmem>>
      %dma_start3A_1840 = tpu.memref_squeeze %dma_start3A_1839 : memref<1x8x64xf32, #tpu.memory_space<vmem>> -> memref<8x64xf32, #tpu.memory_space<vmem>>
      %dma_start3A_1841 = arith.constant 0 : i32
      %dma_start3A_1842 = arith.constant 0 : i32
      %dma_start3A_1843 = tpu.memref_slice %arg4[%shift_right_arithmetic3A_1819, %dma_start3A_1841, %dma_start3A_1842] : memref<125000x8x64xf32, #tpu.memory_space<hbm>> -> memref<1x8x64xf32, #tpu.memory_space<hbm>>
      %dma_start3A_1844 = tpu.memref_squeeze %dma_start3A_1843 : memref<1x8x64xf32, #tpu.memory_space<hbm>> -> memref<8x64xf32, #tpu.memory_space<hbm>>
      %dma_start3A_1845 = arith.constant 0 : i32
      %dma_start3A_1846 = tpu.memref_slice %arg11[%select_n3A_1835, %multiple_of3A_1837, %dma_start3A_1845] : memref<2x128x64xf32, #tpu.memory_space<vmem>> -> memref<1x8x64xf32, #tpu.memory_space<vmem>>
      %dma_start3A_1847 = tpu.memref_squeeze %dma_start3A_1846 : memref<1x8x64xf32, #tpu.memory_space<vmem>> -> memref<8x64xf32, #tpu.memory_space<vmem>>
      %dma_start3A_1848 = arith.constant 0 : i32
      %dma_start3A_1849 = arith.constant 0 : i32
      %dma_start3A_1850 = tpu.memref_slice %arg4[%shift_right_arithmetic3A_1819, %dma_start3A_1848, %dma_start3A_1849] : memref<125000x8x64xf32, #tpu.memory_space<hbm>> -> memref<1x8x64xf32, #tpu.memory_space<hbm>>
      %dma_start3A_1851 = tpu.memref_squeeze %dma_start3A_1850 : memref<1x8x64xf32, #tpu.memory_space<hbm>> -> memref<8x64xf32, #tpu.memory_space<hbm>>
      tpu.enqueue_dma source(%dma_start3A_1851 : memref<8x64xf32, #tpu.memory_space<hbm>>) target(%dma_start3A_1847 : memref<8x64xf32, #tpu.memory_space<vmem>>) target_semaphore(%arg13 : memref<!tpu.dma_semaphore, #tpu.memory_space<semaphore_mem>>)
      %eq3A_1852 = arith.constant 13 : i32
      %eq3A_1853 = vector.broadcast %eq3A_1852 : i32 to vector<16xi32>
      %eq3A_1854 = arith.cmpi eq, %iota3A, %eq3A_1853 : vector<16xi32>
      %jit3A_1855 = arith.constant 0 : i32
      %broadcast_in_dim3A_1856 = vector.broadcast %jit3A_1855 : i32 to vector<16xi32>
      %select_n3A_1857 = arith.select %eq3A_1854, %get3A_816, %broadcast_in_dim3A_1856 : vector<16xi1>, vector<16xi32>
      %reduce_max3A_1858 = arith.constant true
      %reduce_max3A_1859 = vector.broadcast %reduce_max3A_1858 : i1 to vector<16xi1>
      %reduce_max3A_1860 = arith.constant -2147483648 : i32
      %reduce_max3A_1861 = vector.broadcast %reduce_max3A_1860 : i32 to vector<16xi32>
      %reduce_max3A_1862 = arith.xori %select_n3A_1857, %reduce_max3A_1861 : vector<16xi32>
      %reduce_max3A_1863 = tpu.scan <max>, %reduce_max3A_1862 masked %reduce_max3A_1859 : vector<16xi32>, vector<16xi1> -> vector<16xi32>
      %reduce_max3A_1864 = arith.xori %reduce_max3A_1863, %reduce_max3A_1861 : vector<16xi32>
      %reduce_max3A_1865 = vector.extract %reduce_max3A_1864[15] : i32 from vector<16xi32>
      %shift_right_arithmetic3A_1866 = arith.constant 3 : i32
      %shift_right_arithmetic3A_1867 = arith.shrsi %reduce_max3A_1865, %shift_right_arithmetic3A_1866 : i32
      %jit3A_1868 = arith.constant 2 : i32
      %eq3A_1869 = arith.constant 0 : i32
      %eq3A_1870 = arith.cmpi eq, %jit3A_1868, %eq3A_1869 : i32
      %jit3A_1871 = arith.constant 1 : i32
      %select_n3A_1872 = arith.select %eq3A_1870, %jit3A_1871, %jit3A_1868 : i32
      %rem3A_1873 = arith.remsi %scan3A_808, %select_n3A_1872 : i32
      %ne3A_1874 = arith.constant 0 : i32
      %ne3A_1875 = arith.cmpi ne, %rem3A_1873, %ne3A_1874 : i32
      %lt3A_1876 = arith.constant 0 : i32
      %lt3A_1877 = arith.cmpi slt, %rem3A_1873, %lt3A_1876 : i32
      %lt3A_1878 = arith.constant 0 : i32
      %lt3A_1879 = arith.cmpi slt, %select_n3A_1872, %lt3A_1878 : i32
      %ne3A_1880 = arith.xori %lt3A_1877, %lt3A_1879 : i1
      %and3A_1881 = arith.andi %ne3A_1880, %ne3A_1875 : i1
      %add3A_1882 = arith.addi %rem3A_1873, %select_n3A_1872 : i32
      %select_n3A_1883 = arith.select %and3A_1881, %add3A_1882, %rem3A_1873 : i32
      %multiple_of3A_1884 = arith.constant 104 : i32
      %multiple_of3A_1885 = tpu.assume_multiple %multiple_of3A_1884, 8 : i32
      %dma_start3A_1886 = arith.constant 0 : i32
      %dma_start3A_1887 = tpu.memref_slice %arg11[%select_n3A_1883, %multiple_of3A_1885, %dma_start3A_1886] : memref<2x128x64xf32, #tpu.memory_space<vmem>> -> memref<1x8x64xf32, #tpu.memory_space<vmem>>
      %dma_start3A_1888 = tpu.memref_squeeze %dma_start3A_1887 : memref<1x8x64xf32, #tpu.memory_space<vmem>> -> memref<8x64xf32, #tpu.memory_space<vmem>>
      %dma_start3A_1889 = arith.constant 0 : i32
      %dma_start3A_1890 = arith.constant 0 : i32
      %dma_start3A_1891 = tpu.memref_slice %arg4[%shift_right_arithmetic3A_1867, %dma_start3A_1889, %dma_start3A_1890] : memref<125000x8x64xf32, #tpu.memory_space<hbm>> -> memref<1x8x64xf32, #tpu.memory_space<hbm>>
      %dma_start3A_1892 = tpu.memref_squeeze %dma_start3A_1891 : memref<1x8x64xf32, #tpu.memory_space<hbm>> -> memref<8x64xf32, #tpu.memory_space<hbm>>
      %dma_start3A_1893 = arith.constant 0 : i32
      %dma_start3A_1894 = tpu.memref_slice %arg11[%select_n3A_1883, %multiple_of3A_1885, %dma_start3A_1893] : memref<2x128x64xf32, #tpu.memory_space<vmem>> -> memref<1x8x64xf32, #tpu.memory_space<vmem>>
      %dma_start3A_1895 = tpu.memref_squeeze %dma_start3A_1894 : memref<1x8x64xf32, #tpu.memory_space<vmem>> -> memref<8x64xf32, #tpu.memory_space<vmem>>
      %dma_start3A_1896 = arith.constant 0 : i32
      %dma_start3A_1897 = arith.constant 0 : i32
      %dma_start3A_1898 = tpu.memref_slice %arg4[%shift_right_arithmetic3A_1867, %dma_start3A_1896, %dma_start3A_1897] : memref<125000x8x64xf32, #tpu.memory_space<hbm>> -> memref<1x8x64xf32, #tpu.memory_space<hbm>>
      %dma_start3A_1899 = tpu.memref_squeeze %dma_start3A_1898 : memref<1x8x64xf32, #tpu.memory_space<hbm>> -> memref<8x64xf32, #tpu.memory_space<hbm>>
      tpu.enqueue_dma source(%dma_start3A_1899 : memref<8x64xf32, #tpu.memory_space<hbm>>) target(%dma_start3A_1895 : memref<8x64xf32, #tpu.memory_space<vmem>>) target_semaphore(%arg13 : memref<!tpu.dma_semaphore, #tpu.memory_space<semaphore_mem>>)
      %eq3A_1900 = arith.constant 14 : i32
      %eq3A_1901 = vector.broadcast %eq3A_1900 : i32 to vector<16xi32>
      %eq3A_1902 = arith.cmpi eq, %iota3A, %eq3A_1901 : vector<16xi32>
      %jit3A_1903 = arith.constant 0 : i32
      %broadcast_in_dim3A_1904 = vector.broadcast %jit3A_1903 : i32 to vector<16xi32>
      %select_n3A_1905 = arith.select %eq3A_1902, %get3A_816, %broadcast_in_dim3A_1904 : vector<16xi1>, vector<16xi32>
      %reduce_max3A_1906 = arith.constant true
      %reduce_max3A_1907 = vector.broadcast %reduce_max3A_1906 : i1 to vector<16xi1>
      %reduce_max3A_1908 = arith.constant -2147483648 : i32
      %reduce_max3A_1909 = vector.broadcast %reduce_max3A_1908 : i32 to vector<16xi32>
      %reduce_max3A_1910 = arith.xori %select_n3A_1905, %reduce_max3A_1909 : vector<16xi32>
      %reduce_max3A_1911 = tpu.scan <max>, %reduce_max3A_1910 masked %reduce_max3A_1907 : vector<16xi32>, vector<16xi1> -> vector<16xi32>
      %reduce_max3A_1912 = arith.xori %reduce_max3A_1911, %reduce_max3A_1909 : vector<16xi32>
      %reduce_max3A_1913 = vector.extract %reduce_max3A_1912[15] : i32 from vector<16xi32>
      %shift_right_arithmetic3A_1914 = arith.constant 3 : i32
      %shift_right_arithmetic3A_1915 = arith.shrsi %reduce_max3A_1913, %shift_right_arithmetic3A_1914 : i32
      %jit3A_1916 = arith.constant 2 : i32
      %eq3A_1917 = arith.constant 0 : i32
      %eq3A_1918 = arith.cmpi eq, %jit3A_1916, %eq3A_1917 : i32
      %jit3A_1919 = arith.constant 1 : i32
      %select_n3A_1920 = arith.select %eq3A_1918, %jit3A_1919, %jit3A_1916 : i32
      %rem3A_1921 = arith.remsi %scan3A_808, %select_n3A_1920 : i32
      %ne3A_1922 = arith.constant 0 : i32
      %ne3A_1923 = arith.cmpi ne, %rem3A_1921, %ne3A_1922 : i32
      %lt3A_1924 = arith.constant 0 : i32
      %lt3A_1925 = arith.cmpi slt, %rem3A_1921, %lt3A_1924 : i32
      %lt3A_1926 = arith.constant 0 : i32
      %lt3A_1927 = arith.cmpi slt, %select_n3A_1920, %lt3A_1926 : i32
      %ne3A_1928 = arith.xori %lt3A_1925, %lt3A_1927 : i1
      %and3A_1929 = arith.andi %ne3A_1928, %ne3A_1923 : i1
      %add3A_1930 = arith.addi %rem3A_1921, %select_n3A_1920 : i32
      %select_n3A_1931 = arith.select %and3A_1929, %add3A_1930, %rem3A_1921 : i32
      %multiple_of3A_1932 = arith.constant 112 : i32
      %multiple_of3A_1933 = tpu.assume_multiple %multiple_of3A_1932, 8 : i32
      %dma_start3A_1934 = arith.constant 0 : i32
      %dma_start3A_1935 = tpu.memref_slice %arg11[%select_n3A_1931, %multiple_of3A_1933, %dma_start3A_1934] : memref<2x128x64xf32, #tpu.memory_space<vmem>> -> memref<1x8x64xf32, #tpu.memory_space<vmem>>
      %dma_start3A_1936 = tpu.memref_squeeze %dma_start3A_1935 : memref<1x8x64xf32, #tpu.memory_space<vmem>> -> memref<8x64xf32, #tpu.memory_space<vmem>>
      %dma_start3A_1937 = arith.constant 0 : i32
      %dma_start3A_1938 = arith.constant 0 : i32
      %dma_start3A_1939 = tpu.memref_slice %arg4[%shift_right_arithmetic3A_1915, %dma_start3A_1937, %dma_start3A_1938] : memref<125000x8x64xf32, #tpu.memory_space<hbm>> -> memref<1x8x64xf32, #tpu.memory_space<hbm>>
      %dma_start3A_1940 = tpu.memref_squeeze %dma_start3A_1939 : memref<1x8x64xf32, #tpu.memory_space<hbm>> -> memref<8x64xf32, #tpu.memory_space<hbm>>
      %dma_start3A_1941 = arith.constant 0 : i32
      %dma_start3A_1942 = tpu.memref_slice %arg11[%select_n3A_1931, %multiple_of3A_1933, %dma_start3A_1941] : memref<2x128x64xf32, #tpu.memory_space<vmem>> -> memref<1x8x64xf32, #tpu.memory_space<vmem>>
      %dma_start3A_1943 = tpu.memref_squeeze %dma_start3A_1942 : memref<1x8x64xf32, #tpu.memory_space<vmem>> -> memref<8x64xf32, #tpu.memory_space<vmem>>
      %dma_start3A_1944 = arith.constant 0 : i32
      %dma_start3A_1945 = arith.constant 0 : i32
      %dma_start3A_1946 = tpu.memref_slice %arg4[%shift_right_arithmetic3A_1915, %dma_start3A_1944, %dma_start3A_1945] : memref<125000x8x64xf32, #tpu.memory_space<hbm>> -> memref<1x8x64xf32, #tpu.memory_space<hbm>>
      %dma_start3A_1947 = tpu.memref_squeeze %dma_start3A_1946 : memref<1x8x64xf32, #tpu.memory_space<hbm>> -> memref<8x64xf32, #tpu.memory_space<hbm>>
      tpu.enqueue_dma source(%dma_start3A_1947 : memref<8x64xf32, #tpu.memory_space<hbm>>) target(%dma_start3A_1943 : memref<8x64xf32, #tpu.memory_space<vmem>>) target_semaphore(%arg13 : memref<!tpu.dma_semaphore, #tpu.memory_space<semaphore_mem>>)
      %eq3A_1948 = arith.constant 15 : i32
      %eq3A_1949 = vector.broadcast %eq3A_1948 : i32 to vector<16xi32>
      %eq3A_1950 = arith.cmpi eq, %iota3A, %eq3A_1949 : vector<16xi32>
      %jit3A_1951 = arith.constant 0 : i32
      %broadcast_in_dim3A_1952 = vector.broadcast %jit3A_1951 : i32 to vector<16xi32>
      %select_n3A_1953 = arith.select %eq3A_1950, %get3A_816, %broadcast_in_dim3A_1952 : vector<16xi1>, vector<16xi32>
      %reduce_max3A_1954 = arith.constant true
      %reduce_max3A_1955 = vector.broadcast %reduce_max3A_1954 : i1 to vector<16xi1>
      %reduce_max3A_1956 = arith.constant -2147483648 : i32
      %reduce_max3A_1957 = vector.broadcast %reduce_max3A_1956 : i32 to vector<16xi32>
      %reduce_max3A_1958 = arith.xori %select_n3A_1953, %reduce_max3A_1957 : vector<16xi32>
      %reduce_max3A_1959 = tpu.scan <max>, %reduce_max3A_1958 masked %reduce_max3A_1955 : vector<16xi32>, vector<16xi1> -> vector<16xi32>
      %reduce_max3A_1960 = arith.xori %reduce_max3A_1959, %reduce_max3A_1957 : vector<16xi32>
      %reduce_max3A_1961 = vector.extract %reduce_max3A_1960[15] : i32 from vector<16xi32>
      %shift_right_arithmetic3A_1962 = arith.constant 3 : i32
      %shift_right_arithmetic3A_1963 = arith.shrsi %reduce_max3A_1961, %shift_right_arithmetic3A_1962 : i32
      %jit3A_1964 = arith.constant 2 : i32
      %eq3A_1965 = arith.constant 0 : i32
      %eq3A_1966 = arith.cmpi eq, %jit3A_1964, %eq3A_1965 : i32
      %jit3A_1967 = arith.constant 1 : i32
      %select_n3A_1968 = arith.select %eq3A_1966, %jit3A_1967, %jit3A_1964 : i32
      %rem3A_1969 = arith.remsi %scan3A_808, %select_n3A_1968 : i32
      %ne3A_1970 = arith.constant 0 : i32
      %ne3A_1971 = arith.cmpi ne, %rem3A_1969, %ne3A_1970 : i32
      %lt3A_1972 = arith.constant 0 : i32
      %lt3A_1973 = arith.cmpi slt, %rem3A_1969, %lt3A_1972 : i32
      %lt3A_1974 = arith.constant 0 : i32
      %lt3A_1975 = arith.cmpi slt, %select_n3A_1968, %lt3A_1974 : i32
      %ne3A_1976 = arith.xori %lt3A_1973, %lt3A_1975 : i1
      %and3A_1977 = arith.andi %ne3A_1976, %ne3A_1971 : i1
      %add3A_1978 = arith.addi %rem3A_1969, %select_n3A_1968 : i32
      %select_n3A_1979 = arith.select %and3A_1977, %add3A_1978, %rem3A_1969 : i32
      %multiple_of3A_1980 = arith.constant 120 : i32
      %multiple_of3A_1981 = tpu.assume_multiple %multiple_of3A_1980, 8 : i32
      %dma_start3A_1982 = arith.constant 0 : i32
      %dma_start3A_1983 = tpu.memref_slice %arg11[%select_n3A_1979, %multiple_of3A_1981, %dma_start3A_1982] : memref<2x128x64xf32, #tpu.memory_space<vmem>> -> memref<1x8x64xf32, #tpu.memory_space<vmem>>
      %dma_start3A_1984 = tpu.memref_squeeze %dma_start3A_1983 : memref<1x8x64xf32, #tpu.memory_space<vmem>> -> memref<8x64xf32, #tpu.memory_space<vmem>>
      %dma_start3A_1985 = arith.constant 0 : i32
      %dma_start3A_1986 = arith.constant 0 : i32
      %dma_start3A_1987 = tpu.memref_slice %arg4[%shift_right_arithmetic3A_1963, %dma_start3A_1985, %dma_start3A_1986] : memref<125000x8x64xf32, #tpu.memory_space<hbm>> -> memref<1x8x64xf32, #tpu.memory_space<hbm>>
      %dma_start3A_1988 = tpu.memref_squeeze %dma_start3A_1987 : memref<1x8x64xf32, #tpu.memory_space<hbm>> -> memref<8x64xf32, #tpu.memory_space<hbm>>
      %dma_start3A_1989 = arith.constant 0 : i32
      %dma_start3A_1990 = tpu.memref_slice %arg11[%select_n3A_1979, %multiple_of3A_1981, %dma_start3A_1989] : memref<2x128x64xf32, #tpu.memory_space<vmem>> -> memref<1x8x64xf32, #tpu.memory_space<vmem>>
      %dma_start3A_1991 = tpu.memref_squeeze %dma_start3A_1990 : memref<1x8x64xf32, #tpu.memory_space<vmem>> -> memref<8x64xf32, #tpu.memory_space<vmem>>
      %dma_start3A_1992 = arith.constant 0 : i32
      %dma_start3A_1993 = arith.constant 0 : i32
      %dma_start3A_1994 = tpu.memref_slice %arg4[%shift_right_arithmetic3A_1963, %dma_start3A_1992, %dma_start3A_1993] : memref<125000x8x64xf32, #tpu.memory_space<hbm>> -> memref<1x8x64xf32, #tpu.memory_space<hbm>>
      %dma_start3A_1995 = tpu.memref_squeeze %dma_start3A_1994 : memref<1x8x64xf32, #tpu.memory_space<hbm>> -> memref<8x64xf32, #tpu.memory_space<hbm>>
      tpu.enqueue_dma source(%dma_start3A_1995 : memref<8x64xf32, #tpu.memory_space<hbm>>) target(%dma_start3A_1991 : memref<8x64xf32, #tpu.memory_space<vmem>>) target_semaphore(%arg13 : memref<!tpu.dma_semaphore, #tpu.memory_space<semaphore_mem>>)
      %dma_wait3A_1996 = arith.constant 0 : i32
      %dma_wait3A_1997 = tpu.memref_slice %arg11[%select_n3A_1260, %multiple_of3A_1261, %dma_wait3A_1996] : memref<2x128x64xf32, #tpu.memory_space<vmem>> -> memref<1x8x64xf32, #tpu.memory_space<vmem>>
      %dma_wait3A_1998 = tpu.memref_squeeze %dma_wait3A_1997 : memref<1x8x64xf32, #tpu.memory_space<vmem>> -> memref<8x64xf32, #tpu.memory_space<vmem>>
      %dma_wait3A_1999 = arith.constant 0 : i32
      %dma_wait3A_2000 = arith.constant 0 : i32
      %dma_wait3A_2001 = tpu.memref_slice %arg4[%shift_right_arithmetic3A_1248, %dma_wait3A_1999, %dma_wait3A_2000] : memref<125000x8x64xf32, #tpu.memory_space<hbm>> -> memref<1x8x64xf32, #tpu.memory_space<hbm>>
      %dma_wait3A_2002 = tpu.memref_squeeze %dma_wait3A_2001 : memref<1x8x64xf32, #tpu.memory_space<hbm>> -> memref<8x64xf32, #tpu.memory_space<hbm>>
      %dma_wait3A_2003 = arith.constant 0 : i32
      %dma_wait3A_2004 = tpu.memref_slice %arg11[%select_n3A_1260, %multiple_of3A_1261, %dma_wait3A_2003] : memref<2x128x64xf32, #tpu.memory_space<vmem>> -> memref<1x8x64xf32, #tpu.memory_space<vmem>>
      %dma_wait3A_2005 = tpu.memref_squeeze %dma_wait3A_2004 : memref<1x8x64xf32, #tpu.memory_space<vmem>> -> memref<8x64xf32, #tpu.memory_space<vmem>>
      %dma_wait3A_2006 = arith.constant 0 : i32
      %dma_wait3A_2007 = arith.constant 0 : i32
      %dma_wait3A_2008 = tpu.memref_slice %arg4[%shift_right_arithmetic3A_1248, %dma_wait3A_2006, %dma_wait3A_2007] : memref<125000x8x64xf32, #tpu.memory_space<hbm>> -> memref<1x8x64xf32, #tpu.memory_space<hbm>>
      %dma_wait3A_2009 = tpu.memref_squeeze %dma_wait3A_2008 : memref<1x8x64xf32, #tpu.memory_space<hbm>> -> memref<8x64xf32, #tpu.memory_space<hbm>>
      tpu.wait_dma2 semaphore(%arg13 : memref<!tpu.dma_semaphore, #tpu.memory_space<semaphore_mem>>) src(%dma_wait3A_2009 : memref<8x64xf32, #tpu.memory_space<hbm>>) dst(%dma_wait3A_2005 : memref<8x64xf32, #tpu.memory_space<vmem>>)
      %dma_wait3A_2010 = arith.constant 0 : i32
      %dma_wait3A_2011 = tpu.memref_slice %arg11[%select_n3A_1307, %multiple_of3A_1309, %dma_wait3A_2010] : memref<2x128x64xf32, #tpu.memory_space<vmem>> -> memref<1x8x64xf32, #tpu.memory_space<vmem>>
      %dma_wait3A_2012 = tpu.memref_squeeze %dma_wait3A_2011 : memref<1x8x64xf32, #tpu.memory_space<vmem>> -> memref<8x64xf32, #tpu.memory_space<vmem>>
      %dma_wait3A_2013 = arith.constant 0 : i32
      %dma_wait3A_2014 = arith.constant 0 : i32
      %dma_wait3A_2015 = tpu.memref_slice %arg4[%shift_right_arithmetic3A_1291, %dma_wait3A_2013, %dma_wait3A_2014] : memref<125000x8x64xf32, #tpu.memory_space<hbm>> -> memref<1x8x64xf32, #tpu.memory_space<hbm>>
      %dma_wait3A_2016 = tpu.memref_squeeze %dma_wait3A_2015 : memref<1x8x64xf32, #tpu.memory_space<hbm>> -> memref<8x64xf32, #tpu.memory_space<hbm>>
      %dma_wait3A_2017 = arith.constant 0 : i32
      %dma_wait3A_2018 = tpu.memref_slice %arg11[%select_n3A_1307, %multiple_of3A_1309, %dma_wait3A_2017] : memref<2x128x64xf32, #tpu.memory_space<vmem>> -> memref<1x8x64xf32, #tpu.memory_space<vmem>>
      %dma_wait3A_2019 = tpu.memref_squeeze %dma_wait3A_2018 : memref<1x8x64xf32, #tpu.memory_space<vmem>> -> memref<8x64xf32, #tpu.memory_space<vmem>>
      %dma_wait3A_2020 = arith.constant 0 : i32
      %dma_wait3A_2021 = arith.constant 0 : i32
      %dma_wait3A_2022 = tpu.memref_slice %arg4[%shift_right_arithmetic3A_1291, %dma_wait3A_2020, %dma_wait3A_2021] : memref<125000x8x64xf32, #tpu.memory_space<hbm>> -> memref<1x8x64xf32, #tpu.memory_space<hbm>>
      %dma_wait3A_2023 = tpu.memref_squeeze %dma_wait3A_2022 : memref<1x8x64xf32, #tpu.memory_space<hbm>> -> memref<8x64xf32, #tpu.memory_space<hbm>>
      tpu.wait_dma2 semaphore(%arg13 : memref<!tpu.dma_semaphore, #tpu.memory_space<semaphore_mem>>) src(%dma_wait3A_2023 : memref<8x64xf32, #tpu.memory_space<hbm>>) dst(%dma_wait3A_2019 : memref<8x64xf32, #tpu.memory_space<vmem>>)
      %dma_wait3A_2024 = arith.constant 0 : i32
      %dma_wait3A_2025 = tpu.memref_slice %arg11[%select_n3A_1355, %multiple_of3A_1357, %dma_wait3A_2024] : memref<2x128x64xf32, #tpu.memory_space<vmem>> -> memref<1x8x64xf32, #tpu.memory_space<vmem>>
      %dma_wait3A_2026 = tpu.memref_squeeze %dma_wait3A_2025 : memref<1x8x64xf32, #tpu.memory_space<vmem>> -> memref<8x64xf32, #tpu.memory_space<vmem>>
      %dma_wait3A_2027 = arith.constant 0 : i32
      %dma_wait3A_2028 = arith.constant 0 : i32
      %dma_wait3A_2029 = tpu.memref_slice %arg4[%shift_right_arithmetic3A_1339, %dma_wait3A_2027, %dma_wait3A_2028] : memref<125000x8x64xf32, #tpu.memory_space<hbm>> -> memref<1x8x64xf32, #tpu.memory_space<hbm>>
      %dma_wait3A_2030 = tpu.memref_squeeze %dma_wait3A_2029 : memref<1x8x64xf32, #tpu.memory_space<hbm>> -> memref<8x64xf32, #tpu.memory_space<hbm>>
      %dma_wait3A_2031 = arith.constant 0 : i32
      %dma_wait3A_2032 = tpu.memref_slice %arg11[%select_n3A_1355, %multiple_of3A_1357, %dma_wait3A_2031] : memref<2x128x64xf32, #tpu.memory_space<vmem>> -> memref<1x8x64xf32, #tpu.memory_space<vmem>>
      %dma_wait3A_2033 = tpu.memref_squeeze %dma_wait3A_2032 : memref<1x8x64xf32, #tpu.memory_space<vmem>> -> memref<8x64xf32, #tpu.memory_space<vmem>>
      %dma_wait3A_2034 = arith.constant 0 : i32
      %dma_wait3A_2035 = arith.constant 0 : i32
      %dma_wait3A_2036 = tpu.memref_slice %arg4[%shift_right_arithmetic3A_1339, %dma_wait3A_2034, %dma_wait3A_2035] : memref<125000x8x64xf32, #tpu.memory_space<hbm>> -> memref<1x8x64xf32, #tpu.memory_space<hbm>>
      %dma_wait3A_2037 = tpu.memref_squeeze %dma_wait3A_2036 : memref<1x8x64xf32, #tpu.memory_space<hbm>> -> memref<8x64xf32, #tpu.memory_space<hbm>>
      tpu.wait_dma2 semaphore(%arg13 : memref<!tpu.dma_semaphore, #tpu.memory_space<semaphore_mem>>) src(%dma_wait3A_2037 : memref<8x64xf32, #tpu.memory_space<hbm>>) dst(%dma_wait3A_2033 : memref<8x64xf32, #tpu.memory_space<vmem>>)
      %dma_wait3A_2038 = arith.constant 0 : i32
      %dma_wait3A_2039 = tpu.memref_slice %arg11[%select_n3A_1403, %multiple_of3A_1405, %dma_wait3A_2038] : memref<2x128x64xf32, #tpu.memory_space<vmem>> -> memref<1x8x64xf32, #tpu.memory_space<vmem>>
      %dma_wait3A_2040 = tpu.memref_squeeze %dma_wait3A_2039 : memref<1x8x64xf32, #tpu.memory_space<vmem>> -> memref<8x64xf32, #tpu.memory_space<vmem>>
      %dma_wait3A_2041 = arith.constant 0 : i32
      %dma_wait3A_2042 = arith.constant 0 : i32
      %dma_wait3A_2043 = tpu.memref_slice %arg4[%shift_right_arithmetic3A_1387, %dma_wait3A_2041, %dma_wait3A_2042] : memref<125000x8x64xf32, #tpu.memory_space<hbm>> -> memref<1x8x64xf32, #tpu.memory_space<hbm>>
      %dma_wait3A_2044 = tpu.memref_squeeze %dma_wait3A_2043 : memref<1x8x64xf32, #tpu.memory_space<hbm>> -> memref<8x64xf32, #tpu.memory_space<hbm>>
      %dma_wait3A_2045 = arith.constant 0 : i32
      %dma_wait3A_2046 = tpu.memref_slice %arg11[%select_n3A_1403, %multiple_of3A_1405, %dma_wait3A_2045] : memref<2x128x64xf32, #tpu.memory_space<vmem>> -> memref<1x8x64xf32, #tpu.memory_space<vmem>>
      %dma_wait3A_2047 = tpu.memref_squeeze %dma_wait3A_2046 : memref<1x8x64xf32, #tpu.memory_space<vmem>> -> memref<8x64xf32, #tpu.memory_space<vmem>>
      %dma_wait3A_2048 = arith.constant 0 : i32
      %dma_wait3A_2049 = arith.constant 0 : i32
      %dma_wait3A_2050 = tpu.memref_slice %arg4[%shift_right_arithmetic3A_1387, %dma_wait3A_2048, %dma_wait3A_2049] : memref<125000x8x64xf32, #tpu.memory_space<hbm>> -> memref<1x8x64xf32, #tpu.memory_space<hbm>>
      %dma_wait3A_2051 = tpu.memref_squeeze %dma_wait3A_2050 : memref<1x8x64xf32, #tpu.memory_space<hbm>> -> memref<8x64xf32, #tpu.memory_space<hbm>>
      tpu.wait_dma2 semaphore(%arg13 : memref<!tpu.dma_semaphore, #tpu.memory_space<semaphore_mem>>) src(%dma_wait3A_2051 : memref<8x64xf32, #tpu.memory_space<hbm>>) dst(%dma_wait3A_2047 : memref<8x64xf32, #tpu.memory_space<vmem>>)
      %dma_wait3A_2052 = arith.constant 0 : i32
      %dma_wait3A_2053 = tpu.memref_slice %arg11[%select_n3A_1451, %multiple_of3A_1453, %dma_wait3A_2052] : memref<2x128x64xf32, #tpu.memory_space<vmem>> -> memref<1x8x64xf32, #tpu.memory_space<vmem>>
      %dma_wait3A_2054 = tpu.memref_squeeze %dma_wait3A_2053 : memref<1x8x64xf32, #tpu.memory_space<vmem>> -> memref<8x64xf32, #tpu.memory_space<vmem>>
      %dma_wait3A_2055 = arith.constant 0 : i32
      %dma_wait3A_2056 = arith.constant 0 : i32
      %dma_wait3A_2057 = tpu.memref_slice %arg4[%shift_right_arithmetic3A_1435, %dma_wait3A_2055, %dma_wait3A_2056] : memref<125000x8x64xf32, #tpu.memory_space<hbm>> -> memref<1x8x64xf32, #tpu.memory_space<hbm>>
      %dma_wait3A_2058 = tpu.memref_squeeze %dma_wait3A_2057 : memref<1x8x64xf32, #tpu.memory_space<hbm>> -> memref<8x64xf32, #tpu.memory_space<hbm>>
      %dma_wait3A_2059 = arith.constant 0 : i32
      %dma_wait3A_2060 = tpu.memref_slice %arg11[%select_n3A_1451, %multiple_of3A_1453, %dma_wait3A_2059] : memref<2x128x64xf32, #tpu.memory_space<vmem>> -> memref<1x8x64xf32, #tpu.memory_space<vmem>>
      %dma_wait3A_2061 = tpu.memref_squeeze %dma_wait3A_2060 : memref<1x8x64xf32, #tpu.memory_space<vmem>> -> memref<8x64xf32, #tpu.memory_space<vmem>>
      %dma_wait3A_2062 = arith.constant 0 : i32
      %dma_wait3A_2063 = arith.constant 0 : i32
      %dma_wait3A_2064 = tpu.memref_slice %arg4[%shift_right_arithmetic3A_1435, %dma_wait3A_2062, %dma_wait3A_2063] : memref<125000x8x64xf32, #tpu.memory_space<hbm>> -> memref<1x8x64xf32, #tpu.memory_space<hbm>>
      %dma_wait3A_2065 = tpu.memref_squeeze %dma_wait3A_2064 : memref<1x8x64xf32, #tpu.memory_space<hbm>> -> memref<8x64xf32, #tpu.memory_space<hbm>>
      tpu.wait_dma2 semaphore(%arg13 : memref<!tpu.dma_semaphore, #tpu.memory_space<semaphore_mem>>) src(%dma_wait3A_2065 : memref<8x64xf32, #tpu.memory_space<hbm>>) dst(%dma_wait3A_2061 : memref<8x64xf32, #tpu.memory_space<vmem>>)
      %dma_wait3A_2066 = arith.constant 0 : i32
      %dma_wait3A_2067 = tpu.memref_slice %arg11[%select_n3A_1499, %multiple_of3A_1501, %dma_wait3A_2066] : memref<2x128x64xf32, #tpu.memory_space<vmem>> -> memref<1x8x64xf32, #tpu.memory_space<vmem>>
      %dma_wait3A_2068 = tpu.memref_squeeze %dma_wait3A_2067 : memref<1x8x64xf32, #tpu.memory_space<vmem>> -> memref<8x64xf32, #tpu.memory_space<vmem>>
      %dma_wait3A_2069 = arith.constant 0 : i32
      %dma_wait3A_2070 = arith.constant 0 : i32
      %dma_wait3A_2071 = tpu.memref_slice %arg4[%shift_right_arithmetic3A_1483, %dma_wait3A_2069, %dma_wait3A_2070] : memref<125000x8x64xf32, #tpu.memory_space<hbm>> -> memref<1x8x64xf32, #tpu.memory_space<hbm>>
      %dma_wait3A_2072 = tpu.memref_squeeze %dma_wait3A_2071 : memref<1x8x64xf32, #tpu.memory_space<hbm>> -> memref<8x64xf32, #tpu.memory_space<hbm>>
      %dma_wait3A_2073 = arith.constant 0 : i32
      %dma_wait3A_2074 = tpu.memref_slice %arg11[%select_n3A_1499, %multiple_of3A_1501, %dma_wait3A_2073] : memref<2x128x64xf32, #tpu.memory_space<vmem>> -> memref<1x8x64xf32, #tpu.memory_space<vmem>>
      %dma_wait3A_2075 = tpu.memref_squeeze %dma_wait3A_2074 : memref<1x8x64xf32, #tpu.memory_space<vmem>> -> memref<8x64xf32, #tpu.memory_space<vmem>>
      %dma_wait3A_2076 = arith.constant 0 : i32
      %dma_wait3A_2077 = arith.constant 0 : i32
      %dma_wait3A_2078 = tpu.memref_slice %arg4[%shift_right_arithmetic3A_1483, %dma_wait3A_2076, %dma_wait3A_2077] : memref<125000x8x64xf32, #tpu.memory_space<hbm>> -> memref<1x8x64xf32, #tpu.memory_space<hbm>>
      %dma_wait3A_2079 = tpu.memref_squeeze %dma_wait3A_2078 : memref<1x8x64xf32, #tpu.memory_space<hbm>> -> memref<8x64xf32, #tpu.memory_space<hbm>>
      tpu.wait_dma2 semaphore(%arg13 : memref<!tpu.dma_semaphore, #tpu.memory_space<semaphore_mem>>) src(%dma_wait3A_2079 : memref<8x64xf32, #tpu.memory_space<hbm>>) dst(%dma_wait3A_2075 : memref<8x64xf32, #tpu.memory_space<vmem>>)
      %dma_wait3A_2080 = arith.constant 0 : i32
      %dma_wait3A_2081 = tpu.memref_slice %arg11[%select_n3A_1547, %multiple_of3A_1549, %dma_wait3A_2080] : memref<2x128x64xf32, #tpu.memory_space<vmem>> -> memref<1x8x64xf32, #tpu.memory_space<vmem>>
      %dma_wait3A_2082 = tpu.memref_squeeze %dma_wait3A_2081 : memref<1x8x64xf32, #tpu.memory_space<vmem>> -> memref<8x64xf32, #tpu.memory_space<vmem>>
      %dma_wait3A_2083 = arith.constant 0 : i32
      %dma_wait3A_2084 = arith.constant 0 : i32
      %dma_wait3A_2085 = tpu.memref_slice %arg4[%shift_right_arithmetic3A_1531, %dma_wait3A_2083, %dma_wait3A_2084] : memref<125000x8x64xf32, #tpu.memory_space<hbm>> -> memref<1x8x64xf32, #tpu.memory_space<hbm>>
      %dma_wait3A_2086 = tpu.memref_squeeze %dma_wait3A_2085 : memref<1x8x64xf32, #tpu.memory_space<hbm>> -> memref<8x64xf32, #tpu.memory_space<hbm>>
      %dma_wait3A_2087 = arith.constant 0 : i32
      %dma_wait3A_2088 = tpu.memref_slice %arg11[%select_n3A_1547, %multiple_of3A_1549, %dma_wait3A_2087] : memref<2x128x64xf32, #tpu.memory_space<vmem>> -> memref<1x8x64xf32, #tpu.memory_space<vmem>>
      %dma_wait3A_2089 = tpu.memref_squeeze %dma_wait3A_2088 : memref<1x8x64xf32, #tpu.memory_space<vmem>> -> memref<8x64xf32, #tpu.memory_space<vmem>>
      %dma_wait3A_2090 = arith.constant 0 : i32
      %dma_wait3A_2091 = arith.constant 0 : i32
      %dma_wait3A_2092 = tpu.memref_slice %arg4[%shift_right_arithmetic3A_1531, %dma_wait3A_2090, %dma_wait3A_2091] : memref<125000x8x64xf32, #tpu.memory_space<hbm>> -> memref<1x8x64xf32, #tpu.memory_space<hbm>>
      %dma_wait3A_2093 = tpu.memref_squeeze %dma_wait3A_2092 : memref<1x8x64xf32, #tpu.memory_space<hbm>> -> memref<8x64xf32, #tpu.memory_space<hbm>>
      tpu.wait_dma2 semaphore(%arg13 : memref<!tpu.dma_semaphore, #tpu.memory_space<semaphore_mem>>) src(%dma_wait3A_2093 : memref<8x64xf32, #tpu.memory_space<hbm>>) dst(%dma_wait3A_2089 : memref<8x64xf32, #tpu.memory_space<vmem>>)
      %dma_wait3A_2094 = arith.constant 0 : i32
      %dma_wait3A_2095 = tpu.memref_slice %arg11[%select_n3A_1595, %multiple_of3A_1597, %dma_wait3A_2094] : memref<2x128x64xf32, #tpu.memory_space<vmem>> -> memref<1x8x64xf32, #tpu.memory_space<vmem>>
      %dma_wait3A_2096 = tpu.memref_squeeze %dma_wait3A_2095 : memref<1x8x64xf32, #tpu.memory_space<vmem>> -> memref<8x64xf32, #tpu.memory_space<vmem>>
      %dma_wait3A_2097 = arith.constant 0 : i32
      %dma_wait3A_2098 = arith.constant 0 : i32
      %dma_wait3A_2099 = tpu.memref_slice %arg4[%shift_right_arithmetic3A_1579, %dma_wait3A_2097, %dma_wait3A_2098] : memref<125000x8x64xf32, #tpu.memory_space<hbm>> -> memref<1x8x64xf32, #tpu.memory_space<hbm>>
      %dma_wait3A_2100 = tpu.memref_squeeze %dma_wait3A_2099 : memref<1x8x64xf32, #tpu.memory_space<hbm>> -> memref<8x64xf32, #tpu.memory_space<hbm>>
      %dma_wait3A_2101 = arith.constant 0 : i32
      %dma_wait3A_2102 = tpu.memref_slice %arg11[%select_n3A_1595, %multiple_of3A_1597, %dma_wait3A_2101] : memref<2x128x64xf32, #tpu.memory_space<vmem>> -> memref<1x8x64xf32, #tpu.memory_space<vmem>>
      %dma_wait3A_2103 = tpu.memref_squeeze %dma_wait3A_2102 : memref<1x8x64xf32, #tpu.memory_space<vmem>> -> memref<8x64xf32, #tpu.memory_space<vmem>>
      %dma_wait3A_2104 = arith.constant 0 : i32
      %dma_wait3A_2105 = arith.constant 0 : i32
      %dma_wait3A_2106 = tpu.memref_slice %arg4[%shift_right_arithmetic3A_1579, %dma_wait3A_2104, %dma_wait3A_2105] : memref<125000x8x64xf32, #tpu.memory_space<hbm>> -> memref<1x8x64xf32, #tpu.memory_space<hbm>>
      %dma_wait3A_2107 = tpu.memref_squeeze %dma_wait3A_2106 : memref<1x8x64xf32, #tpu.memory_space<hbm>> -> memref<8x64xf32, #tpu.memory_space<hbm>>
      tpu.wait_dma2 semaphore(%arg13 : memref<!tpu.dma_semaphore, #tpu.memory_space<semaphore_mem>>) src(%dma_wait3A_2107 : memref<8x64xf32, #tpu.memory_space<hbm>>) dst(%dma_wait3A_2103 : memref<8x64xf32, #tpu.memory_space<vmem>>)
      %dma_wait3A_2108 = arith.constant 0 : i32
      %dma_wait3A_2109 = tpu.memref_slice %arg11[%select_n3A_1643, %multiple_of3A_1645, %dma_wait3A_2108] : memref<2x128x64xf32, #tpu.memory_space<vmem>> -> memref<1x8x64xf32, #tpu.memory_space<vmem>>
      %dma_wait3A_2110 = tpu.memref_squeeze %dma_wait3A_2109 : memref<1x8x64xf32, #tpu.memory_space<vmem>> -> memref<8x64xf32, #tpu.memory_space<vmem>>
      %dma_wait3A_2111 = arith.constant 0 : i32
      %dma_wait3A_2112 = arith.constant 0 : i32
      %dma_wait3A_2113 = tpu.memref_slice %arg4[%shift_right_arithmetic3A_1627, %dma_wait3A_2111, %dma_wait3A_2112] : memref<125000x8x64xf32, #tpu.memory_space<hbm>> -> memref<1x8x64xf32, #tpu.memory_space<hbm>>
      %dma_wait3A_2114 = tpu.memref_squeeze %dma_wait3A_2113 : memref<1x8x64xf32, #tpu.memory_space<hbm>> -> memref<8x64xf32, #tpu.memory_space<hbm>>
      %dma_wait3A_2115 = arith.constant 0 : i32
      %dma_wait3A_2116 = tpu.memref_slice %arg11[%select_n3A_1643, %multiple_of3A_1645, %dma_wait3A_2115] : memref<2x128x64xf32, #tpu.memory_space<vmem>> -> memref<1x8x64xf32, #tpu.memory_space<vmem>>
      %dma_wait3A_2117 = tpu.memref_squeeze %dma_wait3A_2116 : memref<1x8x64xf32, #tpu.memory_space<vmem>> -> memref<8x64xf32, #tpu.memory_space<vmem>>
      %dma_wait3A_2118 = arith.constant 0 : i32
      %dma_wait3A_2119 = arith.constant 0 : i32
      %dma_wait3A_2120 = tpu.memref_slice %arg4[%shift_right_arithmetic3A_1627, %dma_wait3A_2118, %dma_wait3A_2119] : memref<125000x8x64xf32, #tpu.memory_space<hbm>> -> memref<1x8x64xf32, #tpu.memory_space<hbm>>
      %dma_wait3A_2121 = tpu.memref_squeeze %dma_wait3A_2120 : memref<1x8x64xf32, #tpu.memory_space<hbm>> -> memref<8x64xf32, #tpu.memory_space<hbm>>
      tpu.wait_dma2 semaphore(%arg13 : memref<!tpu.dma_semaphore, #tpu.memory_space<semaphore_mem>>) src(%dma_wait3A_2121 : memref<8x64xf32, #tpu.memory_space<hbm>>) dst(%dma_wait3A_2117 : memref<8x64xf32, #tpu.memory_space<vmem>>)
      %dma_wait3A_2122 = arith.constant 0 : i32
      %dma_wait3A_2123 = tpu.memref_slice %arg11[%select_n3A_1691, %multiple_of3A_1693, %dma_wait3A_2122] : memref<2x128x64xf32, #tpu.memory_space<vmem>> -> memref<1x8x64xf32, #tpu.memory_space<vmem>>
      %dma_wait3A_2124 = tpu.memref_squeeze %dma_wait3A_2123 : memref<1x8x64xf32, #tpu.memory_space<vmem>> -> memref<8x64xf32, #tpu.memory_space<vmem>>
      %dma_wait3A_2125 = arith.constant 0 : i32
      %dma_wait3A_2126 = arith.constant 0 : i32
      %dma_wait3A_2127 = tpu.memref_slice %arg4[%shift_right_arithmetic3A_1675, %dma_wait3A_2125, %dma_wait3A_2126] : memref<125000x8x64xf32, #tpu.memory_space<hbm>> -> memref<1x8x64xf32, #tpu.memory_space<hbm>>
      %dma_wait3A_2128 = tpu.memref_squeeze %dma_wait3A_2127 : memref<1x8x64xf32, #tpu.memory_space<hbm>> -> memref<8x64xf32, #tpu.memory_space<hbm>>
      %dma_wait3A_2129 = arith.constant 0 : i32
      %dma_wait3A_2130 = tpu.memref_slice %arg11[%select_n3A_1691, %multiple_of3A_1693, %dma_wait3A_2129] : memref<2x128x64xf32, #tpu.memory_space<vmem>> -> memref<1x8x64xf32, #tpu.memory_space<vmem>>
      %dma_wait3A_2131 = tpu.memref_squeeze %dma_wait3A_2130 : memref<1x8x64xf32, #tpu.memory_space<vmem>> -> memref<8x64xf32, #tpu.memory_space<vmem>>
      %dma_wait3A_2132 = arith.constant 0 : i32
      %dma_wait3A_2133 = arith.constant 0 : i32
      %dma_wait3A_2134 = tpu.memref_slice %arg4[%shift_right_arithmetic3A_1675, %dma_wait3A_2132, %dma_wait3A_2133] : memref<125000x8x64xf32, #tpu.memory_space<hbm>> -> memref<1x8x64xf32, #tpu.memory_space<hbm>>
      %dma_wait3A_2135 = tpu.memref_squeeze %dma_wait3A_2134 : memref<1x8x64xf32, #tpu.memory_space<hbm>> -> memref<8x64xf32, #tpu.memory_space<hbm>>
      tpu.wait_dma2 semaphore(%arg13 : memref<!tpu.dma_semaphore, #tpu.memory_space<semaphore_mem>>) src(%dma_wait3A_2135 : memref<8x64xf32, #tpu.memory_space<hbm>>) dst(%dma_wait3A_2131 : memref<8x64xf32, #tpu.memory_space<vmem>>)
      %dma_wait3A_2136 = arith.constant 0 : i32
      %dma_wait3A_2137 = tpu.memref_slice %arg11[%select_n3A_1739, %multiple_of3A_1741, %dma_wait3A_2136] : memref<2x128x64xf32, #tpu.memory_space<vmem>> -> memref<1x8x64xf32, #tpu.memory_space<vmem>>
      %dma_wait3A_2138 = tpu.memref_squeeze %dma_wait3A_2137 : memref<1x8x64xf32, #tpu.memory_space<vmem>> -> memref<8x64xf32, #tpu.memory_space<vmem>>
      %dma_wait3A_2139 = arith.constant 0 : i32
      %dma_wait3A_2140 = arith.constant 0 : i32
      %dma_wait3A_2141 = tpu.memref_slice %arg4[%shift_right_arithmetic3A_1723, %dma_wait3A_2139, %dma_wait3A_2140] : memref<125000x8x64xf32, #tpu.memory_space<hbm>> -> memref<1x8x64xf32, #tpu.memory_space<hbm>>
      %dma_wait3A_2142 = tpu.memref_squeeze %dma_wait3A_2141 : memref<1x8x64xf32, #tpu.memory_space<hbm>> -> memref<8x64xf32, #tpu.memory_space<hbm>>
      %dma_wait3A_2143 = arith.constant 0 : i32
      %dma_wait3A_2144 = tpu.memref_slice %arg11[%select_n3A_1739, %multiple_of3A_1741, %dma_wait3A_2143] : memref<2x128x64xf32, #tpu.memory_space<vmem>> -> memref<1x8x64xf32, #tpu.memory_space<vmem>>
      %dma_wait3A_2145 = tpu.memref_squeeze %dma_wait3A_2144 : memref<1x8x64xf32, #tpu.memory_space<vmem>> -> memref<8x64xf32, #tpu.memory_space<vmem>>
      %dma_wait3A_2146 = arith.constant 0 : i32
      %dma_wait3A_2147 = arith.constant 0 : i32
      %dma_wait3A_2148 = tpu.memref_slice %arg4[%shift_right_arithmetic3A_1723, %dma_wait3A_2146, %dma_wait3A_2147] : memref<125000x8x64xf32, #tpu.memory_space<hbm>> -> memref<1x8x64xf32, #tpu.memory_space<hbm>>
      %dma_wait3A_2149 = tpu.memref_squeeze %dma_wait3A_2148 : memref<1x8x64xf32, #tpu.memory_space<hbm>> -> memref<8x64xf32, #tpu.memory_space<hbm>>
      tpu.wait_dma2 semaphore(%arg13 : memref<!tpu.dma_semaphore, #tpu.memory_space<semaphore_mem>>) src(%dma_wait3A_2149 : memref<8x64xf32, #tpu.memory_space<hbm>>) dst(%dma_wait3A_2145 : memref<8x64xf32, #tpu.memory_space<vmem>>)
      %dma_wait3A_2150 = arith.constant 0 : i32
      %dma_wait3A_2151 = tpu.memref_slice %arg11[%select_n3A_1787, %multiple_of3A_1789, %dma_wait3A_2150] : memref<2x128x64xf32, #tpu.memory_space<vmem>> -> memref<1x8x64xf32, #tpu.memory_space<vmem>>
      %dma_wait3A_2152 = tpu.memref_squeeze %dma_wait3A_2151 : memref<1x8x64xf32, #tpu.memory_space<vmem>> -> memref<8x64xf32, #tpu.memory_space<vmem>>
      %dma_wait3A_2153 = arith.constant 0 : i32
      %dma_wait3A_2154 = arith.constant 0 : i32
      %dma_wait3A_2155 = tpu.memref_slice %arg4[%shift_right_arithmetic3A_1771, %dma_wait3A_2153, %dma_wait3A_2154] : memref<125000x8x64xf32, #tpu.memory_space<hbm>> -> memref<1x8x64xf32, #tpu.memory_space<hbm>>
      %dma_wait3A_2156 = tpu.memref_squeeze %dma_wait3A_2155 : memref<1x8x64xf32, #tpu.memory_space<hbm>> -> memref<8x64xf32, #tpu.memory_space<hbm>>
      %dma_wait3A_2157 = arith.constant 0 : i32
      %dma_wait3A_2158 = tpu.memref_slice %arg11[%select_n3A_1787, %multiple_of3A_1789, %dma_wait3A_2157] : memref<2x128x64xf32, #tpu.memory_space<vmem>> -> memref<1x8x64xf32, #tpu.memory_space<vmem>>
      %dma_wait3A_2159 = tpu.memref_squeeze %dma_wait3A_2158 : memref<1x8x64xf32, #tpu.memory_space<vmem>> -> memref<8x64xf32, #tpu.memory_space<vmem>>
      %dma_wait3A_2160 = arith.constant 0 : i32
      %dma_wait3A_2161 = arith.constant 0 : i32
      %dma_wait3A_2162 = tpu.memref_slice %arg4[%shift_right_arithmetic3A_1771, %dma_wait3A_2160, %dma_wait3A_2161] : memref<125000x8x64xf32, #tpu.memory_space<hbm>> -> memref<1x8x64xf32, #tpu.memory_space<hbm>>
      %dma_wait3A_2163 = tpu.memref_squeeze %dma_wait3A_2162 : memref<1x8x64xf32, #tpu.memory_space<hbm>> -> memref<8x64xf32, #tpu.memory_space<hbm>>
      tpu.wait_dma2 semaphore(%arg13 : memref<!tpu.dma_semaphore, #tpu.memory_space<semaphore_mem>>) src(%dma_wait3A_2163 : memref<8x64xf32, #tpu.memory_space<hbm>>) dst(%dma_wait3A_2159 : memref<8x64xf32, #tpu.memory_space<vmem>>)
      %dma_wait3A_2164 = arith.constant 0 : i32
      %dma_wait3A_2165 = tpu.memref_slice %arg11[%select_n3A_1835, %multiple_of3A_1837, %dma_wait3A_2164] : memref<2x128x64xf32, #tpu.memory_space<vmem>> -> memref<1x8x64xf32, #tpu.memory_space<vmem>>
      %dma_wait3A_2166 = tpu.memref_squeeze %dma_wait3A_2165 : memref<1x8x64xf32, #tpu.memory_space<vmem>> -> memref<8x64xf32, #tpu.memory_space<vmem>>
      %dma_wait3A_2167 = arith.constant 0 : i32
      %dma_wait3A_2168 = arith.constant 0 : i32
      %dma_wait3A_2169 = tpu.memref_slice %arg4[%shift_right_arithmetic3A_1819, %dma_wait3A_2167, %dma_wait3A_2168] : memref<125000x8x64xf32, #tpu.memory_space<hbm>> -> memref<1x8x64xf32, #tpu.memory_space<hbm>>
      %dma_wait3A_2170 = tpu.memref_squeeze %dma_wait3A_2169 : memref<1x8x64xf32, #tpu.memory_space<hbm>> -> memref<8x64xf32, #tpu.memory_space<hbm>>
      %dma_wait3A_2171 = arith.constant 0 : i32
      %dma_wait3A_2172 = tpu.memref_slice %arg11[%select_n3A_1835, %multiple_of3A_1837, %dma_wait3A_2171] : memref<2x128x64xf32, #tpu.memory_space<vmem>> -> memref<1x8x64xf32, #tpu.memory_space<vmem>>
      %dma_wait3A_2173 = tpu.memref_squeeze %dma_wait3A_2172 : memref<1x8x64xf32, #tpu.memory_space<vmem>> -> memref<8x64xf32, #tpu.memory_space<vmem>>
      %dma_wait3A_2174 = arith.constant 0 : i32
      %dma_wait3A_2175 = arith.constant 0 : i32
      %dma_wait3A_2176 = tpu.memref_slice %arg4[%shift_right_arithmetic3A_1819, %dma_wait3A_2174, %dma_wait3A_2175] : memref<125000x8x64xf32, #tpu.memory_space<hbm>> -> memref<1x8x64xf32, #tpu.memory_space<hbm>>
      %dma_wait3A_2177 = tpu.memref_squeeze %dma_wait3A_2176 : memref<1x8x64xf32, #tpu.memory_space<hbm>> -> memref<8x64xf32, #tpu.memory_space<hbm>>
      tpu.wait_dma2 semaphore(%arg13 : memref<!tpu.dma_semaphore, #tpu.memory_space<semaphore_mem>>) src(%dma_wait3A_2177 : memref<8x64xf32, #tpu.memory_space<hbm>>) dst(%dma_wait3A_2173 : memref<8x64xf32, #tpu.memory_space<vmem>>)
      %dma_wait3A_2178 = arith.constant 0 : i32
      %dma_wait3A_2179 = tpu.memref_slice %arg11[%select_n3A_1883, %multiple_of3A_1885, %dma_wait3A_2178] : memref<2x128x64xf32, #tpu.memory_space<vmem>> -> memref<1x8x64xf32, #tpu.memory_space<vmem>>
      %dma_wait3A_2180 = tpu.memref_squeeze %dma_wait3A_2179 : memref<1x8x64xf32, #tpu.memory_space<vmem>> -> memref<8x64xf32, #tpu.memory_space<vmem>>
      %dma_wait3A_2181 = arith.constant 0 : i32
      %dma_wait3A_2182 = arith.constant 0 : i32
      %dma_wait3A_2183 = tpu.memref_slice %arg4[%shift_right_arithmetic3A_1867, %dma_wait3A_2181, %dma_wait3A_2182] : memref<125000x8x64xf32, #tpu.memory_space<hbm>> -> memref<1x8x64xf32, #tpu.memory_space<hbm>>
      %dma_wait3A_2184 = tpu.memref_squeeze %dma_wait3A_2183 : memref<1x8x64xf32, #tpu.memory_space<hbm>> -> memref<8x64xf32, #tpu.memory_space<hbm>>
      %dma_wait3A_2185 = arith.constant 0 : i32
      %dma_wait3A_2186 = tpu.memref_slice %arg11[%select_n3A_1883, %multiple_of3A_1885, %dma_wait3A_2185] : memref<2x128x64xf32, #tpu.memory_space<vmem>> -> memref<1x8x64xf32, #tpu.memory_space<vmem>>
      %dma_wait3A_2187 = tpu.memref_squeeze %dma_wait3A_2186 : memref<1x8x64xf32, #tpu.memory_space<vmem>> -> memref<8x64xf32, #tpu.memory_space<vmem>>
      %dma_wait3A_2188 = arith.constant 0 : i32
      %dma_wait3A_2189 = arith.constant 0 : i32
      %dma_wait3A_2190 = tpu.memref_slice %arg4[%shift_right_arithmetic3A_1867, %dma_wait3A_2188, %dma_wait3A_2189] : memref<125000x8x64xf32, #tpu.memory_space<hbm>> -> memref<1x8x64xf32, #tpu.memory_space<hbm>>
      %dma_wait3A_2191 = tpu.memref_squeeze %dma_wait3A_2190 : memref<1x8x64xf32, #tpu.memory_space<hbm>> -> memref<8x64xf32, #tpu.memory_space<hbm>>
      tpu.wait_dma2 semaphore(%arg13 : memref<!tpu.dma_semaphore, #tpu.memory_space<semaphore_mem>>) src(%dma_wait3A_2191 : memref<8x64xf32, #tpu.memory_space<hbm>>) dst(%dma_wait3A_2187 : memref<8x64xf32, #tpu.memory_space<vmem>>)
      %dma_wait3A_2192 = arith.constant 0 : i32
      %dma_wait3A_2193 = tpu.memref_slice %arg11[%select_n3A_1931, %multiple_of3A_1933, %dma_wait3A_2192] : memref<2x128x64xf32, #tpu.memory_space<vmem>> -> memref<1x8x64xf32, #tpu.memory_space<vmem>>
      %dma_wait3A_2194 = tpu.memref_squeeze %dma_wait3A_2193 : memref<1x8x64xf32, #tpu.memory_space<vmem>> -> memref<8x64xf32, #tpu.memory_space<vmem>>
      %dma_wait3A_2195 = arith.constant 0 : i32
      %dma_wait3A_2196 = arith.constant 0 : i32
      %dma_wait3A_2197 = tpu.memref_slice %arg4[%shift_right_arithmetic3A_1915, %dma_wait3A_2195, %dma_wait3A_2196] : memref<125000x8x64xf32, #tpu.memory_space<hbm>> -> memref<1x8x64xf32, #tpu.memory_space<hbm>>
      %dma_wait3A_2198 = tpu.memref_squeeze %dma_wait3A_2197 : memref<1x8x64xf32, #tpu.memory_space<hbm>> -> memref<8x64xf32, #tpu.memory_space<hbm>>
      %dma_wait3A_2199 = arith.constant 0 : i32
      %dma_wait3A_2200 = tpu.memref_slice %arg11[%select_n3A_1931, %multiple_of3A_1933, %dma_wait3A_2199] : memref<2x128x64xf32, #tpu.memory_space<vmem>> -> memref<1x8x64xf32, #tpu.memory_space<vmem>>
      %dma_wait3A_2201 = tpu.memref_squeeze %dma_wait3A_2200 : memref<1x8x64xf32, #tpu.memory_space<vmem>> -> memref<8x64xf32, #tpu.memory_space<vmem>>
      %dma_wait3A_2202 = arith.constant 0 : i32
      %dma_wait3A_2203 = arith.constant 0 : i32
      %dma_wait3A_2204 = tpu.memref_slice %arg4[%shift_right_arithmetic3A_1915, %dma_wait3A_2202, %dma_wait3A_2203] : memref<125000x8x64xf32, #tpu.memory_space<hbm>> -> memref<1x8x64xf32, #tpu.memory_space<hbm>>
      %dma_wait3A_2205 = tpu.memref_squeeze %dma_wait3A_2204 : memref<1x8x64xf32, #tpu.memory_space<hbm>> -> memref<8x64xf32, #tpu.memory_space<hbm>>
      tpu.wait_dma2 semaphore(%arg13 : memref<!tpu.dma_semaphore, #tpu.memory_space<semaphore_mem>>) src(%dma_wait3A_2205 : memref<8x64xf32, #tpu.memory_space<hbm>>) dst(%dma_wait3A_2201 : memref<8x64xf32, #tpu.memory_space<vmem>>)
      %dma_wait3A_2206 = arith.constant 0 : i32
      %dma_wait3A_2207 = tpu.memref_slice %arg11[%select_n3A_1979, %multiple_of3A_1981, %dma_wait3A_2206] : memref<2x128x64xf32, #tpu.memory_space<vmem>> -> memref<1x8x64xf32, #tpu.memory_space<vmem>>
      %dma_wait3A_2208 = tpu.memref_squeeze %dma_wait3A_2207 : memref<1x8x64xf32, #tpu.memory_space<vmem>> -> memref<8x64xf32, #tpu.memory_space<vmem>>
      %dma_wait3A_2209 = arith.constant 0 : i32
      %dma_wait3A_2210 = arith.constant 0 : i32
      %dma_wait3A_2211 = tpu.memref_slice %arg4[%shift_right_arithmetic3A_1963, %dma_wait3A_2209, %dma_wait3A_2210] : memref<125000x8x64xf32, #tpu.memory_space<hbm>> -> memref<1x8x64xf32, #tpu.memory_space<hbm>>
      %dma_wait3A_2212 = tpu.memref_squeeze %dma_wait3A_2211 : memref<1x8x64xf32, #tpu.memory_space<hbm>> -> memref<8x64xf32, #tpu.memory_space<hbm>>
      %dma_wait3A_2213 = arith.constant 0 : i32
      %dma_wait3A_2214 = tpu.memref_slice %arg11[%select_n3A_1979, %multiple_of3A_1981, %dma_wait3A_2213] : memref<2x128x64xf32, #tpu.memory_space<vmem>> -> memref<1x8x64xf32, #tpu.memory_space<vmem>>
      %dma_wait3A_2215 = tpu.memref_squeeze %dma_wait3A_2214 : memref<1x8x64xf32, #tpu.memory_space<vmem>> -> memref<8x64xf32, #tpu.memory_space<vmem>>
      %dma_wait3A_2216 = arith.constant 0 : i32
      %dma_wait3A_2217 = arith.constant 0 : i32
      %dma_wait3A_2218 = tpu.memref_slice %arg4[%shift_right_arithmetic3A_1963, %dma_wait3A_2216, %dma_wait3A_2217] : memref<125000x8x64xf32, #tpu.memory_space<hbm>> -> memref<1x8x64xf32, #tpu.memory_space<hbm>>
      %dma_wait3A_2219 = tpu.memref_squeeze %dma_wait3A_2218 : memref<1x8x64xf32, #tpu.memory_space<hbm>> -> memref<8x64xf32, #tpu.memory_space<hbm>>
      tpu.wait_dma2 semaphore(%arg13 : memref<!tpu.dma_semaphore, #tpu.memory_space<semaphore_mem>>) src(%dma_wait3A_2219 : memref<8x64xf32, #tpu.memory_space<hbm>>) dst(%dma_wait3A_2215 : memref<8x64xf32, #tpu.memory_space<vmem>>)
      %jit3A_2220 = arith.constant 2 : i32
      %eq3A_2221 = arith.constant 0 : i32
      %eq3A_2222 = arith.cmpi eq, %jit3A_2220, %eq3A_2221 : i32
      %jit3A_2223 = arith.constant 1 : i32
      %select_n3A_2224 = arith.select %eq3A_2222, %jit3A_2223, %jit3A_2220 : i32
      %rem3A_2225 = arith.remsi %scan3A_808, %select_n3A_2224 : i32
      %ne3A_2226 = arith.constant 0 : i32
      %ne3A_2227 = arith.cmpi ne, %rem3A_2225, %ne3A_2226 : i32
      %lt3A_2228 = arith.constant 0 : i32
      %lt3A_2229 = arith.cmpi slt, %rem3A_2225, %lt3A_2228 : i32
      %lt3A_2230 = arith.constant 0 : i32
      %lt3A_2231 = arith.cmpi slt, %select_n3A_2224, %lt3A_2230 : i32
      %ne3A_2232 = arith.xori %lt3A_2229, %lt3A_2231 : i1
      %and3A_2233 = arith.andi %ne3A_2232, %ne3A_2227 : i1
      %add3A_2234 = arith.addi %rem3A_2225, %select_n3A_2224 : i32
      %select_n3A_2235 = arith.select %and3A_2233, %add3A_2234, %rem3A_2225 : i32
      %mul3A_2236 = arith.constant 16 : i32
      %mul3A_2237 = arith.muli %scan3A_808, %mul3A_2236 : i32
      %mul3A_2238 = arith.constant 8 : i32
      %mul3A_2239 = arith.muli %mul3A_2237, %mul3A_2238 : i32
      %multiple_of3A_2240 = tpu.assume_multiple %mul3A_2239, 8 : i32
      %dma_start3A_2241 = arith.constant 0 : i32
      %dma_start3A_2242 = arith.constant 0 : i32
      %dma_start3A_2243 = tpu.memref_slice %arg11[%select_n3A_2235, %dma_start3A_2241, %dma_start3A_2242] : memref<2x128x64xf32, #tpu.memory_space<vmem>> -> memref<1x128x64xf32, #tpu.memory_space<vmem>>
      %dma_start3A_2244 = tpu.memref_squeeze %dma_start3A_2243 : memref<1x128x64xf32, #tpu.memory_space<vmem>> -> memref<128x64xf32, #tpu.memory_space<vmem>>
      %dma_start3A_2245 = arith.constant 0 : i32
      %dma_start3A_2246 = tpu.memref_slice %arg6[%add3A, %multiple_of3A_2240, %dma_start3A_2245] : memref<32x4096x64xf32, #tpu.memory_space<hbm>> -> memref<1x128x64xf32, #tpu.memory_space<hbm>>
      %dma_start3A_2247 = tpu.memref_squeeze %dma_start3A_2246 : memref<1x128x64xf32, #tpu.memory_space<hbm>> -> memref<128x64xf32, #tpu.memory_space<hbm>>
      %dma_start3A_2248 = arith.constant 0 : i32
      %dma_start3A_2249 = tpu.memref_slice %arg6[%add3A, %multiple_of3A_2240, %dma_start3A_2248] : memref<32x4096x64xf32, #tpu.memory_space<hbm>> -> memref<1x128x64xf32, #tpu.memory_space<hbm>>
      %dma_start3A_2250 = tpu.memref_squeeze %dma_start3A_2249 : memref<1x128x64xf32, #tpu.memory_space<hbm>> -> memref<128x64xf32, #tpu.memory_space<hbm>>
      %dma_start3A_2251 = arith.constant 0 : i32
      %dma_start3A_2252 = arith.constant 0 : i32
      %dma_start3A_2253 = tpu.memref_slice %arg11[%select_n3A_2235, %dma_start3A_2251, %dma_start3A_2252] : memref<2x128x64xf32, #tpu.memory_space<vmem>> -> memref<1x128x64xf32, #tpu.memory_space<vmem>>
      %dma_start3A_2254 = tpu.memref_squeeze %dma_start3A_2253 : memref<1x128x64xf32, #tpu.memory_space<vmem>> -> memref<128x64xf32, #tpu.memory_space<vmem>>
      tpu.enqueue_dma source(%dma_start3A_2254 : memref<128x64xf32, #tpu.memory_space<vmem>>) target(%dma_start3A_2250 : memref<128x64xf32, #tpu.memory_space<hbm>>) target_semaphore(%arg14 : memref<!tpu.dma_semaphore, #tpu.memory_space<semaphore_mem>>)
      %scan3A_2255 = arith.constant 0 : i32
      scf.yield %scan3A_2255 : i32
    }
    %scan3A_6 = arith.constant 32 : i32
    %dma_wait3A = arith.constant 0 : i32
    %dma_wait3A_7 = arith.constant 0 : i32
    %dma_wait3A_8 = tpu.memref_slice %arg10[%dma_wait3A, %dma_wait3A_7] : memref<512x64xf32, #tpu.memory_space<vmem>> -> memref<1x64xf32, #tpu.memory_space<vmem>>
    %dma_wait3A_9 = arith.constant 0 : i32
    %dma_wait3A_10 = arith.constant 0 : i32
    %dma_wait3A_11 = tpu.memref_slice %arg5[%dma_wait3A_9, %dma_wait3A_10] : memref<1000000x64xf32, #tpu.memory_space<hbm>> -> memref<1x64xf32, #tpu.memory_space<hbm>>
    %dma_wait3A_12 = arith.constant 0 : i32
    %dma_wait3A_13 = arith.constant 0 : i32
    %dma_wait3A_14 = tpu.memref_slice %arg10[%dma_wait3A_12, %dma_wait3A_13] : memref<512x64xf32, #tpu.memory_space<vmem>> -> memref<1x64xf32, #tpu.memory_space<vmem>>
    %dma_wait3A_15 = arith.constant 0 : i32
    %dma_wait3A_16 = arith.constant 0 : i32
    %dma_wait3A_17 = tpu.memref_slice %arg5[%dma_wait3A_15, %dma_wait3A_16] : memref<1000000x64xf32, #tpu.memory_space<hbm>> -> memref<1x64xf32, #tpu.memory_space<hbm>>
    tpu.wait_dma2 semaphore(%arg12 : memref<!tpu.dma_semaphore, #tpu.memory_space<semaphore_mem>>) src(%dma_wait3A_17 : memref<1x64xf32, #tpu.memory_space<hbm>>) dst(%dma_wait3A_14 : memref<1x64xf32, #tpu.memory_space<vmem>>)
    %dma_wait3A_18 = arith.constant 0 : i32
    %dma_wait3A_19 = arith.constant 0 : i32
    %dma_wait3A_20 = tpu.memref_slice %arg10[%dma_wait3A_18, %dma_wait3A_19] : memref<512x64xf32, #tpu.memory_space<vmem>> -> memref<1x64xf32, #tpu.memory_space<vmem>>
    %dma_wait3A_21 = arith.constant 0 : i32
    %dma_wait3A_22 = arith.constant 0 : i32
    %dma_wait3A_23 = tpu.memref_slice %arg5[%dma_wait3A_21, %dma_wait3A_22] : memref<1000000x64xf32, #tpu.memory_space<hbm>> -> memref<1x64xf32, #tpu.memory_space<hbm>>
    %dma_wait3A_24 = arith.constant 0 : i32
    %dma_wait3A_25 = arith.constant 0 : i32
    %dma_wait3A_26 = tpu.memref_slice %arg10[%dma_wait3A_24, %dma_wait3A_25] : memref<512x64xf32, #tpu.memory_space<vmem>> -> memref<1x64xf32, #tpu.memory_space<vmem>>
    %dma_wait3A_27 = arith.constant 0 : i32
    %dma_wait3A_28 = arith.constant 0 : i32
    %dma_wait3A_29 = tpu.memref_slice %arg5[%dma_wait3A_27, %dma_wait3A_28] : memref<1000000x64xf32, #tpu.memory_space<hbm>> -> memref<1x64xf32, #tpu.memory_space<hbm>>
    tpu.wait_dma2 semaphore(%arg12 : memref<!tpu.dma_semaphore, #tpu.memory_space<semaphore_mem>>) src(%dma_wait3A_29 : memref<1x64xf32, #tpu.memory_space<hbm>>) dst(%dma_wait3A_26 : memref<1x64xf32, #tpu.memory_space<vmem>>)
    %dma_wait3A_30 = arith.constant 0 : i32
    %dma_wait3A_31 = arith.constant 0 : i32
    %dma_wait3A_32 = tpu.memref_slice %arg10[%dma_wait3A_30, %dma_wait3A_31] : memref<512x64xf32, #tpu.memory_space<vmem>> -> memref<1x64xf32, #tpu.memory_space<vmem>>
    %dma_wait3A_33 = arith.constant 0 : i32
    %dma_wait3A_34 = arith.constant 0 : i32
    %dma_wait3A_35 = tpu.memref_slice %arg5[%dma_wait3A_33, %dma_wait3A_34] : memref<1000000x64xf32, #tpu.memory_space<hbm>> -> memref<1x64xf32, #tpu.memory_space<hbm>>
    %dma_wait3A_36 = arith.constant 0 : i32
    %dma_wait3A_37 = arith.constant 0 : i32
    %dma_wait3A_38 = tpu.memref_slice %arg10[%dma_wait3A_36, %dma_wait3A_37] : memref<512x64xf32, #tpu.memory_space<vmem>> -> memref<1x64xf32, #tpu.memory_space<vmem>>
    %dma_wait3A_39 = arith.constant 0 : i32
    %dma_wait3A_40 = arith.constant 0 : i32
    %dma_wait3A_41 = tpu.memref_slice %arg5[%dma_wait3A_39, %dma_wait3A_40] : memref<1000000x64xf32, #tpu.memory_space<hbm>> -> memref<1x64xf32, #tpu.memory_space<hbm>>
    tpu.wait_dma2 semaphore(%arg12 : memref<!tpu.dma_semaphore, #tpu.memory_space<semaphore_mem>>) src(%dma_wait3A_41 : memref<1x64xf32, #tpu.memory_space<hbm>>) dst(%dma_wait3A_38 : memref<1x64xf32, #tpu.memory_space<vmem>>)
    %dma_wait3A_42 = arith.constant 0 : i32
    %dma_wait3A_43 = arith.constant 0 : i32
    %dma_wait3A_44 = tpu.memref_slice %arg10[%dma_wait3A_42, %dma_wait3A_43] : memref<512x64xf32, #tpu.memory_space<vmem>> -> memref<1x64xf32, #tpu.memory_space<vmem>>
    %dma_wait3A_45 = arith.constant 0 : i32
    %dma_wait3A_46 = arith.constant 0 : i32
    %dma_wait3A_47 = tpu.memref_slice %arg5[%dma_wait3A_45, %dma_wait3A_46] : memref<1000000x64xf32, #tpu.memory_space<hbm>> -> memref<1x64xf32, #tpu.memory_space<hbm>>
    %dma_wait3A_48 = arith.constant 0 : i32
    %dma_wait3A_49 = arith.constant 0 : i32
    %dma_wait3A_50 = tpu.memref_slice %arg10[%dma_wait3A_48, %dma_wait3A_49] : memref<512x64xf32, #tpu.memory_space<vmem>> -> memref<1x64xf32, #tpu.memory_space<vmem>>
    %dma_wait3A_51 = arith.constant 0 : i32
    %dma_wait3A_52 = arith.constant 0 : i32
    %dma_wait3A_53 = tpu.memref_slice %arg5[%dma_wait3A_51, %dma_wait3A_52] : memref<1000000x64xf32, #tpu.memory_space<hbm>> -> memref<1x64xf32, #tpu.memory_space<hbm>>
    tpu.wait_dma2 semaphore(%arg12 : memref<!tpu.dma_semaphore, #tpu.memory_space<semaphore_mem>>) src(%dma_wait3A_53 : memref<1x64xf32, #tpu.memory_space<hbm>>) dst(%dma_wait3A_50 : memref<1x64xf32, #tpu.memory_space<vmem>>)
    %dma_wait3A_54 = arith.constant 0 : i32
    %dma_wait3A_55 = arith.constant 0 : i32
    %dma_wait3A_56 = tpu.memref_slice %arg10[%dma_wait3A_54, %dma_wait3A_55] : memref<512x64xf32, #tpu.memory_space<vmem>> -> memref<1x64xf32, #tpu.memory_space<vmem>>
    %dma_wait3A_57 = arith.constant 0 : i32
    %dma_wait3A_58 = arith.constant 0 : i32
    %dma_wait3A_59 = tpu.memref_slice %arg5[%dma_wait3A_57, %dma_wait3A_58] : memref<1000000x64xf32, #tpu.memory_space<hbm>> -> memref<1x64xf32, #tpu.memory_space<hbm>>
    %dma_wait3A_60 = arith.constant 0 : i32
    %dma_wait3A_61 = arith.constant 0 : i32
    %dma_wait3A_62 = tpu.memref_slice %arg10[%dma_wait3A_60, %dma_wait3A_61] : memref<512x64xf32, #tpu.memory_space<vmem>> -> memref<1x64xf32, #tpu.memory_space<vmem>>
    %dma_wait3A_63 = arith.constant 0 : i32
    %dma_wait3A_64 = arith.constant 0 : i32
    %dma_wait3A_65 = tpu.memref_slice %arg5[%dma_wait3A_63, %dma_wait3A_64] : memref<1000000x64xf32, #tpu.memory_space<hbm>> -> memref<1x64xf32, #tpu.memory_space<hbm>>
    tpu.wait_dma2 semaphore(%arg12 : memref<!tpu.dma_semaphore, #tpu.memory_space<semaphore_mem>>) src(%dma_wait3A_65 : memref<1x64xf32, #tpu.memory_space<hbm>>) dst(%dma_wait3A_62 : memref<1x64xf32, #tpu.memory_space<vmem>>)
    %dma_wait3A_66 = arith.constant 0 : i32
    %dma_wait3A_67 = arith.constant 0 : i32
    %dma_wait3A_68 = tpu.memref_slice %arg10[%dma_wait3A_66, %dma_wait3A_67] : memref<512x64xf32, #tpu.memory_space<vmem>> -> memref<1x64xf32, #tpu.memory_space<vmem>>
    %dma_wait3A_69 = arith.constant 0 : i32
    %dma_wait3A_70 = arith.constant 0 : i32
    %dma_wait3A_71 = tpu.memref_slice %arg5[%dma_wait3A_69, %dma_wait3A_70] : memref<1000000x64xf32, #tpu.memory_space<hbm>> -> memref<1x64xf32, #tpu.memory_space<hbm>>
    %dma_wait3A_72 = arith.constant 0 : i32
    %dma_wait3A_73 = arith.constant 0 : i32
    %dma_wait3A_74 = tpu.memref_slice %arg10[%dma_wait3A_72, %dma_wait3A_73] : memref<512x64xf32, #tpu.memory_space<vmem>> -> memref<1x64xf32, #tpu.memory_space<vmem>>
    %dma_wait3A_75 = arith.constant 0 : i32
    %dma_wait3A_76 = arith.constant 0 : i32
    %dma_wait3A_77 = tpu.memref_slice %arg5[%dma_wait3A_75, %dma_wait3A_76] : memref<1000000x64xf32, #tpu.memory_space<hbm>> -> memref<1x64xf32, #tpu.memory_space<hbm>>
    tpu.wait_dma2 semaphore(%arg12 : memref<!tpu.dma_semaphore, #tpu.memory_space<semaphore_mem>>) src(%dma_wait3A_77 : memref<1x64xf32, #tpu.memory_space<hbm>>) dst(%dma_wait3A_74 : memref<1x64xf32, #tpu.memory_space<vmem>>)
    %dma_wait3A_78 = arith.constant 0 : i32
    %dma_wait3A_79 = arith.constant 0 : i32
    %dma_wait3A_80 = tpu.memref_slice %arg10[%dma_wait3A_78, %dma_wait3A_79] : memref<512x64xf32, #tpu.memory_space<vmem>> -> memref<1x64xf32, #tpu.memory_space<vmem>>
    %dma_wait3A_81 = arith.constant 0 : i32
    %dma_wait3A_82 = arith.constant 0 : i32
    %dma_wait3A_83 = tpu.memref_slice %arg5[%dma_wait3A_81, %dma_wait3A_82] : memref<1000000x64xf32, #tpu.memory_space<hbm>> -> memref<1x64xf32, #tpu.memory_space<hbm>>
    %dma_wait3A_84 = arith.constant 0 : i32
    %dma_wait3A_85 = arith.constant 0 : i32
    %dma_wait3A_86 = tpu.memref_slice %arg10[%dma_wait3A_84, %dma_wait3A_85] : memref<512x64xf32, #tpu.memory_space<vmem>> -> memref<1x64xf32, #tpu.memory_space<vmem>>
    %dma_wait3A_87 = arith.constant 0 : i32
    %dma_wait3A_88 = arith.constant 0 : i32
    %dma_wait3A_89 = tpu.memref_slice %arg5[%dma_wait3A_87, %dma_wait3A_88] : memref<1000000x64xf32, #tpu.memory_space<hbm>> -> memref<1x64xf32, #tpu.memory_space<hbm>>
    tpu.wait_dma2 semaphore(%arg12 : memref<!tpu.dma_semaphore, #tpu.memory_space<semaphore_mem>>) src(%dma_wait3A_89 : memref<1x64xf32, #tpu.memory_space<hbm>>) dst(%dma_wait3A_86 : memref<1x64xf32, #tpu.memory_space<vmem>>)
    %dma_wait3A_90 = arith.constant 0 : i32
    %dma_wait3A_91 = arith.constant 0 : i32
    %dma_wait3A_92 = tpu.memref_slice %arg10[%dma_wait3A_90, %dma_wait3A_91] : memref<512x64xf32, #tpu.memory_space<vmem>> -> memref<1x64xf32, #tpu.memory_space<vmem>>
    %dma_wait3A_93 = arith.constant 0 : i32
    %dma_wait3A_94 = arith.constant 0 : i32
    %dma_wait3A_95 = tpu.memref_slice %arg5[%dma_wait3A_93, %dma_wait3A_94] : memref<1000000x64xf32, #tpu.memory_space<hbm>> -> memref<1x64xf32, #tpu.memory_space<hbm>>
    %dma_wait3A_96 = arith.constant 0 : i32
    %dma_wait3A_97 = arith.constant 0 : i32
    %dma_wait3A_98 = tpu.memref_slice %arg10[%dma_wait3A_96, %dma_wait3A_97] : memref<512x64xf32, #tpu.memory_space<vmem>> -> memref<1x64xf32, #tpu.memory_space<vmem>>
    %dma_wait3A_99 = arith.constant 0 : i32
    %dma_wait3A_100 = arith.constant 0 : i32
    %dma_wait3A_101 = tpu.memref_slice %arg5[%dma_wait3A_99, %dma_wait3A_100] : memref<1000000x64xf32, #tpu.memory_space<hbm>> -> memref<1x64xf32, #tpu.memory_space<hbm>>
    tpu.wait_dma2 semaphore(%arg12 : memref<!tpu.dma_semaphore, #tpu.memory_space<semaphore_mem>>) src(%dma_wait3A_101 : memref<1x64xf32, #tpu.memory_space<hbm>>) dst(%dma_wait3A_98 : memref<1x64xf32, #tpu.memory_space<vmem>>)
    %dma_wait3A_102 = arith.constant 0 : i32
    %dma_wait3A_103 = arith.constant 0 : i32
    %dma_wait3A_104 = tpu.memref_slice %arg10[%dma_wait3A_102, %dma_wait3A_103] : memref<512x64xf32, #tpu.memory_space<vmem>> -> memref<1x64xf32, #tpu.memory_space<vmem>>
    %dma_wait3A_105 = arith.constant 0 : i32
    %dma_wait3A_106 = arith.constant 0 : i32
    %dma_wait3A_107 = tpu.memref_slice %arg5[%dma_wait3A_105, %dma_wait3A_106] : memref<1000000x64xf32, #tpu.memory_space<hbm>> -> memref<1x64xf32, #tpu.memory_space<hbm>>
    %dma_wait3A_108 = arith.constant 0 : i32
    %dma_wait3A_109 = arith.constant 0 : i32
    %dma_wait3A_110 = tpu.memref_slice %arg10[%dma_wait3A_108, %dma_wait3A_109] : memref<512x64xf32, #tpu.memory_space<vmem>> -> memref<1x64xf32, #tpu.memory_space<vmem>>
    %dma_wait3A_111 = arith.constant 0 : i32
    %dma_wait3A_112 = arith.constant 0 : i32
    %dma_wait3A_113 = tpu.memref_slice %arg5[%dma_wait3A_111, %dma_wait3A_112] : memref<1000000x64xf32, #tpu.memory_space<hbm>> -> memref<1x64xf32, #tpu.memory_space<hbm>>
    tpu.wait_dma2 semaphore(%arg12 : memref<!tpu.dma_semaphore, #tpu.memory_space<semaphore_mem>>) src(%dma_wait3A_113 : memref<1x64xf32, #tpu.memory_space<hbm>>) dst(%dma_wait3A_110 : memref<1x64xf32, #tpu.memory_space<vmem>>)
    %dma_wait3A_114 = arith.constant 0 : i32
    %dma_wait3A_115 = arith.constant 0 : i32
    %dma_wait3A_116 = tpu.memref_slice %arg10[%dma_wait3A_114, %dma_wait3A_115] : memref<512x64xf32, #tpu.memory_space<vmem>> -> memref<1x64xf32, #tpu.memory_space<vmem>>
    %dma_wait3A_117 = arith.constant 0 : i32
    %dma_wait3A_118 = arith.constant 0 : i32
    %dma_wait3A_119 = tpu.memref_slice %arg5[%dma_wait3A_117, %dma_wait3A_118] : memref<1000000x64xf32, #tpu.memory_space<hbm>> -> memref<1x64xf32, #tpu.memory_space<hbm>>
    %dma_wait3A_120 = arith.constant 0 : i32
    %dma_wait3A_121 = arith.constant 0 : i32
    %dma_wait3A_122 = tpu.memref_slice %arg10[%dma_wait3A_120, %dma_wait3A_121] : memref<512x64xf32, #tpu.memory_space<vmem>> -> memref<1x64xf32, #tpu.memory_space<vmem>>
    %dma_wait3A_123 = arith.constant 0 : i32
    %dma_wait3A_124 = arith.constant 0 : i32
    %dma_wait3A_125 = tpu.memref_slice %arg5[%dma_wait3A_123, %dma_wait3A_124] : memref<1000000x64xf32, #tpu.memory_space<hbm>> -> memref<1x64xf32, #tpu.memory_space<hbm>>
    tpu.wait_dma2 semaphore(%arg12 : memref<!tpu.dma_semaphore, #tpu.memory_space<semaphore_mem>>) src(%dma_wait3A_125 : memref<1x64xf32, #tpu.memory_space<hbm>>) dst(%dma_wait3A_122 : memref<1x64xf32, #tpu.memory_space<vmem>>)
    %dma_wait3A_126 = arith.constant 0 : i32
    %dma_wait3A_127 = arith.constant 0 : i32
    %dma_wait3A_128 = tpu.memref_slice %arg10[%dma_wait3A_126, %dma_wait3A_127] : memref<512x64xf32, #tpu.memory_space<vmem>> -> memref<1x64xf32, #tpu.memory_space<vmem>>
    %dma_wait3A_129 = arith.constant 0 : i32
    %dma_wait3A_130 = arith.constant 0 : i32
    %dma_wait3A_131 = tpu.memref_slice %arg5[%dma_wait3A_129, %dma_wait3A_130] : memref<1000000x64xf32, #tpu.memory_space<hbm>> -> memref<1x64xf32, #tpu.memory_space<hbm>>
    %dma_wait3A_132 = arith.constant 0 : i32
    %dma_wait3A_133 = arith.constant 0 : i32
    %dma_wait3A_134 = tpu.memref_slice %arg10[%dma_wait3A_132, %dma_wait3A_133] : memref<512x64xf32, #tpu.memory_space<vmem>> -> memref<1x64xf32, #tpu.memory_space<vmem>>
    %dma_wait3A_135 = arith.constant 0 : i32
    %dma_wait3A_136 = arith.constant 0 : i32
    %dma_wait3A_137 = tpu.memref_slice %arg5[%dma_wait3A_135, %dma_wait3A_136] : memref<1000000x64xf32, #tpu.memory_space<hbm>> -> memref<1x64xf32, #tpu.memory_space<hbm>>
    tpu.wait_dma2 semaphore(%arg12 : memref<!tpu.dma_semaphore, #tpu.memory_space<semaphore_mem>>) src(%dma_wait3A_137 : memref<1x64xf32, #tpu.memory_space<hbm>>) dst(%dma_wait3A_134 : memref<1x64xf32, #tpu.memory_space<vmem>>)
    %dma_wait3A_138 = arith.constant 0 : i32
    %dma_wait3A_139 = arith.constant 0 : i32
    %dma_wait3A_140 = tpu.memref_slice %arg10[%dma_wait3A_138, %dma_wait3A_139] : memref<512x64xf32, #tpu.memory_space<vmem>> -> memref<1x64xf32, #tpu.memory_space<vmem>>
    %dma_wait3A_141 = arith.constant 0 : i32
    %dma_wait3A_142 = arith.constant 0 : i32
    %dma_wait3A_143 = tpu.memref_slice %arg5[%dma_wait3A_141, %dma_wait3A_142] : memref<1000000x64xf32, #tpu.memory_space<hbm>> -> memref<1x64xf32, #tpu.memory_space<hbm>>
    %dma_wait3A_144 = arith.constant 0 : i32
    %dma_wait3A_145 = arith.constant 0 : i32
    %dma_wait3A_146 = tpu.memref_slice %arg10[%dma_wait3A_144, %dma_wait3A_145] : memref<512x64xf32, #tpu.memory_space<vmem>> -> memref<1x64xf32, #tpu.memory_space<vmem>>
    %dma_wait3A_147 = arith.constant 0 : i32
    %dma_wait3A_148 = arith.constant 0 : i32
    %dma_wait3A_149 = tpu.memref_slice %arg5[%dma_wait3A_147, %dma_wait3A_148] : memref<1000000x64xf32, #tpu.memory_space<hbm>> -> memref<1x64xf32, #tpu.memory_space<hbm>>
    tpu.wait_dma2 semaphore(%arg12 : memref<!tpu.dma_semaphore, #tpu.memory_space<semaphore_mem>>) src(%dma_wait3A_149 : memref<1x64xf32, #tpu.memory_space<hbm>>) dst(%dma_wait3A_146 : memref<1x64xf32, #tpu.memory_space<vmem>>)
    %dma_wait3A_150 = arith.constant 0 : i32
    %dma_wait3A_151 = arith.constant 0 : i32
    %dma_wait3A_152 = tpu.memref_slice %arg10[%dma_wait3A_150, %dma_wait3A_151] : memref<512x64xf32, #tpu.memory_space<vmem>> -> memref<1x64xf32, #tpu.memory_space<vmem>>
    %dma_wait3A_153 = arith.constant 0 : i32
    %dma_wait3A_154 = arith.constant 0 : i32
    %dma_wait3A_155 = tpu.memref_slice %arg5[%dma_wait3A_153, %dma_wait3A_154] : memref<1000000x64xf32, #tpu.memory_space<hbm>> -> memref<1x64xf32, #tpu.memory_space<hbm>>
    %dma_wait3A_156 = arith.constant 0 : i32
    %dma_wait3A_157 = arith.constant 0 : i32
    %dma_wait3A_158 = tpu.memref_slice %arg10[%dma_wait3A_156, %dma_wait3A_157] : memref<512x64xf32, #tpu.memory_space<vmem>> -> memref<1x64xf32, #tpu.memory_space<vmem>>
    %dma_wait3A_159 = arith.constant 0 : i32
    %dma_wait3A_160 = arith.constant 0 : i32
    %dma_wait3A_161 = tpu.memref_slice %arg5[%dma_wait3A_159, %dma_wait3A_160] : memref<1000000x64xf32, #tpu.memory_space<hbm>> -> memref<1x64xf32, #tpu.memory_space<hbm>>
    tpu.wait_dma2 semaphore(%arg12 : memref<!tpu.dma_semaphore, #tpu.memory_space<semaphore_mem>>) src(%dma_wait3A_161 : memref<1x64xf32, #tpu.memory_space<hbm>>) dst(%dma_wait3A_158 : memref<1x64xf32, #tpu.memory_space<vmem>>)
    %dma_wait3A_162 = arith.constant 0 : i32
    %dma_wait3A_163 = arith.constant 0 : i32
    %dma_wait3A_164 = tpu.memref_slice %arg10[%dma_wait3A_162, %dma_wait3A_163] : memref<512x64xf32, #tpu.memory_space<vmem>> -> memref<1x64xf32, #tpu.memory_space<vmem>>
    %dma_wait3A_165 = arith.constant 0 : i32
    %dma_wait3A_166 = arith.constant 0 : i32
    %dma_wait3A_167 = tpu.memref_slice %arg5[%dma_wait3A_165, %dma_wait3A_166] : memref<1000000x64xf32, #tpu.memory_space<hbm>> -> memref<1x64xf32, #tpu.memory_space<hbm>>
    %dma_wait3A_168 = arith.constant 0 : i32
    %dma_wait3A_169 = arith.constant 0 : i32
    %dma_wait3A_170 = tpu.memref_slice %arg10[%dma_wait3A_168, %dma_wait3A_169] : memref<512x64xf32, #tpu.memory_space<vmem>> -> memref<1x64xf32, #tpu.memory_space<vmem>>
    %dma_wait3A_171 = arith.constant 0 : i32
    %dma_wait3A_172 = arith.constant 0 : i32
    %dma_wait3A_173 = tpu.memref_slice %arg5[%dma_wait3A_171, %dma_wait3A_172] : memref<1000000x64xf32, #tpu.memory_space<hbm>> -> memref<1x64xf32, #tpu.memory_space<hbm>>
    tpu.wait_dma2 semaphore(%arg12 : memref<!tpu.dma_semaphore, #tpu.memory_space<semaphore_mem>>) src(%dma_wait3A_173 : memref<1x64xf32, #tpu.memory_space<hbm>>) dst(%dma_wait3A_170 : memref<1x64xf32, #tpu.memory_space<vmem>>)
    %dma_wait3A_174 = arith.constant 0 : i32
    %dma_wait3A_175 = arith.constant 0 : i32
    %dma_wait3A_176 = tpu.memref_slice %arg10[%dma_wait3A_174, %dma_wait3A_175] : memref<512x64xf32, #tpu.memory_space<vmem>> -> memref<1x64xf32, #tpu.memory_space<vmem>>
    %dma_wait3A_177 = arith.constant 0 : i32
    %dma_wait3A_178 = arith.constant 0 : i32
    %dma_wait3A_179 = tpu.memref_slice %arg5[%dma_wait3A_177, %dma_wait3A_178] : memref<1000000x64xf32, #tpu.memory_space<hbm>> -> memref<1x64xf32, #tpu.memory_space<hbm>>
    %dma_wait3A_180 = arith.constant 0 : i32
    %dma_wait3A_181 = arith.constant 0 : i32
    %dma_wait3A_182 = tpu.memref_slice %arg10[%dma_wait3A_180, %dma_wait3A_181] : memref<512x64xf32, #tpu.memory_space<vmem>> -> memref<1x64xf32, #tpu.memory_space<vmem>>
    %dma_wait3A_183 = arith.constant 0 : i32
    %dma_wait3A_184 = arith.constant 0 : i32
    %dma_wait3A_185 = tpu.memref_slice %arg5[%dma_wait3A_183, %dma_wait3A_184] : memref<1000000x64xf32, #tpu.memory_space<hbm>> -> memref<1x64xf32, #tpu.memory_space<hbm>>
    tpu.wait_dma2 semaphore(%arg12 : memref<!tpu.dma_semaphore, #tpu.memory_space<semaphore_mem>>) src(%dma_wait3A_185 : memref<1x64xf32, #tpu.memory_space<hbm>>) dst(%dma_wait3A_182 : memref<1x64xf32, #tpu.memory_space<vmem>>)
    %dma_wait3A_186 = arith.constant 0 : i32
    %dma_wait3A_187 = arith.constant 0 : i32
    %dma_wait3A_188 = tpu.memref_slice %arg10[%dma_wait3A_186, %dma_wait3A_187] : memref<512x64xf32, #tpu.memory_space<vmem>> -> memref<1x64xf32, #tpu.memory_space<vmem>>
    %dma_wait3A_189 = arith.constant 0 : i32
    %dma_wait3A_190 = arith.constant 0 : i32
    %dma_wait3A_191 = tpu.memref_slice %arg5[%dma_wait3A_189, %dma_wait3A_190] : memref<1000000x64xf32, #tpu.memory_space<hbm>> -> memref<1x64xf32, #tpu.memory_space<hbm>>
    %dma_wait3A_192 = arith.constant 0 : i32
    %dma_wait3A_193 = arith.constant 0 : i32
    %dma_wait3A_194 = tpu.memref_slice %arg10[%dma_wait3A_192, %dma_wait3A_193] : memref<512x64xf32, #tpu.memory_space<vmem>> -> memref<1x64xf32, #tpu.memory_space<vmem>>
    %dma_wait3A_195 = arith.constant 0 : i32
    %dma_wait3A_196 = arith.constant 0 : i32
    %dma_wait3A_197 = tpu.memref_slice %arg5[%dma_wait3A_195, %dma_wait3A_196] : memref<1000000x64xf32, #tpu.memory_space<hbm>> -> memref<1x64xf32, #tpu.memory_space<hbm>>
    tpu.wait_dma2 semaphore(%arg12 : memref<!tpu.dma_semaphore, #tpu.memory_space<semaphore_mem>>) src(%dma_wait3A_197 : memref<1x64xf32, #tpu.memory_space<hbm>>) dst(%dma_wait3A_194 : memref<1x64xf32, #tpu.memory_space<vmem>>)
    %dma_wait3A_198 = arith.constant 0 : i32
    %dma_wait3A_199 = arith.constant 0 : i32
    %dma_wait3A_200 = tpu.memref_slice %arg10[%dma_wait3A_198, %dma_wait3A_199] : memref<512x64xf32, #tpu.memory_space<vmem>> -> memref<1x64xf32, #tpu.memory_space<vmem>>
    %dma_wait3A_201 = arith.constant 0 : i32
    %dma_wait3A_202 = arith.constant 0 : i32
    %dma_wait3A_203 = tpu.memref_slice %arg5[%dma_wait3A_201, %dma_wait3A_202] : memref<1000000x64xf32, #tpu.memory_space<hbm>> -> memref<1x64xf32, #tpu.memory_space<hbm>>
    %dma_wait3A_204 = arith.constant 0 : i32
    %dma_wait3A_205 = arith.constant 0 : i32
    %dma_wait3A_206 = tpu.memref_slice %arg10[%dma_wait3A_204, %dma_wait3A_205] : memref<512x64xf32, #tpu.memory_space<vmem>> -> memref<1x64xf32, #tpu.memory_space<vmem>>
    %dma_wait3A_207 = arith.constant 0 : i32
    %dma_wait3A_208 = arith.constant 0 : i32
    %dma_wait3A_209 = tpu.memref_slice %arg5[%dma_wait3A_207, %dma_wait3A_208] : memref<1000000x64xf32, #tpu.memory_space<hbm>> -> memref<1x64xf32, #tpu.memory_space<hbm>>
    tpu.wait_dma2 semaphore(%arg12 : memref<!tpu.dma_semaphore, #tpu.memory_space<semaphore_mem>>) src(%dma_wait3A_209 : memref<1x64xf32, #tpu.memory_space<hbm>>) dst(%dma_wait3A_206 : memref<1x64xf32, #tpu.memory_space<vmem>>)
    %dma_wait3A_210 = arith.constant 0 : i32
    %dma_wait3A_211 = arith.constant 0 : i32
    %dma_wait3A_212 = tpu.memref_slice %arg10[%dma_wait3A_210, %dma_wait3A_211] : memref<512x64xf32, #tpu.memory_space<vmem>> -> memref<1x64xf32, #tpu.memory_space<vmem>>
    %dma_wait3A_213 = arith.constant 0 : i32
    %dma_wait3A_214 = arith.constant 0 : i32
    %dma_wait3A_215 = tpu.memref_slice %arg5[%dma_wait3A_213, %dma_wait3A_214] : memref<1000000x64xf32, #tpu.memory_space<hbm>> -> memref<1x64xf32, #tpu.memory_space<hbm>>
    %dma_wait3A_216 = arith.constant 0 : i32
    %dma_wait3A_217 = arith.constant 0 : i32
    %dma_wait3A_218 = tpu.memref_slice %arg10[%dma_wait3A_216, %dma_wait3A_217] : memref<512x64xf32, #tpu.memory_space<vmem>> -> memref<1x64xf32, #tpu.memory_space<vmem>>
    %dma_wait3A_219 = arith.constant 0 : i32
    %dma_wait3A_220 = arith.constant 0 : i32
    %dma_wait3A_221 = tpu.memref_slice %arg5[%dma_wait3A_219, %dma_wait3A_220] : memref<1000000x64xf32, #tpu.memory_space<hbm>> -> memref<1x64xf32, #tpu.memory_space<hbm>>
    tpu.wait_dma2 semaphore(%arg12 : memref<!tpu.dma_semaphore, #tpu.memory_space<semaphore_mem>>) src(%dma_wait3A_221 : memref<1x64xf32, #tpu.memory_space<hbm>>) dst(%dma_wait3A_218 : memref<1x64xf32, #tpu.memory_space<vmem>>)
    %dma_wait3A_222 = arith.constant 0 : i32
    %dma_wait3A_223 = arith.constant 0 : i32
    %dma_wait3A_224 = tpu.memref_slice %arg10[%dma_wait3A_222, %dma_wait3A_223] : memref<512x64xf32, #tpu.memory_space<vmem>> -> memref<1x64xf32, #tpu.memory_space<vmem>>
    %dma_wait3A_225 = arith.constant 0 : i32
    %dma_wait3A_226 = arith.constant 0 : i32
    %dma_wait3A_227 = tpu.memref_slice %arg5[%dma_wait3A_225, %dma_wait3A_226] : memref<1000000x64xf32, #tpu.memory_space<hbm>> -> memref<1x64xf32, #tpu.memory_space<hbm>>
    %dma_wait3A_228 = arith.constant 0 : i32
    %dma_wait3A_229 = arith.constant 0 : i32
    %dma_wait3A_230 = tpu.memref_slice %arg10[%dma_wait3A_228, %dma_wait3A_229] : memref<512x64xf32, #tpu.memory_space<vmem>> -> memref<1x64xf32, #tpu.memory_space<vmem>>
    %dma_wait3A_231 = arith.constant 0 : i32
    %dma_wait3A_232 = arith.constant 0 : i32
    %dma_wait3A_233 = tpu.memref_slice %arg5[%dma_wait3A_231, %dma_wait3A_232] : memref<1000000x64xf32, #tpu.memory_space<hbm>> -> memref<1x64xf32, #tpu.memory_space<hbm>>
    tpu.wait_dma2 semaphore(%arg12 : memref<!tpu.dma_semaphore, #tpu.memory_space<semaphore_mem>>) src(%dma_wait3A_233 : memref<1x64xf32, #tpu.memory_space<hbm>>) dst(%dma_wait3A_230 : memref<1x64xf32, #tpu.memory_space<vmem>>)
    %dma_wait3A_234 = arith.constant 0 : i32
    %dma_wait3A_235 = arith.constant 0 : i32
    %dma_wait3A_236 = tpu.memref_slice %arg10[%dma_wait3A_234, %dma_wait3A_235] : memref<512x64xf32, #tpu.memory_space<vmem>> -> memref<1x64xf32, #tpu.memory_space<vmem>>
    %dma_wait3A_237 = arith.constant 0 : i32
    %dma_wait3A_238 = arith.constant 0 : i32
    %dma_wait3A_239 = tpu.memref_slice %arg5[%dma_wait3A_237, %dma_wait3A_238] : memref<1000000x64xf32, #tpu.memory_space<hbm>> -> memref<1x64xf32, #tpu.memory_space<hbm>>
    %dma_wait3A_240 = arith.constant 0 : i32
    %dma_wait3A_241 = arith.constant 0 : i32
    %dma_wait3A_242 = tpu.memref_slice %arg10[%dma_wait3A_240, %dma_wait3A_241] : memref<512x64xf32, #tpu.memory_space<vmem>> -> memref<1x64xf32, #tpu.memory_space<vmem>>
    %dma_wait3A_243 = arith.constant 0 : i32
    %dma_wait3A_244 = arith.constant 0 : i32
    %dma_wait3A_245 = tpu.memref_slice %arg5[%dma_wait3A_243, %dma_wait3A_244] : memref<1000000x64xf32, #tpu.memory_space<hbm>> -> memref<1x64xf32, #tpu.memory_space<hbm>>
    tpu.wait_dma2 semaphore(%arg12 : memref<!tpu.dma_semaphore, #tpu.memory_space<semaphore_mem>>) src(%dma_wait3A_245 : memref<1x64xf32, #tpu.memory_space<hbm>>) dst(%dma_wait3A_242 : memref<1x64xf32, #tpu.memory_space<vmem>>)
    %dma_wait3A_246 = arith.constant 0 : i32
    %dma_wait3A_247 = arith.constant 0 : i32
    %dma_wait3A_248 = tpu.memref_slice %arg10[%dma_wait3A_246, %dma_wait3A_247] : memref<512x64xf32, #tpu.memory_space<vmem>> -> memref<1x64xf32, #tpu.memory_space<vmem>>
    %dma_wait3A_249 = arith.constant 0 : i32
    %dma_wait3A_250 = arith.constant 0 : i32
    %dma_wait3A_251 = tpu.memref_slice %arg5[%dma_wait3A_249, %dma_wait3A_250] : memref<1000000x64xf32, #tpu.memory_space<hbm>> -> memref<1x64xf32, #tpu.memory_space<hbm>>
    %dma_wait3A_252 = arith.constant 0 : i32
    %dma_wait3A_253 = arith.constant 0 : i32
    %dma_wait3A_254 = tpu.memref_slice %arg10[%dma_wait3A_252, %dma_wait3A_253] : memref<512x64xf32, #tpu.memory_space<vmem>> -> memref<1x64xf32, #tpu.memory_space<vmem>>
    %dma_wait3A_255 = arith.constant 0 : i32
    %dma_wait3A_256 = arith.constant 0 : i32
    %dma_wait3A_257 = tpu.memref_slice %arg5[%dma_wait3A_255, %dma_wait3A_256] : memref<1000000x64xf32, #tpu.memory_space<hbm>> -> memref<1x64xf32, #tpu.memory_space<hbm>>
    tpu.wait_dma2 semaphore(%arg12 : memref<!tpu.dma_semaphore, #tpu.memory_space<semaphore_mem>>) src(%dma_wait3A_257 : memref<1x64xf32, #tpu.memory_space<hbm>>) dst(%dma_wait3A_254 : memref<1x64xf32, #tpu.memory_space<vmem>>)
    %dma_wait3A_258 = arith.constant 0 : i32
    %dma_wait3A_259 = arith.constant 0 : i32
    %dma_wait3A_260 = tpu.memref_slice %arg10[%dma_wait3A_258, %dma_wait3A_259] : memref<512x64xf32, #tpu.memory_space<vmem>> -> memref<1x64xf32, #tpu.memory_space<vmem>>
    %dma_wait3A_261 = arith.constant 0 : i32
    %dma_wait3A_262 = arith.constant 0 : i32
    %dma_wait3A_263 = tpu.memref_slice %arg5[%dma_wait3A_261, %dma_wait3A_262] : memref<1000000x64xf32, #tpu.memory_space<hbm>> -> memref<1x64xf32, #tpu.memory_space<hbm>>
    %dma_wait3A_264 = arith.constant 0 : i32
    %dma_wait3A_265 = arith.constant 0 : i32
    %dma_wait3A_266 = tpu.memref_slice %arg10[%dma_wait3A_264, %dma_wait3A_265] : memref<512x64xf32, #tpu.memory_space<vmem>> -> memref<1x64xf32, #tpu.memory_space<vmem>>
    %dma_wait3A_267 = arith.constant 0 : i32
    %dma_wait3A_268 = arith.constant 0 : i32
    %dma_wait3A_269 = tpu.memref_slice %arg5[%dma_wait3A_267, %dma_wait3A_268] : memref<1000000x64xf32, #tpu.memory_space<hbm>> -> memref<1x64xf32, #tpu.memory_space<hbm>>
    tpu.wait_dma2 semaphore(%arg12 : memref<!tpu.dma_semaphore, #tpu.memory_space<semaphore_mem>>) src(%dma_wait3A_269 : memref<1x64xf32, #tpu.memory_space<hbm>>) dst(%dma_wait3A_266 : memref<1x64xf32, #tpu.memory_space<vmem>>)
    %dma_wait3A_270 = arith.constant 0 : i32
    %dma_wait3A_271 = arith.constant 0 : i32
    %dma_wait3A_272 = tpu.memref_slice %arg10[%dma_wait3A_270, %dma_wait3A_271] : memref<512x64xf32, #tpu.memory_space<vmem>> -> memref<1x64xf32, #tpu.memory_space<vmem>>
    %dma_wait3A_273 = arith.constant 0 : i32
    %dma_wait3A_274 = arith.constant 0 : i32
    %dma_wait3A_275 = tpu.memref_slice %arg5[%dma_wait3A_273, %dma_wait3A_274] : memref<1000000x64xf32, #tpu.memory_space<hbm>> -> memref<1x64xf32, #tpu.memory_space<hbm>>
    %dma_wait3A_276 = arith.constant 0 : i32
    %dma_wait3A_277 = arith.constant 0 : i32
    %dma_wait3A_278 = tpu.memref_slice %arg10[%dma_wait3A_276, %dma_wait3A_277] : memref<512x64xf32, #tpu.memory_space<vmem>> -> memref<1x64xf32, #tpu.memory_space<vmem>>
    %dma_wait3A_279 = arith.constant 0 : i32
    %dma_wait3A_280 = arith.constant 0 : i32
    %dma_wait3A_281 = tpu.memref_slice %arg5[%dma_wait3A_279, %dma_wait3A_280] : memref<1000000x64xf32, #tpu.memory_space<hbm>> -> memref<1x64xf32, #tpu.memory_space<hbm>>
    tpu.wait_dma2 semaphore(%arg12 : memref<!tpu.dma_semaphore, #tpu.memory_space<semaphore_mem>>) src(%dma_wait3A_281 : memref<1x64xf32, #tpu.memory_space<hbm>>) dst(%dma_wait3A_278 : memref<1x64xf32, #tpu.memory_space<vmem>>)
    %dma_wait3A_282 = arith.constant 0 : i32
    %dma_wait3A_283 = arith.constant 0 : i32
    %dma_wait3A_284 = tpu.memref_slice %arg10[%dma_wait3A_282, %dma_wait3A_283] : memref<512x64xf32, #tpu.memory_space<vmem>> -> memref<1x64xf32, #tpu.memory_space<vmem>>
    %dma_wait3A_285 = arith.constant 0 : i32
    %dma_wait3A_286 = arith.constant 0 : i32
    %dma_wait3A_287 = tpu.memref_slice %arg5[%dma_wait3A_285, %dma_wait3A_286] : memref<1000000x64xf32, #tpu.memory_space<hbm>> -> memref<1x64xf32, #tpu.memory_space<hbm>>
    %dma_wait3A_288 = arith.constant 0 : i32
    %dma_wait3A_289 = arith.constant 0 : i32
    %dma_wait3A_290 = tpu.memref_slice %arg10[%dma_wait3A_288, %dma_wait3A_289] : memref<512x64xf32, #tpu.memory_space<vmem>> -> memref<1x64xf32, #tpu.memory_space<vmem>>
    %dma_wait3A_291 = arith.constant 0 : i32
    %dma_wait3A_292 = arith.constant 0 : i32
    %dma_wait3A_293 = tpu.memref_slice %arg5[%dma_wait3A_291, %dma_wait3A_292] : memref<1000000x64xf32, #tpu.memory_space<hbm>> -> memref<1x64xf32, #tpu.memory_space<hbm>>
    tpu.wait_dma2 semaphore(%arg12 : memref<!tpu.dma_semaphore, #tpu.memory_space<semaphore_mem>>) src(%dma_wait3A_293 : memref<1x64xf32, #tpu.memory_space<hbm>>) dst(%dma_wait3A_290 : memref<1x64xf32, #tpu.memory_space<vmem>>)
    %dma_wait3A_294 = arith.constant 0 : i32
    %dma_wait3A_295 = arith.constant 0 : i32
    %dma_wait3A_296 = tpu.memref_slice %arg10[%dma_wait3A_294, %dma_wait3A_295] : memref<512x64xf32, #tpu.memory_space<vmem>> -> memref<1x64xf32, #tpu.memory_space<vmem>>
    %dma_wait3A_297 = arith.constant 0 : i32
    %dma_wait3A_298 = arith.constant 0 : i32
    %dma_wait3A_299 = tpu.memref_slice %arg5[%dma_wait3A_297, %dma_wait3A_298] : memref<1000000x64xf32, #tpu.memory_space<hbm>> -> memref<1x64xf32, #tpu.memory_space<hbm>>
    %dma_wait3A_300 = arith.constant 0 : i32
    %dma_wait3A_301 = arith.constant 0 : i32
    %dma_wait3A_302 = tpu.memref_slice %arg10[%dma_wait3A_300, %dma_wait3A_301] : memref<512x64xf32, #tpu.memory_space<vmem>> -> memref<1x64xf32, #tpu.memory_space<vmem>>
    %dma_wait3A_303 = arith.constant 0 : i32
    %dma_wait3A_304 = arith.constant 0 : i32
    %dma_wait3A_305 = tpu.memref_slice %arg5[%dma_wait3A_303, %dma_wait3A_304] : memref<1000000x64xf32, #tpu.memory_space<hbm>> -> memref<1x64xf32, #tpu.memory_space<hbm>>
    tpu.wait_dma2 semaphore(%arg12 : memref<!tpu.dma_semaphore, #tpu.memory_space<semaphore_mem>>) src(%dma_wait3A_305 : memref<1x64xf32, #tpu.memory_space<hbm>>) dst(%dma_wait3A_302 : memref<1x64xf32, #tpu.memory_space<vmem>>)
    %dma_wait3A_306 = arith.constant 0 : i32
    %dma_wait3A_307 = arith.constant 0 : i32
    %dma_wait3A_308 = tpu.memref_slice %arg10[%dma_wait3A_306, %dma_wait3A_307] : memref<512x64xf32, #tpu.memory_space<vmem>> -> memref<1x64xf32, #tpu.memory_space<vmem>>
    %dma_wait3A_309 = arith.constant 0 : i32
    %dma_wait3A_310 = arith.constant 0 : i32
    %dma_wait3A_311 = tpu.memref_slice %arg5[%dma_wait3A_309, %dma_wait3A_310] : memref<1000000x64xf32, #tpu.memory_space<hbm>> -> memref<1x64xf32, #tpu.memory_space<hbm>>
    %dma_wait3A_312 = arith.constant 0 : i32
    %dma_wait3A_313 = arith.constant 0 : i32
    %dma_wait3A_314 = tpu.memref_slice %arg10[%dma_wait3A_312, %dma_wait3A_313] : memref<512x64xf32, #tpu.memory_space<vmem>> -> memref<1x64xf32, #tpu.memory_space<vmem>>
    %dma_wait3A_315 = arith.constant 0 : i32
    %dma_wait3A_316 = arith.constant 0 : i32
    %dma_wait3A_317 = tpu.memref_slice %arg5[%dma_wait3A_315, %dma_wait3A_316] : memref<1000000x64xf32, #tpu.memory_space<hbm>> -> memref<1x64xf32, #tpu.memory_space<hbm>>
    tpu.wait_dma2 semaphore(%arg12 : memref<!tpu.dma_semaphore, #tpu.memory_space<semaphore_mem>>) src(%dma_wait3A_317 : memref<1x64xf32, #tpu.memory_space<hbm>>) dst(%dma_wait3A_314 : memref<1x64xf32, #tpu.memory_space<vmem>>)
    %dma_wait3A_318 = arith.constant 0 : i32
    %dma_wait3A_319 = arith.constant 0 : i32
    %dma_wait3A_320 = tpu.memref_slice %arg10[%dma_wait3A_318, %dma_wait3A_319] : memref<512x64xf32, #tpu.memory_space<vmem>> -> memref<1x64xf32, #tpu.memory_space<vmem>>
    %dma_wait3A_321 = arith.constant 0 : i32
    %dma_wait3A_322 = arith.constant 0 : i32
    %dma_wait3A_323 = tpu.memref_slice %arg5[%dma_wait3A_321, %dma_wait3A_322] : memref<1000000x64xf32, #tpu.memory_space<hbm>> -> memref<1x64xf32, #tpu.memory_space<hbm>>
    %dma_wait3A_324 = arith.constant 0 : i32
    %dma_wait3A_325 = arith.constant 0 : i32
    %dma_wait3A_326 = tpu.memref_slice %arg10[%dma_wait3A_324, %dma_wait3A_325] : memref<512x64xf32, #tpu.memory_space<vmem>> -> memref<1x64xf32, #tpu.memory_space<vmem>>
    %dma_wait3A_327 = arith.constant 0 : i32
    %dma_wait3A_328 = arith.constant 0 : i32
    %dma_wait3A_329 = tpu.memref_slice %arg5[%dma_wait3A_327, %dma_wait3A_328] : memref<1000000x64xf32, #tpu.memory_space<hbm>> -> memref<1x64xf32, #tpu.memory_space<hbm>>
    tpu.wait_dma2 semaphore(%arg12 : memref<!tpu.dma_semaphore, #tpu.memory_space<semaphore_mem>>) src(%dma_wait3A_329 : memref<1x64xf32, #tpu.memory_space<hbm>>) dst(%dma_wait3A_326 : memref<1x64xf32, #tpu.memory_space<vmem>>)
    %dma_wait3A_330 = arith.constant 0 : i32
    %dma_wait3A_331 = arith.constant 0 : i32
    %dma_wait3A_332 = tpu.memref_slice %arg10[%dma_wait3A_330, %dma_wait3A_331] : memref<512x64xf32, #tpu.memory_space<vmem>> -> memref<1x64xf32, #tpu.memory_space<vmem>>
    %dma_wait3A_333 = arith.constant 0 : i32
    %dma_wait3A_334 = arith.constant 0 : i32
    %dma_wait3A_335 = tpu.memref_slice %arg5[%dma_wait3A_333, %dma_wait3A_334] : memref<1000000x64xf32, #tpu.memory_space<hbm>> -> memref<1x64xf32, #tpu.memory_space<hbm>>
    %dma_wait3A_336 = arith.constant 0 : i32
    %dma_wait3A_337 = arith.constant 0 : i32
    %dma_wait3A_338 = tpu.memref_slice %arg10[%dma_wait3A_336, %dma_wait3A_337] : memref<512x64xf32, #tpu.memory_space<vmem>> -> memref<1x64xf32, #tpu.memory_space<vmem>>
    %dma_wait3A_339 = arith.constant 0 : i32
    %dma_wait3A_340 = arith.constant 0 : i32
    %dma_wait3A_341 = tpu.memref_slice %arg5[%dma_wait3A_339, %dma_wait3A_340] : memref<1000000x64xf32, #tpu.memory_space<hbm>> -> memref<1x64xf32, #tpu.memory_space<hbm>>
    tpu.wait_dma2 semaphore(%arg12 : memref<!tpu.dma_semaphore, #tpu.memory_space<semaphore_mem>>) src(%dma_wait3A_341 : memref<1x64xf32, #tpu.memory_space<hbm>>) dst(%dma_wait3A_338 : memref<1x64xf32, #tpu.memory_space<vmem>>)
    %dma_wait3A_342 = arith.constant 0 : i32
    %dma_wait3A_343 = arith.constant 0 : i32
    %dma_wait3A_344 = tpu.memref_slice %arg10[%dma_wait3A_342, %dma_wait3A_343] : memref<512x64xf32, #tpu.memory_space<vmem>> -> memref<1x64xf32, #tpu.memory_space<vmem>>
    %dma_wait3A_345 = arith.constant 0 : i32
    %dma_wait3A_346 = arith.constant 0 : i32
    %dma_wait3A_347 = tpu.memref_slice %arg5[%dma_wait3A_345, %dma_wait3A_346] : memref<1000000x64xf32, #tpu.memory_space<hbm>> -> memref<1x64xf32, #tpu.memory_space<hbm>>
    %dma_wait3A_348 = arith.constant 0 : i32
    %dma_wait3A_349 = arith.constant 0 : i32
    %dma_wait3A_350 = tpu.memref_slice %arg10[%dma_wait3A_348, %dma_wait3A_349] : memref<512x64xf32, #tpu.memory_space<vmem>> -> memref<1x64xf32, #tpu.memory_space<vmem>>
    %dma_wait3A_351 = arith.constant 0 : i32
    %dma_wait3A_352 = arith.constant 0 : i32
    %dma_wait3A_353 = tpu.memref_slice %arg5[%dma_wait3A_351, %dma_wait3A_352] : memref<1000000x64xf32, #tpu.memory_space<hbm>> -> memref<1x64xf32, #tpu.memory_space<hbm>>
    tpu.wait_dma2 semaphore(%arg12 : memref<!tpu.dma_semaphore, #tpu.memory_space<semaphore_mem>>) src(%dma_wait3A_353 : memref<1x64xf32, #tpu.memory_space<hbm>>) dst(%dma_wait3A_350 : memref<1x64xf32, #tpu.memory_space<vmem>>)
    %dma_wait3A_354 = arith.constant 0 : i32
    %dma_wait3A_355 = arith.constant 0 : i32
    %dma_wait3A_356 = tpu.memref_slice %arg10[%dma_wait3A_354, %dma_wait3A_355] : memref<512x64xf32, #tpu.memory_space<vmem>> -> memref<1x64xf32, #tpu.memory_space<vmem>>
    %dma_wait3A_357 = arith.constant 0 : i32
    %dma_wait3A_358 = arith.constant 0 : i32
    %dma_wait3A_359 = tpu.memref_slice %arg5[%dma_wait3A_357, %dma_wait3A_358] : memref<1000000x64xf32, #tpu.memory_space<hbm>> -> memref<1x64xf32, #tpu.memory_space<hbm>>
    %dma_wait3A_360 = arith.constant 0 : i32
    %dma_wait3A_361 = arith.constant 0 : i32
    %dma_wait3A_362 = tpu.memref_slice %arg10[%dma_wait3A_360, %dma_wait3A_361] : memref<512x64xf32, #tpu.memory_space<vmem>> -> memref<1x64xf32, #tpu.memory_space<vmem>>
    %dma_wait3A_363 = arith.constant 0 : i32
    %dma_wait3A_364 = arith.constant 0 : i32
    %dma_wait3A_365 = tpu.memref_slice %arg5[%dma_wait3A_363, %dma_wait3A_364] : memref<1000000x64xf32, #tpu.memory_space<hbm>> -> memref<1x64xf32, #tpu.memory_space<hbm>>
    tpu.wait_dma2 semaphore(%arg12 : memref<!tpu.dma_semaphore, #tpu.memory_space<semaphore_mem>>) src(%dma_wait3A_365 : memref<1x64xf32, #tpu.memory_space<hbm>>) dst(%dma_wait3A_362 : memref<1x64xf32, #tpu.memory_space<vmem>>)
    %dma_wait3A_366 = arith.constant 0 : i32
    %dma_wait3A_367 = arith.constant 0 : i32
    %dma_wait3A_368 = tpu.memref_slice %arg10[%dma_wait3A_366, %dma_wait3A_367] : memref<512x64xf32, #tpu.memory_space<vmem>> -> memref<1x64xf32, #tpu.memory_space<vmem>>
    %dma_wait3A_369 = arith.constant 0 : i32
    %dma_wait3A_370 = arith.constant 0 : i32
    %dma_wait3A_371 = tpu.memref_slice %arg5[%dma_wait3A_369, %dma_wait3A_370] : memref<1000000x64xf32, #tpu.memory_space<hbm>> -> memref<1x64xf32, #tpu.memory_space<hbm>>
    %dma_wait3A_372 = arith.constant 0 : i32
    %dma_wait3A_373 = arith.constant 0 : i32
    %dma_wait3A_374 = tpu.memref_slice %arg10[%dma_wait3A_372, %dma_wait3A_373] : memref<512x64xf32, #tpu.memory_space<vmem>> -> memref<1x64xf32, #tpu.memory_space<vmem>>
    %dma_wait3A_375 = arith.constant 0 : i32
    %dma_wait3A_376 = arith.constant 0 : i32
    %dma_wait3A_377 = tpu.memref_slice %arg5[%dma_wait3A_375, %dma_wait3A_376] : memref<1000000x64xf32, #tpu.memory_space<hbm>> -> memref<1x64xf32, #tpu.memory_space<hbm>>
    tpu.wait_dma2 semaphore(%arg12 : memref<!tpu.dma_semaphore, #tpu.memory_space<semaphore_mem>>) src(%dma_wait3A_377 : memref<1x64xf32, #tpu.memory_space<hbm>>) dst(%dma_wait3A_374 : memref<1x64xf32, #tpu.memory_space<vmem>>)
    %dma_wait3A_378 = arith.constant 0 : i32
    %dma_wait3A_379 = arith.constant 0 : i32
    %dma_wait3A_380 = tpu.memref_slice %arg10[%dma_wait3A_378, %dma_wait3A_379] : memref<512x64xf32, #tpu.memory_space<vmem>> -> memref<1x64xf32, #tpu.memory_space<vmem>>
    %dma_wait3A_381 = arith.constant 0 : i32
    %dma_wait3A_382 = arith.constant 0 : i32
    %dma_wait3A_383 = tpu.memref_slice %arg5[%dma_wait3A_381, %dma_wait3A_382] : memref<1000000x64xf32, #tpu.memory_space<hbm>> -> memref<1x64xf32, #tpu.memory_space<hbm>>
    %dma_wait3A_384 = arith.constant 0 : i32
    %dma_wait3A_385 = arith.constant 0 : i32
    %dma_wait3A_386 = tpu.memref_slice %arg10[%dma_wait3A_384, %dma_wait3A_385] : memref<512x64xf32, #tpu.memory_space<vmem>> -> memref<1x64xf32, #tpu.memory_space<vmem>>
    %dma_wait3A_387 = arith.constant 0 : i32
    %dma_wait3A_388 = arith.constant 0 : i32
    %dma_wait3A_389 = tpu.memref_slice %arg5[%dma_wait3A_387, %dma_wait3A_388] : memref<1000000x64xf32, #tpu.memory_space<hbm>> -> memref<1x64xf32, #tpu.memory_space<hbm>>
    tpu.wait_dma2 semaphore(%arg12 : memref<!tpu.dma_semaphore, #tpu.memory_space<semaphore_mem>>) src(%dma_wait3A_389 : memref<1x64xf32, #tpu.memory_space<hbm>>) dst(%dma_wait3A_386 : memref<1x64xf32, #tpu.memory_space<vmem>>)
    %dma_wait3A_390 = arith.constant 0 : i32
    %dma_wait3A_391 = arith.constant 0 : i32
    %dma_wait3A_392 = tpu.memref_slice %arg10[%dma_wait3A_390, %dma_wait3A_391] : memref<512x64xf32, #tpu.memory_space<vmem>> -> memref<1x64xf32, #tpu.memory_space<vmem>>
    %dma_wait3A_393 = arith.constant 0 : i32
    %dma_wait3A_394 = arith.constant 0 : i32
    %dma_wait3A_395 = tpu.memref_slice %arg5[%dma_wait3A_393, %dma_wait3A_394] : memref<1000000x64xf32, #tpu.memory_space<hbm>> -> memref<1x64xf32, #tpu.memory_space<hbm>>
    %dma_wait3A_396 = arith.constant 0 : i32
    %dma_wait3A_397 = arith.constant 0 : i32
    %dma_wait3A_398 = tpu.memref_slice %arg10[%dma_wait3A_396, %dma_wait3A_397] : memref<512x64xf32, #tpu.memory_space<vmem>> -> memref<1x64xf32, #tpu.memory_space<vmem>>
    %dma_wait3A_399 = arith.constant 0 : i32
    %dma_wait3A_400 = arith.constant 0 : i32
    %dma_wait3A_401 = tpu.memref_slice %arg5[%dma_wait3A_399, %dma_wait3A_400] : memref<1000000x64xf32, #tpu.memory_space<hbm>> -> memref<1x64xf32, #tpu.memory_space<hbm>>
    tpu.wait_dma2 semaphore(%arg12 : memref<!tpu.dma_semaphore, #tpu.memory_space<semaphore_mem>>) src(%dma_wait3A_401 : memref<1x64xf32, #tpu.memory_space<hbm>>) dst(%dma_wait3A_398 : memref<1x64xf32, #tpu.memory_space<vmem>>)
    %dma_wait3A_402 = arith.constant 0 : i32
    %dma_wait3A_403 = arith.constant 0 : i32
    %dma_wait3A_404 = tpu.memref_slice %arg10[%dma_wait3A_402, %dma_wait3A_403] : memref<512x64xf32, #tpu.memory_space<vmem>> -> memref<1x64xf32, #tpu.memory_space<vmem>>
    %dma_wait3A_405 = arith.constant 0 : i32
    %dma_wait3A_406 = arith.constant 0 : i32
    %dma_wait3A_407 = tpu.memref_slice %arg5[%dma_wait3A_405, %dma_wait3A_406] : memref<1000000x64xf32, #tpu.memory_space<hbm>> -> memref<1x64xf32, #tpu.memory_space<hbm>>
    %dma_wait3A_408 = arith.constant 0 : i32
    %dma_wait3A_409 = arith.constant 0 : i32
    %dma_wait3A_410 = tpu.memref_slice %arg10[%dma_wait3A_408, %dma_wait3A_409] : memref<512x64xf32, #tpu.memory_space<vmem>> -> memref<1x64xf32, #tpu.memory_space<vmem>>
    %dma_wait3A_411 = arith.constant 0 : i32
    %dma_wait3A_412 = arith.constant 0 : i32
    %dma_wait3A_413 = tpu.memref_slice %arg5[%dma_wait3A_411, %dma_wait3A_412] : memref<1000000x64xf32, #tpu.memory_space<hbm>> -> memref<1x64xf32, #tpu.memory_space<hbm>>
    tpu.wait_dma2 semaphore(%arg12 : memref<!tpu.dma_semaphore, #tpu.memory_space<semaphore_mem>>) src(%dma_wait3A_413 : memref<1x64xf32, #tpu.memory_space<hbm>>) dst(%dma_wait3A_410 : memref<1x64xf32, #tpu.memory_space<vmem>>)
    %dma_wait3A_414 = arith.constant 0 : i32
    %dma_wait3A_415 = arith.constant 0 : i32
    %dma_wait3A_416 = tpu.memref_slice %arg10[%dma_wait3A_414, %dma_wait3A_415] : memref<512x64xf32, #tpu.memory_space<vmem>> -> memref<1x64xf32, #tpu.memory_space<vmem>>
    %dma_wait3A_417 = arith.constant 0 : i32
    %dma_wait3A_418 = arith.constant 0 : i32
    %dma_wait3A_419 = tpu.memref_slice %arg5[%dma_wait3A_417, %dma_wait3A_418] : memref<1000000x64xf32, #tpu.memory_space<hbm>> -> memref<1x64xf32, #tpu.memory_space<hbm>>
    %dma_wait3A_420 = arith.constant 0 : i32
    %dma_wait3A_421 = arith.constant 0 : i32
    %dma_wait3A_422 = tpu.memref_slice %arg10[%dma_wait3A_420, %dma_wait3A_421] : memref<512x64xf32, #tpu.memory_space<vmem>> -> memref<1x64xf32, #tpu.memory_space<vmem>>
    %dma_wait3A_423 = arith.constant 0 : i32
    %dma_wait3A_424 = arith.constant 0 : i32
    %dma_wait3A_425 = tpu.memref_slice %arg5[%dma_wait3A_423, %dma_wait3A_424] : memref<1000000x64xf32, #tpu.memory_space<hbm>> -> memref<1x64xf32, #tpu.memory_space<hbm>>
    tpu.wait_dma2 semaphore(%arg12 : memref<!tpu.dma_semaphore, #tpu.memory_space<semaphore_mem>>) src(%dma_wait3A_425 : memref<1x64xf32, #tpu.memory_space<hbm>>) dst(%dma_wait3A_422 : memref<1x64xf32, #tpu.memory_space<vmem>>)
    %dma_wait3A_426 = arith.constant 0 : i32
    %dma_wait3A_427 = arith.constant 0 : i32
    %dma_wait3A_428 = tpu.memref_slice %arg10[%dma_wait3A_426, %dma_wait3A_427] : memref<512x64xf32, #tpu.memory_space<vmem>> -> memref<1x64xf32, #tpu.memory_space<vmem>>
    %dma_wait3A_429 = arith.constant 0 : i32
    %dma_wait3A_430 = arith.constant 0 : i32
    %dma_wait3A_431 = tpu.memref_slice %arg5[%dma_wait3A_429, %dma_wait3A_430] : memref<1000000x64xf32, #tpu.memory_space<hbm>> -> memref<1x64xf32, #tpu.memory_space<hbm>>
    %dma_wait3A_432 = arith.constant 0 : i32
    %dma_wait3A_433 = arith.constant 0 : i32
    %dma_wait3A_434 = tpu.memref_slice %arg10[%dma_wait3A_432, %dma_wait3A_433] : memref<512x64xf32, #tpu.memory_space<vmem>> -> memref<1x64xf32, #tpu.memory_space<vmem>>
    %dma_wait3A_435 = arith.constant 0 : i32
    %dma_wait3A_436 = arith.constant 0 : i32
    %dma_wait3A_437 = tpu.memref_slice %arg5[%dma_wait3A_435, %dma_wait3A_436] : memref<1000000x64xf32, #tpu.memory_space<hbm>> -> memref<1x64xf32, #tpu.memory_space<hbm>>
    tpu.wait_dma2 semaphore(%arg12 : memref<!tpu.dma_semaphore, #tpu.memory_space<semaphore_mem>>) src(%dma_wait3A_437 : memref<1x64xf32, #tpu.memory_space<hbm>>) dst(%dma_wait3A_434 : memref<1x64xf32, #tpu.memory_space<vmem>>)
    %dma_wait3A_438 = arith.constant 0 : i32
    %dma_wait3A_439 = arith.constant 0 : i32
    %dma_wait3A_440 = tpu.memref_slice %arg10[%dma_wait3A_438, %dma_wait3A_439] : memref<512x64xf32, #tpu.memory_space<vmem>> -> memref<1x64xf32, #tpu.memory_space<vmem>>
    %dma_wait3A_441 = arith.constant 0 : i32
    %dma_wait3A_442 = arith.constant 0 : i32
    %dma_wait3A_443 = tpu.memref_slice %arg5[%dma_wait3A_441, %dma_wait3A_442] : memref<1000000x64xf32, #tpu.memory_space<hbm>> -> memref<1x64xf32, #tpu.memory_space<hbm>>
    %dma_wait3A_444 = arith.constant 0 : i32
    %dma_wait3A_445 = arith.constant 0 : i32
    %dma_wait3A_446 = tpu.memref_slice %arg10[%dma_wait3A_444, %dma_wait3A_445] : memref<512x64xf32, #tpu.memory_space<vmem>> -> memref<1x64xf32, #tpu.memory_space<vmem>>
    %dma_wait3A_447 = arith.constant 0 : i32
    %dma_wait3A_448 = arith.constant 0 : i32
    %dma_wait3A_449 = tpu.memref_slice %arg5[%dma_wait3A_447, %dma_wait3A_448] : memref<1000000x64xf32, #tpu.memory_space<hbm>> -> memref<1x64xf32, #tpu.memory_space<hbm>>
    tpu.wait_dma2 semaphore(%arg12 : memref<!tpu.dma_semaphore, #tpu.memory_space<semaphore_mem>>) src(%dma_wait3A_449 : memref<1x64xf32, #tpu.memory_space<hbm>>) dst(%dma_wait3A_446 : memref<1x64xf32, #tpu.memory_space<vmem>>)
    %dma_wait3A_450 = arith.constant 0 : i32
    %dma_wait3A_451 = arith.constant 0 : i32
    %dma_wait3A_452 = tpu.memref_slice %arg10[%dma_wait3A_450, %dma_wait3A_451] : memref<512x64xf32, #tpu.memory_space<vmem>> -> memref<1x64xf32, #tpu.memory_space<vmem>>
    %dma_wait3A_453 = arith.constant 0 : i32
    %dma_wait3A_454 = arith.constant 0 : i32
    %dma_wait3A_455 = tpu.memref_slice %arg5[%dma_wait3A_453, %dma_wait3A_454] : memref<1000000x64xf32, #tpu.memory_space<hbm>> -> memref<1x64xf32, #tpu.memory_space<hbm>>
    %dma_wait3A_456 = arith.constant 0 : i32
    %dma_wait3A_457 = arith.constant 0 : i32
    %dma_wait3A_458 = tpu.memref_slice %arg10[%dma_wait3A_456, %dma_wait3A_457] : memref<512x64xf32, #tpu.memory_space<vmem>> -> memref<1x64xf32, #tpu.memory_space<vmem>>
    %dma_wait3A_459 = arith.constant 0 : i32
    %dma_wait3A_460 = arith.constant 0 : i32
    %dma_wait3A_461 = tpu.memref_slice %arg5[%dma_wait3A_459, %dma_wait3A_460] : memref<1000000x64xf32, #tpu.memory_space<hbm>> -> memref<1x64xf32, #tpu.memory_space<hbm>>
    tpu.wait_dma2 semaphore(%arg12 : memref<!tpu.dma_semaphore, #tpu.memory_space<semaphore_mem>>) src(%dma_wait3A_461 : memref<1x64xf32, #tpu.memory_space<hbm>>) dst(%dma_wait3A_458 : memref<1x64xf32, #tpu.memory_space<vmem>>)
    %dma_wait3A_462 = arith.constant 0 : i32
    %dma_wait3A_463 = arith.constant 0 : i32
    %dma_wait3A_464 = tpu.memref_slice %arg10[%dma_wait3A_462, %dma_wait3A_463] : memref<512x64xf32, #tpu.memory_space<vmem>> -> memref<1x64xf32, #tpu.memory_space<vmem>>
    %dma_wait3A_465 = arith.constant 0 : i32
    %dma_wait3A_466 = arith.constant 0 : i32
    %dma_wait3A_467 = tpu.memref_slice %arg5[%dma_wait3A_465, %dma_wait3A_466] : memref<1000000x64xf32, #tpu.memory_space<hbm>> -> memref<1x64xf32, #tpu.memory_space<hbm>>
    %dma_wait3A_468 = arith.constant 0 : i32
    %dma_wait3A_469 = arith.constant 0 : i32
    %dma_wait3A_470 = tpu.memref_slice %arg10[%dma_wait3A_468, %dma_wait3A_469] : memref<512x64xf32, #tpu.memory_space<vmem>> -> memref<1x64xf32, #tpu.memory_space<vmem>>
    %dma_wait3A_471 = arith.constant 0 : i32
    %dma_wait3A_472 = arith.constant 0 : i32
    %dma_wait3A_473 = tpu.memref_slice %arg5[%dma_wait3A_471, %dma_wait3A_472] : memref<1000000x64xf32, #tpu.memory_space<hbm>> -> memref<1x64xf32, #tpu.memory_space<hbm>>
    tpu.wait_dma2 semaphore(%arg12 : memref<!tpu.dma_semaphore, #tpu.memory_space<semaphore_mem>>) src(%dma_wait3A_473 : memref<1x64xf32, #tpu.memory_space<hbm>>) dst(%dma_wait3A_470 : memref<1x64xf32, #tpu.memory_space<vmem>>)
    %dma_wait3A_474 = arith.constant 0 : i32
    %dma_wait3A_475 = arith.constant 0 : i32
    %dma_wait3A_476 = tpu.memref_slice %arg10[%dma_wait3A_474, %dma_wait3A_475] : memref<512x64xf32, #tpu.memory_space<vmem>> -> memref<1x64xf32, #tpu.memory_space<vmem>>
    %dma_wait3A_477 = arith.constant 0 : i32
    %dma_wait3A_478 = arith.constant 0 : i32
    %dma_wait3A_479 = tpu.memref_slice %arg5[%dma_wait3A_477, %dma_wait3A_478] : memref<1000000x64xf32, #tpu.memory_space<hbm>> -> memref<1x64xf32, #tpu.memory_space<hbm>>
    %dma_wait3A_480 = arith.constant 0 : i32
    %dma_wait3A_481 = arith.constant 0 : i32
    %dma_wait3A_482 = tpu.memref_slice %arg10[%dma_wait3A_480, %dma_wait3A_481] : memref<512x64xf32, #tpu.memory_space<vmem>> -> memref<1x64xf32, #tpu.memory_space<vmem>>
    %dma_wait3A_483 = arith.constant 0 : i32
    %dma_wait3A_484 = arith.constant 0 : i32
    %dma_wait3A_485 = tpu.memref_slice %arg5[%dma_wait3A_483, %dma_wait3A_484] : memref<1000000x64xf32, #tpu.memory_space<hbm>> -> memref<1x64xf32, #tpu.memory_space<hbm>>
    tpu.wait_dma2 semaphore(%arg12 : memref<!tpu.dma_semaphore, #tpu.memory_space<semaphore_mem>>) src(%dma_wait3A_485 : memref<1x64xf32, #tpu.memory_space<hbm>>) dst(%dma_wait3A_482 : memref<1x64xf32, #tpu.memory_space<vmem>>)
    %dma_wait3A_486 = arith.constant 0 : i32
    %dma_wait3A_487 = arith.constant 0 : i32
    %dma_wait3A_488 = tpu.memref_slice %arg10[%dma_wait3A_486, %dma_wait3A_487] : memref<512x64xf32, #tpu.memory_space<vmem>> -> memref<1x64xf32, #tpu.memory_space<vmem>>
    %dma_wait3A_489 = arith.constant 0 : i32
    %dma_wait3A_490 = arith.constant 0 : i32
    %dma_wait3A_491 = tpu.memref_slice %arg5[%dma_wait3A_489, %dma_wait3A_490] : memref<1000000x64xf32, #tpu.memory_space<hbm>> -> memref<1x64xf32, #tpu.memory_space<hbm>>
    %dma_wait3A_492 = arith.constant 0 : i32
    %dma_wait3A_493 = arith.constant 0 : i32
    %dma_wait3A_494 = tpu.memref_slice %arg10[%dma_wait3A_492, %dma_wait3A_493] : memref<512x64xf32, #tpu.memory_space<vmem>> -> memref<1x64xf32, #tpu.memory_space<vmem>>
    %dma_wait3A_495 = arith.constant 0 : i32
    %dma_wait3A_496 = arith.constant 0 : i32
    %dma_wait3A_497 = tpu.memref_slice %arg5[%dma_wait3A_495, %dma_wait3A_496] : memref<1000000x64xf32, #tpu.memory_space<hbm>> -> memref<1x64xf32, #tpu.memory_space<hbm>>
    tpu.wait_dma2 semaphore(%arg12 : memref<!tpu.dma_semaphore, #tpu.memory_space<semaphore_mem>>) src(%dma_wait3A_497 : memref<1x64xf32, #tpu.memory_space<hbm>>) dst(%dma_wait3A_494 : memref<1x64xf32, #tpu.memory_space<vmem>>)
    %dma_wait3A_498 = arith.constant 0 : i32
    %dma_wait3A_499 = arith.constant 0 : i32
    %dma_wait3A_500 = tpu.memref_slice %arg10[%dma_wait3A_498, %dma_wait3A_499] : memref<512x64xf32, #tpu.memory_space<vmem>> -> memref<1x64xf32, #tpu.memory_space<vmem>>
    %dma_wait3A_501 = arith.constant 0 : i32
    %dma_wait3A_502 = arith.constant 0 : i32
    %dma_wait3A_503 = tpu.memref_slice %arg5[%dma_wait3A_501, %dma_wait3A_502] : memref<1000000x64xf32, #tpu.memory_space<hbm>> -> memref<1x64xf32, #tpu.memory_space<hbm>>
    %dma_wait3A_504 = arith.constant 0 : i32
    %dma_wait3A_505 = arith.constant 0 : i32
    %dma_wait3A_506 = tpu.memref_slice %arg10[%dma_wait3A_504, %dma_wait3A_505] : memref<512x64xf32, #tpu.memory_space<vmem>> -> memref<1x64xf32, #tpu.memory_space<vmem>>
    %dma_wait3A_507 = arith.constant 0 : i32
    %dma_wait3A_508 = arith.constant 0 : i32
    %dma_wait3A_509 = tpu.memref_slice %arg5[%dma_wait3A_507, %dma_wait3A_508] : memref<1000000x64xf32, #tpu.memory_space<hbm>> -> memref<1x64xf32, #tpu.memory_space<hbm>>
    tpu.wait_dma2 semaphore(%arg12 : memref<!tpu.dma_semaphore, #tpu.memory_space<semaphore_mem>>) src(%dma_wait3A_509 : memref<1x64xf32, #tpu.memory_space<hbm>>) dst(%dma_wait3A_506 : memref<1x64xf32, #tpu.memory_space<vmem>>)
    %dma_wait3A_510 = arith.constant 0 : i32
    %dma_wait3A_511 = arith.constant 0 : i32
    %dma_wait3A_512 = tpu.memref_slice %arg10[%dma_wait3A_510, %dma_wait3A_511] : memref<512x64xf32, #tpu.memory_space<vmem>> -> memref<1x64xf32, #tpu.memory_space<vmem>>
    %dma_wait3A_513 = arith.constant 0 : i32
    %dma_wait3A_514 = arith.constant 0 : i32
    %dma_wait3A_515 = tpu.memref_slice %arg5[%dma_wait3A_513, %dma_wait3A_514] : memref<1000000x64xf32, #tpu.memory_space<hbm>> -> memref<1x64xf32, #tpu.memory_space<hbm>>
    %dma_wait3A_516 = arith.constant 0 : i32
    %dma_wait3A_517 = arith.constant 0 : i32
    %dma_wait3A_518 = tpu.memref_slice %arg10[%dma_wait3A_516, %dma_wait3A_517] : memref<512x64xf32, #tpu.memory_space<vmem>> -> memref<1x64xf32, #tpu.memory_space<vmem>>
    %dma_wait3A_519 = arith.constant 0 : i32
    %dma_wait3A_520 = arith.constant 0 : i32
    %dma_wait3A_521 = tpu.memref_slice %arg5[%dma_wait3A_519, %dma_wait3A_520] : memref<1000000x64xf32, #tpu.memory_space<hbm>> -> memref<1x64xf32, #tpu.memory_space<hbm>>
    tpu.wait_dma2 semaphore(%arg12 : memref<!tpu.dma_semaphore, #tpu.memory_space<semaphore_mem>>) src(%dma_wait3A_521 : memref<1x64xf32, #tpu.memory_space<hbm>>) dst(%dma_wait3A_518 : memref<1x64xf32, #tpu.memory_space<vmem>>)
    %dma_wait3A_522 = arith.constant 0 : i32
    %dma_wait3A_523 = arith.constant 0 : i32
    %dma_wait3A_524 = tpu.memref_slice %arg10[%dma_wait3A_522, %dma_wait3A_523] : memref<512x64xf32, #tpu.memory_space<vmem>> -> memref<1x64xf32, #tpu.memory_space<vmem>>
    %dma_wait3A_525 = arith.constant 0 : i32
    %dma_wait3A_526 = arith.constant 0 : i32
    %dma_wait3A_527 = tpu.memref_slice %arg5[%dma_wait3A_525, %dma_wait3A_526] : memref<1000000x64xf32, #tpu.memory_space<hbm>> -> memref<1x64xf32, #tpu.memory_space<hbm>>
    %dma_wait3A_528 = arith.constant 0 : i32
    %dma_wait3A_529 = arith.constant 0 : i32
    %dma_wait3A_530 = tpu.memref_slice %arg10[%dma_wait3A_528, %dma_wait3A_529] : memref<512x64xf32, #tpu.memory_space<vmem>> -> memref<1x64xf32, #tpu.memory_space<vmem>>
    %dma_wait3A_531 = arith.constant 0 : i32
    %dma_wait3A_532 = arith.constant 0 : i32
    %dma_wait3A_533 = tpu.memref_slice %arg5[%dma_wait3A_531, %dma_wait3A_532] : memref<1000000x64xf32, #tpu.memory_space<hbm>> -> memref<1x64xf32, #tpu.memory_space<hbm>>
    tpu.wait_dma2 semaphore(%arg12 : memref<!tpu.dma_semaphore, #tpu.memory_space<semaphore_mem>>) src(%dma_wait3A_533 : memref<1x64xf32, #tpu.memory_space<hbm>>) dst(%dma_wait3A_530 : memref<1x64xf32, #tpu.memory_space<vmem>>)
    %dma_wait3A_534 = arith.constant 0 : i32
    %dma_wait3A_535 = arith.constant 0 : i32
    %dma_wait3A_536 = tpu.memref_slice %arg10[%dma_wait3A_534, %dma_wait3A_535] : memref<512x64xf32, #tpu.memory_space<vmem>> -> memref<1x64xf32, #tpu.memory_space<vmem>>
    %dma_wait3A_537 = arith.constant 0 : i32
    %dma_wait3A_538 = arith.constant 0 : i32
    %dma_wait3A_539 = tpu.memref_slice %arg5[%dma_wait3A_537, %dma_wait3A_538] : memref<1000000x64xf32, #tpu.memory_space<hbm>> -> memref<1x64xf32, #tpu.memory_space<hbm>>
    %dma_wait3A_540 = arith.constant 0 : i32
    %dma_wait3A_541 = arith.constant 0 : i32
    %dma_wait3A_542 = tpu.memref_slice %arg10[%dma_wait3A_540, %dma_wait3A_541] : memref<512x64xf32, #tpu.memory_space<vmem>> -> memref<1x64xf32, #tpu.memory_space<vmem>>
    %dma_wait3A_543 = arith.constant 0 : i32
    %dma_wait3A_544 = arith.constant 0 : i32
    %dma_wait3A_545 = tpu.memref_slice %arg5[%dma_wait3A_543, %dma_wait3A_544] : memref<1000000x64xf32, #tpu.memory_space<hbm>> -> memref<1x64xf32, #tpu.memory_space<hbm>>
    tpu.wait_dma2 semaphore(%arg12 : memref<!tpu.dma_semaphore, #tpu.memory_space<semaphore_mem>>) src(%dma_wait3A_545 : memref<1x64xf32, #tpu.memory_space<hbm>>) dst(%dma_wait3A_542 : memref<1x64xf32, #tpu.memory_space<vmem>>)
    %dma_wait3A_546 = arith.constant 0 : i32
    %dma_wait3A_547 = arith.constant 0 : i32
    %dma_wait3A_548 = tpu.memref_slice %arg10[%dma_wait3A_546, %dma_wait3A_547] : memref<512x64xf32, #tpu.memory_space<vmem>> -> memref<1x64xf32, #tpu.memory_space<vmem>>
    %dma_wait3A_549 = arith.constant 0 : i32
    %dma_wait3A_550 = arith.constant 0 : i32
    %dma_wait3A_551 = tpu.memref_slice %arg5[%dma_wait3A_549, %dma_wait3A_550] : memref<1000000x64xf32, #tpu.memory_space<hbm>> -> memref<1x64xf32, #tpu.memory_space<hbm>>
    %dma_wait3A_552 = arith.constant 0 : i32
    %dma_wait3A_553 = arith.constant 0 : i32
    %dma_wait3A_554 = tpu.memref_slice %arg10[%dma_wait3A_552, %dma_wait3A_553] : memref<512x64xf32, #tpu.memory_space<vmem>> -> memref<1x64xf32, #tpu.memory_space<vmem>>
    %dma_wait3A_555 = arith.constant 0 : i32
    %dma_wait3A_556 = arith.constant 0 : i32
    %dma_wait3A_557 = tpu.memref_slice %arg5[%dma_wait3A_555, %dma_wait3A_556] : memref<1000000x64xf32, #tpu.memory_space<hbm>> -> memref<1x64xf32, #tpu.memory_space<hbm>>
    tpu.wait_dma2 semaphore(%arg12 : memref<!tpu.dma_semaphore, #tpu.memory_space<semaphore_mem>>) src(%dma_wait3A_557 : memref<1x64xf32, #tpu.memory_space<hbm>>) dst(%dma_wait3A_554 : memref<1x64xf32, #tpu.memory_space<vmem>>)
    %dma_wait3A_558 = arith.constant 0 : i32
    %dma_wait3A_559 = arith.constant 0 : i32
    %dma_wait3A_560 = tpu.memref_slice %arg10[%dma_wait3A_558, %dma_wait3A_559] : memref<512x64xf32, #tpu.memory_space<vmem>> -> memref<1x64xf32, #tpu.memory_space<vmem>>
    %dma_wait3A_561 = arith.constant 0 : i32
    %dma_wait3A_562 = arith.constant 0 : i32
    %dma_wait3A_563 = tpu.memref_slice %arg5[%dma_wait3A_561, %dma_wait3A_562] : memref<1000000x64xf32, #tpu.memory_space<hbm>> -> memref<1x64xf32, #tpu.memory_space<hbm>>
    %dma_wait3A_564 = arith.constant 0 : i32
    %dma_wait3A_565 = arith.constant 0 : i32
    %dma_wait3A_566 = tpu.memref_slice %arg10[%dma_wait3A_564, %dma_wait3A_565] : memref<512x64xf32, #tpu.memory_space<vmem>> -> memref<1x64xf32, #tpu.memory_space<vmem>>
    %dma_wait3A_567 = arith.constant 0 : i32
    %dma_wait3A_568 = arith.constant 0 : i32
    %dma_wait3A_569 = tpu.memref_slice %arg5[%dma_wait3A_567, %dma_wait3A_568] : memref<1000000x64xf32, #tpu.memory_space<hbm>> -> memref<1x64xf32, #tpu.memory_space<hbm>>
    tpu.wait_dma2 semaphore(%arg12 : memref<!tpu.dma_semaphore, #tpu.memory_space<semaphore_mem>>) src(%dma_wait3A_569 : memref<1x64xf32, #tpu.memory_space<hbm>>) dst(%dma_wait3A_566 : memref<1x64xf32, #tpu.memory_space<vmem>>)
    %dma_wait3A_570 = arith.constant 0 : i32
    %dma_wait3A_571 = arith.constant 0 : i32
    %dma_wait3A_572 = tpu.memref_slice %arg10[%dma_wait3A_570, %dma_wait3A_571] : memref<512x64xf32, #tpu.memory_space<vmem>> -> memref<1x64xf32, #tpu.memory_space<vmem>>
    %dma_wait3A_573 = arith.constant 0 : i32
    %dma_wait3A_574 = arith.constant 0 : i32
    %dma_wait3A_575 = tpu.memref_slice %arg5[%dma_wait3A_573, %dma_wait3A_574] : memref<1000000x64xf32, #tpu.memory_space<hbm>> -> memref<1x64xf32, #tpu.memory_space<hbm>>
    %dma_wait3A_576 = arith.constant 0 : i32
    %dma_wait3A_577 = arith.constant 0 : i32
    %dma_wait3A_578 = tpu.memref_slice %arg10[%dma_wait3A_576, %dma_wait3A_577] : memref<512x64xf32, #tpu.memory_space<vmem>> -> memref<1x64xf32, #tpu.memory_space<vmem>>
    %dma_wait3A_579 = arith.constant 0 : i32
    %dma_wait3A_580 = arith.constant 0 : i32
    %dma_wait3A_581 = tpu.memref_slice %arg5[%dma_wait3A_579, %dma_wait3A_580] : memref<1000000x64xf32, #tpu.memory_space<hbm>> -> memref<1x64xf32, #tpu.memory_space<hbm>>
    tpu.wait_dma2 semaphore(%arg12 : memref<!tpu.dma_semaphore, #tpu.memory_space<semaphore_mem>>) src(%dma_wait3A_581 : memref<1x64xf32, #tpu.memory_space<hbm>>) dst(%dma_wait3A_578 : memref<1x64xf32, #tpu.memory_space<vmem>>)
    %dma_wait3A_582 = arith.constant 0 : i32
    %dma_wait3A_583 = arith.constant 0 : i32
    %dma_wait3A_584 = tpu.memref_slice %arg10[%dma_wait3A_582, %dma_wait3A_583] : memref<512x64xf32, #tpu.memory_space<vmem>> -> memref<1x64xf32, #tpu.memory_space<vmem>>
    %dma_wait3A_585 = arith.constant 0 : i32
    %dma_wait3A_586 = arith.constant 0 : i32
    %dma_wait3A_587 = tpu.memref_slice %arg5[%dma_wait3A_585, %dma_wait3A_586] : memref<1000000x64xf32, #tpu.memory_space<hbm>> -> memref<1x64xf32, #tpu.memory_space<hbm>>
    %dma_wait3A_588 = arith.constant 0 : i32
    %dma_wait3A_589 = arith.constant 0 : i32
    %dma_wait3A_590 = tpu.memref_slice %arg10[%dma_wait3A_588, %dma_wait3A_589] : memref<512x64xf32, #tpu.memory_space<vmem>> -> memref<1x64xf32, #tpu.memory_space<vmem>>
    %dma_wait3A_591 = arith.constant 0 : i32
    %dma_wait3A_592 = arith.constant 0 : i32
    %dma_wait3A_593 = tpu.memref_slice %arg5[%dma_wait3A_591, %dma_wait3A_592] : memref<1000000x64xf32, #tpu.memory_space<hbm>> -> memref<1x64xf32, #tpu.memory_space<hbm>>
    tpu.wait_dma2 semaphore(%arg12 : memref<!tpu.dma_semaphore, #tpu.memory_space<semaphore_mem>>) src(%dma_wait3A_593 : memref<1x64xf32, #tpu.memory_space<hbm>>) dst(%dma_wait3A_590 : memref<1x64xf32, #tpu.memory_space<vmem>>)
    %dma_wait3A_594 = arith.constant 0 : i32
    %dma_wait3A_595 = arith.constant 0 : i32
    %dma_wait3A_596 = tpu.memref_slice %arg10[%dma_wait3A_594, %dma_wait3A_595] : memref<512x64xf32, #tpu.memory_space<vmem>> -> memref<1x64xf32, #tpu.memory_space<vmem>>
    %dma_wait3A_597 = arith.constant 0 : i32
    %dma_wait3A_598 = arith.constant 0 : i32
    %dma_wait3A_599 = tpu.memref_slice %arg5[%dma_wait3A_597, %dma_wait3A_598] : memref<1000000x64xf32, #tpu.memory_space<hbm>> -> memref<1x64xf32, #tpu.memory_space<hbm>>
    %dma_wait3A_600 = arith.constant 0 : i32
    %dma_wait3A_601 = arith.constant 0 : i32
    %dma_wait3A_602 = tpu.memref_slice %arg10[%dma_wait3A_600, %dma_wait3A_601] : memref<512x64xf32, #tpu.memory_space<vmem>> -> memref<1x64xf32, #tpu.memory_space<vmem>>
    %dma_wait3A_603 = arith.constant 0 : i32
    %dma_wait3A_604 = arith.constant 0 : i32
    %dma_wait3A_605 = tpu.memref_slice %arg5[%dma_wait3A_603, %dma_wait3A_604] : memref<1000000x64xf32, #tpu.memory_space<hbm>> -> memref<1x64xf32, #tpu.memory_space<hbm>>
    tpu.wait_dma2 semaphore(%arg12 : memref<!tpu.dma_semaphore, #tpu.memory_space<semaphore_mem>>) src(%dma_wait3A_605 : memref<1x64xf32, #tpu.memory_space<hbm>>) dst(%dma_wait3A_602 : memref<1x64xf32, #tpu.memory_space<vmem>>)
    %dma_wait3A_606 = arith.constant 0 : i32
    %dma_wait3A_607 = arith.constant 0 : i32
    %dma_wait3A_608 = tpu.memref_slice %arg10[%dma_wait3A_606, %dma_wait3A_607] : memref<512x64xf32, #tpu.memory_space<vmem>> -> memref<1x64xf32, #tpu.memory_space<vmem>>
    %dma_wait3A_609 = arith.constant 0 : i32
    %dma_wait3A_610 = arith.constant 0 : i32
    %dma_wait3A_611 = tpu.memref_slice %arg5[%dma_wait3A_609, %dma_wait3A_610] : memref<1000000x64xf32, #tpu.memory_space<hbm>> -> memref<1x64xf32, #tpu.memory_space<hbm>>
    %dma_wait3A_612 = arith.constant 0 : i32
    %dma_wait3A_613 = arith.constant 0 : i32
    %dma_wait3A_614 = tpu.memref_slice %arg10[%dma_wait3A_612, %dma_wait3A_613] : memref<512x64xf32, #tpu.memory_space<vmem>> -> memref<1x64xf32, #tpu.memory_space<vmem>>
    %dma_wait3A_615 = arith.constant 0 : i32
    %dma_wait3A_616 = arith.constant 0 : i32
    %dma_wait3A_617 = tpu.memref_slice %arg5[%dma_wait3A_615, %dma_wait3A_616] : memref<1000000x64xf32, #tpu.memory_space<hbm>> -> memref<1x64xf32, #tpu.memory_space<hbm>>
    tpu.wait_dma2 semaphore(%arg12 : memref<!tpu.dma_semaphore, #tpu.memory_space<semaphore_mem>>) src(%dma_wait3A_617 : memref<1x64xf32, #tpu.memory_space<hbm>>) dst(%dma_wait3A_614 : memref<1x64xf32, #tpu.memory_space<vmem>>)
    %dma_wait3A_618 = arith.constant 0 : i32
    %dma_wait3A_619 = arith.constant 0 : i32
    %dma_wait3A_620 = tpu.memref_slice %arg10[%dma_wait3A_618, %dma_wait3A_619] : memref<512x64xf32, #tpu.memory_space<vmem>> -> memref<1x64xf32, #tpu.memory_space<vmem>>
    %dma_wait3A_621 = arith.constant 0 : i32
    %dma_wait3A_622 = arith.constant 0 : i32
    %dma_wait3A_623 = tpu.memref_slice %arg5[%dma_wait3A_621, %dma_wait3A_622] : memref<1000000x64xf32, #tpu.memory_space<hbm>> -> memref<1x64xf32, #tpu.memory_space<hbm>>
    %dma_wait3A_624 = arith.constant 0 : i32
    %dma_wait3A_625 = arith.constant 0 : i32
    %dma_wait3A_626 = tpu.memref_slice %arg10[%dma_wait3A_624, %dma_wait3A_625] : memref<512x64xf32, #tpu.memory_space<vmem>> -> memref<1x64xf32, #tpu.memory_space<vmem>>
    %dma_wait3A_627 = arith.constant 0 : i32
    %dma_wait3A_628 = arith.constant 0 : i32
    %dma_wait3A_629 = tpu.memref_slice %arg5[%dma_wait3A_627, %dma_wait3A_628] : memref<1000000x64xf32, #tpu.memory_space<hbm>> -> memref<1x64xf32, #tpu.memory_space<hbm>>
    tpu.wait_dma2 semaphore(%arg12 : memref<!tpu.dma_semaphore, #tpu.memory_space<semaphore_mem>>) src(%dma_wait3A_629 : memref<1x64xf32, #tpu.memory_space<hbm>>) dst(%dma_wait3A_626 : memref<1x64xf32, #tpu.memory_space<vmem>>)
    %dma_wait3A_630 = arith.constant 0 : i32
    %dma_wait3A_631 = arith.constant 0 : i32
    %dma_wait3A_632 = tpu.memref_slice %arg10[%dma_wait3A_630, %dma_wait3A_631] : memref<512x64xf32, #tpu.memory_space<vmem>> -> memref<1x64xf32, #tpu.memory_space<vmem>>
    %dma_wait3A_633 = arith.constant 0 : i32
    %dma_wait3A_634 = arith.constant 0 : i32
    %dma_wait3A_635 = tpu.memref_slice %arg5[%dma_wait3A_633, %dma_wait3A_634] : memref<1000000x64xf32, #tpu.memory_space<hbm>> -> memref<1x64xf32, #tpu.memory_space<hbm>>
    %dma_wait3A_636 = arith.constant 0 : i32
    %dma_wait3A_637 = arith.constant 0 : i32
    %dma_wait3A_638 = tpu.memref_slice %arg10[%dma_wait3A_636, %dma_wait3A_637] : memref<512x64xf32, #tpu.memory_space<vmem>> -> memref<1x64xf32, #tpu.memory_space<vmem>>
    %dma_wait3A_639 = arith.constant 0 : i32
    %dma_wait3A_640 = arith.constant 0 : i32
    %dma_wait3A_641 = tpu.memref_slice %arg5[%dma_wait3A_639, %dma_wait3A_640] : memref<1000000x64xf32, #tpu.memory_space<hbm>> -> memref<1x64xf32, #tpu.memory_space<hbm>>
    tpu.wait_dma2 semaphore(%arg12 : memref<!tpu.dma_semaphore, #tpu.memory_space<semaphore_mem>>) src(%dma_wait3A_641 : memref<1x64xf32, #tpu.memory_space<hbm>>) dst(%dma_wait3A_638 : memref<1x64xf32, #tpu.memory_space<vmem>>)
    %dma_wait3A_642 = arith.constant 0 : i32
    %dma_wait3A_643 = arith.constant 0 : i32
    %dma_wait3A_644 = tpu.memref_slice %arg10[%dma_wait3A_642, %dma_wait3A_643] : memref<512x64xf32, #tpu.memory_space<vmem>> -> memref<1x64xf32, #tpu.memory_space<vmem>>
    %dma_wait3A_645 = arith.constant 0 : i32
    %dma_wait3A_646 = arith.constant 0 : i32
    %dma_wait3A_647 = tpu.memref_slice %arg5[%dma_wait3A_645, %dma_wait3A_646] : memref<1000000x64xf32, #tpu.memory_space<hbm>> -> memref<1x64xf32, #tpu.memory_space<hbm>>
    %dma_wait3A_648 = arith.constant 0 : i32
    %dma_wait3A_649 = arith.constant 0 : i32
    %dma_wait3A_650 = tpu.memref_slice %arg10[%dma_wait3A_648, %dma_wait3A_649] : memref<512x64xf32, #tpu.memory_space<vmem>> -> memref<1x64xf32, #tpu.memory_space<vmem>>
    %dma_wait3A_651 = arith.constant 0 : i32
    %dma_wait3A_652 = arith.constant 0 : i32
    %dma_wait3A_653 = tpu.memref_slice %arg5[%dma_wait3A_651, %dma_wait3A_652] : memref<1000000x64xf32, #tpu.memory_space<hbm>> -> memref<1x64xf32, #tpu.memory_space<hbm>>
    tpu.wait_dma2 semaphore(%arg12 : memref<!tpu.dma_semaphore, #tpu.memory_space<semaphore_mem>>) src(%dma_wait3A_653 : memref<1x64xf32, #tpu.memory_space<hbm>>) dst(%dma_wait3A_650 : memref<1x64xf32, #tpu.memory_space<vmem>>)
    %dma_wait3A_654 = arith.constant 0 : i32
    %dma_wait3A_655 = arith.constant 0 : i32
    %dma_wait3A_656 = tpu.memref_slice %arg10[%dma_wait3A_654, %dma_wait3A_655] : memref<512x64xf32, #tpu.memory_space<vmem>> -> memref<1x64xf32, #tpu.memory_space<vmem>>
    %dma_wait3A_657 = arith.constant 0 : i32
    %dma_wait3A_658 = arith.constant 0 : i32
    %dma_wait3A_659 = tpu.memref_slice %arg5[%dma_wait3A_657, %dma_wait3A_658] : memref<1000000x64xf32, #tpu.memory_space<hbm>> -> memref<1x64xf32, #tpu.memory_space<hbm>>
    %dma_wait3A_660 = arith.constant 0 : i32
    %dma_wait3A_661 = arith.constant 0 : i32
    %dma_wait3A_662 = tpu.memref_slice %arg10[%dma_wait3A_660, %dma_wait3A_661] : memref<512x64xf32, #tpu.memory_space<vmem>> -> memref<1x64xf32, #tpu.memory_space<vmem>>
    %dma_wait3A_663 = arith.constant 0 : i32
    %dma_wait3A_664 = arith.constant 0 : i32
    %dma_wait3A_665 = tpu.memref_slice %arg5[%dma_wait3A_663, %dma_wait3A_664] : memref<1000000x64xf32, #tpu.memory_space<hbm>> -> memref<1x64xf32, #tpu.memory_space<hbm>>
    tpu.wait_dma2 semaphore(%arg12 : memref<!tpu.dma_semaphore, #tpu.memory_space<semaphore_mem>>) src(%dma_wait3A_665 : memref<1x64xf32, #tpu.memory_space<hbm>>) dst(%dma_wait3A_662 : memref<1x64xf32, #tpu.memory_space<vmem>>)
    %dma_wait3A_666 = arith.constant 0 : i32
    %dma_wait3A_667 = arith.constant 0 : i32
    %dma_wait3A_668 = tpu.memref_slice %arg10[%dma_wait3A_666, %dma_wait3A_667] : memref<512x64xf32, #tpu.memory_space<vmem>> -> memref<1x64xf32, #tpu.memory_space<vmem>>
    %dma_wait3A_669 = arith.constant 0 : i32
    %dma_wait3A_670 = arith.constant 0 : i32
    %dma_wait3A_671 = tpu.memref_slice %arg5[%dma_wait3A_669, %dma_wait3A_670] : memref<1000000x64xf32, #tpu.memory_space<hbm>> -> memref<1x64xf32, #tpu.memory_space<hbm>>
    %dma_wait3A_672 = arith.constant 0 : i32
    %dma_wait3A_673 = arith.constant 0 : i32
    %dma_wait3A_674 = tpu.memref_slice %arg10[%dma_wait3A_672, %dma_wait3A_673] : memref<512x64xf32, #tpu.memory_space<vmem>> -> memref<1x64xf32, #tpu.memory_space<vmem>>
    %dma_wait3A_675 = arith.constant 0 : i32
    %dma_wait3A_676 = arith.constant 0 : i32
    %dma_wait3A_677 = tpu.memref_slice %arg5[%dma_wait3A_675, %dma_wait3A_676] : memref<1000000x64xf32, #tpu.memory_space<hbm>> -> memref<1x64xf32, #tpu.memory_space<hbm>>
    tpu.wait_dma2 semaphore(%arg12 : memref<!tpu.dma_semaphore, #tpu.memory_space<semaphore_mem>>) src(%dma_wait3A_677 : memref<1x64xf32, #tpu.memory_space<hbm>>) dst(%dma_wait3A_674 : memref<1x64xf32, #tpu.memory_space<vmem>>)
    %dma_wait3A_678 = arith.constant 0 : i32
    %dma_wait3A_679 = arith.constant 0 : i32
    %dma_wait3A_680 = tpu.memref_slice %arg10[%dma_wait3A_678, %dma_wait3A_679] : memref<512x64xf32, #tpu.memory_space<vmem>> -> memref<1x64xf32, #tpu.memory_space<vmem>>
    %dma_wait3A_681 = arith.constant 0 : i32
    %dma_wait3A_682 = arith.constant 0 : i32
    %dma_wait3A_683 = tpu.memref_slice %arg5[%dma_wait3A_681, %dma_wait3A_682] : memref<1000000x64xf32, #tpu.memory_space<hbm>> -> memref<1x64xf32, #tpu.memory_space<hbm>>
    %dma_wait3A_684 = arith.constant 0 : i32
    %dma_wait3A_685 = arith.constant 0 : i32
    %dma_wait3A_686 = tpu.memref_slice %arg10[%dma_wait3A_684, %dma_wait3A_685] : memref<512x64xf32, #tpu.memory_space<vmem>> -> memref<1x64xf32, #tpu.memory_space<vmem>>
    %dma_wait3A_687 = arith.constant 0 : i32
    %dma_wait3A_688 = arith.constant 0 : i32
    %dma_wait3A_689 = tpu.memref_slice %arg5[%dma_wait3A_687, %dma_wait3A_688] : memref<1000000x64xf32, #tpu.memory_space<hbm>> -> memref<1x64xf32, #tpu.memory_space<hbm>>
    tpu.wait_dma2 semaphore(%arg12 : memref<!tpu.dma_semaphore, #tpu.memory_space<semaphore_mem>>) src(%dma_wait3A_689 : memref<1x64xf32, #tpu.memory_space<hbm>>) dst(%dma_wait3A_686 : memref<1x64xf32, #tpu.memory_space<vmem>>)
    %dma_wait3A_690 = arith.constant 0 : i32
    %dma_wait3A_691 = arith.constant 0 : i32
    %dma_wait3A_692 = tpu.memref_slice %arg10[%dma_wait3A_690, %dma_wait3A_691] : memref<512x64xf32, #tpu.memory_space<vmem>> -> memref<1x64xf32, #tpu.memory_space<vmem>>
    %dma_wait3A_693 = arith.constant 0 : i32
    %dma_wait3A_694 = arith.constant 0 : i32
    %dma_wait3A_695 = tpu.memref_slice %arg5[%dma_wait3A_693, %dma_wait3A_694] : memref<1000000x64xf32, #tpu.memory_space<hbm>> -> memref<1x64xf32, #tpu.memory_space<hbm>>
    %dma_wait3A_696 = arith.constant 0 : i32
    %dma_wait3A_697 = arith.constant 0 : i32
    %dma_wait3A_698 = tpu.memref_slice %arg10[%dma_wait3A_696, %dma_wait3A_697] : memref<512x64xf32, #tpu.memory_space<vmem>> -> memref<1x64xf32, #tpu.memory_space<vmem>>
    %dma_wait3A_699 = arith.constant 0 : i32
    %dma_wait3A_700 = arith.constant 0 : i32
    %dma_wait3A_701 = tpu.memref_slice %arg5[%dma_wait3A_699, %dma_wait3A_700] : memref<1000000x64xf32, #tpu.memory_space<hbm>> -> memref<1x64xf32, #tpu.memory_space<hbm>>
    tpu.wait_dma2 semaphore(%arg12 : memref<!tpu.dma_semaphore, #tpu.memory_space<semaphore_mem>>) src(%dma_wait3A_701 : memref<1x64xf32, #tpu.memory_space<hbm>>) dst(%dma_wait3A_698 : memref<1x64xf32, #tpu.memory_space<vmem>>)
    %dma_wait3A_702 = arith.constant 0 : i32
    %dma_wait3A_703 = arith.constant 0 : i32
    %dma_wait3A_704 = tpu.memref_slice %arg10[%dma_wait3A_702, %dma_wait3A_703] : memref<512x64xf32, #tpu.memory_space<vmem>> -> memref<1x64xf32, #tpu.memory_space<vmem>>
    %dma_wait3A_705 = arith.constant 0 : i32
    %dma_wait3A_706 = arith.constant 0 : i32
    %dma_wait3A_707 = tpu.memref_slice %arg5[%dma_wait3A_705, %dma_wait3A_706] : memref<1000000x64xf32, #tpu.memory_space<hbm>> -> memref<1x64xf32, #tpu.memory_space<hbm>>
    %dma_wait3A_708 = arith.constant 0 : i32
    %dma_wait3A_709 = arith.constant 0 : i32
    %dma_wait3A_710 = tpu.memref_slice %arg10[%dma_wait3A_708, %dma_wait3A_709] : memref<512x64xf32, #tpu.memory_space<vmem>> -> memref<1x64xf32, #tpu.memory_space<vmem>>
    %dma_wait3A_711 = arith.constant 0 : i32
    %dma_wait3A_712 = arith.constant 0 : i32
    %dma_wait3A_713 = tpu.memref_slice %arg5[%dma_wait3A_711, %dma_wait3A_712] : memref<1000000x64xf32, #tpu.memory_space<hbm>> -> memref<1x64xf32, #tpu.memory_space<hbm>>
    tpu.wait_dma2 semaphore(%arg12 : memref<!tpu.dma_semaphore, #tpu.memory_space<semaphore_mem>>) src(%dma_wait3A_713 : memref<1x64xf32, #tpu.memory_space<hbm>>) dst(%dma_wait3A_710 : memref<1x64xf32, #tpu.memory_space<vmem>>)
    %dma_wait3A_714 = arith.constant 0 : i32
    %dma_wait3A_715 = arith.constant 0 : i32
    %dma_wait3A_716 = tpu.memref_slice %arg10[%dma_wait3A_714, %dma_wait3A_715] : memref<512x64xf32, #tpu.memory_space<vmem>> -> memref<1x64xf32, #tpu.memory_space<vmem>>
    %dma_wait3A_717 = arith.constant 0 : i32
    %dma_wait3A_718 = arith.constant 0 : i32
    %dma_wait3A_719 = tpu.memref_slice %arg5[%dma_wait3A_717, %dma_wait3A_718] : memref<1000000x64xf32, #tpu.memory_space<hbm>> -> memref<1x64xf32, #tpu.memory_space<hbm>>
    %dma_wait3A_720 = arith.constant 0 : i32
    %dma_wait3A_721 = arith.constant 0 : i32
    %dma_wait3A_722 = tpu.memref_slice %arg10[%dma_wait3A_720, %dma_wait3A_721] : memref<512x64xf32, #tpu.memory_space<vmem>> -> memref<1x64xf32, #tpu.memory_space<vmem>>
    %dma_wait3A_723 = arith.constant 0 : i32
    %dma_wait3A_724 = arith.constant 0 : i32
    %dma_wait3A_725 = tpu.memref_slice %arg5[%dma_wait3A_723, %dma_wait3A_724] : memref<1000000x64xf32, #tpu.memory_space<hbm>> -> memref<1x64xf32, #tpu.memory_space<hbm>>
    tpu.wait_dma2 semaphore(%arg12 : memref<!tpu.dma_semaphore, #tpu.memory_space<semaphore_mem>>) src(%dma_wait3A_725 : memref<1x64xf32, #tpu.memory_space<hbm>>) dst(%dma_wait3A_722 : memref<1x64xf32, #tpu.memory_space<vmem>>)
    %dma_wait3A_726 = arith.constant 0 : i32
    %dma_wait3A_727 = arith.constant 0 : i32
    %dma_wait3A_728 = tpu.memref_slice %arg10[%dma_wait3A_726, %dma_wait3A_727] : memref<512x64xf32, #tpu.memory_space<vmem>> -> memref<1x64xf32, #tpu.memory_space<vmem>>
    %dma_wait3A_729 = arith.constant 0 : i32
    %dma_wait3A_730 = arith.constant 0 : i32
    %dma_wait3A_731 = tpu.memref_slice %arg5[%dma_wait3A_729, %dma_wait3A_730] : memref<1000000x64xf32, #tpu.memory_space<hbm>> -> memref<1x64xf32, #tpu.memory_space<hbm>>
    %dma_wait3A_732 = arith.constant 0 : i32
    %dma_wait3A_733 = arith.constant 0 : i32
    %dma_wait3A_734 = tpu.memref_slice %arg10[%dma_wait3A_732, %dma_wait3A_733] : memref<512x64xf32, #tpu.memory_space<vmem>> -> memref<1x64xf32, #tpu.memory_space<vmem>>
    %dma_wait3A_735 = arith.constant 0 : i32
    %dma_wait3A_736 = arith.constant 0 : i32
    %dma_wait3A_737 = tpu.memref_slice %arg5[%dma_wait3A_735, %dma_wait3A_736] : memref<1000000x64xf32, #tpu.memory_space<hbm>> -> memref<1x64xf32, #tpu.memory_space<hbm>>
    tpu.wait_dma2 semaphore(%arg12 : memref<!tpu.dma_semaphore, #tpu.memory_space<semaphore_mem>>) src(%dma_wait3A_737 : memref<1x64xf32, #tpu.memory_space<hbm>>) dst(%dma_wait3A_734 : memref<1x64xf32, #tpu.memory_space<vmem>>)
    %dma_wait3A_738 = arith.constant 0 : i32
    %dma_wait3A_739 = arith.constant 0 : i32
    %dma_wait3A_740 = tpu.memref_slice %arg10[%dma_wait3A_738, %dma_wait3A_739] : memref<512x64xf32, #tpu.memory_space<vmem>> -> memref<1x64xf32, #tpu.memory_space<vmem>>
    %dma_wait3A_741 = arith.constant 0 : i32
    %dma_wait3A_742 = arith.constant 0 : i32
    %dma_wait3A_743 = tpu.memref_slice %arg5[%dma_wait3A_741, %dma_wait3A_742] : memref<1000000x64xf32, #tpu.memory_space<hbm>> -> memref<1x64xf32, #tpu.memory_space<hbm>>
    %dma_wait3A_744 = arith.constant 0 : i32
    %dma_wait3A_745 = arith.constant 0 : i32
    %dma_wait3A_746 = tpu.memref_slice %arg10[%dma_wait3A_744, %dma_wait3A_745] : memref<512x64xf32, #tpu.memory_space<vmem>> -> memref<1x64xf32, #tpu.memory_space<vmem>>
    %dma_wait3A_747 = arith.constant 0 : i32
    %dma_wait3A_748 = arith.constant 0 : i32
    %dma_wait3A_749 = tpu.memref_slice %arg5[%dma_wait3A_747, %dma_wait3A_748] : memref<1000000x64xf32, #tpu.memory_space<hbm>> -> memref<1x64xf32, #tpu.memory_space<hbm>>
    tpu.wait_dma2 semaphore(%arg12 : memref<!tpu.dma_semaphore, #tpu.memory_space<semaphore_mem>>) src(%dma_wait3A_749 : memref<1x64xf32, #tpu.memory_space<hbm>>) dst(%dma_wait3A_746 : memref<1x64xf32, #tpu.memory_space<vmem>>)
    %dma_wait3A_750 = arith.constant 0 : i32
    %dma_wait3A_751 = arith.constant 0 : i32
    %dma_wait3A_752 = tpu.memref_slice %arg10[%dma_wait3A_750, %dma_wait3A_751] : memref<512x64xf32, #tpu.memory_space<vmem>> -> memref<1x64xf32, #tpu.memory_space<vmem>>
    %dma_wait3A_753 = arith.constant 0 : i32
    %dma_wait3A_754 = arith.constant 0 : i32
    %dma_wait3A_755 = tpu.memref_slice %arg5[%dma_wait3A_753, %dma_wait3A_754] : memref<1000000x64xf32, #tpu.memory_space<hbm>> -> memref<1x64xf32, #tpu.memory_space<hbm>>
    %dma_wait3A_756 = arith.constant 0 : i32
    %dma_wait3A_757 = arith.constant 0 : i32
    %dma_wait3A_758 = tpu.memref_slice %arg10[%dma_wait3A_756, %dma_wait3A_757] : memref<512x64xf32, #tpu.memory_space<vmem>> -> memref<1x64xf32, #tpu.memory_space<vmem>>
    %dma_wait3A_759 = arith.constant 0 : i32
    %dma_wait3A_760 = arith.constant 0 : i32
    %dma_wait3A_761 = tpu.memref_slice %arg5[%dma_wait3A_759, %dma_wait3A_760] : memref<1000000x64xf32, #tpu.memory_space<hbm>> -> memref<1x64xf32, #tpu.memory_space<hbm>>
    tpu.wait_dma2 semaphore(%arg12 : memref<!tpu.dma_semaphore, #tpu.memory_space<semaphore_mem>>) src(%dma_wait3A_761 : memref<1x64xf32, #tpu.memory_space<hbm>>) dst(%dma_wait3A_758 : memref<1x64xf32, #tpu.memory_space<vmem>>)
    %dma_wait3A_762 = arith.constant 0 : i32
    %dma_wait3A_763 = arith.constant 0 : i32
    %dma_wait3A_764 = tpu.memref_slice %arg10[%dma_wait3A_762, %dma_wait3A_763] : memref<512x64xf32, #tpu.memory_space<vmem>> -> memref<1x64xf32, #tpu.memory_space<vmem>>
    %dma_wait3A_765 = arith.constant 0 : i32
    %dma_wait3A_766 = arith.constant 0 : i32
    %dma_wait3A_767 = tpu.memref_slice %arg5[%dma_wait3A_765, %dma_wait3A_766] : memref<1000000x64xf32, #tpu.memory_space<hbm>> -> memref<1x64xf32, #tpu.memory_space<hbm>>
    %dma_wait3A_768 = arith.constant 0 : i32
    %dma_wait3A_769 = arith.constant 0 : i32
    %dma_wait3A_770 = tpu.memref_slice %arg10[%dma_wait3A_768, %dma_wait3A_769] : memref<512x64xf32, #tpu.memory_space<vmem>> -> memref<1x64xf32, #tpu.memory_space<vmem>>
    %dma_wait3A_771 = arith.constant 0 : i32
    %dma_wait3A_772 = arith.constant 0 : i32
    %dma_wait3A_773 = tpu.memref_slice %arg5[%dma_wait3A_771, %dma_wait3A_772] : memref<1000000x64xf32, #tpu.memory_space<hbm>> -> memref<1x64xf32, #tpu.memory_space<hbm>>
    tpu.wait_dma2 semaphore(%arg12 : memref<!tpu.dma_semaphore, #tpu.memory_space<semaphore_mem>>) src(%dma_wait3A_773 : memref<1x64xf32, #tpu.memory_space<hbm>>) dst(%dma_wait3A_770 : memref<1x64xf32, #tpu.memory_space<vmem>>)
    %dma_wait3A_774 = arith.constant 0 : i32
    %dma_wait3A_775 = arith.constant 0 : i32
    %dma_wait3A_776 = arith.constant 0 : i32
    %dma_wait3A_777 = tpu.memref_slice %arg11[%dma_wait3A_774, %dma_wait3A_775, %dma_wait3A_776] : memref<2x128x64xf32, #tpu.memory_space<vmem>> -> memref<1x128x64xf32, #tpu.memory_space<vmem>>
    %dma_wait3A_778 = tpu.memref_squeeze %dma_wait3A_777 : memref<1x128x64xf32, #tpu.memory_space<vmem>> -> memref<128x64xf32, #tpu.memory_space<vmem>>
    %dma_wait3A_779 = arith.constant 0 : i32
    %dma_wait3A_780 = arith.constant 0 : i32
    %dma_wait3A_781 = tpu.memref_slice %arg6[%add3A, %dma_wait3A_779, %dma_wait3A_780] : memref<32x4096x64xf32, #tpu.memory_space<hbm>> -> memref<1x128x64xf32, #tpu.memory_space<hbm>>
    %dma_wait3A_782 = tpu.memref_squeeze %dma_wait3A_781 : memref<1x128x64xf32, #tpu.memory_space<hbm>> -> memref<128x64xf32, #tpu.memory_space<hbm>>
    %dma_wait3A_783 = arith.constant 0 : i32
    %dma_wait3A_784 = arith.constant 0 : i32
    %dma_wait3A_785 = tpu.memref_slice %arg6[%add3A, %dma_wait3A_783, %dma_wait3A_784] : memref<32x4096x64xf32, #tpu.memory_space<hbm>> -> memref<1x128x64xf32, #tpu.memory_space<hbm>>
    %dma_wait3A_786 = tpu.memref_squeeze %dma_wait3A_785 : memref<1x128x64xf32, #tpu.memory_space<hbm>> -> memref<128x64xf32, #tpu.memory_space<hbm>>
    %dma_wait3A_787 = arith.constant 0 : i32
    %dma_wait3A_788 = arith.constant 0 : i32
    %dma_wait3A_789 = tpu.memref_slice %arg11[%dma_wait3A_774, %dma_wait3A_787, %dma_wait3A_788] : memref<2x128x64xf32, #tpu.memory_space<vmem>> -> memref<1x128x64xf32, #tpu.memory_space<vmem>>
    %dma_wait3A_790 = tpu.memref_squeeze %dma_wait3A_789 : memref<1x128x64xf32, #tpu.memory_space<vmem>> -> memref<128x64xf32, #tpu.memory_space<vmem>>
    tpu.wait_dma2 semaphore(%arg14 : memref<!tpu.dma_semaphore, #tpu.memory_space<semaphore_mem>>) src(%dma_wait3A_790 : memref<128x64xf32, #tpu.memory_space<vmem>>) dst(%dma_wait3A_786 : memref<128x64xf32, #tpu.memory_space<hbm>>)
    %dma_wait3A_791 = arith.constant 0 : i32
    %dma_wait3A_792 = arith.constant 0 : i32
    %dma_wait3A_793 = arith.constant 0 : i32
    %dma_wait3A_794 = tpu.memref_slice %arg11[%dma_wait3A_791, %dma_wait3A_792, %dma_wait3A_793] : memref<2x128x64xf32, #tpu.memory_space<vmem>> -> memref<1x128x64xf32, #tpu.memory_space<vmem>>
    %dma_wait3A_795 = tpu.memref_squeeze %dma_wait3A_794 : memref<1x128x64xf32, #tpu.memory_space<vmem>> -> memref<128x64xf32, #tpu.memory_space<vmem>>
    %dma_wait3A_796 = arith.constant 0 : i32
    %dma_wait3A_797 = arith.constant 0 : i32
    %dma_wait3A_798 = tpu.memref_slice %arg6[%add3A, %dma_wait3A_796, %dma_wait3A_797] : memref<32x4096x64xf32, #tpu.memory_space<hbm>> -> memref<1x128x64xf32, #tpu.memory_space<hbm>>
    %dma_wait3A_799 = tpu.memref_squeeze %dma_wait3A_798 : memref<1x128x64xf32, #tpu.memory_space<hbm>> -> memref<128x64xf32, #tpu.memory_space<hbm>>
    %dma_wait3A_800 = arith.constant 0 : i32
    %dma_wait3A_801 = arith.constant 0 : i32
    %dma_wait3A_802 = tpu.memref_slice %arg6[%add3A, %dma_wait3A_800, %dma_wait3A_801] : memref<32x4096x64xf32, #tpu.memory_space<hbm>> -> memref<1x128x64xf32, #tpu.memory_space<hbm>>
    %dma_wait3A_803 = tpu.memref_squeeze %dma_wait3A_802 : memref<1x128x64xf32, #tpu.memory_space<hbm>> -> memref<128x64xf32, #tpu.memory_space<hbm>>
    %dma_wait3A_804 = arith.constant 0 : i32
    %dma_wait3A_805 = arith.constant 0 : i32
    %dma_wait3A_806 = tpu.memref_slice %arg11[%dma_wait3A_791, %dma_wait3A_804, %dma_wait3A_805] : memref<2x128x64xf32, #tpu.memory_space<vmem>> -> memref<1x128x64xf32, #tpu.memory_space<vmem>>
    %dma_wait3A_807 = tpu.memref_squeeze %dma_wait3A_806 : memref<1x128x64xf32, #tpu.memory_space<vmem>> -> memref<128x64xf32, #tpu.memory_space<vmem>>
    tpu.wait_dma2 semaphore(%arg14 : memref<!tpu.dma_semaphore, #tpu.memory_space<semaphore_mem>>) src(%dma_wait3A_807 : memref<128x64xf32, #tpu.memory_space<vmem>>) dst(%dma_wait3A_803 : memref<128x64xf32, #tpu.memory_space<hbm>>)
    "tpu.region"() ({
      %run_scoped3A = tpu.sem_alloc : memref<!tpu.dma_semaphore, #tpu.memory_space<semaphore_mem>>
      %dma_start3A = arith.constant 0 : i32
      %dma_start3A_808 = arith.constant 0 : i32
      %dma_start3A_809 = tpu.memref_slice %arg7[%add3A, %dma_start3A, %dma_start3A_808] : memref<32x512x64xf32, #tpu.memory_space<hbm>> -> memref<1x512x64xf32, #tpu.memory_space<hbm>>
      %dma_start3A_810 = tpu.memref_squeeze %dma_start3A_809 : memref<1x512x64xf32, #tpu.memory_space<hbm>> -> memref<512x64xf32, #tpu.memory_space<hbm>>
      %dma_start3A_811 = arith.constant 0 : i32
      %dma_start3A_812 = arith.constant 0 : i32
      %dma_start3A_813 = tpu.memref_slice %arg7[%add3A, %dma_start3A_811, %dma_start3A_812] : memref<32x512x64xf32, #tpu.memory_space<hbm>> -> memref<1x512x64xf32, #tpu.memory_space<hbm>>
      %dma_start3A_814 = tpu.memref_squeeze %dma_start3A_813 : memref<1x512x64xf32, #tpu.memory_space<hbm>> -> memref<512x64xf32, #tpu.memory_space<hbm>>
      tpu.enqueue_dma source(%arg10 : memref<512x64xf32, #tpu.memory_space<vmem>>) target(%dma_start3A_814 : memref<512x64xf32, #tpu.memory_space<hbm>>) target_semaphore(%run_scoped3A : memref<!tpu.dma_semaphore, #tpu.memory_space<semaphore_mem>>)
      %dma_wait3A_815 = arith.constant 0 : i32
      %dma_wait3A_816 = arith.constant 0 : i32
      %dma_wait3A_817 = tpu.memref_slice %arg7[%add3A, %dma_wait3A_815, %dma_wait3A_816] : memref<32x512x64xf32, #tpu.memory_space<hbm>> -> memref<1x512x64xf32, #tpu.memory_space<hbm>>
      %dma_wait3A_818 = tpu.memref_squeeze %dma_wait3A_817 : memref<1x512x64xf32, #tpu.memory_space<hbm>> -> memref<512x64xf32, #tpu.memory_space<hbm>>
      %dma_wait3A_819 = arith.constant 0 : i32
      %dma_wait3A_820 = arith.constant 0 : i32
      %dma_wait3A_821 = tpu.memref_slice %arg7[%add3A, %dma_wait3A_819, %dma_wait3A_820] : memref<32x512x64xf32, #tpu.memory_space<hbm>> -> memref<1x512x64xf32, #tpu.memory_space<hbm>>
      %dma_wait3A_822 = tpu.memref_squeeze %dma_wait3A_821 : memref<1x512x64xf32, #tpu.memory_space<hbm>> -> memref<512x64xf32, #tpu.memory_space<hbm>>
      tpu.wait_dma2 semaphore(%run_scoped3A : memref<!tpu.dma_semaphore, #tpu.memory_space<semaphore_mem>>) src(%arg10 : memref<512x64xf32, #tpu.memory_space<vmem>>) dst(%dma_wait3A_822 : memref<512x64xf32, #tpu.memory_space<hbm>>)
      tpu.yield
    }) : () -> ()
    return
  }
}

module attributes {stable_mosaic.version = 14 : i64} {
  func.func @_mlp_body(%arg0: i32, %arg1: memref<2048x8x64xf32, #tpu.memory_space<vmem>>, %arg2: memref<2048x64xf32, #tpu.memory_space<vmem>>, %arg3: memref<2048x1xi32, #tpu.memory_space<vmem>>, %arg4: memref<2048x3xf32, #tpu.memory_space<vmem>>, %arg5: memref<101x8xf32, #tpu.memory_space<vmem>>, %arg6: memref<64x64xf32, #tpu.memory_space<vmem>>, %arg7: memref<8x64xf32, #tpu.memory_space<vmem>>, %arg8: memref<2x64xf32, #tpu.memory_space<vmem>>, %arg9: memref<1x64xf32, #tpu.memory_space<vmem>>, %arg10: memref<64x64xf32, #tpu.memory_space<vmem>>, %arg11: memref<1x64xf32, #tpu.memory_space<vmem>>, %arg12: memref<2048x64xf32, #tpu.memory_space<vmem>>, %arg13: memref<2048x64xf32, #tpu.memory_space<vmem>>) attributes {dimension_semantics = [#tpu.dimension_semantics<arbitrary>], iteration_bounds = array<i64: 8>, scalar_prefetch = 0 : i64, scratch_operands = 0 : i64, tpu.core_type = #tpu.core_type<tc>, window_params = [{transform_indices = @transform_0, window_bounds = array<i64: 2048, 8, 64>}, {transform_indices = @transform_1, window_bounds = array<i64: 2048, 64>}, {transform_indices = @transform_2, window_bounds = array<i64: 2048, 1>}, {transform_indices = @transform_3, window_bounds = array<i64: 2048, 3>}, {pipeline_mode = #tpu.pipeline_mode<synchronous>, transform_indices = @transform_4, window_bounds = array<i64: 101, 8>}, {pipeline_mode = #tpu.pipeline_mode<synchronous>, transform_indices = @transform_5, window_bounds = array<i64: 64, 64>}, {pipeline_mode = #tpu.pipeline_mode<synchronous>, transform_indices = @transform_6, window_bounds = array<i64: 8, 64>}, {pipeline_mode = #tpu.pipeline_mode<synchronous>, transform_indices = @transform_7, window_bounds = array<i64: 2, 64>}, {pipeline_mode = #tpu.pipeline_mode<synchronous>, transform_indices = @transform_8, window_bounds = array<i64: 1, 64>}, {pipeline_mode = #tpu.pipeline_mode<synchronous>, transform_indices = @transform_9, window_bounds = array<i64: 64, 64>}, {pipeline_mode = #tpu.pipeline_mode<synchronous>, transform_indices = @transform_10, window_bounds = array<i64: 1, 64>}, {transform_indices = @transform_11, window_bounds = array<i64: 2048, 64>}, {transform_indices = @transform_12, window_bounds = array<i64: 2048, 64>}]} {
    %get3A = arith.constant 0 : index
    %get3A_0 = arith.constant 0 : index
    %get3A_1 = arith.constant 0 : index
    %get3A_2 = vector.load %arg1[%get3A, %get3A_0, %get3A_1] : memref<2048x8x64xf32, #tpu.memory_space<vmem>>, vector<2048x8x64xf32>
    %get3A_3 = arith.constant 0 : index
    %get3A_4 = arith.constant 0 : index
    %get3A_5 = vector.load %arg3[%get3A_3, %get3A_4] : memref<2048x1xi32, #tpu.memory_space<vmem>>, vector<2048x1xi32>
    %broadcast_in_dim3A = arith.constant 0.000000e+00 : f32
    %broadcast_in_dim3A_6 = vector.broadcast %broadcast_in_dim3A : f32 to vector<2048x64xf32>
    %eq3A = arith.constant 0 : i32
    %eq3A_7 = vector.broadcast %eq3A : i32 to vector<2048x1xi32>
    %eq3A_8 = arith.cmpi eq, %get3A_5, %eq3A_7 : vector<2048x1xi32>
    %slice3A = vector.extract_strided_slice %get3A_2 {offsets = [0, 0, 0], sizes = [2048, 1, 64], strides = [1, 1, 1]} : vector<2048x8x64xf32> to vector<2048x1x64xf32>
    %squeeze3A = vector.shape_cast %slice3A : vector<2048x1x64xf32> to vector<2048x64xf32>
    %jit3A = arith.constant 0.000000e+00 : f32
    %broadcast_in_dim3A_9 = vector.shape_cast %eq3A_8 : vector<2048x1xi1> to vector<2048x1xi1>
    %broadcast_in_dim3A_10 = vector.broadcast %broadcast_in_dim3A_9 : vector<2048x1xi1> to vector<2048x64xi1>
    %broadcast_in_dim3A_11 = vector.broadcast %jit3A : f32 to vector<2048x64xf32>
    %select_n3A = arith.select %broadcast_in_dim3A_10, %squeeze3A, %broadcast_in_dim3A_11 : vector<2048x64xi1>, vector<2048x64xf32>
    %add3A = arith.addf %broadcast_in_dim3A_6, %select_n3A : vector<2048x64xf32>
    %eq3A_12 = arith.constant 1 : i32
    %eq3A_13 = vector.broadcast %eq3A_12 : i32 to vector<2048x1xi32>
    %eq3A_14 = arith.cmpi eq, %get3A_5, %eq3A_13 : vector<2048x1xi32>
    %slice3A_15 = vector.extract_strided_slice %get3A_2 {offsets = [0, 1, 0], sizes = [2048, 1, 64], strides = [1, 1, 1]} : vector<2048x8x64xf32> to vector<2048x1x64xf32>
    %squeeze3A_16 = vector.shape_cast %slice3A_15 : vector<2048x1x64xf32> to vector<2048x64xf32>
    %jit3A_17 = arith.constant 0.000000e+00 : f32
    %broadcast_in_dim3A_18 = vector.shape_cast %eq3A_14 : vector<2048x1xi1> to vector<2048x1xi1>
    %broadcast_in_dim3A_19 = vector.broadcast %broadcast_in_dim3A_18 : vector<2048x1xi1> to vector<2048x64xi1>
    %broadcast_in_dim3A_20 = vector.broadcast %jit3A_17 : f32 to vector<2048x64xf32>
    %select_n3A_21 = arith.select %broadcast_in_dim3A_19, %squeeze3A_16, %broadcast_in_dim3A_20 : vector<2048x64xi1>, vector<2048x64xf32>
    %add3A_22 = arith.addf %add3A, %select_n3A_21 : vector<2048x64xf32>
    %eq3A_23 = arith.constant 2 : i32
    %eq3A_24 = vector.broadcast %eq3A_23 : i32 to vector<2048x1xi32>
    %eq3A_25 = arith.cmpi eq, %get3A_5, %eq3A_24 : vector<2048x1xi32>
    %slice3A_26 = vector.extract_strided_slice %get3A_2 {offsets = [0, 2, 0], sizes = [2048, 1, 64], strides = [1, 1, 1]} : vector<2048x8x64xf32> to vector<2048x1x64xf32>
    %squeeze3A_27 = vector.shape_cast %slice3A_26 : vector<2048x1x64xf32> to vector<2048x64xf32>
    %jit3A_28 = arith.constant 0.000000e+00 : f32
    %broadcast_in_dim3A_29 = vector.shape_cast %eq3A_25 : vector<2048x1xi1> to vector<2048x1xi1>
    %broadcast_in_dim3A_30 = vector.broadcast %broadcast_in_dim3A_29 : vector<2048x1xi1> to vector<2048x64xi1>
    %broadcast_in_dim3A_31 = vector.broadcast %jit3A_28 : f32 to vector<2048x64xf32>
    %select_n3A_32 = arith.select %broadcast_in_dim3A_30, %squeeze3A_27, %broadcast_in_dim3A_31 : vector<2048x64xi1>, vector<2048x64xf32>
    %add3A_33 = arith.addf %add3A_22, %select_n3A_32 : vector<2048x64xf32>
    %eq3A_34 = arith.constant 3 : i32
    %eq3A_35 = vector.broadcast %eq3A_34 : i32 to vector<2048x1xi32>
    %eq3A_36 = arith.cmpi eq, %get3A_5, %eq3A_35 : vector<2048x1xi32>
    %slice3A_37 = vector.extract_strided_slice %get3A_2 {offsets = [0, 3, 0], sizes = [2048, 1, 64], strides = [1, 1, 1]} : vector<2048x8x64xf32> to vector<2048x1x64xf32>
    %squeeze3A_38 = vector.shape_cast %slice3A_37 : vector<2048x1x64xf32> to vector<2048x64xf32>
    %jit3A_39 = arith.constant 0.000000e+00 : f32
    %broadcast_in_dim3A_40 = vector.shape_cast %eq3A_36 : vector<2048x1xi1> to vector<2048x1xi1>
    %broadcast_in_dim3A_41 = vector.broadcast %broadcast_in_dim3A_40 : vector<2048x1xi1> to vector<2048x64xi1>
    %broadcast_in_dim3A_42 = vector.broadcast %jit3A_39 : f32 to vector<2048x64xf32>
    %select_n3A_43 = arith.select %broadcast_in_dim3A_41, %squeeze3A_38, %broadcast_in_dim3A_42 : vector<2048x64xi1>, vector<2048x64xf32>
    %add3A_44 = arith.addf %add3A_33, %select_n3A_43 : vector<2048x64xf32>
    %eq3A_45 = arith.constant 4 : i32
    %eq3A_46 = vector.broadcast %eq3A_45 : i32 to vector<2048x1xi32>
    %eq3A_47 = arith.cmpi eq, %get3A_5, %eq3A_46 : vector<2048x1xi32>
    %slice3A_48 = vector.extract_strided_slice %get3A_2 {offsets = [0, 4, 0], sizes = [2048, 1, 64], strides = [1, 1, 1]} : vector<2048x8x64xf32> to vector<2048x1x64xf32>
    %squeeze3A_49 = vector.shape_cast %slice3A_48 : vector<2048x1x64xf32> to vector<2048x64xf32>
    %jit3A_50 = arith.constant 0.000000e+00 : f32
    %broadcast_in_dim3A_51 = vector.shape_cast %eq3A_47 : vector<2048x1xi1> to vector<2048x1xi1>
    %broadcast_in_dim3A_52 = vector.broadcast %broadcast_in_dim3A_51 : vector<2048x1xi1> to vector<2048x64xi1>
    %broadcast_in_dim3A_53 = vector.broadcast %jit3A_50 : f32 to vector<2048x64xf32>
    %select_n3A_54 = arith.select %broadcast_in_dim3A_52, %squeeze3A_49, %broadcast_in_dim3A_53 : vector<2048x64xi1>, vector<2048x64xf32>
    %add3A_55 = arith.addf %add3A_44, %select_n3A_54 : vector<2048x64xf32>
    %eq3A_56 = arith.constant 5 : i32
    %eq3A_57 = vector.broadcast %eq3A_56 : i32 to vector<2048x1xi32>
    %eq3A_58 = arith.cmpi eq, %get3A_5, %eq3A_57 : vector<2048x1xi32>
    %slice3A_59 = vector.extract_strided_slice %get3A_2 {offsets = [0, 5, 0], sizes = [2048, 1, 64], strides = [1, 1, 1]} : vector<2048x8x64xf32> to vector<2048x1x64xf32>
    %squeeze3A_60 = vector.shape_cast %slice3A_59 : vector<2048x1x64xf32> to vector<2048x64xf32>
    %jit3A_61 = arith.constant 0.000000e+00 : f32
    %broadcast_in_dim3A_62 = vector.shape_cast %eq3A_58 : vector<2048x1xi1> to vector<2048x1xi1>
    %broadcast_in_dim3A_63 = vector.broadcast %broadcast_in_dim3A_62 : vector<2048x1xi1> to vector<2048x64xi1>
    %broadcast_in_dim3A_64 = vector.broadcast %jit3A_61 : f32 to vector<2048x64xf32>
    %select_n3A_65 = arith.select %broadcast_in_dim3A_63, %squeeze3A_60, %broadcast_in_dim3A_64 : vector<2048x64xi1>, vector<2048x64xf32>
    %add3A_66 = arith.addf %add3A_55, %select_n3A_65 : vector<2048x64xf32>
    %eq3A_67 = arith.constant 6 : i32
    %eq3A_68 = vector.broadcast %eq3A_67 : i32 to vector<2048x1xi32>
    %eq3A_69 = arith.cmpi eq, %get3A_5, %eq3A_68 : vector<2048x1xi32>
    %slice3A_70 = vector.extract_strided_slice %get3A_2 {offsets = [0, 6, 0], sizes = [2048, 1, 64], strides = [1, 1, 1]} : vector<2048x8x64xf32> to vector<2048x1x64xf32>
    %squeeze3A_71 = vector.shape_cast %slice3A_70 : vector<2048x1x64xf32> to vector<2048x64xf32>
    %jit3A_72 = arith.constant 0.000000e+00 : f32
    %broadcast_in_dim3A_73 = vector.shape_cast %eq3A_69 : vector<2048x1xi1> to vector<2048x1xi1>
    %broadcast_in_dim3A_74 = vector.broadcast %broadcast_in_dim3A_73 : vector<2048x1xi1> to vector<2048x64xi1>
    %broadcast_in_dim3A_75 = vector.broadcast %jit3A_72 : f32 to vector<2048x64xf32>
    %select_n3A_76 = arith.select %broadcast_in_dim3A_74, %squeeze3A_71, %broadcast_in_dim3A_75 : vector<2048x64xi1>, vector<2048x64xf32>
    %add3A_77 = arith.addf %add3A_66, %select_n3A_76 : vector<2048x64xf32>
    %eq3A_78 = arith.constant 7 : i32
    %eq3A_79 = vector.broadcast %eq3A_78 : i32 to vector<2048x1xi32>
    %eq3A_80 = arith.cmpi eq, %get3A_5, %eq3A_79 : vector<2048x1xi32>
    %slice3A_81 = vector.extract_strided_slice %get3A_2 {offsets = [0, 7, 0], sizes = [2048, 1, 64], strides = [1, 1, 1]} : vector<2048x8x64xf32> to vector<2048x1x64xf32>
    %squeeze3A_82 = vector.shape_cast %slice3A_81 : vector<2048x1x64xf32> to vector<2048x64xf32>
    %jit3A_83 = arith.constant 0.000000e+00 : f32
    %broadcast_in_dim3A_84 = vector.shape_cast %eq3A_80 : vector<2048x1xi1> to vector<2048x1xi1>
    %broadcast_in_dim3A_85 = vector.broadcast %broadcast_in_dim3A_84 : vector<2048x1xi1> to vector<2048x64xi1>
    %broadcast_in_dim3A_86 = vector.broadcast %jit3A_83 : f32 to vector<2048x64xf32>
    %select_n3A_87 = arith.select %broadcast_in_dim3A_85, %squeeze3A_82, %broadcast_in_dim3A_86 : vector<2048x64xi1>, vector<2048x64xf32>
    %add3A_88 = arith.addf %add3A_77, %select_n3A_87 : vector<2048x64xf32>
    %mul3A = arith.mulf %add3A_88, %add3A_88 : vector<2048x64xf32>
    %reduce_sum3A = arith.constant dense<0.000000e+00> : vector<2048xf32>
    %reduce_sum3A_89 = vector.multi_reduction <add>, %mul3A, %reduce_sum3A [1] : vector<2048x64xf32> to vector<2048xf32>
    %broadcast_in_dim3A_90 = vector.shape_cast %reduce_sum3A_89 : vector<2048xf32> to vector<2048x1xf32>
    %sqrt3A = math.sqrt %broadcast_in_dim3A_90 : vector<2048x1xf32>
    %max3A = arith.constant 9.99999996E-13 : f32
    %max3A_91 = vector.broadcast %max3A : f32 to vector<2048x1xf32>
    %max3A_92 = arith.maximumf %sqrt3A, %max3A_91 : vector<2048x1xf32>
    %div3A = vector.broadcast %max3A_92 : vector<2048x1xf32> to vector<2048x64xf32>
    %div3A_93 = arith.divf %add3A_88, %div3A : vector<2048x64xf32>
    %swap3A = arith.constant 0 : index
    %swap3A_94 = arith.constant 0 : index
    %swap3A_95 = vector.load %arg12[%swap3A, %swap3A_94] : memref<2048x64xf32, #tpu.memory_space<vmem>>, vector<2048x64xf32>
    tpu.vector_store %arg12[%swap3A, %swap3A_94], %div3A_93 {strides = array<i32>} : memref<2048x64xf32, #tpu.memory_space<vmem>>, vector<2048x64xf32>,
    %get3A_96 = arith.constant 0 : index
    %get3A_97 = arith.constant 0 : index
    %get3A_98 = vector.load %arg4[%get3A_96, %get3A_97] : memref<2048x3xf32, #tpu.memory_space<vmem>>, vector<2048x3xf32>
    %slice3A_99 = vector.extract_strided_slice %get3A_98 {offsets = [0, 2], sizes = [2048, 1], strides = [1, 1]} : vector<2048x3xf32> to vector<2048x1xf32>
    %jit3A_100 = arith.constant 0.000000e+00 : f32
    %max3A_101 = vector.broadcast %jit3A_100 : f32 to vector<2048x1xf32>
    %max3A_102 = arith.maximumf %max3A_101, %slice3A_99 : vector<2048x1xf32>
    %convert_element_type3A = arith.fptosi %max3A_102 : vector<2048x1xf32> to vector<2048x1xi32>
    %iota3A = tpu.iota {dimensions = array<i32: 1>} : vector<1x101xi32>
    %eq3A_103 = vector.broadcast %convert_element_type3A : vector<2048x1xi32> to vector<2048x101xi32>
    %eq3A_104 = vector.broadcast %iota3A : vector<1x101xi32> to vector<2048x101xi32>
    %eq3A_105 = arith.cmpi eq, %eq3A_103, %eq3A_104 : vector<2048x101xi32>
    %convert_element_type3A_106 = arith.extui %eq3A_105 : vector<2048x101xi1> to vector<2048x101xi32>
    %convert_element_type3A_107 = arith.sitofp %convert_element_type3A_106 : vector<2048x101xi32> to vector<2048x101xf32>
    %get3A_108 = arith.constant 0 : index
    %get3A_109 = arith.constant 0 : index
    %get3A_110 = vector.load %arg5[%get3A_108, %get3A_109] : memref<101x8xf32, #tpu.memory_space<vmem>>, vector<101x8xf32>
    %dot_general3A = arith.constant dense<0.000000e+00> : vector<2048x8xf32>
    %dot_general3A_111 = tpu.matmul %convert_element_type3A_107, %get3A_110, %dot_general3A {dimension_numbers = #tpu.dot_dimension_numbers<[1], [0], [0], [1], [0, 0, 1, 1], [], []>, transpose_lhs_hint = false} : vector<2048x101xf32>, vector<101x8xf32>, vector<2048x8xf32> -> vector<2048x8xf32>
    %get3A_112 = arith.constant 0 : index
    %get3A_113 = arith.constant 0 : index
    %get3A_114 = vector.load %arg2[%get3A_112, %get3A_113] : memref<2048x64xf32, #tpu.memory_space<vmem>>, vector<2048x64xf32>
    %get3A_115 = arith.constant 0 : index
    %get3A_116 = arith.constant 0 : index
    %get3A_117 = vector.load %arg6[%get3A_115, %get3A_116] : memref<64x64xf32, #tpu.memory_space<vmem>>, vector<64x64xf32>
    %dot_general3A_118 = arith.constant dense<0.000000e+00> : vector<2048x64xf32>
    %dot_general3A_119 = tpu.matmul %get3A_114, %get3A_117, %dot_general3A_118 {dimension_numbers = #tpu.dot_dimension_numbers<[1], [0], [0], [1], [0, 0, 1, 1], [], []>, transpose_lhs_hint = false} : vector<2048x64xf32>, vector<64x64xf32>, vector<2048x64xf32> -> vector<2048x64xf32>
    %get3A_120 = arith.constant 0 : index
    %get3A_121 = arith.constant 0 : index
    %get3A_122 = vector.load %arg7[%get3A_120, %get3A_121] : memref<8x64xf32, #tpu.memory_space<vmem>>, vector<8x64xf32>
    %dot_general3A_123 = arith.constant dense<0.000000e+00> : vector<2048x64xf32>
    %dot_general3A_124 = tpu.matmul %dot_general3A_111, %get3A_122, %dot_general3A_123 {dimension_numbers = #tpu.dot_dimension_numbers<[1], [0], [0], [1], [0, 0, 1, 1], [], []>, transpose_lhs_hint = false} : vector<2048x8xf32>, vector<8x64xf32>, vector<2048x64xf32> -> vector<2048x64xf32>
    %add3A_125 = arith.addf %dot_general3A_119, %dot_general3A_124 : vector<2048x64xf32>
    %slice3A_126 = vector.extract_strided_slice %get3A_98 {offsets = [0, 0], sizes = [2048, 1], strides = [1, 1]} : vector<2048x3xf32> to vector<2048x1xf32>
    %get3A_127 = arith.constant 0 : index
    %get3A_128 = arith.constant 0 : index
    %get3A_129 = vector.load %arg8[%get3A_127, %get3A_128] : memref<2x64xf32, #tpu.memory_space<vmem>>, vector<1x64xf32>
    %mul3A_130 = vector.broadcast %slice3A_126 : vector<2048x1xf32> to vector<2048x64xf32>
    %mul3A_131 = vector.broadcast %get3A_129 : vector<1x64xf32> to vector<2048x64xf32>
    %mul3A_132 = arith.mulf %mul3A_130, %mul3A_131 : vector<2048x64xf32>
    %add3A_133 = arith.addf %add3A_125, %mul3A_132 : vector<2048x64xf32>
    %slice3A_134 = vector.extract_strided_slice %get3A_98 {offsets = [0, 1], sizes = [2048, 1], strides = [1, 1]} : vector<2048x3xf32> to vector<2048x1xf32>
    %get3A_135 = arith.constant 1 : index
    %get3A_136 = arith.constant 0 : index
    %get3A_137 = vector.load %arg8[%get3A_135, %get3A_136] : memref<2x64xf32, #tpu.memory_space<vmem>>, vector<1x64xf32>
    %mul3A_138 = vector.broadcast %slice3A_134 : vector<2048x1xf32> to vector<2048x64xf32>
    %mul3A_139 = vector.broadcast %get3A_137 : vector<1x64xf32> to vector<2048x64xf32>
    %mul3A_140 = arith.mulf %mul3A_138, %mul3A_139 : vector<2048x64xf32>
    %add3A_141 = arith.addf %add3A_133, %mul3A_140 : vector<2048x64xf32>
    %get3A_142 = arith.constant 0 : index
    %get3A_143 = arith.constant 0 : index
    %get3A_144 = vector.load %arg9[%get3A_142, %get3A_143] : memref<1x64xf32, #tpu.memory_space<vmem>>, vector<1x64xf32>
    %add3A_145 = vector.broadcast %get3A_144 : vector<1x64xf32> to vector<2048x64xf32>
    %add3A_146 = arith.addf %add3A_141, %add3A_145 : vector<2048x64xf32>
    %max3A_147 = arith.constant 0.000000e+00 : f32
    %max3A_148 = vector.broadcast %max3A_147 : f32 to vector<2048x64xf32>
    %max3A_149 = arith.maximumf %add3A_146, %max3A_148 : vector<2048x64xf32>
    %get3A_150 = arith.constant 0 : index
    %get3A_151 = arith.constant 0 : index
    %get3A_152 = vector.load %arg10[%get3A_150, %get3A_151] : memref<64x64xf32, #tpu.memory_space<vmem>>, vector<64x64xf32>
    %dot_general3A_153 = arith.constant dense<0.000000e+00> : vector<2048x64xf32>
    %dot_general3A_154 = tpu.matmul %max3A_149, %get3A_152, %dot_general3A_153 {dimension_numbers = #tpu.dot_dimension_numbers<[1], [0], [0], [1], [0, 0, 1, 1], [], []>, transpose_lhs_hint = false} : vector<2048x64xf32>, vector<64x64xf32>, vector<2048x64xf32> -> vector<2048x64xf32>
    %get3A_155 = arith.constant 0 : index
    %get3A_156 = arith.constant 0 : index
    %get3A_157 = vector.load %arg11[%get3A_155, %get3A_156] : memref<1x64xf32, #tpu.memory_space<vmem>>, vector<1x64xf32>
    %add3A_158 = vector.broadcast %get3A_157 : vector<1x64xf32> to vector<2048x64xf32>
    %add3A_159 = arith.addf %dot_general3A_154, %add3A_158 : vector<2048x64xf32>
    %mul3A_160 = arith.mulf %add3A_159, %add3A_159 : vector<2048x64xf32>
    %reduce_sum3A_161 = arith.constant dense<0.000000e+00> : vector<2048xf32>
    %reduce_sum3A_162 = vector.multi_reduction <add>, %mul3A_160, %reduce_sum3A_161 [1] : vector<2048x64xf32> to vector<2048xf32>
    %broadcast_in_dim3A_163 = vector.shape_cast %reduce_sum3A_162 : vector<2048xf32> to vector<2048x1xf32>
    %sqrt3A_164 = math.sqrt %broadcast_in_dim3A_163 : vector<2048x1xf32>
    %max3A_165 = arith.constant 9.99999996E-13 : f32
    %max3A_166 = vector.broadcast %max3A_165 : f32 to vector<2048x1xf32>
    %max3A_167 = arith.maximumf %sqrt3A_164, %max3A_166 : vector<2048x1xf32>
    %div3A_168 = vector.broadcast %max3A_167 : vector<2048x1xf32> to vector<2048x64xf32>
    %div3A_169 = arith.divf %add3A_159, %div3A_168 : vector<2048x64xf32>
    %swap3A_170 = arith.constant 0 : index
    %swap3A_171 = arith.constant 0 : index
    %swap3A_172 = vector.load %arg13[%swap3A_170, %swap3A_171] : memref<2048x64xf32, #tpu.memory_space<vmem>>, vector<2048x64xf32>
    tpu.vector_store %arg13[%swap3A_170, %swap3A_171], %div3A_169 {strides = array<i32>} : memref<2048x64xf32, #tpu.memory_space<vmem>>, vector<2048x64xf32>,
    return
  }
  func.func @transform_0(%arg0: i32) -> (i32, i32, i32) {
    %c0_i32 = arith.constant 0 : i32
    %c0_i32_0 = arith.constant 0 : i32
    %c0_i32_1 = arith.constant 0 : i32
    return %arg0, %c0_i32, %c0_i32_0 : i32, i32, i32
  }
  func.func @transform_1(%arg0: i32) -> (i32, i32) {
    %c0_i32 = arith.constant 0 : i32
    %c0_i32_0 = arith.constant 0 : i32
    return %arg0, %c0_i32 : i32, i32
  }
  func.func @transform_2(%arg0: i32) -> (i32, i32) {
    %c0_i32 = arith.constant 0 : i32
    %c0_i32_0 = arith.constant 0 : i32
    return %arg0, %c0_i32 : i32, i32
  }
  func.func @transform_3(%arg0: i32) -> (i32, i32) {
    %c0_i32 = arith.constant 0 : i32
    %c0_i32_0 = arith.constant 0 : i32
    return %arg0, %c0_i32 : i32, i32
  }
  func.func @transform_4(%arg0: i32) -> (i32, i32) {
    %c0_i32 = arith.constant 0 : i32
    %c0_i32_0 = arith.constant 0 : i32
    %c0_i32_1 = arith.constant 0 : i32
    return %c0_i32, %c0_i32_0 : i32, i32
  }
  func.func @transform_5(%arg0: i32) -> (i32, i32) {
    %c0_i32 = arith.constant 0 : i32
    %c0_i32_0 = arith.constant 0 : i32
    %c0_i32_1 = arith.constant 0 : i32
    return %c0_i32, %c0_i32_0 : i32, i32
  }
  func.func @transform_6(%arg0: i32) -> (i32, i32) {
    %c0_i32 = arith.constant 0 : i32
    %c0_i32_0 = arith.constant 0 : i32
    %c0_i32_1 = arith.constant 0 : i32
    return %c0_i32, %c0_i32_0 : i32, i32
  }
  func.func @transform_7(%arg0: i32) -> (i32, i32) {
    %c0_i32 = arith.constant 0 : i32
    %c0_i32_0 = arith.constant 0 : i32
    %c0_i32_1 = arith.constant 0 : i32
    return %c0_i32, %c0_i32_0 : i32, i32
  }
  func.func @transform_8(%arg0: i32) -> (i32, i32) {
    %c0_i32 = arith.constant 0 : i32
    %c0_i32_0 = arith.constant 0 : i32
    %c0_i32_1 = arith.constant 0 : i32
    return %c0_i32, %c0_i32_0 : i32, i32
  }
  func.func @transform_9(%arg0: i32) -> (i32, i32) {
    %c0_i32 = arith.constant 0 : i32
    %c0_i32_0 = arith.constant 0 : i32
    %c0_i32_1 = arith.constant 0 : i32
    return %c0_i32, %c0_i32_0 : i32, i32
  }
  func.func @transform_10(%arg0: i32) -> (i32, i32) {
    %c0_i32 = arith.constant 0 : i32
    %c0_i32_0 = arith.constant 0 : i32
    %c0_i32_1 = arith.constant 0 : i32
    return %c0_i32, %c0_i32_0 : i32, i32
  }
  func.func @transform_11(%arg0: i32) -> (i32, i32) {
    %c0_i32 = arith.constant 0 : i32
    %c0_i32_0 = arith.constant 0 : i32
    return %arg0, %c0_i32 : i32, i32
  }
  func.func @transform_12(%arg0: i32) -> (i32, i32) {
    %c0_i32 = arith.constant 0 : i32
    %c0_i32_0 = arith.constant 0 : i32
    return %arg0, %c0_i32 : i32, i32
  }
}

</mosaic_0001>

<sc_bundles>
// kernel: kernel.4.cloned.1.call-start
scs
__scs_entry_jumppad:
0x0: {  	(pc) =	sbr.rel $0x88, $3  }
0x1: {  	(tag) =	ssettag $0x0;
	lr =	simm.s32 $0x1  }
0x2: {  	[smem:$0x3F97] =	sst lr;
	_ =	strace $0xD0000000  }
0x3: {  	_ = 	snop  }
0x4: {  	_ = 	snop  }
0x5: {  	_ = 	snop  }
0x6: {  	_ = 	snop  }
0x7: {  	_ = 	snop  }
__scs_overlays_trampoline_lowered:
0x8: {  	[smem:$0x3FA6] =	sst s0  }
0x9: {  	[smem:$0x3FA7] =	sst s1  }
0xa: {  	[smem:$0x3FA8] =	sst s2  }
0xb: {  	[smem:$0x3FA9] =	sst s3  }
0xc: {  	[smem:$0x3FAA] =	sst s4  }
0xd: {  	[smem:$0x3FAB] =	sst s5  }
0xe: {  	[smem:$0x3FAC] =	sst s6  }
0xf: {  	[smem:$0x3FAD] =	sst s7  }
0x10: {  	[smem:$0x3FAE] =	sst s8  }
0x11: {  	[smem:$0x3FAF] =	sst s9;
	s0 =	simm.s32 @!p0 $0x0  }
0x12: {  	s1 =	sld [smem:$0x3F95];
	s0 =	simm.s32 @p0 $0x1  }
0x13: {  	[smem:$0x3FB0] =	sst s0;
	s0 =	simm.s32 @!p1 $0x0  }
0x14: {  	s2 =	sld [smem:$0x3F94];
	s0 =	simm.s32 @p1 $0x1  }
0x15: {  	[smem:$0x3FB1] =	sst s0;
	s0 =	simm.s32 @!p2 $0x0  }
0x16: {  	s3 =	sld [smem:$0x3FDB];
	s0 =	simm.s32 @p2 $0x1  }
0x17: {  	s4 =	simm.s32 $0x1BF5;
	[smem:$0x3FB3] =	sst s0  }
0x18: {  	s0 =	sld [smem:$0x3F96];
	_ =	swait.ge [sflag:s4], $0x0  }
0x19: {  	s7 =	sld [smem:$0x3F97]  }
0x1a: {  	s8 =	sadd.s32 $0xFFFFE003, lr  }
0x1b: {  	s9 =	sadd.s32 $0xFFFFFEF7, lr;
	s5 =	simm.s32 $0xFFFFFFFF;
	p2 =	slt.u32 s8, $0xFFFFF086  }
0x1c: {  	p1 =	slt.u32 s9, $0xF7A;
	s5 =	simm.s32 @!p2 $0x0  }
0x1d: {  	s5 =	simm.s32 @p1 $0x1;
	p0 =	seq.s32 s7, s2  }
0x1e: {  	s7 =	smul.u32 @!p0 $0xF7A, s2;
	p2 =	seq.s32 @!p0 s5, $0x0  }
0x1f: {  	s9 =	smul.u32 $0xF7A, s1;
	s8 =	simm.s32 @!p0 $0x1BF5;
	p2 =	por !p2, p0  }
0x20: {  	[sflag:s8] =	ssyncset.s32 @!p0 $0xFFFFF086;
	s6 =	sadd.s32 @!p0 s3, s7;
	s7 =	simm.s32 @!p0 $0x108  }
0x21: {  	s3 =	sadd.s32 s3, s9;
	s6 =	sadd.s32 @!p0 $0x88, s6;
	s7 =	simm.s32 @p2 $0x1082  }
0x22: {  	[simem:s7], [sflag:s8] =	dma.local @!p0 [hbm:s6], $0xF7A  }
0x23: {  	s9 =	sor.u32 $0xD0000000, s2;
	s6 =	simm.s32 $0x108;
	_ =	swait.ge @!p0 [sflag:s8], $0x0  }
0x24: {  	s3 =	sadd.s32 $0x88, s3;
	s6 =	simm.s32 @!p1 $0x1082;
	[sflag:s4] =	ssyncset.s32 $0xFFFFF086  }
0x25: {  	[simem:s6], [sflag:s4] =	dma.local [hbm:s3], $0xF7A  }
0x26: {  	[smem:$0x3F97] =	sst s1;
	(tag) =	ssettag s2;
	_ =	strace s9  }
0x27: {  	s1 =	sld [smem:$0x3FA7]  }
0x28: {  	s2 =	sld [smem:$0x3FA8]  }
0x29: {  	s4 =	sld [smem:$0x3FAA]  }
0x2a: {  	p0 =	seq.s32 s5, $0x0;
	s5 =	sld [smem:$0x3FAB]  }
0x2b: {  	s6 =	sld [smem:$0x3FAC]  }
0x2c: {  	s7 =	sld [smem:$0x3FAD]  }
0x2d: {  	s3 =	simm.s32 $0x108;
	s8 =	sld [smem:$0x3FAE]  }
0x2e: {  	s3 =	simm.s32 @!p0 $0x1082;
	s9 =	sld [smem:$0x3FAF]  }
0x2f: {  	lr =	sadd.s32 s0, s3;
	s0 =	sld [smem:$0x3FA6]  }
0x30: {  	s3 =	sld [smem:$0x3FA9]  }
0x31: {  	[smem:$0x3FB2] =	sst s10  }
0x32: {  	s10 =	sld [smem:$0x3FB0];
	_ =	sdelay $0x3  }
0x33: {  	p0 =	seq.s32 s10, $0x1;
	s10 =	sld [smem:$0x3FB2];
	_ =	sdelay $0x3  }
0x34: {  	[smem:$0x3FB2] =	sst s10  }
0x35: {  	s10 =	sld [smem:$0x3FB1];
	_ =	sdelay $0x3  }
0x36: {  	p1 =	seq.s32 s10, $0x1;
	s10 =	sld [smem:$0x3FB2];
	_ =	sdelay $0x3  }
0x37: {  	[smem:$0x3FB2] =	sst s10  }
0x38: {  	s10 =	sld [smem:$0x3FB3]  }
0x39: {  	_ = 	snop;
	(pc) =	sbr.ind lr, $3  }
0x3a: {  	_ = 	snop  }
0x3b: {  	_ = 	snop  }
0x3c: {  	p2 =	seq.s32 s10, $0x1;
	s10 =	sld [smem:$0x3FB2]  }
0x3d: {  	_ =	shalt  }
0x3e: {  	_ =	shalt  }
0x3f: {  	_ =	shalt  }
0x40: {  	_ =	shalt  }
0x41: {  	_ =	shalt  }
0x42: {  	_ =	shalt  }
0x43: {  	_ =	shalt  }
0x44: {  	_ =	shalt  }
0x45: {  	_ =	shalt  }
0x46: {  	_ =	shalt  }
0x47: {  	_ =	shalt  }
0x48: {  	_ =	shalt  }
0x49: {  	_ =	shalt  }
0x4a: {  	_ =	shalt  }
0x4b: {  	_ =	shalt  }
0x4c: {  	_ =	shalt  }
0x4d: {  	_ =	shalt  }
0x4e: {  	_ =	shalt  }
0x4f: {  	_ =	shalt  }
0x50: {  	_ =	shalt  }
0x51: {  	_ =	shalt  }
0x52: {  	_ =	shalt  }
0x53: {  	_ =	shalt  }
0x54: {  	_ =	shalt  }
0x55: {  	_ =	shalt  }
0x56: {  	_ =	shalt  }
0x57: {  	_ =	shalt  }
0x58: {  	_ =	shalt  }
0x59: {  	_ =	shalt  }
0x5a: {  	_ =	shalt  }
0x5b: {  	_ =	shalt  }
0x5c: {  	_ =	shalt  }
0x5d: {  	_ =	shalt  }
0x5e: {  	_ =	shalt  }
0x5f: {  	_ =	shalt  }
0x60: {  	_ =	shalt  }
0x61: {  	_ =	shalt  }
0x62: {  	_ =	shalt  }
0x63: {  	_ =	shalt  }
0x64: {  	_ =	shalt  }
0x65: {  	_ =	shalt  }
0x66: {  	_ =	shalt  }
0x67: {  	_ =	shalt  }
0x68: {  	_ =	shalt  }
0x69: {  	_ =	shalt  }
0x6a: {  	_ =	shalt  }
0x6b: {  	_ =	shalt  }
0x6c: {  	_ =	shalt  }
0x6d: {  	_ =	shalt  }
0x6e: {  	_ =	shalt  }
0x6f: {  	_ =	shalt  }
0x70: {  	_ =	shalt  }
0x71: {  	_ =	shalt  }
0x72: {  	_ =	shalt  }
0x73: {  	_ =	shalt  }
0x74: {  	_ =	shalt  }
0x75: {  	_ =	shalt  }
0x76: {  	_ =	shalt  }
0x77: {  	_ =	shalt  }
0x78: {  	_ =	shalt  }
0x79: {  	_ =	shalt  }
0x7a: {  	_ =	shalt  }
0x7b: {  	_ =	shalt  }
0x7c: {  	_ =	shalt  }
0x7d: {  	_ =	shalt  }
0x7e: {  	_ =	shalt  }
0x7f: {  	_ =	shalt  }
0x80: {  	_ =	shalt  }
0x81: {  	_ =	shalt  }
0x82: {  	_ =	shalt  }
0x83: {  	_ =	shalt  }
0x84: {  	_ =	shalt  }
0x85: {  	_ =	shalt  }
0x86: {  	_ =	shalt  }
0x87: {  	_ =	shalt  }
.Lfunc_end0:
.L_simem_size_0:
called_computation_lowered:
.L_overlay_start_0:
0x88: {  	s2 =	sld [smem:$0x3FD9]  }
0x89: {  	s3 =	sld [smem:$0x3FFE];
	_ =	sdelay $0x1  }
0x8a: {  	s1 =	srdreg.scid  }
0x8b: {  	s0 =	sand.u32 $0x1, s1  }
0x8c: {  	s14 =	sshll.u32 s0, $0xA;
	s2 =	sadd.s32 s3, s2  }
0x8d: {  	s2 =	sadd.s32 s2, s14  }
0x8e: {  	[smem:$0x3FBE] =	sst s2  }
0x8f: {  	_ = 	snop  }
0x90: {  	s2 =	sld [smem:$0x3FD0];
	_ =	sdelay $0x2  }
0x91: {  	s15 =	simm.s32 $0xA;
	s4 =	simm.s32 $0x10  }
0x92: {  	[smem:s4], [sflag:s15] =	dma.local [hbm:s2], $0x1  }
0x93: {  	_ =	swait.eq [sflag:s15], $0x1  }
0x94: {  	[sflag:s15] =	ssyncset.done $0x0  }
0x95: {  	s16 =	sld [smem:$0x10];
	[sflag:s15] =	ssyncadd.s32 $0xFFFFFFFF  }
0x96: {  	s17 =	sld [smem:$0x11];
	(tm) =	ssettm $0x1  }
0x97: {  	s18 =	sld [smem:$0x3FFB];
	_ =	sdelay $0x3  }
0x98: {  	_ =	strace s18  }
0x99: {  	s4 =	sld [smem:$0x3FFC];
	_ =	sdelay $0x3  }
0x9a: {  	_ =	strace s4  }
0x9b: {  	s4 =	sld [smem:$0x3FFD];
	_ =	sdelay $0x3  }
0x9c: {  	_ =	strace s4  }
0x9d: {  	_ =	strace $0x8FFFFFFF  }
0x9e: {  	s19 =	sld [smem:$0x3FDB];
	_ =	sdelay $0x1  }
0x9f: {  	s5 =	simm.s32 $_scs_section_size  }
0xa0: {  	s6 =	simm.s32 $_size__tile_overlayer_lowered;
	s7 =	simm.s32 $_tile_overlayer_lowered  }
0xa1: {  	s22 =	simm.s32 $0x1BFF;
	s21 =	sshll.u32 s7, $0x1;
	s4 =	sadd.s32 s5, s19  }
0xa2: {  	s8 =	simm.s32 $0x0;
	s20 =	sshll.u32 s6, $0x1;
	s6 =	sadd.s32 s21, s4  }
0xa3: {  	[timem:s8], [sflag:s22] =	dma.local [hbm:s6], s20  }
0xa4: {  	_ =	swait.ge [sflag:s22], s20  }
0xa5: {  	s5 =	ssub.s32 $0x0, s20;
	[sflag:s22] =	ssyncset.done $0x0  }
0xa6: {  	[sflag:s22] =	ssyncadd.s32 s5;
	_ =	sdelay $0x1  }
0xa7: {  	s23 =	simm.s32 $0x1B8B  }
0xa8: {  	_ =	swait.ge [sflag:s23], $0x1  }
0xa9: {  	[sflag:s23] =	ssyncset.done $0x0  }
0xaa: {  	s25 =	simm.s32 $0x1B8E;
	s24 =	sld [smem:$0x3FFE];
	[sflag:s23] =	ssyncadd.s32 $0xFFFFFFFF  }
0xab: {  	s26 =	simm.s32 $execute0_lowered;
	[smem:$0x3FD2] =	sst s25  }
0xac: {  	s6 =	sshll.u32 s26, $0x1;
	_ =	strace $0x80000046;
	[dreg:$0x1] =	wrdreg $0xFFFFFFFF  }
0xad: {  	s28 =	simm.s32 $_size_execute0_lowered;
	s4 =	sadd.s32 s4, s6;
	[dreg:$0x0] =	wrdreg $0x0  }
0xae: {  	s6 =	sshll.u32 s28, $0x1;
	[dreg:$0x2] =	wrdreg s4  }
0xaf: {  	[dreg:$0x3] =	wrdreg s6  }
0xb0: {  	[dreg:$0x4] =	wrdreg $0xC0  }
0xb1: {  	_ =	task [dreg:s8], $0x5FFFF  }
0xb2: {  	[dreg:$0x1] =	wrdreg $0xFFFFFFFF  }
0xb3: {  	[dreg:$0x0] =	wrdreg $0x60  }
0xb4: {  	[dreg:$0x2] =	wrdreg s17  }
0xb5: {  	[dreg:$0x3] =	wrdreg s16  }
0xb6: {  	[dreg:$0x4] =	wrdreg s24  }
0xb7: {  	[dreg:$0x5] =	wrdreg $0x9  }
0xb8: {  	_ =	task.clear_ibuf [dreg:s8], $0x6FFFF;
	_ =	strace $0x90000046  }
0xb9: {  	s29 =	simm.s32 $0x9;
	_ =	strace $0x80000048  }
0xba: {  	_ =	swait.ge [sflag:s29], $0x1  }
0xbb: {  	[sflag:s29] =	ssyncadd.s32 $0xFFFFFFFF  }
0xbc: {  	_ =	strace $0x90000048  }
0xbd: {  	_ =	sfence  }
0xbe: {  	s30 =	sld [smem:$0x0];
	_ =	sdelay $0x2  }
0xbf: {  	s31 =	sshll.u32 s1, $0xD;
	s1 =	sshrl.u32 s1, $0x2  }
0xc0: {  	s3 =	sand.u32 $0x4000, s31;
	s1 =	sadd.s32 s1, s30  }
0xc1: {  	s0 =	sor.u32 s3, s0;
	s1 =	sshll.u32 s1, $0x11  }
0xc2: {  	s0 =	sor.u32 s1, s0  }
0xc3: {  	s0 =	sadd.s32 $0x8F2B, s0  }
0xc4: {  	[sflag:s0] =	ssyncadd.remote.s32 $0x1  }
0xc5: {  	_ =	sfence.sel $0xFFFF  }
0xc6: {  	[dreg:$0x0] =	wrdreg $0xFFFFFFFF;
	(pc) =	sbr.abs _section_cstart, $3  }
0xc7: {  	[dreg:$0x1] =	wrdreg $0xFFFFFFFF  }
0xc8: {  	_ =	task.clear_ibuf [dreg:s8], $0x2FFFF;
	_ =	strace $0x9FFFFFFF  }
0xc9: {  	(tm) =	ssettm $0x7FFFFFFF  }
tec
execute0_lowered:
.L_overlay_start_1:
0x0: {  	(tag) =	ssettag $0x1  }
0x1: {  	s5 =	rddreg [dreg:$0x0]  }
0x2: {  	s6 =	rddreg [dreg:$0x1]  }
0x3: {  	s7 =	rddreg [dreg:$0x2]  }
0x4: {  	s0 =	rddreg [dreg:$0x3]  }
0x5: {  	s2 =	simm.s32 $0x0;
	s1 =	stileid.u32;
	s4 =	srdreg.scid  }
0x6: {  	s14 =	simm.s32 $0x3;
	s15 =	simm.s32 $0x2;
	s16 =	simm.s32 $0x0  }
0x7: {  	[smem:$0x7FF] =	sst s2;
	s3 =	sadd.s32 $0x1C00, s7;
	s8 =	sand.u32 $0x1, s4  }
0x8: {  	s9 =	sshll.u32 s1, $0x1;
	s4 =	sadd.s32 $0xF44000, s7;
	s10 =	sshll.u32 s1, $0x11  }
0x9: {  	s11 =	sshll.u32 s1, $0x7;
	_ =	strace $0x80000047;
	s9 =	sor.u32 s8, s9  }
0xa: {  	s10 =	sadd.s32 s10, s7;
	s13 =	ssub.s32 $0x2, s8;
	s8 =	sshll.u32 s8, $0x10  }
0xb: {  	vm0 =	vmmov $0x1;
	s12 =	sshll.u32 s9, $0x4;
	s9 =	sshll.u32 s9, $0xD;
	s31 =	sshrl.u32 s13, $0x1  }
.Ltmp0:
0xc: {  	vm1 =	vcmask $0x308;
	vm2 =	vcmask $0x70C;
	vm3 =	vcmask $0xB10;
	s10 =	sadd.s32 s8, s10;
	s11 =	sor.u32 s11, s12;
	(pc) =	sbr.rel .LBB2_1-.Ltmp0, $4  }
0xd: {  	vm4 =	vcmask $0xF14;
	vm5 =	vcmask $0x1318;
	vm6 =	vcmask $0x171C;
	s7 =	sadd.s32 s9, s7;
	s9 =	ssub.s32 s13, s31;
	s12 =	simm.s32 $0x4  }
0xe: {  	vm7 =	vcmask $0x1B20;
	vm8 =	vcmask $0x1F24;
	vm9 =	vcmask $0x2328;
	s13 =	simm.s32 $0x1;
	s11 =	sand.u32 $0x670, s11;
	s7 =	sadd.s32 $0x2086400, s7  }
0xf: {  	vm10 =	vcmask $0x272C;
	vm11 =	vcmask $0x2B30;
	vm12 =	vcmask $0x2F34;
	s8 =	smax.u32 s9, $0x1;
	s9 =	sadd.s32 $0x1E86400, s10;
	s10 =	simm.s32 $0x80  }
0x10: {  	vm13 =	vcmask $0x3338;
	vm14 =	vcmask $0x373C;
	vm15 =	vmmov $0x7fff;
	s5 =	sadd.s32 s5, s11;
	s6 =	sadd.s32 s6, s11;
	s11 =	simm.s32 $0x400  }
.LBB2_7:
0x11: {  	_ =	swait.ge [sflag:s13], $0x80  }
0x12: {  	[sflag:s13] =	ssyncset.done $0x0  }
0x13: {  	[sflag:s13] =	ssyncadd.s32 $0xFFFFFF80  }
0x14: {  	_ =	swait.ge [sflag:s13], $0x80  }
0x15: {  	[sflag:s13] =	ssyncset.done $0x0  }
0x16: {  	[sflag:s13] =	ssyncadd.s32 $0xFFFFFF80  }
0x17: {  	_ =	swait.ge [sflag:s13], $0x80  }
0x18: {  	[sflag:s13] =	ssyncset.done $0x0  }
0x19: {  	[sflag:s13] =	ssyncadd.s32 $0xFFFFFF80  }
0x1a: {  	_ =	swait.ge [sflag:s13], $0x80  }
0x1b: {  	[sflag:s13] =	ssyncset.done $0x0  }
0x1c: {  	[sflag:s13] =	ssyncadd.s32 $0xFFFFFF80  }
0x1d: {  	_ =	swait.ge [sflag:s13], $0x80  }
0x1e: {  	[sflag:s13] =	ssyncset.done $0x0  }
0x1f: {  	[sflag:s13] =	ssyncadd.s32 $0xFFFFFF80  }
0x20: {  	_ =	swait.ge [sflag:s13], $0x80  }
0x21: {  	[sflag:s13] =	ssyncset.done $0x0  }
0x22: {  	[sflag:s13] =	ssyncadd.s32 $0xFFFFFF80  }
0x23: {  	_ =	swait.ge [sflag:s13], $0x80  }
0x24: {  	[sflag:s13] =	ssyncset.done $0x0  }
0x25: {  	[sflag:s13] =	ssyncadd.s32 $0xFFFFFF80  }
0x26: {  	_ =	swait.ge [sflag:s13], $0x80  }
0x27: {  	[sflag:s13] =	ssyncset.done $0x0  }
0x28: {  	[sflag:s13] =	ssyncadd.s32 $0xFFFFFF80  }
0x29: {  	_ =	swait.ge [sflag:s13], $0x80  }
0x2a: {  	[sflag:s13] =	ssyncset.done $0x0  }
0x2b: {  	[sflag:s13] =	ssyncadd.s32 $0xFFFFFF80  }
0x2c: {  	_ =	swait.ge [sflag:s13], $0x80  }
0x2d: {  	[sflag:s13] =	ssyncset.done $0x0  }
0x2e: {  	[sflag:s13] =	ssyncadd.s32 $0xFFFFFF80  }
0x2f: {  	_ =	swait.ge [sflag:s13], $0x80  }
0x30: {  	[sflag:s13] =	ssyncset.done $0x0  }
0x31: {  	[sflag:s13] =	ssyncadd.s32 $0xFFFFFF80  }
0x32: {  	_ =	swait.ge [sflag:s13], $0x80  }
0x33: {  	[sflag:s13] =	ssyncset.done $0x0  }
0x34: {  	[sflag:s13] =	ssyncadd.s32 $0xFFFFFF80  }
0x35: {  	_ =	swait.ge [sflag:s13], $0x80  }
0x36: {  	[sflag:s13] =	ssyncset.done $0x0  }
0x37: {  	[sflag:s13] =	ssyncadd.s32 $0xFFFFFF80  }
0x38: {  	_ =	swait.ge [sflag:s13], $0x80  }
0x39: {  	[sflag:s13] =	ssyncset.done $0x0  }
0x3a: {  	[sflag:s13] =	ssyncadd.s32 $0xFFFFFF80  }
0x3b: {  	_ =	swait.ge [sflag:s13], $0x80  }
0x3c: {  	[sflag:s13] =	ssyncset.done $0x0  }
0x3d: {  	[sflag:s13] =	ssyncadd.s32 $0xFFFFFF80  }
0x3e: {  	_ =	swait.ge [sflag:s13], $0x80  }
0x3f: {  	[sflag:s13] =	ssyncset.done $0x0  }
0x40: {  	[sflag:s13] =	ssyncadd.s32 $0xFFFFFF80  }
0x41: {  	_ =	swait.ge [sflag:s13], $0x80  }
0x42: {  	[sflag:s13] =	ssyncset.done $0x0  }
0x43: {  	[sflag:s13] =	ssyncadd.s32 $0xFFFFFF80  }
0x44: {  	_ =	swait.ge [sflag:s13], $0x80  }
0x45: {  	[sflag:s13] =	ssyncset.done $0x0  }
0x46: {  	[sflag:s13] =	ssyncadd.s32 $0xFFFFFF80  }
0x47: {  	_ =	swait.ge [sflag:s13], $0x80  }
0x48: {  	[sflag:s13] =	ssyncset.done $0x0  }
0x49: {  	[sflag:s13] =	ssyncadd.s32 $0xFFFFFF80  }
0x4a: {  	_ =	swait.ge [sflag:s13], $0x80  }
0x4b: {  	[sflag:s13] =	ssyncset.done $0x0  }
0x4c: {  	[sflag:s13] =	ssyncadd.s32 $0xFFFFFF80  }
0x4d: {  	_ =	swait.ge [sflag:s13], $0x80  }
0x4e: {  	[sflag:s13] =	ssyncset.done $0x0  }
0x4f: {  	[sflag:s13] =	ssyncadd.s32 $0xFFFFFF80  }
0x50: {  	_ =	swait.ge [sflag:s13], $0x80  }
0x51: {  	[sflag:s13] =	ssyncset.done $0x0  }
0x52: {  	[sflag:s13] =	ssyncadd.s32 $0xFFFFFF80  }
0x53: {  	_ =	swait.ge [sflag:s13], $0x80  }
0x54: {  	[sflag:s13] =	ssyncset.done $0x0  }
0x55: {  	[sflag:s13] =	ssyncadd.s32 $0xFFFFFF80  }
0x56: {  	_ =	swait.ge [sflag:s13], $0x80  }
0x57: {  	[sflag:s13] =	ssyncset.done $0x0  }
0x58: {  	[sflag:s13] =	ssyncadd.s32 $0xFFFFFF80  }
0x59: {  	_ =	swait.ge [sflag:s13], $0x80  }
0x5a: {  	[sflag:s13] =	ssyncset.done $0x0  }
0x5b: {  	[sflag:s13] =	ssyncadd.s32 $0xFFFFFF80  }
0x5c: {  	_ =	swait.ge [sflag:s13], $0x80  }
0x5d: {  	[sflag:s13] =	ssyncset.done $0x0  }
0x5e: {  	[sflag:s13] =	ssyncadd.s32 $0xFFFFFF80  }
0x5f: {  	_ =	swait.ge [sflag:s13], $0x80  }
0x60: {  	[sflag:s13] =	ssyncset.done $0x0  }
0x61: {  	[sflag:s13] =	ssyncadd.s32 $0xFFFFFF80  }
0x62: {  	_ =	swait.ge [sflag:s13], $0x80  }
0x63: {  	[sflag:s13] =	ssyncset.done $0x0  }
0x64: {  	[sflag:s13] =	ssyncadd.s32 $0xFFFFFF80  }
0x65: {  	_ =	swait.ge [sflag:s13], $0x80  }
0x66: {  	[sflag:s13] =	ssyncset.done $0x0  }
0x67: {  	[sflag:s13] =	ssyncadd.s32 $0xFFFFFF80  }
0x68: {  	_ =	swait.ge [sflag:s13], $0x80  }
0x69: {  	[sflag:s13] =	ssyncset.done $0x0  }
0x6a: {  	[sflag:s13] =	ssyncadd.s32 $0xFFFFFF80  }
0x6b: {  	_ =	swait.ge [sflag:s13], $0x80  }
0x6c: {  	[sflag:s13] =	ssyncset.done $0x0  }
0x6d: {  	[sflag:s13] =	ssyncadd.s32 $0xFFFFFF80  }
0x6e: {  	_ =	swait.ge [sflag:s13], $0x80  }
0x6f: {  	[sflag:s13] =	ssyncset.done $0x0  }
0x70: {  	[sflag:s13] =	ssyncadd.s32 $0xFFFFFF80  }
0x71: {  	_ =	swait.ge [sflag:s13], $0x80  }
0x72: {  	[sflag:s13] =	ssyncset.done $0x0  }
0x73: {  	[sflag:s13] =	ssyncadd.s32 $0xFFFFFF80  }
0x74: {  	_ =	swait.ge [sflag:s13], $0x80  }
0x75: {  	[sflag:s13] =	ssyncset.done $0x0  }
0x76: {  	[sflag:s13] =	ssyncadd.s32 $0xFFFFFF80  }
0x77: {  	_ =	swait.ge [sflag:s13], $0x80  }
0x78: {  	[sflag:s13] =	ssyncset.done $0x0  }
0x79: {  	[sflag:s13] =	ssyncadd.s32 $0xFFFFFF80  }
0x7a: {  	_ =	swait.ge [sflag:s13], $0x80  }
0x7b: {  	[sflag:s13] =	ssyncset.done $0x0  }
0x7c: {  	[sflag:s13] =	ssyncadd.s32 $0xFFFFFF80  }
0x7d: {  	_ =	swait.ge [sflag:s13], $0x80  }
0x7e: {  	[sflag:s13] =	ssyncset.done $0x0  }
0x7f: {  	[sflag:s13] =	ssyncadd.s32 $0xFFFFFF80  }
0x80: {  	_ =	swait.ge [sflag:s13], $0x80  }
0x81: {  	[sflag:s13] =	ssyncset.done $0x0  }
0x82: {  	[sflag:s13] =	ssyncadd.s32 $0xFFFFFF80  }
0x83: {  	_ =	swait.ge [sflag:s13], $0x80  }
0x84: {  	[sflag:s13] =	ssyncset.done $0x0  }
0x85: {  	[sflag:s13] =	ssyncadd.s32 $0xFFFFFF80  }
0x86: {  	_ =	swait.ge [sflag:s13], $0x80  }
0x87: {  	[sflag:s13] =	ssyncset.done $0x0  }
0x88: {  	[sflag:s13] =	ssyncadd.s32 $0xFFFFFF80  }
0x89: {  	_ =	swait.ge [sflag:s13], $0x80  }
0x8a: {  	[sflag:s13] =	ssyncset.done $0x0  }
0x8b: {  	[sflag:s13] =	ssyncadd.s32 $0xFFFFFF80  }
0x8c: {  	_ =	swait.ge [sflag:s13], $0x80  }
0x8d: {  	[sflag:s13] =	ssyncset.done $0x0  }
0x8e: {  	[sflag:s13] =	ssyncadd.s32 $0xFFFFFF80  }
0x8f: {  	_ =	swait.ge [sflag:s13], $0x80  }
0x90: {  	[sflag:s13] =	ssyncset.done $0x0  }
0x91: {  	[sflag:s13] =	ssyncadd.s32 $0xFFFFFF80  }
0x92: {  	_ =	swait.ge [sflag:s13], $0x80  }
0x93: {  	[sflag:s13] =	ssyncset.done $0x0  }
0x94: {  	[sflag:s13] =	ssyncadd.s32 $0xFFFFFF80  }
0x95: {  	_ =	swait.ge [sflag:s13], $0x80  }
0x96: {  	[sflag:s13] =	ssyncset.done $0x0  }
0x97: {  	[sflag:s13] =	ssyncadd.s32 $0xFFFFFF80  }
0x98: {  	_ =	swait.ge [sflag:s13], $0x80  }
0x99: {  	[sflag:s13] =	ssyncset.done $0x0  }
0x9a: {  	[sflag:s13] =	ssyncadd.s32 $0xFFFFFF80  }
0x9b: {  	_ =	swait.ge [sflag:s13], $0x80  }
0x9c: {  	[sflag:s13] =	ssyncset.done $0x0  }
0x9d: {  	[sflag:s13] =	ssyncadd.s32 $0xFFFFFF80  }
0x9e: {  	_ =	swait.ge [sflag:s13], $0x80  }
0x9f: {  	[sflag:s13] =	ssyncset.done $0x0  }
0xa0: {  	[sflag:s13] =	ssyncadd.s32 $0xFFFFFF80  }
0xa1: {  	_ =	swait.ge [sflag:s13], $0x80  }
0xa2: {  	[sflag:s13] =	ssyncset.done $0x0  }
0xa3: {  	[sflag:s13] =	ssyncadd.s32 $0xFFFFFF80  }
0xa4: {  	_ =	swait.ge [sflag:s13], $0x80  }
0xa5: {  	[sflag:s13] =	ssyncset.done $0x0  }
0xa6: {  	[sflag:s13] =	ssyncadd.s32 $0xFFFFFF80  }
0xa7: {  	_ =	swait.ge [sflag:s13], $0x80  }
0xa8: {  	[sflag:s13] =	ssyncset.done $0x0  }
0xa9: {  	[sflag:s13] =	ssyncadd.s32 $0xFFFFFF80  }
0xaa: {  	_ =	swait.ge [sflag:s13], $0x80  }
0xab: {  	[sflag:s13] =	ssyncset.done $0x0  }
0xac: {  	[sflag:s13] =	ssyncadd.s32 $0xFFFFFF80  }
0xad: {  	_ =	swait.ge [sflag:s13], $0x80  }
0xae: {  	[sflag:s13] =	ssyncset.done $0x0  }
0xaf: {  	[sflag:s13] =	ssyncadd.s32 $0xFFFFFF80  }
0xb0: {  	_ =	swait.ge [sflag:s13], $0x80  }
0xb1: {  	[sflag:s13] =	ssyncset.done $0x0  }
0xb2: {  	[sflag:s13] =	ssyncadd.s32 $0xFFFFFF80  }
0xb3: {  	_ =	swait.ge [sflag:s13], $0x80  }
0xb4: {  	[sflag:s13] =	ssyncset.done $0x0  }
0xb5: {  	[sflag:s13] =	ssyncadd.s32 $0xFFFFFF80  }
0xb6: {  	_ =	swait.ge [sflag:s13], $0x80  }
0xb7: {  	[sflag:s13] =	ssyncset.done $0x0  }
0xb8: {  	[sflag:s13] =	ssyncadd.s32 $0xFFFFFF80  }
0xb9: {  	_ =	swait.ge [sflag:s13], $0x80  }
0xba: {  	[sflag:s13] =	ssyncset.done $0x0  }
0xbb: {  	[sflag:s13] =	ssyncadd.s32 $0xFFFFFF80  }
0xbc: {  	_ =	swait.ge [sflag:s13], $0x80  }
0xbd: {  	[sflag:s13] =	ssyncset.done $0x0  }
0xbe: {  	[sflag:s13] =	ssyncadd.s32 $0xFFFFFF80  }
0xbf: {  	_ =	swait.ge [sflag:s13], $0x80  }
0xc0: {  	[sflag:s13] =	ssyncset.done $0x0  }
0xc1: {  	[sflag:s13] =	ssyncadd.s32 $0xFFFFFF80  }
0xc2: {  	_ =	swait.ge [sflag:s13], $0x80  }
0xc3: {  	[sflag:s13] =	ssyncset.done $0x0  }
0xc4: {  	[sflag:s13] =	ssyncadd.s32 $0xFFFFFF80  }
0xc5: {  	_ =	swait.ge [sflag:s13], $0x80  }
0xc6: {  	[sflag:s13] =	ssyncset.done $0x0  }
0xc7: {  	[sflag:s13] =	ssyncadd.s32 $0xFFFFFF80  }
0xc8: {  	_ =	swait.ge [sflag:s13], $0x80  }
0xc9: {  	[sflag:s13] =	ssyncset.done $0x0  }
0xca: {  	[sflag:s13] =	ssyncadd.s32 $0xFFFFFF80  }
0xcb: {  	_ =	swait.ge [sflag:s13], $0x80  }
0xcc: {  	[sflag:s13] =	ssyncset.done $0x0  }
0xcd: {  	[sflag:s13] =	ssyncadd.s32 $0xFFFFFF80  }
0xce: {  	_ =	swait.ge [sflag:s13], $0x80  }
0xcf: {  	[sflag:s13] =	ssyncset.done $0x0  }
0xd0: {  	[sflag:s13] =	ssyncadd.s32 $0xFFFFFF80  }
0xd1: {  	_ =	swait.ge [sflag:s14], $0x4000  }
0xd2: {  	[sflag:s14] =	ssyncset.done $0x0  }
0xd3: {  	[sflag:s14] =	ssyncadd.s32 $0xFFFFC000  }
0xd4: {  	s16 =	sadd.s32 $0x1, s16;
	_ =	swait.ge [sflag:s14], $0x4000  }
0xd5: {  	p0 =	sne.s32 s16, s8;
	[sflag:s14] =	ssyncset.done $0x0  }
.Ltmp1:
0xd6: {  	[sflag:s14] =	ssyncadd.s32 $0xFFFFC000;
	(pc) =	sbr.rel @!p0 .LBB2_8-.Ltmp1, $4  }
0xd7: {  	[hbm4b:s7+s2] =	stream.linear.scatter [tilespmem:s11], [sflag:$0x4], $0x10000, $0x38;
	[tilespmem:$0x18400] =	vst v63  }
0xd8: {  	_ =	swait.ge [sflag:s12], $0x10000  }
0xd9: {  	[sflag:s12] =	ssyncset.done $0x0  }
0xda: {  	[sflag:s12] =	ssyncadd.s32 $0xFFFF0000  }
.LBB2_1:
0xdb: {  	[tilespmem:s2], [sflag:$0x4] =	stream.strided.gather [hbm4b:s5+s10], $0x200, s11, s10, $0x38;
	[tilespmem:$0x18400] =	vst v63  }
0xdc: {  	_ =	swait.ge [sflag:s12], $0x200  }
0xdd: {  	[sflag:s12] =	ssyncset.done $0x0  }
.Ltmp2:
0xde: {  	s17 =	simm.s32 $0x200;
	[sflag:s12] =	ssyncadd.s32 $0xFFFFFE00;
	(pc) =	sbr.rel .LBB2_2-.Ltmp2, $4  }
0xdf: {  	[tilespmem:s17], [sflag:$0x4] =	stream.strided.gather [hbm4b:s6+s10], $0x200, s11, s10, $0x38;
	[tilespmem:$0x18400] =	vst v63  }
0xe0: {  	s18 =	simm.s32 $0x0;
	_ =	swait.ge [sflag:s12], $0x200  }
0xe1: {  	s19 =	smov.u32 s9;
	s20 =	simm.s32 $0x0;
	[sflag:s12] =	ssyncset.done $0x0  }
0xe2: {  	s21 =	simm.s32 $0x0;
	s22 =	simm.s32 $0x0;
	[sflag:s12] =	ssyncadd.s32 $0xFFFFFE00  }
.LBB2_3:
0xe3: {  	_ =	swait.ge [sflag:s13], $0x80  }
0xe4: {  	[sflag:s13] =	ssyncset.done $0x0  }
0xe5: {  	[sflag:s13] =	ssyncadd.s32 $0xFFFFFF80  }
0xe6: {  	_ =	swait.ge [sflag:s13], $0x80  }
0xe7: {  	[sflag:s13] =	ssyncset.done $0x0  }
0xe8: {  	[sflag:s13] =	ssyncadd.s32 $0xFFFFFF80  }
0xe9: {  	_ =	swait.ge [sflag:s13], $0x80  }
0xea: {  	[sflag:s13] =	ssyncset.done $0x0  }
0xeb: {  	[sflag:s13] =	ssyncadd.s32 $0xFFFFFF80  }
0xec: {  	_ =	swait.ge [sflag:s13], $0x80  }
0xed: {  	[sflag:s13] =	ssyncset.done $0x0  }
0xee: {  	[sflag:s13] =	ssyncadd.s32 $0xFFFFFF80  }
0xef: {  	_ =	swait.ge [sflag:s13], $0x80  }
0xf0: {  	[sflag:s13] =	ssyncset.done $0x0  }
0xf1: {  	[sflag:s13] =	ssyncadd.s32 $0xFFFFFF80  }
0xf2: {  	_ =	swait.ge [sflag:s13], $0x80  }
0xf3: {  	[sflag:s13] =	ssyncset.done $0x0  }
0xf4: {  	[sflag:s13] =	ssyncadd.s32 $0xFFFFFF80  }
0xf5: {  	_ =	swait.ge [sflag:s13], $0x80  }
0xf6: {  	[sflag:s13] =	ssyncset.done $0x0  }
0xf7: {  	[sflag:s13] =	ssyncadd.s32 $0xFFFFFF80  }
0xf8: {  	_ =	swait.ge [sflag:s13], $0x80  }
0xf9: {  	[sflag:s13] =	ssyncset.done $0x0  }
0xfa: {  	[sflag:s13] =	ssyncadd.s32 $0xFFFFFF80  }
0xfb: {  	_ =	swait.ge [sflag:s13], $0x80  }
0xfc: {  	[sflag:s13] =	ssyncset.done $0x0  }
0xfd: {  	[sflag:s13] =	ssyncadd.s32 $0xFFFFFF80  }
0xfe: {  	_ =	swait.ge [sflag:s13], $0x80  }
0xff: {  	[sflag:s13] =	ssyncset.done $0x0  }
0x100: {  	[sflag:s13] =	ssyncadd.s32 $0xFFFFFF80  }
0x101: {  	_ =	swait.ge [sflag:s13], $0x80  }
0x102: {  	[sflag:s13] =	ssyncset.done $0x0  }
0x103: {  	[sflag:s13] =	ssyncadd.s32 $0xFFFFFF80  }
0x104: {  	_ =	swait.ge [sflag:s13], $0x80  }
0x105: {  	[sflag:s13] =	ssyncset.done $0x0  }
0x106: {  	[sflag:s13] =	ssyncadd.s32 $0xFFFFFF80  }
0x107: {  	_ =	swait.ge [sflag:s13], $0x80  }
0x108: {  	[sflag:s13] =	ssyncset.done $0x0  }
0x109: {  	[sflag:s13] =	ssyncadd.s32 $0xFFFFFF80  }
0x10a: {  	_ =	swait.ge [sflag:s13], $0x80  }
0x10b: {  	[sflag:s13] =	ssyncset.done $0x0  }
0x10c: {  	[sflag:s13] =	ssyncadd.s32 $0xFFFFFF80  }
0x10d: {  	_ =	swait.ge [sflag:s13], $0x80  }
0x10e: {  	[sflag:s13] =	ssyncset.done $0x0  }
0x10f: {  	[sflag:s13] =	ssyncadd.s32 $0xFFFFFF80  }
0x110: {  	_ =	swait.ge [sflag:s13], $0x80  }
0x111: {  	[sflag:s13] =	ssyncset.done $0x0  }
0x112: {  	[sflag:s13] =	ssyncadd.s32 $0xFFFFFF80  }
.LBB2_5:
0x113: {  	_ =	swait.ge [sflag:s14], $0x4000  }
0x114: {  	[sflag:s14] =	ssyncset.done $0x0  }
0x115: {  	[sflag:s14] =	ssyncadd.s32 $0xFFFFC000  }
.LBB2_6:
0x116: {  	v1 =	vnsel vm0, $0x0, v0  }
0x117: {  	v1 =	vxor.u32 $0x80000000, v1  }
0x118: {  	(xrf0) =	vmax.scan.msk.u32 $0xffff, v1;
	_ =	sdelay $0x2  }
0x119: {  	v33 =	vsel vm1, $0x0, v0  }
0x11a: {  	v1 =	vxor.u32 $0x80000000, v33  }
0x11b: {  	(xrf0) =	vmax.scan.msk.u32 $0xffff, v1  }
0x11c: {  	v34, _, _ =	vpop (xrf0)  }
0x11d: {  	v35 =	vsel vm2, $0x0, v0;
	(v2sf) =	vpush v34, $0xF  }
0x11e: {  	v1 =	vxor.u32 $0x80000000, v35  }
0x11f: {  	(xrf0) =	vmax.scan.msk.u32 $0xffff, v1;
	_ =	sdelay $0x1  }
0x120: {  	v36, _, _ =	vpop (xrf0)  }
0x121: {  	(v2sf) =	vpush v36, $0xF  }
0x122: {  	v37 =	vsel vm3, $0x0, v0  }
0x123: {  	v1 =	vxor.u32 $0x80000000, v37  }
0x124: {  	(xrf0) =	vmax.scan.msk.u32 $0xffff, v1;
	v38, _, _ =	vpop (xrf0)  }
0x125: {  	(v2sf) =	vpush v38, $0xF;
	_ =	sdelay $0x1  }
0x126: {  	v39 =	vsel vm4, $0x0, v0  }
0x127: {  	v1 =	vxor.u32 $0x80000000, v39  }
0x128: {  	(xrf0) =	vmax.scan.msk.u32 $0xffff, v1  }
0x129: {  	v40, _, _ =	vpop (xrf0)  }
0x12a: {  	v41 =	vsel vm5, $0x0, v0;
	s23 =	spop (v2sf);
	(v2sf) =	vpush v40, $0xF  }
0x12b: {  	v1 =	vxor.u32 $0x80000000, v41  }
0x12c: {  	(xrf0) =	vmax.scan.msk.u32 $0xffff, v1;
	_ =	sdelay $0x1  }
0x12d: {  	v42, _, _ =	vpop (xrf0)  }
0x12e: {  	s29 =	spop (v2sf);
	(v2sf) =	vpush v42, $0xF  }
0x12f: {  	v43 =	vsel vm6, $0x0, v0  }
0x130: {  	v1 =	vxor.u32 $0x80000000, v43  }
0x131: {  	(xrf0) =	vmax.scan.msk.u32 $0xffff, v1;
	v44, _, _ =	vpop (xrf0)  }
0x132: {  	s30 =	spop (v2sf);
	(v2sf) =	vpush v44, $0xF;
	_ =	sdelay $0x1  }
0x133: {  	v45 =	vsel vm7, $0x0, v0;
	s23 =	sshll.u32 s23, $0x4  }
0x134: {  	s24 =	sand.u32 $0x4000, s21;
	v1 =	vxor.u32 $0x80000000, v45;
	s25 =	sand.u32 $0x1FFFFF80, s23  }
0x135: {  	(xrf0) =	vmax.scan.msk.u32 $0xffff, v1;
	s23 =	sor.u32 $0x10400, s24;
	s25 =	sadd.s32 s3, s25  }
0x136: {  	v46, _, _ =	vpop (xrf0);
	[tilespmem:s23], [sflag:$0x2] =	stream.linear.gather [hbm4b:s25+s2], $0x400, $0x38;
	[tilespmem:$0x18400] =	vst v63  }
0x137: {  	v47 =	vsel vm8, $0x0, v0;
	s28 =	spop (v2sf);
	(v2sf) =	vpush v46, $0xF  }
0x138: {  	v1 =	vxor.u32 $0x80000000, v47;
	s25 =	sshll.u32 s29, $0x4  }
0x139: {  	(xrf0) =	vmax.scan.msk.u32 $0xffff, v1;
	s25 =	sand.u32 $0x1FFFFF80, s25  }
0x13a: {  	s26 =	sor.u32 $0x10800, s24;
	s25 =	sadd.s32 s3, s25  }
0x13b: {  	v48, _, _ =	vpop (xrf0);
	[tilespmem:s26], [sflag:$0x2] =	stream.linear.gather [hbm4b:s25+s2], $0x400, $0x38;
	[tilespmem:$0x18400] =	vst v63  }
0x13c: {  	v49 =	vsel vm9, $0x0, v0;
	s25 =	sshll.u32 s30, $0x4;
	s30 =	spop (v2sf);
	(v2sf) =	vpush v48, $0xF  }
0x13d: {  	v1 =	vxor.u32 $0x80000000, v49;
	s25 =	sand.u32 $0x1FFFFF80, s25  }
0x13e: {  	s31 =	sor.u32 $0x10C00, s24;
	(xrf0) =	vmax.scan.msk.u32 $0xffff, v1;
	s25 =	sadd.s32 s3, s25  }
0x13f: {  	v50, _, _ =	vpop (xrf0);
	[tilespmem:s31], [sflag:$0x2] =	stream.linear.gather [hbm4b:s25+s2], $0x400, $0x38;
	[tilespmem:$0x18400] =	vst v63  }
0x140: {  	s25 =	sshll.u32 s28, $0x4;
	s28 =	spop (v2sf);
	(v2sf) =	vpush v50, $0xF  }
0x141: {  	v51 =	vsel vm10, $0x0, v0  }
0x142: {  	v1 =	vxor.u32 $0x80000000, v51;
	s25 =	sand.u32 $0x1FFFFF80, s25  }
0x143: {  	s29 =	sor.u32 $0x11000, s24;
	(xrf0) =	vmax.scan.msk.u32 $0xffff, v1;
	s25 =	sadd.s32 s3, s25  }
0x144: {  	[tilespmem:s29], [sflag:$0x2] =	stream.linear.gather [hbm4b:s25+s2], $0x400, $0x38;
	[tilespmem:$0x18400] =	vst v63  }
0x145: {  	v53 =	vsel vm11, $0x0, v0;
	v52, _, _ =	vpop (xrf0);
	s25 =	sshll.u32 s30, $0x4  }
0x146: {  	v1 =	vxor.u32 $0x80000000, v53;
	s25 =	sand.u32 $0x1FFFFF80, s25;
	s30 =	spop (v2sf);
	(v2sf) =	vpush v52, $0xF  }
0x147: {  	(xrf0) =	vmax.scan.msk.u32 $0xffff, v1;
	s31 =	sor.u32 $0x11400, s24;
	s25 =	sadd.s32 s3, s25  }
0x148: {  	[tilespmem:s31], [sflag:$0x2] =	stream.linear.gather [hbm4b:s25+s2], $0x400, $0x38;
	[tilespmem:$0x18400] =	vst v63  }
0x149: {  	s25 =	sshll.u32 s28, $0x4  }
0x14a: {  	v54, _, _ =	vpop (xrf0);
	s25 =	sand.u32 $0x1FFFFF80, s25  }
0x14b: {  	s29 =	sor.u32 $0x11800, s24;
	s25 =	sadd.s32 s3, s25;
	s28 =	spop (v2sf);
	(v2sf) =	vpush v54, $0xF  }
0x14c: {  	v55 =	vsel vm12, $0x0, v0;
	[tilespmem:s29], [sflag:$0x2] =	stream.linear.gather [hbm4b:s25+s2], $0x400, $0x38;
	[tilespmem:$0x18400] =	vst v63  }
0x14d: {  	v1 =	vxor.u32 $0x80000000, v55;
	s25 =	sshll.u32 s30, $0x4  }
0x14e: {  	(xrf0) =	vmax.scan.msk.u32 $0xffff, v1;
	v56, _, _ =	vpop (xrf0);
	s25 =	sand.u32 $0x1FFFFF80, s25  }
0x14f: {  	s31 =	sor.u32 $0x11C00, s24;
	s25 =	sadd.s32 s3, s25;
	s30 =	spop (v2sf);
	(v2sf) =	vpush v56, $0xF  }
0x150: {  	[tilespmem:s31], [sflag:$0x2] =	stream.linear.gather [hbm4b:s25+s2], $0x400, $0x38;
	[tilespmem:$0x18400] =	vst v63  }
0x151: {  	v57 =	vsel vm13, $0x0, v0;
	s25 =	sshll.u32 s28, $0x4  }
0x152: {  	v1 =	vxor.u32 $0x80000000, v57;
	s25 =	sand.u32 $0x1FFFFF80, s25  }
0x153: {  	(xrf0) =	vmax.scan.msk.u32 $0xffff, v1;
	s29 =	sor.u32 $0x12000, s24;
	s25 =	sadd.s32 s3, s25  }
0x154: {  	v58, _, _ =	vpop (xrf0);
	[tilespmem:s29], [sflag:$0x2] =	stream.linear.gather [hbm4b:s25+s2], $0x400, $0x38;
	[tilespmem:$0x18400] =	vst v63  }
0x155: {  	v59 =	vsel vm14, $0x0, v0;
	s28 =	spop (v2sf);
	(v2sf) =	vpush v58, $0xF  }
0x156: {  	v1 =	vxor.u32 $0x80000000, v59;
	s25 =	sshll.u32 s30, $0x4  }
0x157: {  	(xrf0) =	vmax.scan.msk.u32 $0xffff, v1;
	s25 =	sand.u32 $0x1FFFFF80, s25  }
0x158: {  	s31 =	sor.u32 $0x12400, s24;
	s25 =	sadd.s32 s3, s25  }
0x159: {  	v60, _, _ =	vpop (xrf0);
	[tilespmem:s31], [sflag:$0x2] =	stream.linear.gather [hbm4b:s25+s2], $0x400, $0x38;
	[tilespmem:$0x18400] =	vst v63  }
0x15a: {  	v61 =	vsel vm15, $0x0, v0;
	s25 =	sshll.u32 s28, $0x4;
	s30 =	spop (v2sf);
	(v2sf) =	vpush v60, $0xF  }
0x15b: {  	v0 =	vxor.u32 $0x80000000, v61;
	s25 =	sand.u32 $0x1FFFFF80, s25  }
0x15c: {  	(xrf0) =	vmax.scan.msk.u32 $0xffff, v0;
	s29 =	sor.u32 $0x12800, s24;
	s25 =	sadd.s32 s3, s25  }
0x15d: {  	v62, _, _ =	vpop (xrf0);
	[tilespmem:s29], [sflag:$0x2] =	stream.linear.gather [hbm4b:s25+s2], $0x400, $0x38;
	[tilespmem:$0x18400] =	vst v63  }
0x15e: {  	s28 =	spop (v2sf);
	(v2sf) =	vpush v62, $0xF  }
0x15f: {  	s25 =	sshll.u32 s30, $0x4  }
0x160: {  	s25 =	sand.u32 $0x1FFFFF80, s25  }
0x161: {  	s31 =	sor.u32 $0x12C00, s24;
	s25 =	sadd.s32 s3, s25  }
0x162: {  	[tilespmem:s31], [sflag:$0x2] =	stream.linear.gather [hbm4b:s25+s2], $0x400, $0x38;
	[tilespmem:$0x18400] =	vst v63  }
0x163: {  	v63, _, _ =	vpop (xrf0);
	s25 =	sshll.u32 s28, $0x4  }
0x164: {  	s25 =	sand.u32 $0x1FFFFF80, s25;
	s30 =	spop (v2sf);
	(v2sf) =	vpush v63, $0xF  }
0x165: {  	s29 =	sor.u32 $0x13000, s24;
	s25 =	sadd.s32 s3, s25  }
0x166: {  	[tilespmem:s29], [sflag:$0x2] =	stream.linear.gather [hbm4b:s25+s2], $0x400, $0x38;
	[tilespmem:$0x18400] =	vst v63  }
0x167: {  	s25 =	sshll.u32 s30, $0x4  }
0x168: {  	s25 =	sand.u32 $0x1FFFFF80, s25  }
0x169: {  	s31 =	sor.u32 $0x13400, s24;
	s26 =	spop (v2sf);
	s25 =	sadd.s32 s3, s25  }
0x16a: {  	[tilespmem:s31], [sflag:$0x2] =	stream.linear.gather [hbm4b:s25+s2], $0x400, $0x38;
	[tilespmem:$0x18400] =	vst v63  }
0x16b: {  	s25 =	sshll.u32 s26, $0x4  }
0x16c: {  	s25 =	sand.u32 $0x1FFFFF80, s25  }
0x16d: {  	s28 =	sor.u32 $0x13800, s24;
	s25 =	sadd.s32 s3, s25;
	s29 =	spop (v2sf)  }
0x16e: {  	[tilespmem:s28], [sflag:$0x2] =	stream.linear.gather [hbm4b:s25+s2], $0x400, $0x38;
	[tilespmem:$0x18400] =	vst v63  }
0x16f: {  	s25 =	sshll.u32 s29, $0x4  }
0x170: {  	s25 =	sand.u32 $0x1FFFFF80, s25  }
0x171: {  	s30 =	sor.u32 $0x13C00, s24;
	s25 =	sadd.s32 s3, s25  }
0x172: {  	[tilespmem:s30], [sflag:$0x2] =	stream.linear.gather [hbm4b:s25+s2], $0x400, $0x38;
	[tilespmem:$0x18400] =	vst v63  }
0x173: {  	s31 =	spop (v2sf)  }
0x174: {  	s25 =	sshll.u32 s31, $0x4  }
0x175: {  	s25 =	sand.u32 $0x1FFFFF80, s25  }
0x176: {  	s24 =	sadd.s32 $0x14000, s24;
	s25 =	sadd.s32 s3, s25  }
0x177: {  	[tilespmem:s24], [sflag:$0x2] =	stream.linear.gather [hbm4b:s25+s2], $0x400, $0x38;
	[tilespmem:$0x18400] =	vst v63  }
0x178: {  	_ =	swait.ge [sflag:s15], $0x400  }
0x179: {  	[sflag:s15] =	ssyncset.done $0x0  }
0x17a: {  	[sflag:s15] =	ssyncadd.s32 $0xFFFFFC00  }
0x17b: {  	_ =	swait.ge [sflag:s15], $0x400  }
0x17c: {  	[sflag:s15] =	ssyncset.done $0x0  }
0x17d: {  	[sflag:s15] =	ssyncadd.s32 $0xFFFFFC00  }
0x17e: {  	_ =	swait.ge [sflag:s15], $0x400  }
0x17f: {  	[sflag:s15] =	ssyncset.done $0x0  }
0x180: {  	[sflag:s15] =	ssyncadd.s32 $0xFFFFFC00  }
0x181: {  	_ =	swait.ge [sflag:s15], $0x400  }
0x182: {  	[sflag:s15] =	ssyncset.done $0x0  }
0x183: {  	[sflag:s15] =	ssyncadd.s32 $0xFFFFFC00  }
0x184: {  	_ =	swait.ge [sflag:s15], $0x400  }
0x185: {  	[sflag:s15] =	ssyncset.done $0x0  }
0x186: {  	[sflag:s15] =	ssyncadd.s32 $0xFFFFFC00  }
0x187: {  	_ =	swait.ge [sflag:s15], $0x400  }
0x188: {  	[sflag:s15] =	ssyncset.done $0x0  }
0x189: {  	[sflag:s15] =	ssyncadd.s32 $0xFFFFFC00  }
0x18a: {  	_ =	swait.ge [sflag:s15], $0x400  }
0x18b: {  	[sflag:s15] =	ssyncset.done $0x0  }
0x18c: {  	[sflag:s15] =	ssyncadd.s32 $0xFFFFFC00  }
0x18d: {  	_ =	swait.ge [sflag:s15], $0x400  }
0x18e: {  	[sflag:s15] =	ssyncset.done $0x0  }
0x18f: {  	[sflag:s15] =	ssyncadd.s32 $0xFFFFFC00  }
0x190: {  	_ =	swait.ge [sflag:s15], $0x400  }
0x191: {  	[sflag:s15] =	ssyncset.done $0x0  }
0x192: {  	[sflag:s15] =	ssyncadd.s32 $0xFFFFFC00  }
0x193: {  	_ =	swait.ge [sflag:s15], $0x400  }
0x194: {  	[sflag:s15] =	ssyncset.done $0x0  }
0x195: {  	[sflag:s15] =	ssyncadd.s32 $0xFFFFFC00  }
0x196: {  	_ =	swait.ge [sflag:s15], $0x400  }
0x197: {  	[sflag:s15] =	ssyncset.done $0x0  }
0x198: {  	[sflag:s15] =	ssyncadd.s32 $0xFFFFFC00  }
0x199: {  	_ =	swait.ge [sflag:s15], $0x400  }
0x19a: {  	[sflag:s15] =	ssyncset.done $0x0  }
0x19b: {  	[sflag:s15] =	ssyncadd.s32 $0xFFFFFC00  }
0x19c: {  	_ =	swait.ge [sflag:s15], $0x400  }
0x19d: {  	[sflag:s15] =	ssyncset.done $0x0  }
0x19e: {  	[sflag:s15] =	ssyncadd.s32 $0xFFFFFC00  }
0x19f: {  	_ =	swait.ge [sflag:s15], $0x400  }
0x1a0: {  	[sflag:s15] =	ssyncset.done $0x0  }
0x1a1: {  	[sflag:s15] =	ssyncadd.s32 $0xFFFFFC00  }
0x1a2: {  	_ =	swait.ge [sflag:s15], $0x400  }
0x1a3: {  	s20 =	sadd.s32 $0x2000, s20;
	[sflag:s15] =	ssyncset.done $0x0  }
0x1a4: {  	p0 =	sne.s32 s20, $0x40000;
	[sflag:s15] =	ssyncadd.s32 $0xFFFFFC00  }
.Ltmp3:
0x1a5: {  	_ =	swait.ge [sflag:s15], $0x400;
	(pc) =	sbr.rel @!p0 .LBB2_7-.Ltmp3, $4  }
0x1a6: {  	[sflag:s15] =	ssyncset.done $0x0  }
0x1a7: {  	s22 =	sadd.s32 $0x1, s22;
	s21 =	sadd.s32 $0x4000, s21;
	[sflag:s15] =	ssyncadd.s32 $0xFFFFFC00  }
0x1a8: {  	[hbm4b:s19+s2] =	stream.linear.scatter [tilespmem:s23], [sflag:$0x3], $0x4000, $0x38;
	[tilespmem:$0x18400] =	vst v63  }
0x1a9: {  	s17 =	sadd.s32 $0x10, s17;
	s18 =	sadd.s32 $0x10, s18;
	s19 =	sadd.s32 $0x800, s19  }
.LBB2_2:
0x1aa: {  	v1 =	vld [tilespmem:s17+$0x0];
	_ =	sdelay $0x4  }
0x1ab: {  	v0 =	vnsel vm0, $0x0, v1  }
0x1ac: {  	v0 =	vxor.u32 $0x80000000, v0  }
0x1ad: {  	(xrf0) =	vmax.scan.msk.u32 $0xffff, v0;
	_ =	sdelay $0x1  }
0x1ae: {  	v0 =	vsel vm1, $0x0, v1  }
0x1af: {  	v0 =	vxor.u32 $0x80000000, v0;
	_ =	sdelay $0x1  }
0x1b0: {  	(xrf0) =	vmax.scan.msk.u32 $0xffff, v0  }
0x1b1: {  	v0, _, _ =	vpop (xrf0)  }
0x1b2: {  	(v2sf) =	vpush v0, $0xF;
	v0 =	vsel vm2, $0x0, v1  }
0x1b3: {  	v0 =	vxor.u32 $0x80000000, v0;
	_ =	sdelay $0x1  }
0x1b4: {  	(xrf0) =	vmax.scan.msk.u32 $0xffff, v0  }
0x1b5: {  	v0, _, _ =	vpop (xrf0)  }
0x1b6: {  	(v2sf) =	vpush v0, $0xF;
	v0 =	vsel vm3, $0x0, v1  }
0x1b7: {  	v0 =	vxor.u32 $0x80000000, v0;
	_ =	sdelay $0x1  }
0x1b8: {  	(xrf0) =	vmax.scan.msk.u32 $0xffff, v0  }
0x1b9: {  	v0, _, _ =	vpop (xrf0)  }
0x1ba: {  	(v2sf) =	vpush v0, $0xF;
	v0 =	vsel vm4, $0x0, v1  }
0x1bb: {  	v0 =	vxor.u32 $0x80000000, v0;
	_ =	sdelay $0x1  }
0x1bc: {  	(xrf0) =	vmax.scan.msk.u32 $0xffff, v0  }
0x1bd: {  	v0, _, _ =	vpop (xrf0)  }
0x1be: {  	s23 =	spop (v2sf);
	(v2sf) =	vpush v0, $0xF;
	v0 =	vsel vm5, $0x0, v1  }
0x1bf: {  	s24 =	sshll.u32 s23, $0x4;
	v2 =	vxor.u32 $0x80000000, v0  }
0x1c0: {  	s23 =	sshra.s32 s20, $0x2;
	s24 =	sand.u32 $0x1FFFFFF0, s24  }
0x1c1: {  	s25 =	sadd.s32 $0x400, s23;
	(xrf0) =	vmax.scan.msk.u32 $0xffff, v2;
	s24 =	sadd.s32 s4, s24  }
0x1c2: {  	v0 =	vld [tilespmem:s18+$0x0];
	[tilespmem:s25], [sflag:$0x1] =	stream.linear.gather [hbm4b:s24+s2], $0x80, $0x38;
	v2, _, _ =	vpop (xrf0)  }
0x1c3: {  	s25 =	spop (v2sf);
	(v2sf) =	vpush v2, $0xF;
	v2 =	vsel vm6, $0x0, v1  }
0x1c4: {  	s24 =	sshll.u32 s25, $0x4;
	v2 =	vxor.u32 $0x80000000, v2  }
0x1c5: {  	s24 =	sand.u32 $0x1FFFFFF0, s24  }
0x1c6: {  	s26 =	sadd.s32 $0x480, s23;
	(xrf0) =	vmax.scan.msk.u32 $0xffff, v2;
	s24 =	sadd.s32 s4, s24  }
0x1c7: {  	[tilespmem:s26], [sflag:$0x1] =	stream.linear.gather [hbm4b:s24+s2], $0x80, $0x38;
	v2, _, _ =	vpop (xrf0);
	[tilespmem:$0x18400] =	vst v63  }
0x1c8: {  	s28 =	spop (v2sf);
	(v2sf) =	vpush v2, $0xF;
	v2 =	vsel vm7, $0x0, v1  }
0x1c9: {  	s24 =	sshll.u32 s28, $0x4;
	v2 =	vxor.u32 $0x80000000, v2  }
0x1ca: {  	s24 =	sand.u32 $0x1FFFFFF0, s24  }
0x1cb: {  	s29 =	sadd.s32 $0x500, s23;
	(xrf0) =	vmax.scan.msk.u32 $0xffff, v2;
	s24 =	sadd.s32 s4, s24  }
0x1cc: {  	[tilespmem:s29], [sflag:$0x1] =	stream.linear.gather [hbm4b:s24+s2], $0x80, $0x38;
	v2, _, _ =	vpop (xrf0);
	[tilespmem:$0x18400] =	vst v63  }
0x1cd: {  	s30 =	spop (v2sf);
	(v2sf) =	vpush v2, $0xF;
	v2 =	vsel vm8, $0x0, v1  }
0x1ce: {  	s24 =	sshll.u32 s30, $0x4;
	v2 =	vxor.u32 $0x80000000, v2  }
0x1cf: {  	s24 =	sand.u32 $0x1FFFFFF0, s24  }
0x1d0: {  	s31 =	sadd.s32 $0x580, s23;
	(xrf0) =	vmax.scan.msk.u32 $0xffff, v2;
	s24 =	sadd.s32 s4, s24  }
0x1d1: {  	[tilespmem:s31], [sflag:$0x1] =	stream.linear.gather [hbm4b:s24+s2], $0x80, $0x38;
	v2, _, _ =	vpop (xrf0);
	[tilespmem:$0x18400] =	vst v63  }
0x1d2: {  	s25 =	spop (v2sf);
	(v2sf) =	vpush v2, $0xF;
	v2 =	vsel vm9, $0x0, v1  }
0x1d3: {  	s24 =	sshll.u32 s25, $0x4;
	v2 =	vxor.u32 $0x80000000, v2  }
0x1d4: {  	s24 =	sand.u32 $0x1FFFFFF0, s24  }
0x1d5: {  	s26 =	sadd.s32 $0x600, s23;
	(xrf0) =	vmax.scan.msk.u32 $0xffff, v2;
	s24 =	sadd.s32 s4, s24  }
0x1d6: {  	[tilespmem:s26], [sflag:$0x1] =	stream.linear.gather [hbm4b:s24+s2], $0x80, $0x38;
	v2, _, _ =	vpop (xrf0);
	[tilespmem:$0x18400] =	vst v63  }
0x1d7: {  	s28 =	spop (v2sf);
	(v2sf) =	vpush v2, $0xF;
	v2 =	vsel vm10, $0x0, v1  }
0x1d8: {  	s24 =	sshll.u32 s28, $0x4;
	v2 =	vxor.u32 $0x80000000, v2  }
0x1d9: {  	s24 =	sand.u32 $0x1FFFFFF0, s24  }
0x1da: {  	s29 =	sadd.s32 $0x680, s23;
	(xrf0) =	vmax.scan.msk.u32 $0xffff, v2;
	s24 =	sadd.s32 s4, s24  }
0x1db: {  	[tilespmem:s29], [sflag:$0x1] =	stream.linear.gather [hbm4b:s24+s2], $0x80, $0x38;
	v2, _, _ =	vpop (xrf0);
	[tilespmem:$0x18400] =	vst v63  }
0x1dc: {  	s30 =	spop (v2sf);
	(v2sf) =	vpush v2, $0xF;
	v2 =	vsel vm11, $0x0, v1  }
0x1dd: {  	s24 =	sshll.u32 s30, $0x4;
	v2 =	vxor.u32 $0x80000000, v2  }
0x1de: {  	s24 =	sand.u32 $0x1FFFFFF0, s24  }
0x1df: {  	s31 =	sadd.s32 $0x700, s23;
	(xrf0) =	vmax.scan.msk.u32 $0xffff, v2;
	s24 =	sadd.s32 s4, s24  }
0x1e0: {  	[tilespmem:s31], [sflag:$0x1] =	stream.linear.gather [hbm4b:s24+s2], $0x80, $0x38;
	v2, _, _ =	vpop (xrf0);
	[tilespmem:$0x18400] =	vst v63  }
0x1e1: {  	s25 =	spop (v2sf);
	(v2sf) =	vpush v2, $0xF;
	v2 =	vsel vm12, $0x0, v1  }
0x1e2: {  	s24 =	sshll.u32 s25, $0x4;
	v2 =	vxor.u32 $0x80000000, v2  }
0x1e3: {  	s24 =	sand.u32 $0x1FFFFFF0, s24  }
0x1e4: {  	s26 =	sadd.s32 $0x780, s23;
	(xrf0) =	vmax.scan.msk.u32 $0xffff, v2;
	s24 =	sadd.s32 s4, s24  }
0x1e5: {  	[tilespmem:s26], [sflag:$0x1] =	stream.linear.gather [hbm4b:s24+s2], $0x80, $0x38;
	v2, _, _ =	vpop (xrf0);
	[tilespmem:$0x18400] =	vst v63  }
0x1e6: {  	s28 =	spop (v2sf);
	(v2sf) =	vpush v2, $0xF;
	v2 =	vsel vm13, $0x0, v1  }
0x1e7: {  	s24 =	sshll.u32 s28, $0x4;
	v2 =	vxor.u32 $0x80000000, v2  }
0x1e8: {  	s24 =	sand.u32 $0x1FFFFFF0, s24  }
0x1e9: {  	s29 =	sadd.s32 $0x800, s23;
	(xrf0) =	vmax.scan.msk.u32 $0xffff, v2;
	s24 =	sadd.s32 s4, s24  }
0x1ea: {  	[tilespmem:s29], [sflag:$0x1] =	stream.linear.gather [hbm4b:s24+s2], $0x80, $0x38;
	v2, _, _ =	vpop (xrf0);
	[tilespmem:$0x18400] =	vst v63  }
0x1eb: {  	s30 =	spop (v2sf);
	(v2sf) =	vpush v2, $0xF;
	v2 =	vsel vm14, $0x0, v1  }
0x1ec: {  	s24 =	sshll.u32 s30, $0x4;
	v2 =	vxor.u32 $0x80000000, v2  }
0x1ed: {  	s24 =	sand.u32 $0x1FFFFFF0, s24  }
0x1ee: {  	s31 =	sadd.s32 $0x880, s23;
	(xrf0) =	vmax.scan.msk.u32 $0xffff, v2;
	s24 =	sadd.s32 s4, s24  }
0x1ef: {  	[tilespmem:s31], [sflag:$0x1] =	stream.linear.gather [hbm4b:s24+s2], $0x80, $0x38;
	v2, _, _ =	vpop (xrf0);
	[tilespmem:$0x18400] =	vst v63  }
0x1f0: {  	v1 =	vsel vm15, $0x0, v1;
	s25 =	spop (v2sf);
	(v2sf) =	vpush v2, $0xF  }
0x1f1: {  	v1 =	vxor.u32 $0x80000000, v1;
	s24 =	sshll.u32 s25, $0x4  }
0x1f2: {  	s24 =	sand.u32 $0x1FFFFFF0, s24  }
0x1f3: {  	s26 =	sadd.s32 $0x900, s23;
	(xrf0) =	vmax.scan.msk.u32 $0xffff, v1;
	s24 =	sadd.s32 s4, s24  }
0x1f4: {  	v1, _, _ =	vpop (xrf0);
	[tilespmem:s26], [sflag:$0x1] =	stream.linear.gather [hbm4b:s24+s2], $0x80, $0x38;
	[tilespmem:$0x18400] =	vst v63  }
0x1f5: {  	s28 =	spop (v2sf);
	(v2sf) =	vpush v1, $0xF  }
0x1f6: {  	s24 =	sshll.u32 s28, $0x4  }
0x1f7: {  	s24 =	sand.u32 $0x1FFFFFF0, s24  }
0x1f8: {  	s29 =	sadd.s32 $0x980, s23;
	s24 =	sadd.s32 s4, s24  }
0x1f9: {  	v1, _, _ =	vpop (xrf0);
	[tilespmem:s29], [sflag:$0x1] =	stream.linear.gather [hbm4b:s24+s2], $0x80, $0x38;
	[tilespmem:$0x18400] =	vst v63  }
0x1fa: {  	s30 =	spop (v2sf);
	(v2sf) =	vpush v1, $0xF  }
0x1fb: {  	s24 =	sshll.u32 s30, $0x4  }
0x1fc: {  	s24 =	sand.u32 $0x1FFFFFF0, s24  }
0x1fd: {  	s31 =	sadd.s32 $0xA00, s23;
	s24 =	sadd.s32 s4, s24  }
0x1fe: {  	[tilespmem:s31], [sflag:$0x1] =	stream.linear.gather [hbm4b:s24+s2], $0x80, $0x38;
	[tilespmem:$0x18400] =	vst v63  }
0x1ff: {  	s26 =	spop (v2sf)  }
0x200: {  	s24 =	sshll.u32 s26, $0x4  }
0x201: {  	s24 =	sand.u32 $0x1FFFFFF0, s24  }
0x202: {  	s28 =	sadd.s32 $0xA80, s23;
	s24 =	sadd.s32 s4, s24  }
0x203: {  	[tilespmem:s28], [sflag:$0x1] =	stream.linear.gather [hbm4b:s24+s2], $0x80, $0x38;
	[tilespmem:$0x18400] =	vst v63  }
0x204: {  	s29 =	spop (v2sf)  }
0x205: {  	s24 =	sshll.u32 s29, $0x4  }
0x206: {  	s24 =	sand.u32 $0x1FFFFFF0, s24  }
0x207: {  	p0 =	slt.u32 s22, $0x4;
	s30 =	sadd.s32 $0xB00, s23;
	s24 =	sadd.s32 s4, s24  }
0x208: {  	[tilespmem:s30], [sflag:$0x1] =	stream.linear.gather [hbm4b:s24+s2], $0x80, $0x38;
	[tilespmem:$0x18400] =	vst v63  }
.Ltmp4:
0x209: {  	s31 =	spop (v2sf);
	(pc) =	sbr.rel @!p0 .LBB2_3-.Ltmp4, $4  }
0x20a: {  	s24 =	sshll.u32 s31, $0x4  }
0x20b: {  	s24 =	sand.u32 $0x1FFFFFF0, s24  }
0x20c: {  	s23 =	sadd.s32 $0xB80, s23;
	s24 =	sadd.s32 s4, s24  }
0x20d: {  	[tilespmem:s23], [sflag:$0x1] =	stream.linear.gather [hbm4b:s24+s2], $0x80, $0x38;
	[tilespmem:$0x18400] =	vst v63  }
0x20e: {  	p0 =	slt.u32 s22, $0x2  }
.Ltmp5:
0x20f: {  	_ = 	snop;
	(pc) =	sbr.rel @p0 .LBB2_6-.Ltmp5, $4  }
.Ltmp6:
0x210: {  	_ = 	snop;
	(pc) =	sbr.rel @!p0 .LBB2_5-.Ltmp6, $4  }
0x211: {  	_ = 	snop  }
0x212: {  	_ = 	snop  }
0x213: {  	_ = 	snop  }
0x214: {  	_ = 	snop  }
.LBB2_8:
0x215: {  	_ =	sfence.sel $0x180000  }
0x216: {  	[bflag:$0x0] =	sbarrier.arrive $0xFFFF  }
0x217: {  	p0 =	sne.s32 s1, $0x0;
	_ =	strace $0x90000047  }
0x218: {  	s0 =	sadd.s32 @!p0 $0x100000, s0;
	[bflag:$0x2] =	sbarrier.arrive $0xFFFF  }
0x219: {  	[sflag:s0] =	ssyncadd.tile.s32 @!p0 $0x1;
	_ =	shalt  }
.Lfunc_end2:
_tile_overlayer_lowered:
.L_overlay_start_2:
0x21a: {  	(tag) =	ssettag $0x2  }
0x21b: {  	s0 =	rddreg [dreg:$0x0];
	s2 =	stileid.u32  }
0x21c: {  	s1 =	rddreg [dreg:$0x1];
	p0 =	sne.s32 s2, $0x0  }
0x21d: {  	s3 =	rddreg [dreg:$0x2];
	[bflag:$0x3] =	sbarrier.arrive $0xFFFF;
	s2 =	simm.s32 @!p0 $0x1C04  }
0x21e: {  	[timem:s3], [sflag:s2] =	dma.local @!p0 [hbm:s0], s1  }
0x21f: {  	s0 =	simm.s32 @!p0 $0x4  }
0x220: {  	_ =	swait.ge @!p0 [sflag:s0], s1  }
0x221: {  	s1 =	ssub.s32 @!p0 $0x0, s1;
	[sflag:s0] =	ssyncset.done @!p0 $0x0  }
0x222: {  	[sflag:s0] =	ssyncadd.s32 @!p0 s1  }
0x223: {  	[bflag:$0x3] =	sbarrier.arrive $0xFFFF  }
0x224: {  	_ =	shalt  }

</sc_bundles>
